<compile_context>
chip_gen: v7x
topology: tpu7x:2x2x1
jax: 0.10.2.dev20260603
libtpu: 0.0.44.dev20260713+nightly
codegen_flags: <defaults>
</compile_context>

<pallas_src>
import functools

import jax
import jax.numpy as jnp
from jax import lax
from jax.experimental import pallas as pl
from jax.experimental.pallas import tpu as pltpu
from jax.experimental.pallas import tpu_sc as plsc

EMB = 32
B = 16384
V = 100000
H = 50048
VA = 99968
H2 = VA - H
NT = V - VA

_info = plsc.get_sparse_core_info()
_NC, _NS, _L = _info.num_cores, _info.num_subcores, _info.num_lanes
_BH = B // 2
_SEG = B // _NS

_mesh = plsc.VectorSubcoreMesh(core_axis_name="c", subcore_axis_name="s")

_f32 = jnp.float32
_i32 = jnp.int32


@functools.partial(
    pl.kernel,
    mesh=_mesh,
    compiler_params=pltpu.CompilerParams(needs_layout_passes=False),
    out_type=[
        jax.ShapeDtypeStruct((EMB, B), _f32),
        jax.ShapeDtypeStruct((EMB, B), _f32),
        jax.ShapeDtypeStruct((EMB, B), _f32),
        jax.ShapeDtypeStruct((EMB, B), _f32),
        jax.ShapeDtypeStruct((_NC, B), _f32),
        jax.ShapeDtypeStruct((_NC, B), _f32),
    ],
    scratch_types=[
        pltpu.VMEM((H,), _f32),
        pltpu.VMEM((EMB * NT,), _f32),
        pltpu.VMEM((_BH,), _i32),
        pltpu.VMEM((_BH,), _i32),
        pltpu.VMEM((B,), _f32),
        pltpu.VMEM((B,), _f32),
        pltpu.VMEM((B,), _f32),
        pltpu.VMEM((_NS, 256), _f32),
        pltpu.VMEM((256,), _f32),
        pltpu.VMEM_SHARED((_NS, 4096), _f32),
        pltpu.SemaphoreType.DMA,
        pltpu.SemaphoreType.DMA,
    ],
)
def _sc_all(idx_us_h, idx_is_h, idx_ut_h, idx_it_h,
            tab_us_h, tab_is_h, tab_ut_h, tab_it_h,
            tl_us_h, tl_is_h, tl_ut_h, tl_it_h,
            out_us_h, out_is_h, out_ut_h, out_it_h, hs_s_h, hs_t_h,
            row_v, tail_v, idx0_v, idx1_v, obx_v, oby_v, pbuf_v, red_v, scv_v,
            part_sp, ssem, wsem):
    cid = lax.axis_index("c")
    sid = lax.axis_index("s")
    d = sid * _NC + cid

    def gather_row(tab_h, tl_h, idx_a, idx_b, obuf):
        pltpu.sync_copy(tl_h, tail_v)
        for h in range(2):
            off = h * H
            size = H if h == 0 else H2
            pltpu.async_copy(tab_h.at[d, pl.ds(off, size)],
                             row_v.at[pl.ds(0, size)], ssem).wait()
            if h == 1:
                row_v[pl.ds(H2, _L)] = tail_v[pl.ds(d * NT, _L)]
                row_v[pl.ds(H2 + _L, _L)] = tail_v[pl.ds(d * NT + _L, _L)]
            for bh, idx_v in ((0, idx_a), (1, idx_b)):
                @plsc.parallel_loop(0, _BH // _L, unroll=8)
                def _body(g, _idx_v=idx_v, _bh=bh, _h=h):
                    base = pl.multiple_of(g * _L, _L)
                    ii = _idx_v[pl.ds(base, _L)]
                    ob = pl.ds(_bh * _BH + base, _L)
                    if _h == 0:
                        m = ii < H
                        vals = plsc.load_gather(row_v, [ii], mask=m)
                        obuf[ob] = vals
                    else:
                        m = ii >= H
                        loc = jnp.maximum(ii - H, 0)
                        vals = plsc.load_gather(row_v, [loc], mask=m)
                        obuf[ob] = jnp.where(m, vals, obuf[ob])

    def process_pair(idx_u_h, tab_u_h, tl_u_h, out_u_h,
                     idx_i_h, tab_i_h, tl_i_h, out_i_h, pslot):
        pltpu.sync_copy(idx_u_h.at[pl.ds(0, _BH)], idx0_v)
        pltpu.sync_copy(idx_u_h.at[pl.ds(_BH, _BH)], idx1_v)
        gather_row(tab_u_h, tl_u_h, idx0_v, idx1_v, obx_v)
        wu = pltpu.async_copy(obx_v, out_u_h.at[d, :], wsem)
        pltpu.sync_copy(idx_i_h.at[pl.ds(0, _BH)], idx0_v)
        pltpu.sync_copy(idx_i_h.at[pl.ds(_BH, _BH)], idx1_v)
        gather_row(tab_i_h, tl_i_h, idx0_v, idx1_v, oby_v)
        wi = pltpu.async_copy(oby_v, out_i_h.at[d, :], wsem)

        @plsc.parallel_loop(0, B // _L, unroll=8)
        def _pmul(g):
            base = pl.multiple_of(g * _L, _L)
            pbuf_v[pl.ds(base, _L)] = obx_v[pl.ds(base, _L)] * oby_v[pl.ds(base, _L)]
        wu.wait()
        wi.wait()

    def reduce_pair(hs_h):
        for q in range(4):
            pltpu.sync_copy(pbuf_v.at[pl.ds(q * 4096, 4096)], part_sp.at[sid])
            plsc.subcore_barrier()
            col = sid * 256
            pltpu.sync_copy(part_sp.at[:, pl.ds(col, 256)], red_v)

            def rbody(g, carry):
                base = pl.multiple_of(g * _L, _L)
                acc = jnp.zeros((_L,), _f32)
                for r in range(_NS):
                    acc = acc + red_v[r, pl.ds(base, _L)]
                scv_v[pl.ds(base, _L)] = acc
                return carry
            lax.fori_loop(0, 256 // _L, rbody, 0)
            pltpu.sync_copy(scv_v, hs_h.at[cid, pl.ds(q * 4096 + col, 256)])
            plsc.subcore_barrier()

    process_pair(idx_us_h, tab_us_h, tl_us_h, out_us_h,
                 idx_is_h, tab_is_h, tl_is_h, out_is_h, 0)
    reduce_pair(hs_s_h)
    process_pair(idx_ut_h, tab_ut_h, tl_ut_h, out_ut_h,
                 idx_it_h, tab_it_h, tl_it_h, out_it_h, 1)
    reduce_pair(hs_t_h)


def _sum_body(hs_s_ref, hs_t_ref, ss_ref, st_ref):
    ss_ref[...] = hs_s_ref[0, :] + hs_s_ref[1, :]
    st_ref[...] = hs_t_ref[0, :] + hs_t_ref[1, :]


_tc_sum = pl.pallas_call(
    _sum_body,
    out_shape=[
        jax.ShapeDtypeStruct((B,), _f32),
        jax.ShapeDtypeStruct((B,), _f32),
    ],
)


def kernel(mirnas_s, disease, label_s, mirnas_t, target, label_t,
           mirna_emb_s, item_emb_s, mirna_emb_t, item_emb_t):
    def tail(tab):
        return jnp.reshape(tab.T[:, VA:], (EMB * NT,))

    uT_s, iT_s, uT_t, iT_t, hs_s, hs_t = _sc_all(
        mirnas_s.astype(_i32), disease.astype(_i32),
        mirnas_t.astype(_i32), target.astype(_i32),
        mirna_emb_s.T, item_emb_s.T, mirna_emb_t.T, item_emb_t.T,
        tail(mirna_emb_s), tail(item_emb_s),
        tail(mirna_emb_t), tail(item_emb_t))
    scores_s, scores_t = _tc_sum(hs_s, hs_t)
    return (scores_s, scores_t,
            (uT_s.T, iT_s.T, label_s),
            (uT_t.T, iT_t.T, label_t))

# --- scband reference (transcript-rebuilt; emitter-appended) ---
"""Pipeline reference for scband-cross-mi-t-37177236914194 (READ-ONLY COPY).

The authoritative reference and input builder live on the scoring server;
editing this copy changes nothing except your own understanding.
"""

import jax, jax.numpy as jnp
import numpy as np

N_MIRNAS = 100000
N_DISEASE = 100000
N_ITEMS_T = 100000
EMB = 32
B = 16384

def setup_inputs(seed: int = 0) -> dict:
    key = jax.random.key(seed)
    ks = jax.random.split(key, 10)
    return {
        'mirnas_s': jax.random.randint(ks[0], (B,), 0, N_MIRNAS),
        'disease': jax.random.randint(ks[1], (B,), 0, N_DISEASE),
        'label_s': jax.random.uniform(ks[2], (B,), dtype=jnp.float32),
        'mirnas_t': jax.random.randint(ks[3], (B,), 0, N_MIRNAS),
        'target': jax.random.randint(ks[4], (B,), 0, N_ITEMS_T),
        'label_t': jax.random.uniform(ks[5], (B,), dtype=jnp.float32),
        'mirna_emb_s': jax.random.normal(ks[6], (N_MIRNAS, EMB), dtype=jnp.float32) * 0.1,
        'item_emb_s': jax.random.normal(ks[7], (N_DISEASE, EMB), dtype=jnp.float32) * 0.1,
        'mirna_emb_t': jax.random.normal(ks[8], (N_MIRNAS, EMB), dtype=jnp.float32) * 0.1,
        'item_emb_t': jax.random.normal(ks[9], (N_ITEMS_T, EMB), dtype=jnp.float32) * 0.1,
    }

def get_scores(u, i):
    # inner-product scoring (tf.reduce_sum(tf.multiply(u, i), axis=1))
    return jnp.sum(u * i, axis=1)

def reference(mirnas_s, disease, label_s, mirnas_t, target, label_t,
              mirna_emb_s, item_emb_s, mirna_emb_t, item_emb_t):
    # n_layers == 0 path of CrossMiT.call: pure embedding lookups + scoring
    u_g_embeddings_s = jnp.take(mirna_emb_s, mirnas_s, axis=0)
    i_g_embeddings_s = jnp.take(item_emb_s, disease, axis=0)
    u_g_embeddings_t = jnp.take(mirna_emb_t, mirnas_t, axis=0)
    i_g_embeddings_t = jnp.take(item_emb_t, target, axis=0)
    scores_s = get_scores(u_g_embeddings_s, i_g_embeddings_s)
    scores_t = get_scores(u_g_embeddings_t, i_g_embeddings_t)
    return (scores_s, scores_t,
            (u_g_embeddings_s, i_g_embeddings_s, label_s),
            (u_g_embeddings_t, i_g_embeddings_t, label_t))

if __name__ == "__main__":
    import jax
    _d = setup_inputs()
    print(jax.jit(kernel)(*tuple(_d.values())))

</pallas_src>

<mosaic_0001>
#map = affine_map<(d0, d1) -> (0)>
#map1 = affine_map<(d0, d1) -> (0, 0)>
module attributes {stable_mosaic.version = 14 : i64} {
  func.func @_sc_all(%arg0: i32, %arg1: i32, %arg2: memref<16384xi32, #tpu.memory_space<hbm>>, %arg3: memref<16384xi32, #tpu.memory_space<hbm>>, %arg4: memref<16384xi32, #tpu.memory_space<hbm>>, %arg5: memref<16384xi32, #tpu.memory_space<hbm>>, %arg6: memref<32x100000xf32, #tpu.memory_space<hbm>>, %arg7: memref<32x100000xf32, #tpu.memory_space<hbm>>, %arg8: memref<32x100000xf32, #tpu.memory_space<hbm>>, %arg9: memref<32x100000xf32, #tpu.memory_space<hbm>>, %arg10: memref<1024xf32, #tpu.memory_space<hbm>>, %arg11: memref<1024xf32, #tpu.memory_space<hbm>>, %arg12: memref<1024xf32, #tpu.memory_space<hbm>>, %arg13: memref<1024xf32, #tpu.memory_space<hbm>>, %arg14: memref<32x16384xf32, #tpu.memory_space<hbm>>, %arg15: memref<32x16384xf32, #tpu.memory_space<hbm>>, %arg16: memref<32x16384xf32, #tpu.memory_space<hbm>>, %arg17: memref<32x16384xf32, #tpu.memory_space<hbm>>, %arg18: memref<2x16384xf32, #tpu.memory_space<hbm>>, %arg19: memref<2x16384xf32, #tpu.memory_space<hbm>>, %arg20: memref<50048xf32, #tpu.memory_space<vmem>>, %arg21: memref<1024xf32, #tpu.memory_space<vmem>>, %arg22: memref<8192xi32, #tpu.memory_space<vmem>>, %arg23: memref<8192xi32, #tpu.memory_space<vmem>>, %arg24: memref<16384xf32, #tpu.memory_space<vmem>>, %arg25: memref<16384xf32, #tpu.memory_space<vmem>>, %arg26: memref<16384xf32, #tpu.memory_space<vmem>>, %arg27: memref<16x256xf32, #tpu.memory_space<vmem>>, %arg28: memref<256xf32, #tpu.memory_space<vmem>>, %arg29: memref<16x4096xf32, #tpu.memory_space<vmem_shared>>, %arg30: memref<!tpu.dma_semaphore, #tpu.memory_space<semaphore_mem>>, %arg31: memref<!tpu.dma_semaphore, #tpu.memory_space<semaphore_mem>>) attributes {dimension_semantics = [#tpu.dimension_semantics<core_parallel>, #tpu.dimension_semantics<subcore_parallel>], iteration_bounds = array<i64: 2, 16>, scalar_prefetch = 0 : i64, scratch_operands = 12 : i64, tpu.core_type = #tpu.core_type<sc_vector_subcore>, window_params = [{transform_indices = #map}, {transform_indices = #map}, {transform_indices = #map}, {transform_indices = #map}, {transform_indices = #map1}, {transform_indices = #map1}, {transform_indices = #map1}, {transform_indices = #map1}, {transform_indices = #map}, {transform_indices = #map}, {transform_indices = #map}, {transform_indices = #map}, {transform_indices = #map1}, {transform_indices = #map1}, {transform_indices = #map1}, {transform_indices = #map1}, {transform_indices = #map1}, {transform_indices = #map1}]} {
    %mul3A = arith.constant 2 : i32
    %mul3A_0 = arith.muli %arg1, %mul3A : i32
    %add3A = arith.addi %mul3A_0, %arg0 : i32
    "tpu.region"() ({
      %run_scoped3A = tpu.sem_alloc : memref<!tpu.dma_semaphore, #tpu.memory_space<semaphore_mem>>
      %dma_start3A_408 = arith.constant 0 : i32
      %dma_start3A_409 = tpu.memref_slice %arg2[%dma_start3A_408] : memref<16384xi32, #tpu.memory_space<hbm>> -> memref<8192xi32, #tpu.memory_space<hbm>>
      %dma_start3A_410 = arith.constant 0 : i32
      %dma_start3A_411 = tpu.memref_slice %arg2[%dma_start3A_410] : memref<16384xi32, #tpu.memory_space<hbm>> -> memref<8192xi32, #tpu.memory_space<hbm>>
      tpu.enqueue_dma source(%dma_start3A_411 : memref<8192xi32, #tpu.memory_space<hbm>>) target(%arg22 : memref<8192xi32, #tpu.memory_space<vmem>>) target_semaphore(%run_scoped3A : memref<!tpu.dma_semaphore, #tpu.memory_space<semaphore_mem>>)
      %dma_wait3A_412 = arith.constant 0 : i32
      %dma_wait3A_413 = tpu.memref_slice %arg2[%dma_wait3A_412] : memref<16384xi32, #tpu.memory_space<hbm>> -> memref<8192xi32, #tpu.memory_space<hbm>>
      %dma_wait3A_414 = arith.constant 0 : i32
      %dma_wait3A_415 = tpu.memref_slice %arg2[%dma_wait3A_414] : memref<16384xi32, #tpu.memory_space<hbm>> -> memref<8192xi32, #tpu.memory_space<hbm>>
      tpu.wait_dma2 semaphore(%run_scoped3A : memref<!tpu.dma_semaphore, #tpu.memory_space<semaphore_mem>>) src(%dma_wait3A_415 : memref<8192xi32, #tpu.memory_space<hbm>>) dst(%arg22 : memref<8192xi32, #tpu.memory_space<vmem>>)
      tpu.yield
    }) : () -> ()
    "tpu.region"() ({
      %run_scoped3A = tpu.sem_alloc : memref<!tpu.dma_semaphore, #tpu.memory_space<semaphore_mem>>
      %dma_start3A_408 = arith.constant 8192 : i32
      %dma_start3A_409 = tpu.memref_slice %arg2[%dma_start3A_408] : memref<16384xi32, #tpu.memory_space<hbm>> -> memref<8192xi32, #tpu.memory_space<hbm>>
      %dma_start3A_410 = arith.constant 8192 : i32
      %dma_start3A_411 = tpu.memref_slice %arg2[%dma_start3A_410] : memref<16384xi32, #tpu.memory_space<hbm>> -> memref<8192xi32, #tpu.memory_space<hbm>>
      tpu.enqueue_dma source(%dma_start3A_411 : memref<8192xi32, #tpu.memory_space<hbm>>) target(%arg23 : memref<8192xi32, #tpu.memory_space<vmem>>) target_semaphore(%run_scoped3A : memref<!tpu.dma_semaphore, #tpu.memory_space<semaphore_mem>>)
      %dma_wait3A_412 = arith.constant 8192 : i32
      %dma_wait3A_413 = tpu.memref_slice %arg2[%dma_wait3A_412] : memref<16384xi32, #tpu.memory_space<hbm>> -> memref<8192xi32, #tpu.memory_space<hbm>>
      %dma_wait3A_414 = arith.constant 8192 : i32
      %dma_wait3A_415 = tpu.memref_slice %arg2[%dma_wait3A_414] : memref<16384xi32, #tpu.memory_space<hbm>> -> memref<8192xi32, #tpu.memory_space<hbm>>
      tpu.wait_dma2 semaphore(%run_scoped3A : memref<!tpu.dma_semaphore, #tpu.memory_space<semaphore_mem>>) src(%dma_wait3A_415 : memref<8192xi32, #tpu.memory_space<hbm>>) dst(%arg23 : memref<8192xi32, #tpu.memory_space<vmem>>)
      tpu.yield
    }) : () -> ()
    "tpu.region"() ({
      %run_scoped3A = tpu.sem_alloc : memref<!tpu.dma_semaphore, #tpu.memory_space<semaphore_mem>>
      tpu.enqueue_dma source(%arg10 : memref<1024xf32, #tpu.memory_space<hbm>>) target(%arg21 : memref<1024xf32, #tpu.memory_space<vmem>>) target_semaphore(%run_scoped3A : memref<!tpu.dma_semaphore, #tpu.memory_space<semaphore_mem>>)
      tpu.wait_dma2 semaphore(%run_scoped3A : memref<!tpu.dma_semaphore, #tpu.memory_space<semaphore_mem>>) src(%arg10 : memref<1024xf32, #tpu.memory_space<hbm>>) dst(%arg21 : memref<1024xf32, #tpu.memory_space<vmem>>)
      tpu.yield
    }) : () -> ()
    %dma_start3A = arith.constant 0 : i32
    %dma_start3A_1 = tpu.memref_slice %arg20[%dma_start3A] : memref<50048xf32, #tpu.memory_space<vmem>> -> memref<50048xf32, #tpu.memory_space<vmem>>
    %dma_start3A_2 = arith.constant 0 : i32
    %dma_start3A_3 = tpu.memref_slice %arg6[%add3A, %dma_start3A_2] : memref<32x100000xf32, #tpu.memory_space<hbm>> -> memref<1x50048xf32, #tpu.memory_space<hbm>>
    %dma_start3A_4 = tpu.memref_squeeze %dma_start3A_3 : memref<1x50048xf32, #tpu.memory_space<hbm>> -> memref<50048xf32, #tpu.memory_space<hbm>>
    %dma_start3A_5 = arith.constant 0 : i32
    %dma_start3A_6 = tpu.memref_slice %arg20[%dma_start3A_5] : memref<50048xf32, #tpu.memory_space<vmem>> -> memref<50048xf32, #tpu.memory_space<vmem>>
    %dma_start3A_7 = arith.constant 0 : i32
    %dma_start3A_8 = tpu.memref_slice %arg6[%add3A, %dma_start3A_7] : memref<32x100000xf32, #tpu.memory_space<hbm>> -> memref<1x50048xf32, #tpu.memory_space<hbm>>
    %dma_start3A_9 = tpu.memref_squeeze %dma_start3A_8 : memref<1x50048xf32, #tpu.memory_space<hbm>> -> memref<50048xf32, #tpu.memory_space<hbm>>
    tpu.enqueue_dma source(%dma_start3A_9 : memref<50048xf32, #tpu.memory_space<hbm>>) target(%dma_start3A_6 : memref<50048xf32, #tpu.memory_space<vmem>>) target_semaphore(%arg30 : memref<!tpu.dma_semaphore, #tpu.memory_space<semaphore_mem>>)
    %dma_wait3A = arith.constant 0 : i32
    %dma_wait3A_10 = tpu.memref_slice %arg20[%dma_wait3A] : memref<50048xf32, #tpu.memory_space<vmem>> -> memref<50048xf32, #tpu.memory_space<vmem>>
    %dma_wait3A_11 = arith.constant 0 : i32
    %dma_wait3A_12 = tpu.memref_slice %arg6[%add3A, %dma_wait3A_11] : memref<32x100000xf32, #tpu.memory_space<hbm>> -> memref<1x50048xf32, #tpu.memory_space<hbm>>
    %dma_wait3A_13 = tpu.memref_squeeze %dma_wait3A_12 : memref<1x50048xf32, #tpu.memory_space<hbm>> -> memref<50048xf32, #tpu.memory_space<hbm>>
    %dma_wait3A_14 = arith.constant 0 : i32
    %dma_wait3A_15 = tpu.memref_slice %arg20[%dma_wait3A_14] : memref<50048xf32, #tpu.memory_space<vmem>> -> memref<50048xf32, #tpu.memory_space<vmem>>
    %dma_wait3A_16 = arith.constant 0 : i32
    %dma_wait3A_17 = tpu.memref_slice %arg6[%add3A, %dma_wait3A_16] : memref<32x100000xf32, #tpu.memory_space<hbm>> -> memref<1x50048xf32, #tpu.memory_space<hbm>>
    %dma_wait3A_18 = tpu.memref_squeeze %dma_wait3A_17 : memref<1x50048xf32, #tpu.memory_space<hbm>> -> memref<50048xf32, #tpu.memory_space<hbm>>
    tpu.wait_dma2 semaphore(%arg30 : memref<!tpu.dma_semaphore, #tpu.memory_space<semaphore_mem>>) src(%dma_wait3A_18 : memref<50048xf32, #tpu.memory_space<hbm>>) dst(%dma_wait3A_15 : memref<50048xf32, #tpu.memory_space<vmem>>)
    %parallel_loop3A = arith.constant 0 : i32
    %parallel_loop3A_19 = arith.constant 512 : i32
    %parallel_loop3A_20 = arith.constant 1 : i32
    scf.for %parallel_loop3A_408 = %parallel_loop3A to %parallel_loop3A_19 step %parallel_loop3A_20  : i32 {
      %parallel_loop3A_409 = arith.constant 16 : i32
      %parallel_loop3A_410 = arith.muli %parallel_loop3A_408, %parallel_loop3A_409 : i32
      %parallel_loop3A_411 = tpu.assume_multiple %parallel_loop3A_410, 16 : i32
      %parallel_loop3A_412 = arith.index_cast %parallel_loop3A_411 : i32 to index
      %parallel_loop3A_413 = tpu.vector_load %arg22[%parallel_loop3A_412] {strides = array<i32>} : memref<8192xi32, #tpu.memory_space<vmem>>, vector<16xi32>,
      %parallel_loop3A_414 = arith.constant 0 : i32
      %parallel_loop3A_415 = arith.addi %parallel_loop3A_414, %parallel_loop3A_411 : i32
      %parallel_loop3A_416 = arith.constant 50048 : i32
      %parallel_loop3A_417 = vector.broadcast %parallel_loop3A_416 : i32 to vector<16xi32>
      %parallel_loop3A_418 = arith.cmpi slt, %parallel_loop3A_413, %parallel_loop3A_417 : vector<16xi32>
      %parallel_loop3A_419 = tpu.vector_load_idx %arg20[%parallel_loop3A_413] masked %parallel_loop3A_418 : memref<50048xf32, #tpu.memory_space<vmem>>[vector<16xi32>], vector<16xf32>, vector<16xi1>
      %parallel_loop3A_420 = arith.index_cast %parallel_loop3A_415 : i32 to index
      %parallel_loop3A_421 = tpu.vector_load %arg24[%parallel_loop3A_420] {strides = array<i32>} : memref<16384xf32, #tpu.memory_space<vmem>>, vector<16xf32>,
      tpu.vector_store %arg24[%parallel_loop3A_420], %parallel_loop3A_419 {strides = array<i32>} : memref<16384xf32, #tpu.memory_space<vmem>>, vector<16xf32>,
    } {sc.loop_unroll_factor = 8 : i64, sc.parallel_access}
    %parallel_loop3A_21 = arith.constant 0 : i32
    %parallel_loop3A_22 = arith.constant 512 : i32
    %parallel_loop3A_23 = arith.constant 1 : i32
    scf.for %parallel_loop3A_408 = %parallel_loop3A_21 to %parallel_loop3A_22 step %parallel_loop3A_23  : i32 {
      %parallel_loop3A_409 = arith.constant 16 : i32
      %parallel_loop3A_410 = arith.muli %parallel_loop3A_408, %parallel_loop3A_409 : i32
      %parallel_loop3A_411 = tpu.assume_multiple %parallel_loop3A_410, 16 : i32
      %parallel_loop3A_412 = arith.index_cast %parallel_loop3A_411 : i32 to index
      %parallel_loop3A_413 = tpu.vector_load %arg23[%parallel_loop3A_412] {strides = array<i32>} : memref<8192xi32, #tpu.memory_space<vmem>>, vector<16xi32>,
      %parallel_loop3A_414 = arith.constant 8192 : i32
      %parallel_loop3A_415 = arith.addi %parallel_loop3A_414, %parallel_loop3A_411 : i32
      %parallel_loop3A_416 = arith.constant 50048 : i32
      %parallel_loop3A_417 = vector.broadcast %parallel_loop3A_416 : i32 to vector<16xi32>
      %parallel_loop3A_418 = arith.cmpi slt, %parallel_loop3A_413, %parallel_loop3A_417 : vector<16xi32>
      %parallel_loop3A_419 = tpu.vector_load_idx %arg20[%parallel_loop3A_413] masked %parallel_loop3A_418 : memref<50048xf32, #tpu.memory_space<vmem>>[vector<16xi32>], vector<16xf32>, vector<16xi1>
      %parallel_loop3A_420 = arith.index_cast %parallel_loop3A_415 : i32 to index
      %parallel_loop3A_421 = tpu.vector_load %arg24[%parallel_loop3A_420] {strides = array<i32>} : memref<16384xf32, #tpu.memory_space<vmem>>, vector<16xf32>,
      tpu.vector_store %arg24[%parallel_loop3A_420], %parallel_loop3A_419 {strides = array<i32>} : memref<16384xf32, #tpu.memory_space<vmem>>, vector<16xf32>,
    } {sc.loop_unroll_factor = 8 : i64, sc.parallel_access}
    %dma_start3A_24 = arith.constant 0 : i32
    %dma_start3A_25 = tpu.memref_slice %arg20[%dma_start3A_24] : memref<50048xf32, #tpu.memory_space<vmem>> -> memref<49920xf32, #tpu.memory_space<vmem>>
    %dma_start3A_26 = arith.constant 50048 : i32
    %dma_start3A_27 = tpu.memref_slice %arg6[%add3A, %dma_start3A_26] : memref<32x100000xf32, #tpu.memory_space<hbm>> -> memref<1x49920xf32, #tpu.memory_space<hbm>>
    %dma_start3A_28 = tpu.memref_squeeze %dma_start3A_27 : memref<1x49920xf32, #tpu.memory_space<hbm>> -> memref<49920xf32, #tpu.memory_space<hbm>>
    %dma_start3A_29 = arith.constant 0 : i32
    %dma_start3A_30 = tpu.memref_slice %arg20[%dma_start3A_29] : memref<50048xf32, #tpu.memory_space<vmem>> -> memref<49920xf32, #tpu.memory_space<vmem>>
    %dma_start3A_31 = arith.constant 50048 : i32
    %dma_start3A_32 = tpu.memref_slice %arg6[%add3A, %dma_start3A_31] : memref<32x100000xf32, #tpu.memory_space<hbm>> -> memref<1x49920xf32, #tpu.memory_space<hbm>>
    %dma_start3A_33 = tpu.memref_squeeze %dma_start3A_32 : memref<1x49920xf32, #tpu.memory_space<hbm>> -> memref<49920xf32, #tpu.memory_space<hbm>>
    tpu.enqueue_dma source(%dma_start3A_33 : memref<49920xf32, #tpu.memory_space<hbm>>) target(%dma_start3A_30 : memref<49920xf32, #tpu.memory_space<vmem>>) target_semaphore(%arg30 : memref<!tpu.dma_semaphore, #tpu.memory_space<semaphore_mem>>)
    %dma_wait3A_34 = arith.constant 0 : i32
    %dma_wait3A_35 = tpu.memref_slice %arg20[%dma_wait3A_34] : memref<50048xf32, #tpu.memory_space<vmem>> -> memref<49920xf32, #tpu.memory_space<vmem>>
    %dma_wait3A_36 = arith.constant 50048 : i32
    %dma_wait3A_37 = tpu.memref_slice %arg6[%add3A, %dma_wait3A_36] : memref<32x100000xf32, #tpu.memory_space<hbm>> -> memref<1x49920xf32, #tpu.memory_space<hbm>>
    %dma_wait3A_38 = tpu.memref_squeeze %dma_wait3A_37 : memref<1x49920xf32, #tpu.memory_space<hbm>> -> memref<49920xf32, #tpu.memory_space<hbm>>
    %dma_wait3A_39 = arith.constant 0 : i32
    %dma_wait3A_40 = tpu.memref_slice %arg20[%dma_wait3A_39] : memref<50048xf32, #tpu.memory_space<vmem>> -> memref<49920xf32, #tpu.memory_space<vmem>>
    %dma_wait3A_41 = arith.constant 50048 : i32
    %dma_wait3A_42 = tpu.memref_slice %arg6[%add3A, %dma_wait3A_41] : memref<32x100000xf32, #tpu.memory_space<hbm>> -> memref<1x49920xf32, #tpu.memory_space<hbm>>
    %dma_wait3A_43 = tpu.memref_squeeze %dma_wait3A_42 : memref<1x49920xf32, #tpu.memory_space<hbm>> -> memref<49920xf32, #tpu.memory_space<hbm>>
    tpu.wait_dma2 semaphore(%arg30 : memref<!tpu.dma_semaphore, #tpu.memory_space<semaphore_mem>>) src(%dma_wait3A_43 : memref<49920xf32, #tpu.memory_space<hbm>>) dst(%dma_wait3A_40 : memref<49920xf32, #tpu.memory_space<vmem>>)
    %mul3A_44 = arith.constant 32 : i32
    %mul3A_45 = arith.muli %add3A, %mul3A_44 : i32
    %get3A = arith.index_cast %mul3A_45 : i32 to index
    %get3A_46 = tpu.vector_load %arg21[%get3A] {strides = array<i32>} : memref<1024xf32, #tpu.memory_space<vmem>>, vector<16xf32>,
    %swap3A = arith.constant 49920 : index
    %swap3A_47 = tpu.vector_load %arg20[%swap3A] {strides = array<i32>} : memref<50048xf32, #tpu.memory_space<vmem>>, vector<16xf32>,
    tpu.vector_store %arg20[%swap3A], %get3A_46 {strides = array<i32>} : memref<50048xf32, #tpu.memory_space<vmem>>, vector<16xf32>,
    %mul3A_48 = arith.constant 32 : i32
    %mul3A_49 = arith.muli %add3A, %mul3A_48 : i32
    %add3A_50 = arith.constant 16 : i32
    %add3A_51 = arith.addi %mul3A_49, %add3A_50 : i32
    %get3A_52 = arith.index_cast %add3A_51 : i32 to index
    %get3A_53 = tpu.vector_load %arg21[%get3A_52] {strides = array<i32>} : memref<1024xf32, #tpu.memory_space<vmem>>, vector<16xf32>,
    %swap3A_54 = arith.constant 49936 : index
    %swap3A_55 = tpu.vector_load %arg20[%swap3A_54] {strides = array<i32>} : memref<50048xf32, #tpu.memory_space<vmem>>, vector<16xf32>,
    tpu.vector_store %arg20[%swap3A_54], %get3A_53 {strides = array<i32>} : memref<50048xf32, #tpu.memory_space<vmem>>, vector<16xf32>,
    %parallel_loop3A_56 = arith.constant 0 : i32
    %parallel_loop3A_57 = arith.constant 512 : i32
    %parallel_loop3A_58 = arith.constant 1 : i32
    scf.for %parallel_loop3A_408 = %parallel_loop3A_56 to %parallel_loop3A_57 step %parallel_loop3A_58  : i32 {
      %parallel_loop3A_409 = arith.constant 16 : i32
      %parallel_loop3A_410 = arith.muli %parallel_loop3A_408, %parallel_loop3A_409 : i32
      %parallel_loop3A_411 = tpu.assume_multiple %parallel_loop3A_410, 16 : i32
      %parallel_loop3A_412 = arith.index_cast %parallel_loop3A_411 : i32 to index
      %parallel_loop3A_413 = tpu.vector_load %arg22[%parallel_loop3A_412] {strides = array<i32>} : memref<8192xi32, #tpu.memory_space<vmem>>, vector<16xi32>,
      %parallel_loop3A_414 = arith.constant 0 : i32
      %parallel_loop3A_415 = arith.addi %parallel_loop3A_414, %parallel_loop3A_411 : i32
      %parallel_loop3A_416 = arith.constant 50048 : i32
      %parallel_loop3A_417 = vector.broadcast %parallel_loop3A_416 : i32 to vector<16xi32>
      %parallel_loop3A_418 = arith.cmpi sge, %parallel_loop3A_413, %parallel_loop3A_417 : vector<16xi32>
      %parallel_loop3A_419 = arith.constant 50048 : i32
      %parallel_loop3A_420 = vector.broadcast %parallel_loop3A_419 : i32 to vector<16xi32>
      %parallel_loop3A_421 = arith.subi %parallel_loop3A_413, %parallel_loop3A_420 : vector<16xi32>
      %parallel_loop3A_422 = arith.constant 0 : i32
      %parallel_loop3A_423 = vector.broadcast %parallel_loop3A_422 : i32 to vector<16xi32>
      %parallel_loop3A_424 = arith.maxsi %parallel_loop3A_421, %parallel_loop3A_423 : vector<16xi32>
      %parallel_loop3A_425 = tpu.vector_load_idx %arg20[%parallel_loop3A_424] masked %parallel_loop3A_418 : memref<50048xf32, #tpu.memory_space<vmem>>[vector<16xi32>], vector<16xf32>, vector<16xi1>
      %parallel_loop3A_426 = arith.index_cast %parallel_loop3A_415 : i32 to index
      %parallel_loop3A_427 = tpu.vector_load %arg24[%parallel_loop3A_426] {strides = array<i32>} : memref<16384xf32, #tpu.memory_space<vmem>>, vector<16xf32>,
      %parallel_loop3A_428 = arith.select %parallel_loop3A_418, %parallel_loop3A_425, %parallel_loop3A_427 : vector<16xi1>, vector<16xf32>
      %parallel_loop3A_429 = arith.index_cast %parallel_loop3A_415 : i32 to index
      %parallel_loop3A_430 = tpu.vector_load %arg24[%parallel_loop3A_429] {strides = array<i32>} : memref<16384xf32, #tpu.memory_space<vmem>>, vector<16xf32>,
      tpu.vector_store %arg24[%parallel_loop3A_429], %parallel_loop3A_428 {strides = array<i32>} : memref<16384xf32, #tpu.memory_space<vmem>>, vector<16xf32>,
    } {sc.loop_unroll_factor = 8 : i64, sc.parallel_access}
    %parallel_loop3A_59 = arith.constant 0 : i32
    %parallel_loop3A_60 = arith.constant 512 : i32
    %parallel_loop3A_61 = arith.constant 1 : i32
    scf.for %parallel_loop3A_408 = %parallel_loop3A_59 to %parallel_loop3A_60 step %parallel_loop3A_61  : i32 {
      %parallel_loop3A_409 = arith.constant 16 : i32
      %parallel_loop3A_410 = arith.muli %parallel_loop3A_408, %parallel_loop3A_409 : i32
      %parallel_loop3A_411 = tpu.assume_multiple %parallel_loop3A_410, 16 : i32
      %parallel_loop3A_412 = arith.index_cast %parallel_loop3A_411 : i32 to index
      %parallel_loop3A_413 = tpu.vector_load %arg23[%parallel_loop3A_412] {strides = array<i32>} : memref<8192xi32, #tpu.memory_space<vmem>>, vector<16xi32>,
      %parallel_loop3A_414 = arith.constant 8192 : i32
      %parallel_loop3A_415 = arith.addi %parallel_loop3A_414, %parallel_loop3A_411 : i32
      %parallel_loop3A_416 = arith.constant 50048 : i32
      %parallel_loop3A_417 = vector.broadcast %parallel_loop3A_416 : i32 to vector<16xi32>
      %parallel_loop3A_418 = arith.cmpi sge, %parallel_loop3A_413, %parallel_loop3A_417 : vector<16xi32>
      %parallel_loop3A_419 = arith.constant 50048 : i32
      %parallel_loop3A_420 = vector.broadcast %parallel_loop3A_419 : i32 to vector<16xi32>
      %parallel_loop3A_421 = arith.subi %parallel_loop3A_413, %parallel_loop3A_420 : vector<16xi32>
      %parallel_loop3A_422 = arith.constant 0 : i32
      %parallel_loop3A_423 = vector.broadcast %parallel_loop3A_422 : i32 to vector<16xi32>
      %parallel_loop3A_424 = arith.maxsi %parallel_loop3A_421, %parallel_loop3A_423 : vector<16xi32>
      %parallel_loop3A_425 = tpu.vector_load_idx %arg20[%parallel_loop3A_424] masked %parallel_loop3A_418 : memref<50048xf32, #tpu.memory_space<vmem>>[vector<16xi32>], vector<16xf32>, vector<16xi1>
      %parallel_loop3A_426 = arith.index_cast %parallel_loop3A_415 : i32 to index
      %parallel_loop3A_427 = tpu.vector_load %arg24[%parallel_loop3A_426] {strides = array<i32>} : memref<16384xf32, #tpu.memory_space<vmem>>, vector<16xf32>,
      %parallel_loop3A_428 = arith.select %parallel_loop3A_418, %parallel_loop3A_425, %parallel_loop3A_427 : vector<16xi1>, vector<16xf32>
      %parallel_loop3A_429 = arith.index_cast %parallel_loop3A_415 : i32 to index
      %parallel_loop3A_430 = tpu.vector_load %arg24[%parallel_loop3A_429] {strides = array<i32>} : memref<16384xf32, #tpu.memory_space<vmem>>, vector<16xf32>,
      tpu.vector_store %arg24[%parallel_loop3A_429], %parallel_loop3A_428 {strides = array<i32>} : memref<16384xf32, #tpu.memory_space<vmem>>, vector<16xf32>,
    } {sc.loop_unroll_factor = 8 : i64, sc.parallel_access}
    %dma_start3A_62 = arith.constant 0 : i32
    %dma_start3A_63 = tpu.memref_slice %arg14[%add3A, %dma_start3A_62] : memref<32x16384xf32, #tpu.memory_space<hbm>> -> memref<1x16384xf32, #tpu.memory_space<hbm>>
    %dma_start3A_64 = tpu.memref_squeeze %dma_start3A_63 : memref<1x16384xf32, #tpu.memory_space<hbm>> -> memref<16384xf32, #tpu.memory_space<hbm>>
    %dma_start3A_65 = arith.constant 0 : i32
    %dma_start3A_66 = tpu.memref_slice %arg14[%add3A, %dma_start3A_65] : memref<32x16384xf32, #tpu.memory_space<hbm>> -> memref<1x16384xf32, #tpu.memory_space<hbm>>
    %dma_start3A_67 = tpu.memref_squeeze %dma_start3A_66 : memref<1x16384xf32, #tpu.memory_space<hbm>> -> memref<16384xf32, #tpu.memory_space<hbm>>
    tpu.enqueue_dma source(%arg24 : memref<16384xf32, #tpu.memory_space<vmem>>) target(%dma_start3A_67 : memref<16384xf32, #tpu.memory_space<hbm>>) target_semaphore(%arg31 : memref<!tpu.dma_semaphore, #tpu.memory_space<semaphore_mem>>)
    "tpu.region"() ({
      %run_scoped3A = tpu.sem_alloc : memref<!tpu.dma_semaphore, #tpu.memory_space<semaphore_mem>>
      %dma_start3A_408 = arith.constant 0 : i32
      %dma_start3A_409 = tpu.memref_slice %arg3[%dma_start3A_408] : memref<16384xi32, #tpu.memory_space<hbm>> -> memref<8192xi32, #tpu.memory_space<hbm>>
      %dma_start3A_410 = arith.constant 0 : i32
      %dma_start3A_411 = tpu.memref_slice %arg3[%dma_start3A_410] : memref<16384xi32, #tpu.memory_space<hbm>> -> memref<8192xi32, #tpu.memory_space<hbm>>
      tpu.enqueue_dma source(%dma_start3A_411 : memref<8192xi32, #tpu.memory_space<hbm>>) target(%arg22 : memref<8192xi32, #tpu.memory_space<vmem>>) target_semaphore(%run_scoped3A : memref<!tpu.dma_semaphore, #tpu.memory_space<semaphore_mem>>)
      %dma_wait3A_412 = arith.constant 0 : i32
      %dma_wait3A_413 = tpu.memref_slice %arg3[%dma_wait3A_412] : memref<16384xi32, #tpu.memory_space<hbm>> -> memref<8192xi32, #tpu.memory_space<hbm>>
      %dma_wait3A_414 = arith.constant 0 : i32
      %dma_wait3A_415 = tpu.memref_slice %arg3[%dma_wait3A_414] : memref<16384xi32, #tpu.memory_space<hbm>> -> memref<8192xi32, #tpu.memory_space<hbm>>
      tpu.wait_dma2 semaphore(%run_scoped3A : memref<!tpu.dma_semaphore, #tpu.memory_space<semaphore_mem>>) src(%dma_wait3A_415 : memref<8192xi32, #tpu.memory_space<hbm>>) dst(%arg22 : memref<8192xi32, #tpu.memory_space<vmem>>)
      tpu.yield
    }) : () -> ()
    "tpu.region"() ({
      %run_scoped3A = tpu.sem_alloc : memref<!tpu.dma_semaphore, #tpu.memory_space<semaphore_mem>>
      %dma_start3A_408 = arith.constant 8192 : i32
      %dma_start3A_409 = tpu.memref_slice %arg3[%dma_start3A_408] : memref<16384xi32, #tpu.memory_space<hbm>> -> memref<8192xi32, #tpu.memory_space<hbm>>
      %dma_start3A_410 = arith.constant 8192 : i32
      %dma_start3A_411 = tpu.memref_slice %arg3[%dma_start3A_410] : memref<16384xi32, #tpu.memory_space<hbm>> -> memref<8192xi32, #tpu.memory_space<hbm>>
      tpu.enqueue_dma source(%dma_start3A_411 : memref<8192xi32, #tpu.memory_space<hbm>>) target(%arg23 : memref<8192xi32, #tpu.memory_space<vmem>>) target_semaphore(%run_scoped3A : memref<!tpu.dma_semaphore, #tpu.memory_space<semaphore_mem>>)
      %dma_wait3A_412 = arith.constant 8192 : i32
      %dma_wait3A_413 = tpu.memref_slice %arg3[%dma_wait3A_412] : memref<16384xi32, #tpu.memory_space<hbm>> -> memref<8192xi32, #tpu.memory_space<hbm>>
      %dma_wait3A_414 = arith.constant 8192 : i32
      %dma_wait3A_415 = tpu.memref_slice %arg3[%dma_wait3A_414] : memref<16384xi32, #tpu.memory_space<hbm>> -> memref<8192xi32, #tpu.memory_space<hbm>>
      tpu.wait_dma2 semaphore(%run_scoped3A : memref<!tpu.dma_semaphore, #tpu.memory_space<semaphore_mem>>) src(%dma_wait3A_415 : memref<8192xi32, #tpu.memory_space<hbm>>) dst(%arg23 : memref<8192xi32, #tpu.memory_space<vmem>>)
      tpu.yield
    }) : () -> ()
    "tpu.region"() ({
      %run_scoped3A = tpu.sem_alloc : memref<!tpu.dma_semaphore, #tpu.memory_space<semaphore_mem>>
      tpu.enqueue_dma source(%arg11 : memref<1024xf32, #tpu.memory_space<hbm>>) target(%arg21 : memref<1024xf32, #tpu.memory_space<vmem>>) target_semaphore(%run_scoped3A : memref<!tpu.dma_semaphore, #tpu.memory_space<semaphore_mem>>)
      tpu.wait_dma2 semaphore(%run_scoped3A : memref<!tpu.dma_semaphore, #tpu.memory_space<semaphore_mem>>) src(%arg11 : memref<1024xf32, #tpu.memory_space<hbm>>) dst(%arg21 : memref<1024xf32, #tpu.memory_space<vmem>>)
      tpu.yield
    }) : () -> ()
    %dma_start3A_68 = arith.constant 0 : i32
    %dma_start3A_69 = tpu.memref_slice %arg20[%dma_start3A_68] : memref<50048xf32, #tpu.memory_space<vmem>> -> memref<50048xf32, #tpu.memory_space<vmem>>
    %dma_start3A_70 = arith.constant 0 : i32
    %dma_start3A_71 = tpu.memref_slice %arg7[%add3A, %dma_start3A_70] : memref<32x100000xf32, #tpu.memory_space<hbm>> -> memref<1x50048xf32, #tpu.memory_space<hbm>>
    %dma_start3A_72 = tpu.memref_squeeze %dma_start3A_71 : memref<1x50048xf32, #tpu.memory_space<hbm>> -> memref<50048xf32, #tpu.memory_space<hbm>>
    %dma_start3A_73 = arith.constant 0 : i32
    %dma_start3A_74 = tpu.memref_slice %arg20[%dma_start3A_73] : memref<50048xf32, #tpu.memory_space<vmem>> -> memref<50048xf32, #tpu.memory_space<vmem>>
    %dma_start3A_75 = arith.constant 0 : i32
    %dma_start3A_76 = tpu.memref_slice %arg7[%add3A, %dma_start3A_75] : memref<32x100000xf32, #tpu.memory_space<hbm>> -> memref<1x50048xf32, #tpu.memory_space<hbm>>
    %dma_start3A_77 = tpu.memref_squeeze %dma_start3A_76 : memref<1x50048xf32, #tpu.memory_space<hbm>> -> memref<50048xf32, #tpu.memory_space<hbm>>
    tpu.enqueue_dma source(%dma_start3A_77 : memref<50048xf32, #tpu.memory_space<hbm>>) target(%dma_start3A_74 : memref<50048xf32, #tpu.memory_space<vmem>>) target_semaphore(%arg30 : memref<!tpu.dma_semaphore, #tpu.memory_space<semaphore_mem>>)
    %dma_wait3A_78 = arith.constant 0 : i32
    %dma_wait3A_79 = tpu.memref_slice %arg20[%dma_wait3A_78] : memref<50048xf32, #tpu.memory_space<vmem>> -> memref<50048xf32, #tpu.memory_space<vmem>>
    %dma_wait3A_80 = arith.constant 0 : i32
    %dma_wait3A_81 = tpu.memref_slice %arg7[%add3A, %dma_wait3A_80] : memref<32x100000xf32, #tpu.memory_space<hbm>> -> memref<1x50048xf32, #tpu.memory_space<hbm>>
    %dma_wait3A_82 = tpu.memref_squeeze %dma_wait3A_81 : memref<1x50048xf32, #tpu.memory_space<hbm>> -> memref<50048xf32, #tpu.memory_space<hbm>>
    %dma_wait3A_83 = arith.constant 0 : i32
    %dma_wait3A_84 = tpu.memref_slice %arg20[%dma_wait3A_83] : memref<50048xf32, #tpu.memory_space<vmem>> -> memref<50048xf32, #tpu.memory_space<vmem>>
    %dma_wait3A_85 = arith.constant 0 : i32
    %dma_wait3A_86 = tpu.memref_slice %arg7[%add3A, %dma_wait3A_85] : memref<32x100000xf32, #tpu.memory_space<hbm>> -> memref<1x50048xf32, #tpu.memory_space<hbm>>
    %dma_wait3A_87 = tpu.memref_squeeze %dma_wait3A_86 : memref<1x50048xf32, #tpu.memory_space<hbm>> -> memref<50048xf32, #tpu.memory_space<hbm>>
    tpu.wait_dma2 semaphore(%arg30 : memref<!tpu.dma_semaphore, #tpu.memory_space<semaphore_mem>>) src(%dma_wait3A_87 : memref<50048xf32, #tpu.memory_space<hbm>>) dst(%dma_wait3A_84 : memref<50048xf32, #tpu.memory_space<vmem>>)
    %parallel_loop3A_88 = arith.constant 0 : i32
    %parallel_loop3A_89 = arith.constant 512 : i32
    %parallel_loop3A_90 = arith.constant 1 : i32
    scf.for %parallel_loop3A_408 = %parallel_loop3A_88 to %parallel_loop3A_89 step %parallel_loop3A_90  : i32 {
      %parallel_loop3A_409 = arith.constant 16 : i32
      %parallel_loop3A_410 = arith.muli %parallel_loop3A_408, %parallel_loop3A_409 : i32
      %parallel_loop3A_411 = tpu.assume_multiple %parallel_loop3A_410, 16 : i32
      %parallel_loop3A_412 = arith.index_cast %parallel_loop3A_411 : i32 to index
      %parallel_loop3A_413 = tpu.vector_load %arg22[%parallel_loop3A_412] {strides = array<i32>} : memref<8192xi32, #tpu.memory_space<vmem>>, vector<16xi32>,
      %parallel_loop3A_414 = arith.constant 0 : i32
      %parallel_loop3A_415 = arith.addi %parallel_loop3A_414, %parallel_loop3A_411 : i32
      %parallel_loop3A_416 = arith.constant 50048 : i32
      %parallel_loop3A_417 = vector.broadcast %parallel_loop3A_416 : i32 to vector<16xi32>
      %parallel_loop3A_418 = arith.cmpi slt, %parallel_loop3A_413, %parallel_loop3A_417 : vector<16xi32>
      %parallel_loop3A_419 = tpu.vector_load_idx %arg20[%parallel_loop3A_413] masked %parallel_loop3A_418 : memref<50048xf32, #tpu.memory_space<vmem>>[vector<16xi32>], vector<16xf32>, vector<16xi1>
      %parallel_loop3A_420 = arith.index_cast %parallel_loop3A_415 : i32 to index
      %parallel_loop3A_421 = tpu.vector_load %arg25[%parallel_loop3A_420] {strides = array<i32>} : memref<16384xf32, #tpu.memory_space<vmem>>, vector<16xf32>,
      tpu.vector_store %arg25[%parallel_loop3A_420], %parallel_loop3A_419 {strides = array<i32>} : memref<16384xf32, #tpu.memory_space<vmem>>, vector<16xf32>,
    } {sc.loop_unroll_factor = 8 : i64, sc.parallel_access}
    %parallel_loop3A_91 = arith.constant 0 : i32
    %parallel_loop3A_92 = arith.constant 512 : i32
    %parallel_loop3A_93 = arith.constant 1 : i32
    scf.for %parallel_loop3A_408 = %parallel_loop3A_91 to %parallel_loop3A_92 step %parallel_loop3A_93  : i32 {
      %parallel_loop3A_409 = arith.constant 16 : i32
      %parallel_loop3A_410 = arith.muli %parallel_loop3A_408, %parallel_loop3A_409 : i32
      %parallel_loop3A_411 = tpu.assume_multiple %parallel_loop3A_410, 16 : i32
      %parallel_loop3A_412 = arith.index_cast %parallel_loop3A_411 : i32 to index
      %parallel_loop3A_413 = tpu.vector_load %arg23[%parallel_loop3A_412] {strides = array<i32>} : memref<8192xi32, #tpu.memory_space<vmem>>, vector<16xi32>,
      %parallel_loop3A_414 = arith.constant 8192 : i32
      %parallel_loop3A_415 = arith.addi %parallel_loop3A_414, %parallel_loop3A_411 : i32
      %parallel_loop3A_416 = arith.constant 50048 : i32
      %parallel_loop3A_417 = vector.broadcast %parallel_loop3A_416 : i32 to vector<16xi32>
      %parallel_loop3A_418 = arith.cmpi slt, %parallel_loop3A_413, %parallel_loop3A_417 : vector<16xi32>
      %parallel_loop3A_419 = tpu.vector_load_idx %arg20[%parallel_loop3A_413] masked %parallel_loop3A_418 : memref<50048xf32, #tpu.memory_space<vmem>>[vector<16xi32>], vector<16xf32>, vector<16xi1>
      %parallel_loop3A_420 = arith.index_cast %parallel_loop3A_415 : i32 to index
      %parallel_loop3A_421 = tpu.vector_load %arg25[%parallel_loop3A_420] {strides = array<i32>} : memref<16384xf32, #tpu.memory_space<vmem>>, vector<16xf32>,
      tpu.vector_store %arg25[%parallel_loop3A_420], %parallel_loop3A_419 {strides = array<i32>} : memref<16384xf32, #tpu.memory_space<vmem>>, vector<16xf32>,
    } {sc.loop_unroll_factor = 8 : i64, sc.parallel_access}
    %dma_start3A_94 = arith.constant 0 : i32
    %dma_start3A_95 = tpu.memref_slice %arg20[%dma_start3A_94] : memref<50048xf32, #tpu.memory_space<vmem>> -> memref<49920xf32, #tpu.memory_space<vmem>>
    %dma_start3A_96 = arith.constant 50048 : i32
    %dma_start3A_97 = tpu.memref_slice %arg7[%add3A, %dma_start3A_96] : memref<32x100000xf32, #tpu.memory_space<hbm>> -> memref<1x49920xf32, #tpu.memory_space<hbm>>
    %dma_start3A_98 = tpu.memref_squeeze %dma_start3A_97 : memref<1x49920xf32, #tpu.memory_space<hbm>> -> memref<49920xf32, #tpu.memory_space<hbm>>
    %dma_start3A_99 = arith.constant 0 : i32
    %dma_start3A_100 = tpu.memref_slice %arg20[%dma_start3A_99] : memref<50048xf32, #tpu.memory_space<vmem>> -> memref<49920xf32, #tpu.memory_space<vmem>>
    %dma_start3A_101 = arith.constant 50048 : i32
    %dma_start3A_102 = tpu.memref_slice %arg7[%add3A, %dma_start3A_101] : memref<32x100000xf32, #tpu.memory_space<hbm>> -> memref<1x49920xf32, #tpu.memory_space<hbm>>
    %dma_start3A_103 = tpu.memref_squeeze %dma_start3A_102 : memref<1x49920xf32, #tpu.memory_space<hbm>> -> memref<49920xf32, #tpu.memory_space<hbm>>
    tpu.enqueue_dma source(%dma_start3A_103 : memref<49920xf32, #tpu.memory_space<hbm>>) target(%dma_start3A_100 : memref<49920xf32, #tpu.memory_space<vmem>>) target_semaphore(%arg30 : memref<!tpu.dma_semaphore, #tpu.memory_space<semaphore_mem>>)
    %dma_wait3A_104 = arith.constant 0 : i32
    %dma_wait3A_105 = tpu.memref_slice %arg20[%dma_wait3A_104] : memref<50048xf32, #tpu.memory_space<vmem>> -> memref<49920xf32, #tpu.memory_space<vmem>>
    %dma_wait3A_106 = arith.constant 50048 : i32
    %dma_wait3A_107 = tpu.memref_slice %arg7[%add3A, %dma_wait3A_106] : memref<32x100000xf32, #tpu.memory_space<hbm>> -> memref<1x49920xf32, #tpu.memory_space<hbm>>
    %dma_wait3A_108 = tpu.memref_squeeze %dma_wait3A_107 : memref<1x49920xf32, #tpu.memory_space<hbm>> -> memref<49920xf32, #tpu.memory_space<hbm>>
    %dma_wait3A_109 = arith.constant 0 : i32
    %dma_wait3A_110 = tpu.memref_slice %arg20[%dma_wait3A_109] : memref<50048xf32, #tpu.memory_space<vmem>> -> memref<49920xf32, #tpu.memory_space<vmem>>
    %dma_wait3A_111 = arith.constant 50048 : i32
    %dma_wait3A_112 = tpu.memref_slice %arg7[%add3A, %dma_wait3A_111] : memref<32x100000xf32, #tpu.memory_space<hbm>> -> memref<1x49920xf32, #tpu.memory_space<hbm>>
    %dma_wait3A_113 = tpu.memref_squeeze %dma_wait3A_112 : memref<1x49920xf32, #tpu.memory_space<hbm>> -> memref<49920xf32, #tpu.memory_space<hbm>>
    tpu.wait_dma2 semaphore(%arg30 : memref<!tpu.dma_semaphore, #tpu.memory_space<semaphore_mem>>) src(%dma_wait3A_113 : memref<49920xf32, #tpu.memory_space<hbm>>) dst(%dma_wait3A_110 : memref<49920xf32, #tpu.memory_space<vmem>>)
    %mul3A_114 = arith.constant 32 : i32
    %mul3A_115 = arith.muli %add3A, %mul3A_114 : i32
    %get3A_116 = arith.index_cast %mul3A_115 : i32 to index
    %get3A_117 = tpu.vector_load %arg21[%get3A_116] {strides = array<i32>} : memref<1024xf32, #tpu.memory_space<vmem>>, vector<16xf32>,
    %swap3A_118 = arith.constant 49920 : index
    %swap3A_119 = tpu.vector_load %arg20[%swap3A_118] {strides = array<i32>} : memref<50048xf32, #tpu.memory_space<vmem>>, vector<16xf32>,
    tpu.vector_store %arg20[%swap3A_118], %get3A_117 {strides = array<i32>} : memref<50048xf32, #tpu.memory_space<vmem>>, vector<16xf32>,
    %mul3A_120 = arith.constant 32 : i32
    %mul3A_121 = arith.muli %add3A, %mul3A_120 : i32
    %add3A_122 = arith.constant 16 : i32
    %add3A_123 = arith.addi %mul3A_121, %add3A_122 : i32
    %get3A_124 = arith.index_cast %add3A_123 : i32 to index
    %get3A_125 = tpu.vector_load %arg21[%get3A_124] {strides = array<i32>} : memref<1024xf32, #tpu.memory_space<vmem>>, vector<16xf32>,
    %swap3A_126 = arith.constant 49936 : index
    %swap3A_127 = tpu.vector_load %arg20[%swap3A_126] {strides = array<i32>} : memref<50048xf32, #tpu.memory_space<vmem>>, vector<16xf32>,
    tpu.vector_store %arg20[%swap3A_126], %get3A_125 {strides = array<i32>} : memref<50048xf32, #tpu.memory_space<vmem>>, vector<16xf32>,
    %parallel_loop3A_128 = arith.constant 0 : i32
    %parallel_loop3A_129 = arith.constant 512 : i32
    %parallel_loop3A_130 = arith.constant 1 : i32
    scf.for %parallel_loop3A_408 = %parallel_loop3A_128 to %parallel_loop3A_129 step %parallel_loop3A_130  : i32 {
      %parallel_loop3A_409 = arith.constant 16 : i32
      %parallel_loop3A_410 = arith.muli %parallel_loop3A_408, %parallel_loop3A_409 : i32
      %parallel_loop3A_411 = tpu.assume_multiple %parallel_loop3A_410, 16 : i32
      %parallel_loop3A_412 = arith.index_cast %parallel_loop3A_411 : i32 to index
      %parallel_loop3A_413 = tpu.vector_load %arg22[%parallel_loop3A_412] {strides = array<i32>} : memref<8192xi32, #tpu.memory_space<vmem>>, vector<16xi32>,
      %parallel_loop3A_414 = arith.constant 0 : i32
      %parallel_loop3A_415 = arith.addi %parallel_loop3A_414, %parallel_loop3A_411 : i32
      %parallel_loop3A_416 = arith.constant 50048 : i32
      %parallel_loop3A_417 = vector.broadcast %parallel_loop3A_416 : i32 to vector<16xi32>
      %parallel_loop3A_418 = arith.cmpi sge, %parallel_loop3A_413, %parallel_loop3A_417 : vector<16xi32>
      %parallel_loop3A_419 = arith.constant 50048 : i32
      %parallel_loop3A_420 = vector.broadcast %parallel_loop3A_419 : i32 to vector<16xi32>
      %parallel_loop3A_421 = arith.subi %parallel_loop3A_413, %parallel_loop3A_420 : vector<16xi32>
      %parallel_loop3A_422 = arith.constant 0 : i32
      %parallel_loop3A_423 = vector.broadcast %parallel_loop3A_422 : i32 to vector<16xi32>
      %parallel_loop3A_424 = arith.maxsi %parallel_loop3A_421, %parallel_loop3A_423 : vector<16xi32>
      %parallel_loop3A_425 = tpu.vector_load_idx %arg20[%parallel_loop3A_424] masked %parallel_loop3A_418 : memref<50048xf32, #tpu.memory_space<vmem>>[vector<16xi32>], vector<16xf32>, vector<16xi1>
      %parallel_loop3A_426 = arith.index_cast %parallel_loop3A_415 : i32 to index
      %parallel_loop3A_427 = tpu.vector_load %arg25[%parallel_loop3A_426] {strides = array<i32>} : memref<16384xf32, #tpu.memory_space<vmem>>, vector<16xf32>,
      %parallel_loop3A_428 = arith.select %parallel_loop3A_418, %parallel_loop3A_425, %parallel_loop3A_427 : vector<16xi1>, vector<16xf32>
      %parallel_loop3A_429 = arith.index_cast %parallel_loop3A_415 : i32 to index
      %parallel_loop3A_430 = tpu.vector_load %arg25[%parallel_loop3A_429] {strides = array<i32>} : memref<16384xf32, #tpu.memory_space<vmem>>, vector<16xf32>,
      tpu.vector_store %arg25[%parallel_loop3A_429], %parallel_loop3A_428 {strides = array<i32>} : memref<16384xf32, #tpu.memory_space<vmem>>, vector<16xf32>,
    } {sc.loop_unroll_factor = 8 : i64, sc.parallel_access}
    %parallel_loop3A_131 = arith.constant 0 : i32
    %parallel_loop3A_132 = arith.constant 512 : i32
    %parallel_loop3A_133 = arith.constant 1 : i32
    scf.for %parallel_loop3A_408 = %parallel_loop3A_131 to %parallel_loop3A_132 step %parallel_loop3A_133  : i32 {
      %parallel_loop3A_409 = arith.constant 16 : i32
      %parallel_loop3A_410 = arith.muli %parallel_loop3A_408, %parallel_loop3A_409 : i32
      %parallel_loop3A_411 = tpu.assume_multiple %parallel_loop3A_410, 16 : i32
      %parallel_loop3A_412 = arith.index_cast %parallel_loop3A_411 : i32 to index
      %parallel_loop3A_413 = tpu.vector_load %arg23[%parallel_loop3A_412] {strides = array<i32>} : memref<8192xi32, #tpu.memory_space<vmem>>, vector<16xi32>,
      %parallel_loop3A_414 = arith.constant 8192 : i32
      %parallel_loop3A_415 = arith.addi %parallel_loop3A_414, %parallel_loop3A_411 : i32
      %parallel_loop3A_416 = arith.constant 50048 : i32
      %parallel_loop3A_417 = vector.broadcast %parallel_loop3A_416 : i32 to vector<16xi32>
      %parallel_loop3A_418 = arith.cmpi sge, %parallel_loop3A_413, %parallel_loop3A_417 : vector<16xi32>
      %parallel_loop3A_419 = arith.constant 50048 : i32
      %parallel_loop3A_420 = vector.broadcast %parallel_loop3A_419 : i32 to vector<16xi32>
      %parallel_loop3A_421 = arith.subi %parallel_loop3A_413, %parallel_loop3A_420 : vector<16xi32>
      %parallel_loop3A_422 = arith.constant 0 : i32
      %parallel_loop3A_423 = vector.broadcast %parallel_loop3A_422 : i32 to vector<16xi32>
      %parallel_loop3A_424 = arith.maxsi %parallel_loop3A_421, %parallel_loop3A_423 : vector<16xi32>
      %parallel_loop3A_425 = tpu.vector_load_idx %arg20[%parallel_loop3A_424] masked %parallel_loop3A_418 : memref<50048xf32, #tpu.memory_space<vmem>>[vector<16xi32>], vector<16xf32>, vector<16xi1>
      %parallel_loop3A_426 = arith.index_cast %parallel_loop3A_415 : i32 to index
      %parallel_loop3A_427 = tpu.vector_load %arg25[%parallel_loop3A_426] {strides = array<i32>} : memref<16384xf32, #tpu.memory_space<vmem>>, vector<16xf32>,
      %parallel_loop3A_428 = arith.select %parallel_loop3A_418, %parallel_loop3A_425, %parallel_loop3A_427 : vector<16xi1>, vector<16xf32>
      %parallel_loop3A_429 = arith.index_cast %parallel_loop3A_415 : i32 to index
      %parallel_loop3A_430 = tpu.vector_load %arg25[%parallel_loop3A_429] {strides = array<i32>} : memref<16384xf32, #tpu.memory_space<vmem>>, vector<16xf32>,
      tpu.vector_store %arg25[%parallel_loop3A_429], %parallel_loop3A_428 {strides = array<i32>} : memref<16384xf32, #tpu.memory_space<vmem>>, vector<16xf32>,
    } {sc.loop_unroll_factor = 8 : i64, sc.parallel_access}
    %dma_start3A_134 = arith.constant 0 : i32
    %dma_start3A_135 = tpu.memref_slice %arg15[%add3A, %dma_start3A_134] : memref<32x16384xf32, #tpu.memory_space<hbm>> -> memref<1x16384xf32, #tpu.memory_space<hbm>>
    %dma_start3A_136 = tpu.memref_squeeze %dma_start3A_135 : memref<1x16384xf32, #tpu.memory_space<hbm>> -> memref<16384xf32, #tpu.memory_space<hbm>>
    %dma_start3A_137 = arith.constant 0 : i32
    %dma_start3A_138 = tpu.memref_slice %arg15[%add3A, %dma_start3A_137] : memref<32x16384xf32, #tpu.memory_space<hbm>> -> memref<1x16384xf32, #tpu.memory_space<hbm>>
    %dma_start3A_139 = tpu.memref_squeeze %dma_start3A_138 : memref<1x16384xf32, #tpu.memory_space<hbm>> -> memref<16384xf32, #tpu.memory_space<hbm>>
    tpu.enqueue_dma source(%arg25 : memref<16384xf32, #tpu.memory_space<vmem>>) target(%dma_start3A_139 : memref<16384xf32, #tpu.memory_space<hbm>>) target_semaphore(%arg31 : memref<!tpu.dma_semaphore, #tpu.memory_space<semaphore_mem>>)
    %parallel_loop3A_140 = arith.constant 0 : i32
    %parallel_loop3A_141 = arith.constant 1024 : i32
    %parallel_loop3A_142 = arith.constant 1 : i32
    scf.for %parallel_loop3A_408 = %parallel_loop3A_140 to %parallel_loop3A_141 step %parallel_loop3A_142  : i32 {
      %parallel_loop3A_409 = arith.constant 16 : i32
      %parallel_loop3A_410 = arith.muli %parallel_loop3A_408, %parallel_loop3A_409 : i32
      %parallel_loop3A_411 = tpu.assume_multiple %parallel_loop3A_410, 16 : i32
      %parallel_loop3A_412 = arith.index_cast %parallel_loop3A_411 : i32 to index
      %parallel_loop3A_413 = tpu.vector_load %arg24[%parallel_loop3A_412] {strides = array<i32>} : memref<16384xf32, #tpu.memory_space<vmem>>, vector<16xf32>,
      %parallel_loop3A_414 = arith.index_cast %parallel_loop3A_411 : i32 to index
      %parallel_loop3A_415 = tpu.vector_load %arg25[%parallel_loop3A_414] {strides = array<i32>} : memref<16384xf32, #tpu.memory_space<vmem>>, vector<16xf32>,
      %parallel_loop3A_416 = arith.mulf %parallel_loop3A_413, %parallel_loop3A_415 : vector<16xf32>
      %parallel_loop3A_417 = arith.index_cast %parallel_loop3A_411 : i32 to index
      %parallel_loop3A_418 = tpu.vector_load %arg26[%parallel_loop3A_417] {strides = array<i32>} : memref<16384xf32, #tpu.memory_space<vmem>>, vector<16xf32>,
      tpu.vector_store %arg26[%parallel_loop3A_417], %parallel_loop3A_416 {strides = array<i32>} : memref<16384xf32, #tpu.memory_space<vmem>>, vector<16xf32>,
    } {sc.loop_unroll_factor = 8 : i64, sc.parallel_access}
    %dma_wait3A_143 = arith.constant 0 : i32
    %dma_wait3A_144 = tpu.memref_slice %arg14[%add3A, %dma_wait3A_143] : memref<32x16384xf32, #tpu.memory_space<hbm>> -> memref<1x16384xf32, #tpu.memory_space<hbm>>
    %dma_wait3A_145 = tpu.memref_squeeze %dma_wait3A_144 : memref<1x16384xf32, #tpu.memory_space<hbm>> -> memref<16384xf32, #tpu.memory_space<hbm>>
    %dma_wait3A_146 = arith.constant 0 : i32
    %dma_wait3A_147 = tpu.memref_slice %arg14[%add3A, %dma_wait3A_146] : memref<32x16384xf32, #tpu.memory_space<hbm>> -> memref<1x16384xf32, #tpu.memory_space<hbm>>
    %dma_wait3A_148 = tpu.memref_squeeze %dma_wait3A_147 : memref<1x16384xf32, #tpu.memory_space<hbm>> -> memref<16384xf32, #tpu.memory_space<hbm>>
    tpu.wait_dma2 semaphore(%arg31 : memref<!tpu.dma_semaphore, #tpu.memory_space<semaphore_mem>>) src(%arg24 : memref<16384xf32, #tpu.memory_space<vmem>>) dst(%dma_wait3A_148 : memref<16384xf32, #tpu.memory_space<hbm>>)
    %dma_wait3A_149 = arith.constant 0 : i32
    %dma_wait3A_150 = tpu.memref_slice %arg15[%add3A, %dma_wait3A_149] : memref<32x16384xf32, #tpu.memory_space<hbm>> -> memref<1x16384xf32, #tpu.memory_space<hbm>>
    %dma_wait3A_151 = tpu.memref_squeeze %dma_wait3A_150 : memref<1x16384xf32, #tpu.memory_space<hbm>> -> memref<16384xf32, #tpu.memory_space<hbm>>
    %dma_wait3A_152 = arith.constant 0 : i32
    %dma_wait3A_153 = tpu.memref_slice %arg15[%add3A, %dma_wait3A_152] : memref<32x16384xf32, #tpu.memory_space<hbm>> -> memref<1x16384xf32, #tpu.memory_space<hbm>>
    %dma_wait3A_154 = tpu.memref_squeeze %dma_wait3A_153 : memref<1x16384xf32, #tpu.memory_space<hbm>> -> memref<16384xf32, #tpu.memory_space<hbm>>
    tpu.wait_dma2 semaphore(%arg31 : memref<!tpu.dma_semaphore, #tpu.memory_space<semaphore_mem>>) src(%arg25 : memref<16384xf32, #tpu.memory_space<vmem>>) dst(%dma_wait3A_154 : memref<16384xf32, #tpu.memory_space<hbm>>)
    "tpu.region"() ({
      %run_scoped3A = tpu.sem_alloc : memref<!tpu.dma_semaphore, #tpu.memory_space<semaphore_mem>>
      %dma_start3A_408 = arith.constant 0 : i32
      %dma_start3A_409 = tpu.memref_slice %arg26[%dma_start3A_408] : memref<16384xf32, #tpu.memory_space<vmem>> -> memref<4096xf32, #tpu.memory_space<vmem>>
      %dma_start3A_410 = arith.constant 0 : i32
      %dma_start3A_411 = tpu.memref_slice %arg29[%arg1, %dma_start3A_410] : memref<16x4096xf32, #tpu.memory_space<vmem_shared>> -> memref<1x4096xf32, #tpu.memory_space<vmem_shared>>
      %dma_start3A_412 = tpu.memref_squeeze %dma_start3A_411 : memref<1x4096xf32, #tpu.memory_space<vmem_shared>> -> memref<4096xf32, #tpu.memory_space<vmem_shared>>
      %dma_start3A_413 = arith.constant 0 : i32
      %dma_start3A_414 = tpu.memref_slice %arg29[%arg1, %dma_start3A_413] : memref<16x4096xf32, #tpu.memory_space<vmem_shared>> -> memref<1x4096xf32, #tpu.memory_space<vmem_shared>>
      %dma_start3A_415 = tpu.memref_squeeze %dma_start3A_414 : memref<1x4096xf32, #tpu.memory_space<vmem_shared>> -> memref<4096xf32, #tpu.memory_space<vmem_shared>>
      %dma_start3A_416 = arith.constant 0 : i32
      %dma_start3A_417 = tpu.memref_slice %arg26[%dma_start3A_416] : memref<16384xf32, #tpu.memory_space<vmem>> -> memref<4096xf32, #tpu.memory_space<vmem>>
      tpu.enqueue_dma source(%dma_start3A_417 : memref<4096xf32, #tpu.memory_space<vmem>>) target(%dma_start3A_415 : memref<4096xf32, #tpu.memory_space<vmem_shared>>) target_semaphore(%run_scoped3A : memref<!tpu.dma_semaphore, #tpu.memory_space<semaphore_mem>>)
      %dma_wait3A_418 = arith.constant 0 : i32
      %dma_wait3A_419 = tpu.memref_slice %arg26[%dma_wait3A_418] : memref<16384xf32, #tpu.memory_space<vmem>> -> memref<4096xf32, #tpu.memory_space<vmem>>
      %dma_wait3A_420 = arith.constant 0 : i32
      %dma_wait3A_421 = tpu.memref_slice %arg29[%arg1, %dma_wait3A_420] : memref<16x4096xf32, #tpu.memory_space<vmem_shared>> -> memref<1x4096xf32, #tpu.memory_space<vmem_shared>>
      %dma_wait3A_422 = tpu.memref_squeeze %dma_wait3A_421 : memref<1x4096xf32, #tpu.memory_space<vmem_shared>> -> memref<4096xf32, #tpu.memory_space<vmem_shared>>
      %dma_wait3A_423 = arith.constant 0 : i32
      %dma_wait3A_424 = tpu.memref_slice %arg29[%arg1, %dma_wait3A_423] : memref<16x4096xf32, #tpu.memory_space<vmem_shared>> -> memref<1x4096xf32, #tpu.memory_space<vmem_shared>>
      %dma_wait3A_425 = tpu.memref_squeeze %dma_wait3A_424 : memref<1x4096xf32, #tpu.memory_space<vmem_shared>> -> memref<4096xf32, #tpu.memory_space<vmem_shared>>
      %dma_wait3A_426 = arith.constant 0 : i32
      %dma_wait3A_427 = tpu.memref_slice %arg26[%dma_wait3A_426] : memref<16384xf32, #tpu.memory_space<vmem>> -> memref<4096xf32, #tpu.memory_space<vmem>>
      tpu.wait_dma2 semaphore(%run_scoped3A : memref<!tpu.dma_semaphore, #tpu.memory_space<semaphore_mem>>) src(%dma_wait3A_427 : memref<4096xf32, #tpu.memory_space<vmem>>) dst(%dma_wait3A_425 : memref<4096xf32, #tpu.memory_space<vmem_shared>>)
      tpu.yield
    }) : () -> ()
    %barrier3A = arith.constant 0 : index
    tpu.barrier barrier_id(%barrier3A)
    %mul3A_155 = arith.constant 256 : i32
    %mul3A_156 = arith.muli %arg1, %mul3A_155 : i32
    "tpu.region"() ({
      %run_scoped3A = tpu.sem_alloc : memref<!tpu.dma_semaphore, #tpu.memory_space<semaphore_mem>>
      %dma_start3A_408 = arith.constant 0 : i32
      %dma_start3A_409 = tpu.memref_slice %arg29[%dma_start3A_408, %mul3A_156] : memref<16x4096xf32, #tpu.memory_space<vmem_shared>> -> memref<16x256xf32, #tpu.memory_space<vmem_shared>>
      %dma_start3A_410 = arith.constant 0 : i32
      %dma_start3A_411 = tpu.memref_slice %arg29[%dma_start3A_410, %mul3A_156] : memref<16x4096xf32, #tpu.memory_space<vmem_shared>> -> memref<16x256xf32, #tpu.memory_space<vmem_shared>>
      tpu.enqueue_dma source(%dma_start3A_411 : memref<16x256xf32, #tpu.memory_space<vmem_shared>>) target(%arg27 : memref<16x256xf32, #tpu.memory_space<vmem>>) target_semaphore(%run_scoped3A : memref<!tpu.dma_semaphore, #tpu.memory_space<semaphore_mem>>)
      %dma_wait3A_412 = arith.constant 0 : i32
      %dma_wait3A_413 = tpu.memref_slice %arg29[%dma_wait3A_412, %mul3A_156] : memref<16x4096xf32, #tpu.memory_space<vmem_shared>> -> memref<16x256xf32, #tpu.memory_space<vmem_shared>>
      %dma_wait3A_414 = arith.constant 0 : i32
      %dma_wait3A_415 = tpu.memref_slice %arg29[%dma_wait3A_414, %mul3A_156] : memref<16x4096xf32, #tpu.memory_space<vmem_shared>> -> memref<16x256xf32, #tpu.memory_space<vmem_shared>>
      tpu.wait_dma2 semaphore(%run_scoped3A : memref<!tpu.dma_semaphore, #tpu.memory_space<semaphore_mem>>) src(%dma_wait3A_415 : memref<16x256xf32, #tpu.memory_space<vmem_shared>>) dst(%arg27 : memref<16x256xf32, #tpu.memory_space<vmem>>)
      tpu.yield
    }) : () -> ()
    %scan3A = arith.constant 0 : i32
    %scan3A_157 = arith.constant 0 : i32
    %scan3A_158 = arith.constant 16 : i32
    %scan3A_159 = arith.addi %scan3A_157, %scan3A_158 : i32
    %scan3A_160 = arith.constant 1 : i32
    scf.for %scan3A_408 = %scan3A_157 to %scan3A_159 step %scan3A_160  : i32 {
      %mul3A_409 = arith.constant 16 : i32
      %mul3A_410 = arith.muli %scan3A_408, %mul3A_409 : i32
      %multiple_of3A = tpu.assume_multiple %mul3A_410, 16 : i32
      %broadcast_in_dim3A = arith.constant 0.000000e+00 : f32
      %broadcast_in_dim3A_411 = vector.broadcast %broadcast_in_dim3A : f32 to vector<16xf32>
      %get3A_412 = arith.constant 0 : i32
      %get3A_413 = arith.index_cast %get3A_412 : i32 to index
      %get3A_414 = arith.index_cast %multiple_of3A : i32 to index
      %get3A_415 = tpu.vector_load %arg27[%get3A_413, %get3A_414] {strides = array<i32>} : memref<16x256xf32, #tpu.memory_space<vmem>>, vector<16xf32>,
      %add3A_416 = arith.addf %broadcast_in_dim3A_411, %get3A_415 : vector<16xf32>
      %get3A_417 = arith.constant 1 : i32
      %get3A_418 = arith.index_cast %get3A_417 : i32 to index
      %get3A_419 = arith.index_cast %multiple_of3A : i32 to index
      %get3A_420 = tpu.vector_load %arg27[%get3A_418, %get3A_419] {strides = array<i32>} : memref<16x256xf32, #tpu.memory_space<vmem>>, vector<16xf32>,
      %add3A_421 = arith.addf %add3A_416, %get3A_420 : vector<16xf32>
      %get3A_422 = arith.constant 2 : i32
      %get3A_423 = arith.index_cast %get3A_422 : i32 to index
      %get3A_424 = arith.index_cast %multiple_of3A : i32 to index
      %get3A_425 = tpu.vector_load %arg27[%get3A_423, %get3A_424] {strides = array<i32>} : memref<16x256xf32, #tpu.memory_space<vmem>>, vector<16xf32>,
      %add3A_426 = arith.addf %add3A_421, %get3A_425 : vector<16xf32>
      %get3A_427 = arith.constant 3 : i32
      %get3A_428 = arith.index_cast %get3A_427 : i32 to index
      %get3A_429 = arith.index_cast %multiple_of3A : i32 to index
      %get3A_430 = tpu.vector_load %arg27[%get3A_428, %get3A_429] {strides = array<i32>} : memref<16x256xf32, #tpu.memory_space<vmem>>, vector<16xf32>,
      %add3A_431 = arith.addf %add3A_426, %get3A_430 : vector<16xf32>
      %get3A_432 = arith.constant 4 : i32
      %get3A_433 = arith.index_cast %get3A_432 : i32 to index
      %get3A_434 = arith.index_cast %multiple_of3A : i32 to index
      %get3A_435 = tpu.vector_load %arg27[%get3A_433, %get3A_434] {strides = array<i32>} : memref<16x256xf32, #tpu.memory_space<vmem>>, vector<16xf32>,
      %add3A_436 = arith.addf %add3A_431, %get3A_435 : vector<16xf32>
      %get3A_437 = arith.constant 5 : i32
      %get3A_438 = arith.index_cast %get3A_437 : i32 to index
      %get3A_439 = arith.index_cast %multiple_of3A : i32 to index
      %get3A_440 = tpu.vector_load %arg27[%get3A_438, %get3A_439] {strides = array<i32>} : memref<16x256xf32, #tpu.memory_space<vmem>>, vector<16xf32>,
      %add3A_441 = arith.addf %add3A_436, %get3A_440 : vector<16xf32>
      %get3A_442 = arith.constant 6 : i32
      %get3A_443 = arith.index_cast %get3A_442 : i32 to index
      %get3A_444 = arith.index_cast %multiple_of3A : i32 to index
      %get3A_445 = tpu.vector_load %arg27[%get3A_443, %get3A_444] {strides = array<i32>} : memref<16x256xf32, #tpu.memory_space<vmem>>, vector<16xf32>,
      %add3A_446 = arith.addf %add3A_441, %get3A_445 : vector<16xf32>
      %get3A_447 = arith.constant 7 : i32
      %get3A_448 = arith.index_cast %get3A_447 : i32 to index
      %get3A_449 = arith.index_cast %multiple_of3A : i32 to index
      %get3A_450 = tpu.vector_load %arg27[%get3A_448, %get3A_449] {strides = array<i32>} : memref<16x256xf32, #tpu.memory_space<vmem>>, vector<16xf32>,
      %add3A_451 = arith.addf %add3A_446, %get3A_450 : vector<16xf32>
      %get3A_452 = arith.constant 8 : i32
      %get3A_453 = arith.index_cast %get3A_452 : i32 to index
      %get3A_454 = arith.index_cast %multiple_of3A : i32 to index
      %get3A_455 = tpu.vector_load %arg27[%get3A_453, %get3A_454] {strides = array<i32>} : memref<16x256xf32, #tpu.memory_space<vmem>>, vector<16xf32>,
      %add3A_456 = arith.addf %add3A_451, %get3A_455 : vector<16xf32>
      %get3A_457 = arith.constant 9 : i32
      %get3A_458 = arith.index_cast %get3A_457 : i32 to index
      %get3A_459 = arith.index_cast %multiple_of3A : i32 to index
      %get3A_460 = tpu.vector_load %arg27[%get3A_458, %get3A_459] {strides = array<i32>} : memref<16x256xf32, #tpu.memory_space<vmem>>, vector<16xf32>,
      %add3A_461 = arith.addf %add3A_456, %get3A_460 : vector<16xf32>
      %get3A_462 = arith.constant 10 : i32
      %get3A_463 = arith.index_cast %get3A_462 : i32 to index
      %get3A_464 = arith.index_cast %multiple_of3A : i32 to index
      %get3A_465 = tpu.vector_load %arg27[%get3A_463, %get3A_464] {strides = array<i32>} : memref<16x256xf32, #tpu.memory_space<vmem>>, vector<16xf32>,
      %add3A_466 = arith.addf %add3A_461, %get3A_465 : vector<16xf32>
      %get3A_467 = arith.constant 11 : i32
      %get3A_468 = arith.index_cast %get3A_467 : i32 to index
      %get3A_469 = arith.index_cast %multiple_of3A : i32 to index
      %get3A_470 = tpu.vector_load %arg27[%get3A_468, %get3A_469] {strides = array<i32>} : memref<16x256xf32, #tpu.memory_space<vmem>>, vector<16xf32>,
      %add3A_471 = arith.addf %add3A_466, %get3A_470 : vector<16xf32>
      %get3A_472 = arith.constant 12 : i32
      %get3A_473 = arith.index_cast %get3A_472 : i32 to index
      %get3A_474 = arith.index_cast %multiple_of3A : i32 to index
      %get3A_475 = tpu.vector_load %arg27[%get3A_473, %get3A_474] {strides = array<i32>} : memref<16x256xf32, #tpu.memory_space<vmem>>, vector<16xf32>,
      %add3A_476 = arith.addf %add3A_471, %get3A_475 : vector<16xf32>
      %get3A_477 = arith.constant 13 : i32
      %get3A_478 = arith.index_cast %get3A_477 : i32 to index
      %get3A_479 = arith.index_cast %multiple_of3A : i32 to index
      %get3A_480 = tpu.vector_load %arg27[%get3A_478, %get3A_479] {strides = array<i32>} : memref<16x256xf32, #tpu.memory_space<vmem>>, vector<16xf32>,
      %add3A_481 = arith.addf %add3A_476, %get3A_480 : vector<16xf32>
      %get3A_482 = arith.constant 14 : i32
      %get3A_483 = arith.index_cast %get3A_482 : i32 to index
      %get3A_484 = arith.index_cast %multiple_of3A : i32 to index
      %get3A_485 = tpu.vector_load %arg27[%get3A_483, %get3A_484] {strides = array<i32>} : memref<16x256xf32, #tpu.memory_space<vmem>>, vector<16xf32>,
      %add3A_486 = arith.addf %add3A_481, %get3A_485 : vector<16xf32>
      %get3A_487 = arith.constant 15 : i32
      %get3A_488 = arith.index_cast %get3A_487 : i32 to index
      %get3A_489 = arith.index_cast %multiple_of3A : i32 to index
      %get3A_490 = tpu.vector_load %arg27[%get3A_488, %get3A_489] {strides = array<i32>} : memref<16x256xf32, #tpu.memory_space<vmem>>, vector<16xf32>,
      %add3A_491 = arith.addf %add3A_486, %get3A_490 : vector<16xf32>
      %swap3A_492 = arith.index_cast %multiple_of3A : i32 to index
      %swap3A_493 = tpu.vector_load %arg28[%swap3A_492] {strides = array<i32>} : memref<256xf32, #tpu.memory_space<vmem>>, vector<16xf32>,
      tpu.vector_store %arg28[%swap3A_492], %add3A_491 {strides = array<i32>} : memref<256xf32, #tpu.memory_space<vmem>>, vector<16xf32>,
    }
    %scan3A_161 = arith.constant 16 : i32
    %add3A_162 = arith.constant 0 : i32
    %add3A_163 = arith.addi %add3A_162, %mul3A_156 : i32
    "tpu.region"() ({
      %run_scoped3A = tpu.sem_alloc : memref<!tpu.dma_semaphore, #tpu.memory_space<semaphore_mem>>
      %dma_start3A_408 = tpu.memref_slice %arg18[%arg0, %add3A_163] : memref<2x16384xf32, #tpu.memory_space<hbm>> -> memref<1x256xf32, #tpu.memory_space<hbm>>
      %dma_start3A_409 = tpu.memref_squeeze %dma_start3A_408 : memref<1x256xf32, #tpu.memory_space<hbm>> -> memref<256xf32, #tpu.memory_space<hbm>>
      %dma_start3A_410 = tpu.memref_slice %arg18[%arg0, %add3A_163] : memref<2x16384xf32, #tpu.memory_space<hbm>> -> memref<1x256xf32, #tpu.memory_space<hbm>>
      %dma_start3A_411 = tpu.memref_squeeze %dma_start3A_410 : memref<1x256xf32, #tpu.memory_space<hbm>> -> memref<256xf32, #tpu.memory_space<hbm>>
      tpu.enqueue_dma source(%arg28 : memref<256xf32, #tpu.memory_space<vmem>>) target(%dma_start3A_411 : memref<256xf32, #tpu.memory_space<hbm>>) target_semaphore(%run_scoped3A : memref<!tpu.dma_semaphore, #tpu.memory_space<semaphore_mem>>)
      %dma_wait3A_412 = tpu.memref_slice %arg18[%arg0, %add3A_163] : memref<2x16384xf32, #tpu.memory_space<hbm>> -> memref<1x256xf32, #tpu.memory_space<hbm>>
      %dma_wait3A_413 = tpu.memref_squeeze %dma_wait3A_412 : memref<1x256xf32, #tpu.memory_space<hbm>> -> memref<256xf32, #tpu.memory_space<hbm>>
      %dma_wait3A_414 = tpu.memref_slice %arg18[%arg0, %add3A_163] : memref<2x16384xf32, #tpu.memory_space<hbm>> -> memref<1x256xf32, #tpu.memory_space<hbm>>
      %dma_wait3A_415 = tpu.memref_squeeze %dma_wait3A_414 : memref<1x256xf32, #tpu.memory_space<hbm>> -> memref<256xf32, #tpu.memory_space<hbm>>
      tpu.wait_dma2 semaphore(%run_scoped3A : memref<!tpu.dma_semaphore, #tpu.memory_space<semaphore_mem>>) src(%arg28 : memref<256xf32, #tpu.memory_space<vmem>>) dst(%dma_wait3A_415 : memref<256xf32, #tpu.memory_space<hbm>>)
      tpu.yield
    }) : () -> ()
    %barrier3A_164 = arith.constant 0 : index
    tpu.barrier barrier_id(%barrier3A_164)
    "tpu.region"() ({
      %run_scoped3A = tpu.sem_alloc : memref<!tpu.dma_semaphore, #tpu.memory_space<semaphore_mem>>
      %dma_start3A_408 = arith.constant 4096 : i32
      %dma_start3A_409 = tpu.memref_slice %arg26[%dma_start3A_408] : memref<16384xf32, #tpu.memory_space<vmem>> -> memref<4096xf32, #tpu.memory_space<vmem>>
      %dma_start3A_410 = arith.constant 0 : i32
      %dma_start3A_411 = tpu.memref_slice %arg29[%arg1, %dma_start3A_410] : memref<16x4096xf32, #tpu.memory_space<vmem_shared>> -> memref<1x4096xf32, #tpu.memory_space<vmem_shared>>
      %dma_start3A_412 = tpu.memref_squeeze %dma_start3A_411 : memref<1x4096xf32, #tpu.memory_space<vmem_shared>> -> memref<4096xf32, #tpu.memory_space<vmem_shared>>
      %dma_start3A_413 = arith.constant 0 : i32
      %dma_start3A_414 = tpu.memref_slice %arg29[%arg1, %dma_start3A_413] : memref<16x4096xf32, #tpu.memory_space<vmem_shared>> -> memref<1x4096xf32, #tpu.memory_space<vmem_shared>>
      %dma_start3A_415 = tpu.memref_squeeze %dma_start3A_414 : memref<1x4096xf32, #tpu.memory_space<vmem_shared>> -> memref<4096xf32, #tpu.memory_space<vmem_shared>>
      %dma_start3A_416 = arith.constant 4096 : i32
      %dma_start3A_417 = tpu.memref_slice %arg26[%dma_start3A_416] : memref<16384xf32, #tpu.memory_space<vmem>> -> memref<4096xf32, #tpu.memory_space<vmem>>
      tpu.enqueue_dma source(%dma_start3A_417 : memref<4096xf32, #tpu.memory_space<vmem>>) target(%dma_start3A_415 : memref<4096xf32, #tpu.memory_space<vmem_shared>>) target_semaphore(%run_scoped3A : memref<!tpu.dma_semaphore, #tpu.memory_space<semaphore_mem>>)
      %dma_wait3A_418 = arith.constant 4096 : i32
      %dma_wait3A_419 = tpu.memref_slice %arg26[%dma_wait3A_418] : memref<16384xf32, #tpu.memory_space<vmem>> -> memref<4096xf32, #tpu.memory_space<vmem>>
      %dma_wait3A_420 = arith.constant 0 : i32
      %dma_wait3A_421 = tpu.memref_slice %arg29[%arg1, %dma_wait3A_420] : memref<16x4096xf32, #tpu.memory_space<vmem_shared>> -> memref<1x4096xf32, #tpu.memory_space<vmem_shared>>
      %dma_wait3A_422 = tpu.memref_squeeze %dma_wait3A_421 : memref<1x4096xf32, #tpu.memory_space<vmem_shared>> -> memref<4096xf32, #tpu.memory_space<vmem_shared>>
      %dma_wait3A_423 = arith.constant 0 : i32
      %dma_wait3A_424 = tpu.memref_slice %arg29[%arg1, %dma_wait3A_423] : memref<16x4096xf32, #tpu.memory_space<vmem_shared>> -> memref<1x4096xf32, #tpu.memory_space<vmem_shared>>
      %dma_wait3A_425 = tpu.memref_squeeze %dma_wait3A_424 : memref<1x4096xf32, #tpu.memory_space<vmem_shared>> -> memref<4096xf32, #tpu.memory_space<vmem_shared>>
      %dma_wait3A_426 = arith.constant 4096 : i32
      %dma_wait3A_427 = tpu.memref_slice %arg26[%dma_wait3A_426] : memref<16384xf32, #tpu.memory_space<vmem>> -> memref<4096xf32, #tpu.memory_space<vmem>>
      tpu.wait_dma2 semaphore(%run_scoped3A : memref<!tpu.dma_semaphore, #tpu.memory_space<semaphore_mem>>) src(%dma_wait3A_427 : memref<4096xf32, #tpu.memory_space<vmem>>) dst(%dma_wait3A_425 : memref<4096xf32, #tpu.memory_space<vmem_shared>>)
      tpu.yield
    }) : () -> ()
    %barrier3A_165 = arith.constant 0 : index
    tpu.barrier barrier_id(%barrier3A_165)
    %mul3A_166 = arith.constant 256 : i32
    %mul3A_167 = arith.muli %arg1, %mul3A_166 : i32
    "tpu.region"() ({
      %run_scoped3A = tpu.sem_alloc : memref<!tpu.dma_semaphore, #tpu.memory_space<semaphore_mem>>
      %dma_start3A_408 = arith.constant 0 : i32
      %dma_start3A_409 = tpu.memref_slice %arg29[%dma_start3A_408, %mul3A_167] : memref<16x4096xf32, #tpu.memory_space<vmem_shared>> -> memref<16x256xf32, #tpu.memory_space<vmem_shared>>
      %dma_start3A_410 = arith.constant 0 : i32
      %dma_start3A_411 = tpu.memref_slice %arg29[%dma_start3A_410, %mul3A_167] : memref<16x4096xf32, #tpu.memory_space<vmem_shared>> -> memref<16x256xf32, #tpu.memory_space<vmem_shared>>
      tpu.enqueue_dma source(%dma_start3A_411 : memref<16x256xf32, #tpu.memory_space<vmem_shared>>) target(%arg27 : memref<16x256xf32, #tpu.memory_space<vmem>>) target_semaphore(%run_scoped3A : memref<!tpu.dma_semaphore, #tpu.memory_space<semaphore_mem>>)
      %dma_wait3A_412 = arith.constant 0 : i32
      %dma_wait3A_413 = tpu.memref_slice %arg29[%dma_wait3A_412, %mul3A_167] : memref<16x4096xf32, #tpu.memory_space<vmem_shared>> -> memref<16x256xf32, #tpu.memory_space<vmem_shared>>
      %dma_wait3A_414 = arith.constant 0 : i32
      %dma_wait3A_415 = tpu.memref_slice %arg29[%dma_wait3A_414, %mul3A_167] : memref<16x4096xf32, #tpu.memory_space<vmem_shared>> -> memref<16x256xf32, #tpu.memory_space<vmem_shared>>
      tpu.wait_dma2 semaphore(%run_scoped3A : memref<!tpu.dma_semaphore, #tpu.memory_space<semaphore_mem>>) src(%dma_wait3A_415 : memref<16x256xf32, #tpu.memory_space<vmem_shared>>) dst(%arg27 : memref<16x256xf32, #tpu.memory_space<vmem>>)
      tpu.yield
    }) : () -> ()
    %scan3A_168 = arith.constant 0 : i32
    %scan3A_169 = arith.constant 0 : i32
    %scan3A_170 = arith.constant 16 : i32
    %scan3A_171 = arith.addi %scan3A_169, %scan3A_170 : i32
    %scan3A_172 = arith.constant 1 : i32
    scf.for %scan3A_408 = %scan3A_169 to %scan3A_171 step %scan3A_172  : i32 {
      %mul3A_409 = arith.constant 16 : i32
      %mul3A_410 = arith.muli %scan3A_408, %mul3A_409 : i32
      %multiple_of3A = tpu.assume_multiple %mul3A_410, 16 : i32
      %broadcast_in_dim3A = arith.constant 0.000000e+00 : f32
      %broadcast_in_dim3A_411 = vector.broadcast %broadcast_in_dim3A : f32 to vector<16xf32>
      %get3A_412 = arith.constant 0 : i32
      %get3A_413 = arith.index_cast %get3A_412 : i32 to index
      %get3A_414 = arith.index_cast %multiple_of3A : i32 to index
      %get3A_415 = tpu.vector_load %arg27[%get3A_413, %get3A_414] {strides = array<i32>} : memref<16x256xf32, #tpu.memory_space<vmem>>, vector<16xf32>,
      %add3A_416 = arith.addf %broadcast_in_dim3A_411, %get3A_415 : vector<16xf32>
      %get3A_417 = arith.constant 1 : i32
      %get3A_418 = arith.index_cast %get3A_417 : i32 to index
      %get3A_419 = arith.index_cast %multiple_of3A : i32 to index
      %get3A_420 = tpu.vector_load %arg27[%get3A_418, %get3A_419] {strides = array<i32>} : memref<16x256xf32, #tpu.memory_space<vmem>>, vector<16xf32>,
      %add3A_421 = arith.addf %add3A_416, %get3A_420 : vector<16xf32>
      %get3A_422 = arith.constant 2 : i32
      %get3A_423 = arith.index_cast %get3A_422 : i32 to index
      %get3A_424 = arith.index_cast %multiple_of3A : i32 to index
      %get3A_425 = tpu.vector_load %arg27[%get3A_423, %get3A_424] {strides = array<i32>} : memref<16x256xf32, #tpu.memory_space<vmem>>, vector<16xf32>,
      %add3A_426 = arith.addf %add3A_421, %get3A_425 : vector<16xf32>
      %get3A_427 = arith.constant 3 : i32
      %get3A_428 = arith.index_cast %get3A_427 : i32 to index
      %get3A_429 = arith.index_cast %multiple_of3A : i32 to index
      %get3A_430 = tpu.vector_load %arg27[%get3A_428, %get3A_429] {strides = array<i32>} : memref<16x256xf32, #tpu.memory_space<vmem>>, vector<16xf32>,
      %add3A_431 = arith.addf %add3A_426, %get3A_430 : vector<16xf32>
      %get3A_432 = arith.constant 4 : i32
      %get3A_433 = arith.index_cast %get3A_432 : i32 to index
      %get3A_434 = arith.index_cast %multiple_of3A : i32 to index
      %get3A_435 = tpu.vector_load %arg27[%get3A_433, %get3A_434] {strides = array<i32>} : memref<16x256xf32, #tpu.memory_space<vmem>>, vector<16xf32>,
      %add3A_436 = arith.addf %add3A_431, %get3A_435 : vector<16xf32>
      %get3A_437 = arith.constant 5 : i32
      %get3A_438 = arith.index_cast %get3A_437 : i32 to index
      %get3A_439 = arith.index_cast %multiple_of3A : i32 to index
      %get3A_440 = tpu.vector_load %arg27[%get3A_438, %get3A_439] {strides = array<i32>} : memref<16x256xf32, #tpu.memory_space<vmem>>, vector<16xf32>,
      %add3A_441 = arith.addf %add3A_436, %get3A_440 : vector<16xf32>
      %get3A_442 = arith.constant 6 : i32
      %get3A_443 = arith.index_cast %get3A_442 : i32 to index
      %get3A_444 = arith.index_cast %multiple_of3A : i32 to index
      %get3A_445 = tpu.vector_load %arg27[%get3A_443, %get3A_444] {strides = array<i32>} : memref<16x256xf32, #tpu.memory_space<vmem>>, vector<16xf32>,
      %add3A_446 = arith.addf %add3A_441, %get3A_445 : vector<16xf32>
      %get3A_447 = arith.constant 7 : i32
      %get3A_448 = arith.index_cast %get3A_447 : i32 to index
      %get3A_449 = arith.index_cast %multiple_of3A : i32 to index
      %get3A_450 = tpu.vector_load %arg27[%get3A_448, %get3A_449] {strides = array<i32>} : memref<16x256xf32, #tpu.memory_space<vmem>>, vector<16xf32>,
      %add3A_451 = arith.addf %add3A_446, %get3A_450 : vector<16xf32>
      %get3A_452 = arith.constant 8 : i32
      %get3A_453 = arith.index_cast %get3A_452 : i32 to index
      %get3A_454 = arith.index_cast %multiple_of3A : i32 to index
      %get3A_455 = tpu.vector_load %arg27[%get3A_453, %get3A_454] {strides = array<i32>} : memref<16x256xf32, #tpu.memory_space<vmem>>, vector<16xf32>,
      %add3A_456 = arith.addf %add3A_451, %get3A_455 : vector<16xf32>
      %get3A_457 = arith.constant 9 : i32
      %get3A_458 = arith.index_cast %get3A_457 : i32 to index
      %get3A_459 = arith.index_cast %multiple_of3A : i32 to index
      %get3A_460 = tpu.vector_load %arg27[%get3A_458, %get3A_459] {strides = array<i32>} : memref<16x256xf32, #tpu.memory_space<vmem>>, vector<16xf32>,
      %add3A_461 = arith.addf %add3A_456, %get3A_460 : vector<16xf32>
      %get3A_462 = arith.constant 10 : i32
      %get3A_463 = arith.index_cast %get3A_462 : i32 to index
      %get3A_464 = arith.index_cast %multiple_of3A : i32 to index
      %get3A_465 = tpu.vector_load %arg27[%get3A_463, %get3A_464] {strides = array<i32>} : memref<16x256xf32, #tpu.memory_space<vmem>>, vector<16xf32>,
      %add3A_466 = arith.addf %add3A_461, %get3A_465 : vector<16xf32>
      %get3A_467 = arith.constant 11 : i32
      %get3A_468 = arith.index_cast %get3A_467 : i32 to index
      %get3A_469 = arith.index_cast %multiple_of3A : i32 to index
      %get3A_470 = tpu.vector_load %arg27[%get3A_468, %get3A_469] {strides = array<i32>} : memref<16x256xf32, #tpu.memory_space<vmem>>, vector<16xf32>,
      %add3A_471 = arith.addf %add3A_466, %get3A_470 : vector<16xf32>
      %get3A_472 = arith.constant 12 : i32
      %get3A_473 = arith.index_cast %get3A_472 : i32 to index
      %get3A_474 = arith.index_cast %multiple_of3A : i32 to index
      %get3A_475 = tpu.vector_load %arg27[%get3A_473, %get3A_474] {strides = array<i32>} : memref<16x256xf32, #tpu.memory_space<vmem>>, vector<16xf32>,
      %add3A_476 = arith.addf %add3A_471, %get3A_475 : vector<16xf32>
      %get3A_477 = arith.constant 13 : i32
      %get3A_478 = arith.index_cast %get3A_477 : i32 to index
      %get3A_479 = arith.index_cast %multiple_of3A : i32 to index
      %get3A_480 = tpu.vector_load %arg27[%get3A_478, %get3A_479] {strides = array<i32>} : memref<16x256xf32, #tpu.memory_space<vmem>>, vector<16xf32>,
      %add3A_481 = arith.addf %add3A_476, %get3A_480 : vector<16xf32>
      %get3A_482 = arith.constant 14 : i32
      %get3A_483 = arith.index_cast %get3A_482 : i32 to index
      %get3A_484 = arith.index_cast %multiple_of3A : i32 to index
      %get3A_485 = tpu.vector_load %arg27[%get3A_483, %get3A_484] {strides = array<i32>} : memref<16x256xf32, #tpu.memory_space<vmem>>, vector<16xf32>,
      %add3A_486 = arith.addf %add3A_481, %get3A_485 : vector<16xf32>
      %get3A_487 = arith.constant 15 : i32
      %get3A_488 = arith.index_cast %get3A_487 : i32 to index
      %get3A_489 = arith.index_cast %multiple_of3A : i32 to index
      %get3A_490 = tpu.vector_load %arg27[%get3A_488, %get3A_489] {strides = array<i32>} : memref<16x256xf32, #tpu.memory_space<vmem>>, vector<16xf32>,
      %add3A_491 = arith.addf %add3A_486, %get3A_490 : vector<16xf32>
      %swap3A_492 = arith.index_cast %multiple_of3A : i32 to index
      %swap3A_493 = tpu.vector_load %arg28[%swap3A_492] {strides = array<i32>} : memref<256xf32, #tpu.memory_space<vmem>>, vector<16xf32>,
      tpu.vector_store %arg28[%swap3A_492], %add3A_491 {strides = array<i32>} : memref<256xf32, #tpu.memory_space<vmem>>, vector<16xf32>,
    }
    %scan3A_173 = arith.constant 16 : i32
    %add3A_174 = arith.constant 4096 : i32
    %add3A_175 = arith.addi %add3A_174, %mul3A_167 : i32
    "tpu.region"() ({
      %run_scoped3A = tpu.sem_alloc : memref<!tpu.dma_semaphore, #tpu.memory_space<semaphore_mem>>
      %dma_start3A_408 = tpu.memref_slice %arg18[%arg0, %add3A_175] : memref<2x16384xf32, #tpu.memory_space<hbm>> -> memref<1x256xf32, #tpu.memory_space<hbm>>
      %dma_start3A_409 = tpu.memref_squeeze %dma_start3A_408 : memref<1x256xf32, #tpu.memory_space<hbm>> -> memref<256xf32, #tpu.memory_space<hbm>>
      %dma_start3A_410 = tpu.memref_slice %arg18[%arg0, %add3A_175] : memref<2x16384xf32, #tpu.memory_space<hbm>> -> memref<1x256xf32, #tpu.memory_space<hbm>>
      %dma_start3A_411 = tpu.memref_squeeze %dma_start3A_410 : memref<1x256xf32, #tpu.memory_space<hbm>> -> memref<256xf32, #tpu.memory_space<hbm>>
      tpu.enqueue_dma source(%arg28 : memref<256xf32, #tpu.memory_space<vmem>>) target(%dma_start3A_411 : memref<256xf32, #tpu.memory_space<hbm>>) target_semaphore(%run_scoped3A : memref<!tpu.dma_semaphore, #tpu.memory_space<semaphore_mem>>)
      %dma_wait3A_412 = tpu.memref_slice %arg18[%arg0, %add3A_175] : memref<2x16384xf32, #tpu.memory_space<hbm>> -> memref<1x256xf32, #tpu.memory_space<hbm>>
      %dma_wait3A_413 = tpu.memref_squeeze %dma_wait3A_412 : memref<1x256xf32, #tpu.memory_space<hbm>> -> memref<256xf32, #tpu.memory_space<hbm>>
      %dma_wait3A_414 = tpu.memref_slice %arg18[%arg0, %add3A_175] : memref<2x16384xf32, #tpu.memory_space<hbm>> -> memref<1x256xf32, #tpu.memory_space<hbm>>
      %dma_wait3A_415 = tpu.memref_squeeze %dma_wait3A_414 : memref<1x256xf32, #tpu.memory_space<hbm>> -> memref<256xf32, #tpu.memory_space<hbm>>
      tpu.wait_dma2 semaphore(%run_scoped3A : memref<!tpu.dma_semaphore, #tpu.memory_space<semaphore_mem>>) src(%arg28 : memref<256xf32, #tpu.memory_space<vmem>>) dst(%dma_wait3A_415 : memref<256xf32, #tpu.memory_space<hbm>>)
      tpu.yield
    }) : () -> ()
    %barrier3A_176 = arith.constant 0 : index
    tpu.barrier barrier_id(%barrier3A_176)
    "tpu.region"() ({
      %run_scoped3A = tpu.sem_alloc : memref<!tpu.dma_semaphore, #tpu.memory_space<semaphore_mem>>
      %dma_start3A_408 = arith.constant 8192 : i32
      %dma_start3A_409 = tpu.memref_slice %arg26[%dma_start3A_408] : memref<16384xf32, #tpu.memory_space<vmem>> -> memref<4096xf32, #tpu.memory_space<vmem>>
      %dma_start3A_410 = arith.constant 0 : i32
      %dma_start3A_411 = tpu.memref_slice %arg29[%arg1, %dma_start3A_410] : memref<16x4096xf32, #tpu.memory_space<vmem_shared>> -> memref<1x4096xf32, #tpu.memory_space<vmem_shared>>
      %dma_start3A_412 = tpu.memref_squeeze %dma_start3A_411 : memref<1x4096xf32, #tpu.memory_space<vmem_shared>> -> memref<4096xf32, #tpu.memory_space<vmem_shared>>
      %dma_start3A_413 = arith.constant 0 : i32
      %dma_start3A_414 = tpu.memref_slice %arg29[%arg1, %dma_start3A_413] : memref<16x4096xf32, #tpu.memory_space<vmem_shared>> -> memref<1x4096xf32, #tpu.memory_space<vmem_shared>>
      %dma_start3A_415 = tpu.memref_squeeze %dma_start3A_414 : memref<1x4096xf32, #tpu.memory_space<vmem_shared>> -> memref<4096xf32, #tpu.memory_space<vmem_shared>>
      %dma_start3A_416 = arith.constant 8192 : i32
      %dma_start3A_417 = tpu.memref_slice %arg26[%dma_start3A_416] : memref<16384xf32, #tpu.memory_space<vmem>> -> memref<4096xf32, #tpu.memory_space<vmem>>
      tpu.enqueue_dma source(%dma_start3A_417 : memref<4096xf32, #tpu.memory_space<vmem>>) target(%dma_start3A_415 : memref<4096xf32, #tpu.memory_space<vmem_shared>>) target_semaphore(%run_scoped3A : memref<!tpu.dma_semaphore, #tpu.memory_space<semaphore_mem>>)
      %dma_wait3A_418 = arith.constant 8192 : i32
      %dma_wait3A_419 = tpu.memref_slice %arg26[%dma_wait3A_418] : memref<16384xf32, #tpu.memory_space<vmem>> -> memref<4096xf32, #tpu.memory_space<vmem>>
      %dma_wait3A_420 = arith.constant 0 : i32
      %dma_wait3A_421 = tpu.memref_slice %arg29[%arg1, %dma_wait3A_420] : memref<16x4096xf32, #tpu.memory_space<vmem_shared>> -> memref<1x4096xf32, #tpu.memory_space<vmem_shared>>
      %dma_wait3A_422 = tpu.memref_squeeze %dma_wait3A_421 : memref<1x4096xf32, #tpu.memory_space<vmem_shared>> -> memref<4096xf32, #tpu.memory_space<vmem_shared>>
      %dma_wait3A_423 = arith.constant 0 : i32
      %dma_wait3A_424 = tpu.memref_slice %arg29[%arg1, %dma_wait3A_423] : memref<16x4096xf32, #tpu.memory_space<vmem_shared>> -> memref<1x4096xf32, #tpu.memory_space<vmem_shared>>
      %dma_wait3A_425 = tpu.memref_squeeze %dma_wait3A_424 : memref<1x4096xf32, #tpu.memory_space<vmem_shared>> -> memref<4096xf32, #tpu.memory_space<vmem_shared>>
      %dma_wait3A_426 = arith.constant 8192 : i32
      %dma_wait3A_427 = tpu.memref_slice %arg26[%dma_wait3A_426] : memref<16384xf32, #tpu.memory_space<vmem>> -> memref<4096xf32, #tpu.memory_space<vmem>>
      tpu.wait_dma2 semaphore(%run_scoped3A : memref<!tpu.dma_semaphore, #tpu.memory_space<semaphore_mem>>) src(%dma_wait3A_427 : memref<4096xf32, #tpu.memory_space<vmem>>) dst(%dma_wait3A_425 : memref<4096xf32, #tpu.memory_space<vmem_shared>>)
      tpu.yield
    }) : () -> ()
    %barrier3A_177 = arith.constant 0 : index
    tpu.barrier barrier_id(%barrier3A_177)
    %mul3A_178 = arith.constant 256 : i32
    %mul3A_179 = arith.muli %arg1, %mul3A_178 : i32
    "tpu.region"() ({
      %run_scoped3A = tpu.sem_alloc : memref<!tpu.dma_semaphore, #tpu.memory_space<semaphore_mem>>
      %dma_start3A_408 = arith.constant 0 : i32
      %dma_start3A_409 = tpu.memref_slice %arg29[%dma_start3A_408, %mul3A_179] : memref<16x4096xf32, #tpu.memory_space<vmem_shared>> -> memref<16x256xf32, #tpu.memory_space<vmem_shared>>
      %dma_start3A_410 = arith.constant 0 : i32
      %dma_start3A_411 = tpu.memref_slice %arg29[%dma_start3A_410, %mul3A_179] : memref<16x4096xf32, #tpu.memory_space<vmem_shared>> -> memref<16x256xf32, #tpu.memory_space<vmem_shared>>
      tpu.enqueue_dma source(%dma_start3A_411 : memref<16x256xf32, #tpu.memory_space<vmem_shared>>) target(%arg27 : memref<16x256xf32, #tpu.memory_space<vmem>>) target_semaphore(%run_scoped3A : memref<!tpu.dma_semaphore, #tpu.memory_space<semaphore_mem>>)
      %dma_wait3A_412 = arith.constant 0 : i32
      %dma_wait3A_413 = tpu.memref_slice %arg29[%dma_wait3A_412, %mul3A_179] : memref<16x4096xf32, #tpu.memory_space<vmem_shared>> -> memref<16x256xf32, #tpu.memory_space<vmem_shared>>
      %dma_wait3A_414 = arith.constant 0 : i32
      %dma_wait3A_415 = tpu.memref_slice %arg29[%dma_wait3A_414, %mul3A_179] : memref<16x4096xf32, #tpu.memory_space<vmem_shared>> -> memref<16x256xf32, #tpu.memory_space<vmem_shared>>
      tpu.wait_dma2 semaphore(%run_scoped3A : memref<!tpu.dma_semaphore, #tpu.memory_space<semaphore_mem>>) src(%dma_wait3A_415 : memref<16x256xf32, #tpu.memory_space<vmem_shared>>) dst(%arg27 : memref<16x256xf32, #tpu.memory_space<vmem>>)
      tpu.yield
    }) : () -> ()
    %scan3A_180 = arith.constant 0 : i32
    %scan3A_181 = arith.constant 0 : i32
    %scan3A_182 = arith.constant 16 : i32
    %scan3A_183 = arith.addi %scan3A_181, %scan3A_182 : i32
    %scan3A_184 = arith.constant 1 : i32
    scf.for %scan3A_408 = %scan3A_181 to %scan3A_183 step %scan3A_184  : i32 {
      %mul3A_409 = arith.constant 16 : i32
      %mul3A_410 = arith.muli %scan3A_408, %mul3A_409 : i32
      %multiple_of3A = tpu.assume_multiple %mul3A_410, 16 : i32
      %broadcast_in_dim3A = arith.constant 0.000000e+00 : f32
      %broadcast_in_dim3A_411 = vector.broadcast %broadcast_in_dim3A : f32 to vector<16xf32>
      %get3A_412 = arith.constant 0 : i32
      %get3A_413 = arith.index_cast %get3A_412 : i32 to index
      %get3A_414 = arith.index_cast %multiple_of3A : i32 to index
      %get3A_415 = tpu.vector_load %arg27[%get3A_413, %get3A_414] {strides = array<i32>} : memref<16x256xf32, #tpu.memory_space<vmem>>, vector<16xf32>,
      %add3A_416 = arith.addf %broadcast_in_dim3A_411, %get3A_415 : vector<16xf32>
      %get3A_417 = arith.constant 1 : i32
      %get3A_418 = arith.index_cast %get3A_417 : i32 to index
      %get3A_419 = arith.index_cast %multiple_of3A : i32 to index
      %get3A_420 = tpu.vector_load %arg27[%get3A_418, %get3A_419] {strides = array<i32>} : memref<16x256xf32, #tpu.memory_space<vmem>>, vector<16xf32>,
      %add3A_421 = arith.addf %add3A_416, %get3A_420 : vector<16xf32>
      %get3A_422 = arith.constant 2 : i32
      %get3A_423 = arith.index_cast %get3A_422 : i32 to index
      %get3A_424 = arith.index_cast %multiple_of3A : i32 to index
      %get3A_425 = tpu.vector_load %arg27[%get3A_423, %get3A_424] {strides = array<i32>} : memref<16x256xf32, #tpu.memory_space<vmem>>, vector<16xf32>,
      %add3A_426 = arith.addf %add3A_421, %get3A_425 : vector<16xf32>
      %get3A_427 = arith.constant 3 : i32
      %get3A_428 = arith.index_cast %get3A_427 : i32 to index
      %get3A_429 = arith.index_cast %multiple_of3A : i32 to index
      %get3A_430 = tpu.vector_load %arg27[%get3A_428, %get3A_429] {strides = array<i32>} : memref<16x256xf32, #tpu.memory_space<vmem>>, vector<16xf32>,
      %add3A_431 = arith.addf %add3A_426, %get3A_430 : vector<16xf32>
      %get3A_432 = arith.constant 4 : i32
      %get3A_433 = arith.index_cast %get3A_432 : i32 to index
      %get3A_434 = arith.index_cast %multiple_of3A : i32 to index
      %get3A_435 = tpu.vector_load %arg27[%get3A_433, %get3A_434] {strides = array<i32>} : memref<16x256xf32, #tpu.memory_space<vmem>>, vector<16xf32>,
      %add3A_436 = arith.addf %add3A_431, %get3A_435 : vector<16xf32>
      %get3A_437 = arith.constant 5 : i32
      %get3A_438 = arith.index_cast %get3A_437 : i32 to index
      %get3A_439 = arith.index_cast %multiple_of3A : i32 to index
      %get3A_440 = tpu.vector_load %arg27[%get3A_438, %get3A_439] {strides = array<i32>} : memref<16x256xf32, #tpu.memory_space<vmem>>, vector<16xf32>,
      %add3A_441 = arith.addf %add3A_436, %get3A_440 : vector<16xf32>
      %get3A_442 = arith.constant 6 : i32
      %get3A_443 = arith.index_cast %get3A_442 : i32 to index
      %get3A_444 = arith.index_cast %multiple_of3A : i32 to index
      %get3A_445 = tpu.vector_load %arg27[%get3A_443, %get3A_444] {strides = array<i32>} : memref<16x256xf32, #tpu.memory_space<vmem>>, vector<16xf32>,
      %add3A_446 = arith.addf %add3A_441, %get3A_445 : vector<16xf32>
      %get3A_447 = arith.constant 7 : i32
      %get3A_448 = arith.index_cast %get3A_447 : i32 to index
      %get3A_449 = arith.index_cast %multiple_of3A : i32 to index
      %get3A_450 = tpu.vector_load %arg27[%get3A_448, %get3A_449] {strides = array<i32>} : memref<16x256xf32, #tpu.memory_space<vmem>>, vector<16xf32>,
      %add3A_451 = arith.addf %add3A_446, %get3A_450 : vector<16xf32>
      %get3A_452 = arith.constant 8 : i32
      %get3A_453 = arith.index_cast %get3A_452 : i32 to index
      %get3A_454 = arith.index_cast %multiple_of3A : i32 to index
      %get3A_455 = tpu.vector_load %arg27[%get3A_453, %get3A_454] {strides = array<i32>} : memref<16x256xf32, #tpu.memory_space<vmem>>, vector<16xf32>,
      %add3A_456 = arith.addf %add3A_451, %get3A_455 : vector<16xf32>
      %get3A_457 = arith.constant 9 : i32
      %get3A_458 = arith.index_cast %get3A_457 : i32 to index
      %get3A_459 = arith.index_cast %multiple_of3A : i32 to index
      %get3A_460 = tpu.vector_load %arg27[%get3A_458, %get3A_459] {strides = array<i32>} : memref<16x256xf32, #tpu.memory_space<vmem>>, vector<16xf32>,
      %add3A_461 = arith.addf %add3A_456, %get3A_460 : vector<16xf32>
      %get3A_462 = arith.constant 10 : i32
      %get3A_463 = arith.index_cast %get3A_462 : i32 to index
      %get3A_464 = arith.index_cast %multiple_of3A : i32 to index
      %get3A_465 = tpu.vector_load %arg27[%get3A_463, %get3A_464] {strides = array<i32>} : memref<16x256xf32, #tpu.memory_space<vmem>>, vector<16xf32>,
      %add3A_466 = arith.addf %add3A_461, %get3A_465 : vector<16xf32>
      %get3A_467 = arith.constant 11 : i32
      %get3A_468 = arith.index_cast %get3A_467 : i32 to index
      %get3A_469 = arith.index_cast %multiple_of3A : i32 to index
      %get3A_470 = tpu.vector_load %arg27[%get3A_468, %get3A_469] {strides = array<i32>} : memref<16x256xf32, #tpu.memory_space<vmem>>, vector<16xf32>,
      %add3A_471 = arith.addf %add3A_466, %get3A_470 : vector<16xf32>
      %get3A_472 = arith.constant 12 : i32
      %get3A_473 = arith.index_cast %get3A_472 : i32 to index
      %get3A_474 = arith.index_cast %multiple_of3A : i32 to index
      %get3A_475 = tpu.vector_load %arg27[%get3A_473, %get3A_474] {strides = array<i32>} : memref<16x256xf32, #tpu.memory_space<vmem>>, vector<16xf32>,
      %add3A_476 = arith.addf %add3A_471, %get3A_475 : vector<16xf32>
      %get3A_477 = arith.constant 13 : i32
      %get3A_478 = arith.index_cast %get3A_477 : i32 to index
      %get3A_479 = arith.index_cast %multiple_of3A : i32 to index
      %get3A_480 = tpu.vector_load %arg27[%get3A_478, %get3A_479] {strides = array<i32>} : memref<16x256xf32, #tpu.memory_space<vmem>>, vector<16xf32>,
      %add3A_481 = arith.addf %add3A_476, %get3A_480 : vector<16xf32>
      %get3A_482 = arith.constant 14 : i32
      %get3A_483 = arith.index_cast %get3A_482 : i32 to index
      %get3A_484 = arith.index_cast %multiple_of3A : i32 to index
      %get3A_485 = tpu.vector_load %arg27[%get3A_483, %get3A_484] {strides = array<i32>} : memref<16x256xf32, #tpu.memory_space<vmem>>, vector<16xf32>,
      %add3A_486 = arith.addf %add3A_481, %get3A_485 : vector<16xf32>
      %get3A_487 = arith.constant 15 : i32
      %get3A_488 = arith.index_cast %get3A_487 : i32 to index
      %get3A_489 = arith.index_cast %multiple_of3A : i32 to index
      %get3A_490 = tpu.vector_load %arg27[%get3A_488, %get3A_489] {strides = array<i32>} : memref<16x256xf32, #tpu.memory_space<vmem>>, vector<16xf32>,
      %add3A_491 = arith.addf %add3A_486, %get3A_490 : vector<16xf32>
      %swap3A_492 = arith.index_cast %multiple_of3A : i32 to index
      %swap3A_493 = tpu.vector_load %arg28[%swap3A_492] {strides = array<i32>} : memref<256xf32, #tpu.memory_space<vmem>>, vector<16xf32>,
      tpu.vector_store %arg28[%swap3A_492], %add3A_491 {strides = array<i32>} : memref<256xf32, #tpu.memory_space<vmem>>, vector<16xf32>,
    }
    %scan3A_185 = arith.constant 16 : i32
    %add3A_186 = arith.constant 8192 : i32
    %add3A_187 = arith.addi %add3A_186, %mul3A_179 : i32
    "tpu.region"() ({
      %run_scoped3A = tpu.sem_alloc : memref<!tpu.dma_semaphore, #tpu.memory_space<semaphore_mem>>
      %dma_start3A_408 = tpu.memref_slice %arg18[%arg0, %add3A_187] : memref<2x16384xf32, #tpu.memory_space<hbm>> -> memref<1x256xf32, #tpu.memory_space<hbm>>
      %dma_start3A_409 = tpu.memref_squeeze %dma_start3A_408 : memref<1x256xf32, #tpu.memory_space<hbm>> -> memref<256xf32, #tpu.memory_space<hbm>>
      %dma_start3A_410 = tpu.memref_slice %arg18[%arg0, %add3A_187] : memref<2x16384xf32, #tpu.memory_space<hbm>> -> memref<1x256xf32, #tpu.memory_space<hbm>>
      %dma_start3A_411 = tpu.memref_squeeze %dma_start3A_410 : memref<1x256xf32, #tpu.memory_space<hbm>> -> memref<256xf32, #tpu.memory_space<hbm>>
      tpu.enqueue_dma source(%arg28 : memref<256xf32, #tpu.memory_space<vmem>>) target(%dma_start3A_411 : memref<256xf32, #tpu.memory_space<hbm>>) target_semaphore(%run_scoped3A : memref<!tpu.dma_semaphore, #tpu.memory_space<semaphore_mem>>)
      %dma_wait3A_412 = tpu.memref_slice %arg18[%arg0, %add3A_187] : memref<2x16384xf32, #tpu.memory_space<hbm>> -> memref<1x256xf32, #tpu.memory_space<hbm>>
      %dma_wait3A_413 = tpu.memref_squeeze %dma_wait3A_412 : memref<1x256xf32, #tpu.memory_space<hbm>> -> memref<256xf32, #tpu.memory_space<hbm>>
      %dma_wait3A_414 = tpu.memref_slice %arg18[%arg0, %add3A_187] : memref<2x16384xf32, #tpu.memory_space<hbm>> -> memref<1x256xf32, #tpu.memory_space<hbm>>
      %dma_wait3A_415 = tpu.memref_squeeze %dma_wait3A_414 : memref<1x256xf32, #tpu.memory_space<hbm>> -> memref<256xf32, #tpu.memory_space<hbm>>
      tpu.wait_dma2 semaphore(%run_scoped3A : memref<!tpu.dma_semaphore, #tpu.memory_space<semaphore_mem>>) src(%arg28 : memref<256xf32, #tpu.memory_space<vmem>>) dst(%dma_wait3A_415 : memref<256xf32, #tpu.memory_space<hbm>>)
      tpu.yield
    }) : () -> ()
    %barrier3A_188 = arith.constant 0 : index
    tpu.barrier barrier_id(%barrier3A_188)
    "tpu.region"() ({
      %run_scoped3A = tpu.sem_alloc : memref<!tpu.dma_semaphore, #tpu.memory_space<semaphore_mem>>
      %dma_start3A_408 = arith.constant 12288 : i32
      %dma_start3A_409 = tpu.memref_slice %arg26[%dma_start3A_408] : memref<16384xf32, #tpu.memory_space<vmem>> -> memref<4096xf32, #tpu.memory_space<vmem>>
      %dma_start3A_410 = arith.constant 0 : i32
      %dma_start3A_411 = tpu.memref_slice %arg29[%arg1, %dma_start3A_410] : memref<16x4096xf32, #tpu.memory_space<vmem_shared>> -> memref<1x4096xf32, #tpu.memory_space<vmem_shared>>
      %dma_start3A_412 = tpu.memref_squeeze %dma_start3A_411 : memref<1x4096xf32, #tpu.memory_space<vmem_shared>> -> memref<4096xf32, #tpu.memory_space<vmem_shared>>
      %dma_start3A_413 = arith.constant 0 : i32
      %dma_start3A_414 = tpu.memref_slice %arg29[%arg1, %dma_start3A_413] : memref<16x4096xf32, #tpu.memory_space<vmem_shared>> -> memref<1x4096xf32, #tpu.memory_space<vmem_shared>>
      %dma_start3A_415 = tpu.memref_squeeze %dma_start3A_414 : memref<1x4096xf32, #tpu.memory_space<vmem_shared>> -> memref<4096xf32, #tpu.memory_space<vmem_shared>>
      %dma_start3A_416 = arith.constant 12288 : i32
      %dma_start3A_417 = tpu.memref_slice %arg26[%dma_start3A_416] : memref<16384xf32, #tpu.memory_space<vmem>> -> memref<4096xf32, #tpu.memory_space<vmem>>
      tpu.enqueue_dma source(%dma_start3A_417 : memref<4096xf32, #tpu.memory_space<vmem>>) target(%dma_start3A_415 : memref<4096xf32, #tpu.memory_space<vmem_shared>>) target_semaphore(%run_scoped3A : memref<!tpu.dma_semaphore, #tpu.memory_space<semaphore_mem>>)
      %dma_wait3A_418 = arith.constant 12288 : i32
      %dma_wait3A_419 = tpu.memref_slice %arg26[%dma_wait3A_418] : memref<16384xf32, #tpu.memory_space<vmem>> -> memref<4096xf32, #tpu.memory_space<vmem>>
      %dma_wait3A_420 = arith.constant 0 : i32
      %dma_wait3A_421 = tpu.memref_slice %arg29[%arg1, %dma_wait3A_420] : memref<16x4096xf32, #tpu.memory_space<vmem_shared>> -> memref<1x4096xf32, #tpu.memory_space<vmem_shared>>
      %dma_wait3A_422 = tpu.memref_squeeze %dma_wait3A_421 : memref<1x4096xf32, #tpu.memory_space<vmem_shared>> -> memref<4096xf32, #tpu.memory_space<vmem_shared>>
      %dma_wait3A_423 = arith.constant 0 : i32
      %dma_wait3A_424 = tpu.memref_slice %arg29[%arg1, %dma_wait3A_423] : memref<16x4096xf32, #tpu.memory_space<vmem_shared>> -> memref<1x4096xf32, #tpu.memory_space<vmem_shared>>
      %dma_wait3A_425 = tpu.memref_squeeze %dma_wait3A_424 : memref<1x4096xf32, #tpu.memory_space<vmem_shared>> -> memref<4096xf32, #tpu.memory_space<vmem_shared>>
      %dma_wait3A_426 = arith.constant 12288 : i32
      %dma_wait3A_427 = tpu.memref_slice %arg26[%dma_wait3A_426] : memref<16384xf32, #tpu.memory_space<vmem>> -> memref<4096xf32, #tpu.memory_space<vmem>>
      tpu.wait_dma2 semaphore(%run_scoped3A : memref<!tpu.dma_semaphore, #tpu.memory_space<semaphore_mem>>) src(%dma_wait3A_427 : memref<4096xf32, #tpu.memory_space<vmem>>) dst(%dma_wait3A_425 : memref<4096xf32, #tpu.memory_space<vmem_shared>>)
      tpu.yield
    }) : () -> ()
    %barrier3A_189 = arith.constant 0 : index
    tpu.barrier barrier_id(%barrier3A_189)
    %mul3A_190 = arith.constant 256 : i32
    %mul3A_191 = arith.muli %arg1, %mul3A_190 : i32
    "tpu.region"() ({
      %run_scoped3A = tpu.sem_alloc : memref<!tpu.dma_semaphore, #tpu.memory_space<semaphore_mem>>
      %dma_start3A_408 = arith.constant 0 : i32
      %dma_start3A_409 = tpu.memref_slice %arg29[%dma_start3A_408, %mul3A_191] : memref<16x4096xf32, #tpu.memory_space<vmem_shared>> -> memref<16x256xf32, #tpu.memory_space<vmem_shared>>
      %dma_start3A_410 = arith.constant 0 : i32
      %dma_start3A_411 = tpu.memref_slice %arg29[%dma_start3A_410, %mul3A_191] : memref<16x4096xf32, #tpu.memory_space<vmem_shared>> -> memref<16x256xf32, #tpu.memory_space<vmem_shared>>
      tpu.enqueue_dma source(%dma_start3A_411 : memref<16x256xf32, #tpu.memory_space<vmem_shared>>) target(%arg27 : memref<16x256xf32, #tpu.memory_space<vmem>>) target_semaphore(%run_scoped3A : memref<!tpu.dma_semaphore, #tpu.memory_space<semaphore_mem>>)
      %dma_wait3A_412 = arith.constant 0 : i32
      %dma_wait3A_413 = tpu.memref_slice %arg29[%dma_wait3A_412, %mul3A_191] : memref<16x4096xf32, #tpu.memory_space<vmem_shared>> -> memref<16x256xf32, #tpu.memory_space<vmem_shared>>
      %dma_wait3A_414 = arith.constant 0 : i32
      %dma_wait3A_415 = tpu.memref_slice %arg29[%dma_wait3A_414, %mul3A_191] : memref<16x4096xf32, #tpu.memory_space<vmem_shared>> -> memref<16x256xf32, #tpu.memory_space<vmem_shared>>
      tpu.wait_dma2 semaphore(%run_scoped3A : memref<!tpu.dma_semaphore, #tpu.memory_space<semaphore_mem>>) src(%dma_wait3A_415 : memref<16x256xf32, #tpu.memory_space<vmem_shared>>) dst(%arg27 : memref<16x256xf32, #tpu.memory_space<vmem>>)
      tpu.yield
    }) : () -> ()
    %scan3A_192 = arith.constant 0 : i32
    %scan3A_193 = arith.constant 0 : i32
    %scan3A_194 = arith.constant 16 : i32
    %scan3A_195 = arith.addi %scan3A_193, %scan3A_194 : i32
    %scan3A_196 = arith.constant 1 : i32
    scf.for %scan3A_408 = %scan3A_193 to %scan3A_195 step %scan3A_196  : i32 {
      %mul3A_409 = arith.constant 16 : i32
      %mul3A_410 = arith.muli %scan3A_408, %mul3A_409 : i32
      %multiple_of3A = tpu.assume_multiple %mul3A_410, 16 : i32
      %broadcast_in_dim3A = arith.constant 0.000000e+00 : f32
      %broadcast_in_dim3A_411 = vector.broadcast %broadcast_in_dim3A : f32 to vector<16xf32>
      %get3A_412 = arith.constant 0 : i32
      %get3A_413 = arith.index_cast %get3A_412 : i32 to index
      %get3A_414 = arith.index_cast %multiple_of3A : i32 to index
      %get3A_415 = tpu.vector_load %arg27[%get3A_413, %get3A_414] {strides = array<i32>} : memref<16x256xf32, #tpu.memory_space<vmem>>, vector<16xf32>,
      %add3A_416 = arith.addf %broadcast_in_dim3A_411, %get3A_415 : vector<16xf32>
      %get3A_417 = arith.constant 1 : i32
      %get3A_418 = arith.index_cast %get3A_417 : i32 to index
      %get3A_419 = arith.index_cast %multiple_of3A : i32 to index
      %get3A_420 = tpu.vector_load %arg27[%get3A_418, %get3A_419] {strides = array<i32>} : memref<16x256xf32, #tpu.memory_space<vmem>>, vector<16xf32>,
      %add3A_421 = arith.addf %add3A_416, %get3A_420 : vector<16xf32>
      %get3A_422 = arith.constant 2 : i32
      %get3A_423 = arith.index_cast %get3A_422 : i32 to index
      %get3A_424 = arith.index_cast %multiple_of3A : i32 to index
      %get3A_425 = tpu.vector_load %arg27[%get3A_423, %get3A_424] {strides = array<i32>} : memref<16x256xf32, #tpu.memory_space<vmem>>, vector<16xf32>,
      %add3A_426 = arith.addf %add3A_421, %get3A_425 : vector<16xf32>
      %get3A_427 = arith.constant 3 : i32
      %get3A_428 = arith.index_cast %get3A_427 : i32 to index
      %get3A_429 = arith.index_cast %multiple_of3A : i32 to index
      %get3A_430 = tpu.vector_load %arg27[%get3A_428, %get3A_429] {strides = array<i32>} : memref<16x256xf32, #tpu.memory_space<vmem>>, vector<16xf32>,
      %add3A_431 = arith.addf %add3A_426, %get3A_430 : vector<16xf32>
      %get3A_432 = arith.constant 4 : i32
      %get3A_433 = arith.index_cast %get3A_432 : i32 to index
      %get3A_434 = arith.index_cast %multiple_of3A : i32 to index
      %get3A_435 = tpu.vector_load %arg27[%get3A_433, %get3A_434] {strides = array<i32>} : memref<16x256xf32, #tpu.memory_space<vmem>>, vector<16xf32>,
      %add3A_436 = arith.addf %add3A_431, %get3A_435 : vector<16xf32>
      %get3A_437 = arith.constant 5 : i32
      %get3A_438 = arith.index_cast %get3A_437 : i32 to index
      %get3A_439 = arith.index_cast %multiple_of3A : i32 to index
      %get3A_440 = tpu.vector_load %arg27[%get3A_438, %get3A_439] {strides = array<i32>} : memref<16x256xf32, #tpu.memory_space<vmem>>, vector<16xf32>,
      %add3A_441 = arith.addf %add3A_436, %get3A_440 : vector<16xf32>
      %get3A_442 = arith.constant 6 : i32
      %get3A_443 = arith.index_cast %get3A_442 : i32 to index
      %get3A_444 = arith.index_cast %multiple_of3A : i32 to index
      %get3A_445 = tpu.vector_load %arg27[%get3A_443, %get3A_444] {strides = array<i32>} : memref<16x256xf32, #tpu.memory_space<vmem>>, vector<16xf32>,
      %add3A_446 = arith.addf %add3A_441, %get3A_445 : vector<16xf32>
      %get3A_447 = arith.constant 7 : i32
      %get3A_448 = arith.index_cast %get3A_447 : i32 to index
      %get3A_449 = arith.index_cast %multiple_of3A : i32 to index
      %get3A_450 = tpu.vector_load %arg27[%get3A_448, %get3A_449] {strides = array<i32>} : memref<16x256xf32, #tpu.memory_space<vmem>>, vector<16xf32>,
      %add3A_451 = arith.addf %add3A_446, %get3A_450 : vector<16xf32>
      %get3A_452 = arith.constant 8 : i32
      %get3A_453 = arith.index_cast %get3A_452 : i32 to index
      %get3A_454 = arith.index_cast %multiple_of3A : i32 to index
      %get3A_455 = tpu.vector_load %arg27[%get3A_453, %get3A_454] {strides = array<i32>} : memref<16x256xf32, #tpu.memory_space<vmem>>, vector<16xf32>,
      %add3A_456 = arith.addf %add3A_451, %get3A_455 : vector<16xf32>
      %get3A_457 = arith.constant 9 : i32
      %get3A_458 = arith.index_cast %get3A_457 : i32 to index
      %get3A_459 = arith.index_cast %multiple_of3A : i32 to index
      %get3A_460 = tpu.vector_load %arg27[%get3A_458, %get3A_459] {strides = array<i32>} : memref<16x256xf32, #tpu.memory_space<vmem>>, vector<16xf32>,
      %add3A_461 = arith.addf %add3A_456, %get3A_460 : vector<16xf32>
      %get3A_462 = arith.constant 10 : i32
      %get3A_463 = arith.index_cast %get3A_462 : i32 to index
      %get3A_464 = arith.index_cast %multiple_of3A : i32 to index
      %get3A_465 = tpu.vector_load %arg27[%get3A_463, %get3A_464] {strides = array<i32>} : memref<16x256xf32, #tpu.memory_space<vmem>>, vector<16xf32>,
      %add3A_466 = arith.addf %add3A_461, %get3A_465 : vector<16xf32>
      %get3A_467 = arith.constant 11 : i32
      %get3A_468 = arith.index_cast %get3A_467 : i32 to index
      %get3A_469 = arith.index_cast %multiple_of3A : i32 to index
      %get3A_470 = tpu.vector_load %arg27[%get3A_468, %get3A_469] {strides = array<i32>} : memref<16x256xf32, #tpu.memory_space<vmem>>, vector<16xf32>,
      %add3A_471 = arith.addf %add3A_466, %get3A_470 : vector<16xf32>
      %get3A_472 = arith.constant 12 : i32
      %get3A_473 = arith.index_cast %get3A_472 : i32 to index
      %get3A_474 = arith.index_cast %multiple_of3A : i32 to index
      %get3A_475 = tpu.vector_load %arg27[%get3A_473, %get3A_474] {strides = array<i32>} : memref<16x256xf32, #tpu.memory_space<vmem>>, vector<16xf32>,
      %add3A_476 = arith.addf %add3A_471, %get3A_475 : vector<16xf32>
      %get3A_477 = arith.constant 13 : i32
      %get3A_478 = arith.index_cast %get3A_477 : i32 to index
      %get3A_479 = arith.index_cast %multiple_of3A : i32 to index
      %get3A_480 = tpu.vector_load %arg27[%get3A_478, %get3A_479] {strides = array<i32>} : memref<16x256xf32, #tpu.memory_space<vmem>>, vector<16xf32>,
      %add3A_481 = arith.addf %add3A_476, %get3A_480 : vector<16xf32>
      %get3A_482 = arith.constant 14 : i32
      %get3A_483 = arith.index_cast %get3A_482 : i32 to index
      %get3A_484 = arith.index_cast %multiple_of3A : i32 to index
      %get3A_485 = tpu.vector_load %arg27[%get3A_483, %get3A_484] {strides = array<i32>} : memref<16x256xf32, #tpu.memory_space<vmem>>, vector<16xf32>,
      %add3A_486 = arith.addf %add3A_481, %get3A_485 : vector<16xf32>
      %get3A_487 = arith.constant 15 : i32
      %get3A_488 = arith.index_cast %get3A_487 : i32 to index
      %get3A_489 = arith.index_cast %multiple_of3A : i32 to index
      %get3A_490 = tpu.vector_load %arg27[%get3A_488, %get3A_489] {strides = array<i32>} : memref<16x256xf32, #tpu.memory_space<vmem>>, vector<16xf32>,
      %add3A_491 = arith.addf %add3A_486, %get3A_490 : vector<16xf32>
      %swap3A_492 = arith.index_cast %multiple_of3A : i32 to index
      %swap3A_493 = tpu.vector_load %arg28[%swap3A_492] {strides = array<i32>} : memref<256xf32, #tpu.memory_space<vmem>>, vector<16xf32>,
      tpu.vector_store %arg28[%swap3A_492], %add3A_491 {strides = array<i32>} : memref<256xf32, #tpu.memory_space<vmem>>, vector<16xf32>,
    }
    %scan3A_197 = arith.constant 16 : i32
    %add3A_198 = arith.constant 12288 : i32
    %add3A_199 = arith.addi %add3A_198, %mul3A_191 : i32
    "tpu.region"() ({
      %run_scoped3A = tpu.sem_alloc : memref<!tpu.dma_semaphore, #tpu.memory_space<semaphore_mem>>
      %dma_start3A_408 = tpu.memref_slice %arg18[%arg0, %add3A_199] : memref<2x16384xf32, #tpu.memory_space<hbm>> -> memref<1x256xf32, #tpu.memory_space<hbm>>
      %dma_start3A_409 = tpu.memref_squeeze %dma_start3A_408 : memref<1x256xf32, #tpu.memory_space<hbm>> -> memref<256xf32, #tpu.memory_space<hbm>>
      %dma_start3A_410 = tpu.memref_slice %arg18[%arg0, %add3A_199] : memref<2x16384xf32, #tpu.memory_space<hbm>> -> memref<1x256xf32, #tpu.memory_space<hbm>>
      %dma_start3A_411 = tpu.memref_squeeze %dma_start3A_410 : memref<1x256xf32, #tpu.memory_space<hbm>> -> memref<256xf32, #tpu.memory_space<hbm>>
      tpu.enqueue_dma source(%arg28 : memref<256xf32, #tpu.memory_space<vmem>>) target(%dma_start3A_411 : memref<256xf32, #tpu.memory_space<hbm>>) target_semaphore(%run_scoped3A : memref<!tpu.dma_semaphore, #tpu.memory_space<semaphore_mem>>)
      %dma_wait3A_412 = tpu.memref_slice %arg18[%arg0, %add3A_199] : memref<2x16384xf32, #tpu.memory_space<hbm>> -> memref<1x256xf32, #tpu.memory_space<hbm>>
      %dma_wait3A_413 = tpu.memref_squeeze %dma_wait3A_412 : memref<1x256xf32, #tpu.memory_space<hbm>> -> memref<256xf32, #tpu.memory_space<hbm>>
      %dma_wait3A_414 = tpu.memref_slice %arg18[%arg0, %add3A_199] : memref<2x16384xf32, #tpu.memory_space<hbm>> -> memref<1x256xf32, #tpu.memory_space<hbm>>
      %dma_wait3A_415 = tpu.memref_squeeze %dma_wait3A_414 : memref<1x256xf32, #tpu.memory_space<hbm>> -> memref<256xf32, #tpu.memory_space<hbm>>
      tpu.wait_dma2 semaphore(%run_scoped3A : memref<!tpu.dma_semaphore, #tpu.memory_space<semaphore_mem>>) src(%arg28 : memref<256xf32, #tpu.memory_space<vmem>>) dst(%dma_wait3A_415 : memref<256xf32, #tpu.memory_space<hbm>>)
      tpu.yield
    }) : () -> ()
    %barrier3A_200 = arith.constant 0 : index
    tpu.barrier barrier_id(%barrier3A_200)
    "tpu.region"() ({
      %run_scoped3A = tpu.sem_alloc : memref<!tpu.dma_semaphore, #tpu.memory_space<semaphore_mem>>
      %dma_start3A_408 = arith.constant 0 : i32
      %dma_start3A_409 = tpu.memref_slice %arg4[%dma_start3A_408] : memref<16384xi32, #tpu.memory_space<hbm>> -> memref<8192xi32, #tpu.memory_space<hbm>>
      %dma_start3A_410 = arith.constant 0 : i32
      %dma_start3A_411 = tpu.memref_slice %arg4[%dma_start3A_410] : memref<16384xi32, #tpu.memory_space<hbm>> -> memref<8192xi32, #tpu.memory_space<hbm>>
      tpu.enqueue_dma source(%dma_start3A_411 : memref<8192xi32, #tpu.memory_space<hbm>>) target(%arg22 : memref<8192xi32, #tpu.memory_space<vmem>>) target_semaphore(%run_scoped3A : memref<!tpu.dma_semaphore, #tpu.memory_space<semaphore_mem>>)
      %dma_wait3A_412 = arith.constant 0 : i32
      %dma_wait3A_413 = tpu.memref_slice %arg4[%dma_wait3A_412] : memref<16384xi32, #tpu.memory_space<hbm>> -> memref<8192xi32, #tpu.memory_space<hbm>>
      %dma_wait3A_414 = arith.constant 0 : i32
      %dma_wait3A_415 = tpu.memref_slice %arg4[%dma_wait3A_414] : memref<16384xi32, #tpu.memory_space<hbm>> -> memref<8192xi32, #tpu.memory_space<hbm>>
      tpu.wait_dma2 semaphore(%run_scoped3A : memref<!tpu.dma_semaphore, #tpu.memory_space<semaphore_mem>>) src(%dma_wait3A_415 : memref<8192xi32, #tpu.memory_space<hbm>>) dst(%arg22 : memref<8192xi32, #tpu.memory_space<vmem>>)
      tpu.yield
    }) : () -> ()
    "tpu.region"() ({
      %run_scoped3A = tpu.sem_alloc : memref<!tpu.dma_semaphore, #tpu.memory_space<semaphore_mem>>
      %dma_start3A_408 = arith.constant 8192 : i32
      %dma_start3A_409 = tpu.memref_slice %arg4[%dma_start3A_408] : memref<16384xi32, #tpu.memory_space<hbm>> -> memref<8192xi32, #tpu.memory_space<hbm>>
      %dma_start3A_410 = arith.constant 8192 : i32
      %dma_start3A_411 = tpu.memref_slice %arg4[%dma_start3A_410] : memref<16384xi32, #tpu.memory_space<hbm>> -> memref<8192xi32, #tpu.memory_space<hbm>>
      tpu.enqueue_dma source(%dma_start3A_411 : memref<8192xi32, #tpu.memory_space<hbm>>) target(%arg23 : memref<8192xi32, #tpu.memory_space<vmem>>) target_semaphore(%run_scoped3A : memref<!tpu.dma_semaphore, #tpu.memory_space<semaphore_mem>>)
      %dma_wait3A_412 = arith.constant 8192 : i32
      %dma_wait3A_413 = tpu.memref_slice %arg4[%dma_wait3A_412] : memref<16384xi32, #tpu.memory_space<hbm>> -> memref<8192xi32, #tpu.memory_space<hbm>>
      %dma_wait3A_414 = arith.constant 8192 : i32
      %dma_wait3A_415 = tpu.memref_slice %arg4[%dma_wait3A_414] : memref<16384xi32, #tpu.memory_space<hbm>> -> memref<8192xi32, #tpu.memory_space<hbm>>
      tpu.wait_dma2 semaphore(%run_scoped3A : memref<!tpu.dma_semaphore, #tpu.memory_space<semaphore_mem>>) src(%dma_wait3A_415 : memref<8192xi32, #tpu.memory_space<hbm>>) dst(%arg23 : memref<8192xi32, #tpu.memory_space<vmem>>)
      tpu.yield
    }) : () -> ()
    "tpu.region"() ({
      %run_scoped3A = tpu.sem_alloc : memref<!tpu.dma_semaphore, #tpu.memory_space<semaphore_mem>>
      tpu.enqueue_dma source(%arg12 : memref<1024xf32, #tpu.memory_space<hbm>>) target(%arg21 : memref<1024xf32, #tpu.memory_space<vmem>>) target_semaphore(%run_scoped3A : memref<!tpu.dma_semaphore, #tpu.memory_space<semaphore_mem>>)
      tpu.wait_dma2 semaphore(%run_scoped3A : memref<!tpu.dma_semaphore, #tpu.memory_space<semaphore_mem>>) src(%arg12 : memref<1024xf32, #tpu.memory_space<hbm>>) dst(%arg21 : memref<1024xf32, #tpu.memory_space<vmem>>)
      tpu.yield
    }) : () -> ()
    %dma_start3A_201 = arith.constant 0 : i32
    %dma_start3A_202 = tpu.memref_slice %arg20[%dma_start3A_201] : memref<50048xf32, #tpu.memory_space<vmem>> -> memref<50048xf32, #tpu.memory_space<vmem>>
    %dma_start3A_203 = arith.constant 0 : i32
    %dma_start3A_204 = tpu.memref_slice %arg8[%add3A, %dma_start3A_203] : memref<32x100000xf32, #tpu.memory_space<hbm>> -> memref<1x50048xf32, #tpu.memory_space<hbm>>
    %dma_start3A_205 = tpu.memref_squeeze %dma_start3A_204 : memref<1x50048xf32, #tpu.memory_space<hbm>> -> memref<50048xf32, #tpu.memory_space<hbm>>
    %dma_start3A_206 = arith.constant 0 : i32
    %dma_start3A_207 = tpu.memref_slice %arg20[%dma_start3A_206] : memref<50048xf32, #tpu.memory_space<vmem>> -> memref<50048xf32, #tpu.memory_space<vmem>>
    %dma_start3A_208 = arith.constant 0 : i32
    %dma_start3A_209 = tpu.memref_slice %arg8[%add3A, %dma_start3A_208] : memref<32x100000xf32, #tpu.memory_space<hbm>> -> memref<1x50048xf32, #tpu.memory_space<hbm>>
    %dma_start3A_210 = tpu.memref_squeeze %dma_start3A_209 : memref<1x50048xf32, #tpu.memory_space<hbm>> -> memref<50048xf32, #tpu.memory_space<hbm>>
    tpu.enqueue_dma source(%dma_start3A_210 : memref<50048xf32, #tpu.memory_space<hbm>>) target(%dma_start3A_207 : memref<50048xf32, #tpu.memory_space<vmem>>) target_semaphore(%arg30 : memref<!tpu.dma_semaphore, #tpu.memory_space<semaphore_mem>>)
    %dma_wait3A_211 = arith.constant 0 : i32
    %dma_wait3A_212 = tpu.memref_slice %arg20[%dma_wait3A_211] : memref<50048xf32, #tpu.memory_space<vmem>> -> memref<50048xf32, #tpu.memory_space<vmem>>
    %dma_wait3A_213 = arith.constant 0 : i32
    %dma_wait3A_214 = tpu.memref_slice %arg8[%add3A, %dma_wait3A_213] : memref<32x100000xf32, #tpu.memory_space<hbm>> -> memref<1x50048xf32, #tpu.memory_space<hbm>>
    %dma_wait3A_215 = tpu.memref_squeeze %dma_wait3A_214 : memref<1x50048xf32, #tpu.memory_space<hbm>> -> memref<50048xf32, #tpu.memory_space<hbm>>
    %dma_wait3A_216 = arith.constant 0 : i32
    %dma_wait3A_217 = tpu.memref_slice %arg20[%dma_wait3A_216] : memref<50048xf32, #tpu.memory_space<vmem>> -> memref<50048xf32, #tpu.memory_space<vmem>>
    %dma_wait3A_218 = arith.constant 0 : i32
    %dma_wait3A_219 = tpu.memref_slice %arg8[%add3A, %dma_wait3A_218] : memref<32x100000xf32, #tpu.memory_space<hbm>> -> memref<1x50048xf32, #tpu.memory_space<hbm>>
    %dma_wait3A_220 = tpu.memref_squeeze %dma_wait3A_219 : memref<1x50048xf32, #tpu.memory_space<hbm>> -> memref<50048xf32, #tpu.memory_space<hbm>>
    tpu.wait_dma2 semaphore(%arg30 : memref<!tpu.dma_semaphore, #tpu.memory_space<semaphore_mem>>) src(%dma_wait3A_220 : memref<50048xf32, #tpu.memory_space<hbm>>) dst(%dma_wait3A_217 : memref<50048xf32, #tpu.memory_space<vmem>>)
    %parallel_loop3A_221 = arith.constant 0 : i32
    %parallel_loop3A_222 = arith.constant 512 : i32
    %parallel_loop3A_223 = arith.constant 1 : i32
    scf.for %parallel_loop3A_408 = %parallel_loop3A_221 to %parallel_loop3A_222 step %parallel_loop3A_223  : i32 {
      %parallel_loop3A_409 = arith.constant 16 : i32
      %parallel_loop3A_410 = arith.muli %parallel_loop3A_408, %parallel_loop3A_409 : i32
      %parallel_loop3A_411 = tpu.assume_multiple %parallel_loop3A_410, 16 : i32
      %parallel_loop3A_412 = arith.index_cast %parallel_loop3A_411 : i32 to index
      %parallel_loop3A_413 = tpu.vector_load %arg22[%parallel_loop3A_412] {strides = array<i32>} : memref<8192xi32, #tpu.memory_space<vmem>>, vector<16xi32>,
      %parallel_loop3A_414 = arith.constant 0 : i32
      %parallel_loop3A_415 = arith.addi %parallel_loop3A_414, %parallel_loop3A_411 : i32
      %parallel_loop3A_416 = arith.constant 50048 : i32
      %parallel_loop3A_417 = vector.broadcast %parallel_loop3A_416 : i32 to vector<16xi32>
      %parallel_loop3A_418 = arith.cmpi slt, %parallel_loop3A_413, %parallel_loop3A_417 : vector<16xi32>
      %parallel_loop3A_419 = tpu.vector_load_idx %arg20[%parallel_loop3A_413] masked %parallel_loop3A_418 : memref<50048xf32, #tpu.memory_space<vmem>>[vector<16xi32>], vector<16xf32>, vector<16xi1>
      %parallel_loop3A_420 = arith.index_cast %parallel_loop3A_415 : i32 to index
      %parallel_loop3A_421 = tpu.vector_load %arg24[%parallel_loop3A_420] {strides = array<i32>} : memref<16384xf32, #tpu.memory_space<vmem>>, vector<16xf32>,
      tpu.vector_store %arg24[%parallel_loop3A_420], %parallel_loop3A_419 {strides = array<i32>} : memref<16384xf32, #tpu.memory_space<vmem>>, vector<16xf32>,
    } {sc.loop_unroll_factor = 8 : i64, sc.parallel_access}
    %parallel_loop3A_224 = arith.constant 0 : i32
    %parallel_loop3A_225 = arith.constant 512 : i32
    %parallel_loop3A_226 = arith.constant 1 : i32
    scf.for %parallel_loop3A_408 = %parallel_loop3A_224 to %parallel_loop3A_225 step %parallel_loop3A_226  : i32 {
      %parallel_loop3A_409 = arith.constant 16 : i32
      %parallel_loop3A_410 = arith.muli %parallel_loop3A_408, %parallel_loop3A_409 : i32
      %parallel_loop3A_411 = tpu.assume_multiple %parallel_loop3A_410, 16 : i32
      %parallel_loop3A_412 = arith.index_cast %parallel_loop3A_411 : i32 to index
      %parallel_loop3A_413 = tpu.vector_load %arg23[%parallel_loop3A_412] {strides = array<i32>} : memref<8192xi32, #tpu.memory_space<vmem>>, vector<16xi32>,
      %parallel_loop3A_414 = arith.constant 8192 : i32
      %parallel_loop3A_415 = arith.addi %parallel_loop3A_414, %parallel_loop3A_411 : i32
      %parallel_loop3A_416 = arith.constant 50048 : i32
      %parallel_loop3A_417 = vector.broadcast %parallel_loop3A_416 : i32 to vector<16xi32>
      %parallel_loop3A_418 = arith.cmpi slt, %parallel_loop3A_413, %parallel_loop3A_417 : vector<16xi32>
      %parallel_loop3A_419 = tpu.vector_load_idx %arg20[%parallel_loop3A_413] masked %parallel_loop3A_418 : memref<50048xf32, #tpu.memory_space<vmem>>[vector<16xi32>], vector<16xf32>, vector<16xi1>
      %parallel_loop3A_420 = arith.index_cast %parallel_loop3A_415 : i32 to index
      %parallel_loop3A_421 = tpu.vector_load %arg24[%parallel_loop3A_420] {strides = array<i32>} : memref<16384xf32, #tpu.memory_space<vmem>>, vector<16xf32>,
      tpu.vector_store %arg24[%parallel_loop3A_420], %parallel_loop3A_419 {strides = array<i32>} : memref<16384xf32, #tpu.memory_space<vmem>>, vector<16xf32>,
    } {sc.loop_unroll_factor = 8 : i64, sc.parallel_access}
    %dma_start3A_227 = arith.constant 0 : i32
    %dma_start3A_228 = tpu.memref_slice %arg20[%dma_start3A_227] : memref<50048xf32, #tpu.memory_space<vmem>> -> memref<49920xf32, #tpu.memory_space<vmem>>
    %dma_start3A_229 = arith.constant 50048 : i32
    %dma_start3A_230 = tpu.memref_slice %arg8[%add3A, %dma_start3A_229] : memref<32x100000xf32, #tpu.memory_space<hbm>> -> memref<1x49920xf32, #tpu.memory_space<hbm>>
    %dma_start3A_231 = tpu.memref_squeeze %dma_start3A_230 : memref<1x49920xf32, #tpu.memory_space<hbm>> -> memref<49920xf32, #tpu.memory_space<hbm>>
    %dma_start3A_232 = arith.constant 0 : i32
    %dma_start3A_233 = tpu.memref_slice %arg20[%dma_start3A_232] : memref<50048xf32, #tpu.memory_space<vmem>> -> memref<49920xf32, #tpu.memory_space<vmem>>
    %dma_start3A_234 = arith.constant 50048 : i32
    %dma_start3A_235 = tpu.memref_slice %arg8[%add3A, %dma_start3A_234] : memref<32x100000xf32, #tpu.memory_space<hbm>> -> memref<1x49920xf32, #tpu.memory_space<hbm>>
    %dma_start3A_236 = tpu.memref_squeeze %dma_start3A_235 : memref<1x49920xf32, #tpu.memory_space<hbm>> -> memref<49920xf32, #tpu.memory_space<hbm>>
    tpu.enqueue_dma source(%dma_start3A_236 : memref<49920xf32, #tpu.memory_space<hbm>>) target(%dma_start3A_233 : memref<49920xf32, #tpu.memory_space<vmem>>) target_semaphore(%arg30 : memref<!tpu.dma_semaphore, #tpu.memory_space<semaphore_mem>>)
    %dma_wait3A_237 = arith.constant 0 : i32
    %dma_wait3A_238 = tpu.memref_slice %arg20[%dma_wait3A_237] : memref<50048xf32, #tpu.memory_space<vmem>> -> memref<49920xf32, #tpu.memory_space<vmem>>
    %dma_wait3A_239 = arith.constant 50048 : i32
    %dma_wait3A_240 = tpu.memref_slice %arg8[%add3A, %dma_wait3A_239] : memref<32x100000xf32, #tpu.memory_space<hbm>> -> memref<1x49920xf32, #tpu.memory_space<hbm>>
    %dma_wait3A_241 = tpu.memref_squeeze %dma_wait3A_240 : memref<1x49920xf32, #tpu.memory_space<hbm>> -> memref<49920xf32, #tpu.memory_space<hbm>>
    %dma_wait3A_242 = arith.constant 0 : i32
    %dma_wait3A_243 = tpu.memref_slice %arg20[%dma_wait3A_242] : memref<50048xf32, #tpu.memory_space<vmem>> -> memref<49920xf32, #tpu.memory_space<vmem>>
    %dma_wait3A_244 = arith.constant 50048 : i32
    %dma_wait3A_245 = tpu.memref_slice %arg8[%add3A, %dma_wait3A_244] : memref<32x100000xf32, #tpu.memory_space<hbm>> -> memref<1x49920xf32, #tpu.memory_space<hbm>>
    %dma_wait3A_246 = tpu.memref_squeeze %dma_wait3A_245 : memref<1x49920xf32, #tpu.memory_space<hbm>> -> memref<49920xf32, #tpu.memory_space<hbm>>
    tpu.wait_dma2 semaphore(%arg30 : memref<!tpu.dma_semaphore, #tpu.memory_space<semaphore_mem>>) src(%dma_wait3A_246 : memref<49920xf32, #tpu.memory_space<hbm>>) dst(%dma_wait3A_243 : memref<49920xf32, #tpu.memory_space<vmem>>)
    %mul3A_247 = arith.constant 32 : i32
    %mul3A_248 = arith.muli %add3A, %mul3A_247 : i32
    %get3A_249 = arith.index_cast %mul3A_248 : i32 to index
    %get3A_250 = tpu.vector_load %arg21[%get3A_249] {strides = array<i32>} : memref<1024xf32, #tpu.memory_space<vmem>>, vector<16xf32>,
    %swap3A_251 = arith.constant 49920 : index
    %swap3A_252 = tpu.vector_load %arg20[%swap3A_251] {strides = array<i32>} : memref<50048xf32, #tpu.memory_space<vmem>>, vector<16xf32>,
    tpu.vector_store %arg20[%swap3A_251], %get3A_250 {strides = array<i32>} : memref<50048xf32, #tpu.memory_space<vmem>>, vector<16xf32>,
    %mul3A_253 = arith.constant 32 : i32
    %mul3A_254 = arith.muli %add3A, %mul3A_253 : i32
    %add3A_255 = arith.constant 16 : i32
    %add3A_256 = arith.addi %mul3A_254, %add3A_255 : i32
    %get3A_257 = arith.index_cast %add3A_256 : i32 to index
    %get3A_258 = tpu.vector_load %arg21[%get3A_257] {strides = array<i32>} : memref<1024xf32, #tpu.memory_space<vmem>>, vector<16xf32>,
    %swap3A_259 = arith.constant 49936 : index
    %swap3A_260 = tpu.vector_load %arg20[%swap3A_259] {strides = array<i32>} : memref<50048xf32, #tpu.memory_space<vmem>>, vector<16xf32>,
    tpu.vector_store %arg20[%swap3A_259], %get3A_258 {strides = array<i32>} : memref<50048xf32, #tpu.memory_space<vmem>>, vector<16xf32>,
    %parallel_loop3A_261 = arith.constant 0 : i32
    %parallel_loop3A_262 = arith.constant 512 : i32
    %parallel_loop3A_263 = arith.constant 1 : i32
    scf.for %parallel_loop3A_408 = %parallel_loop3A_261 to %parallel_loop3A_262 step %parallel_loop3A_263  : i32 {
      %parallel_loop3A_409 = arith.constant 16 : i32
      %parallel_loop3A_410 = arith.muli %parallel_loop3A_408, %parallel_loop3A_409 : i32
      %parallel_loop3A_411 = tpu.assume_multiple %parallel_loop3A_410, 16 : i32
      %parallel_loop3A_412 = arith.index_cast %parallel_loop3A_411 : i32 to index
      %parallel_loop3A_413 = tpu.vector_load %arg22[%parallel_loop3A_412] {strides = array<i32>} : memref<8192xi32, #tpu.memory_space<vmem>>, vector<16xi32>,
      %parallel_loop3A_414 = arith.constant 0 : i32
      %parallel_loop3A_415 = arith.addi %parallel_loop3A_414, %parallel_loop3A_411 : i32
      %parallel_loop3A_416 = arith.constant 50048 : i32
      %parallel_loop3A_417 = vector.broadcast %parallel_loop3A_416 : i32 to vector<16xi32>
      %parallel_loop3A_418 = arith.cmpi sge, %parallel_loop3A_413, %parallel_loop3A_417 : vector<16xi32>
      %parallel_loop3A_419 = arith.constant 50048 : i32
      %parallel_loop3A_420 = vector.broadcast %parallel_loop3A_419 : i32 to vector<16xi32>
      %parallel_loop3A_421 = arith.subi %parallel_loop3A_413, %parallel_loop3A_420 : vector<16xi32>
      %parallel_loop3A_422 = arith.constant 0 : i32
      %parallel_loop3A_423 = vector.broadcast %parallel_loop3A_422 : i32 to vector<16xi32>
      %parallel_loop3A_424 = arith.maxsi %parallel_loop3A_421, %parallel_loop3A_423 : vector<16xi32>
      %parallel_loop3A_425 = tpu.vector_load_idx %arg20[%parallel_loop3A_424] masked %parallel_loop3A_418 : memref<50048xf32, #tpu.memory_space<vmem>>[vector<16xi32>], vector<16xf32>, vector<16xi1>
      %parallel_loop3A_426 = arith.index_cast %parallel_loop3A_415 : i32 to index
      %parallel_loop3A_427 = tpu.vector_load %arg24[%parallel_loop3A_426] {strides = array<i32>} : memref<16384xf32, #tpu.memory_space<vmem>>, vector<16xf32>,
      %parallel_loop3A_428 = arith.select %parallel_loop3A_418, %parallel_loop3A_425, %parallel_loop3A_427 : vector<16xi1>, vector<16xf32>
      %parallel_loop3A_429 = arith.index_cast %parallel_loop3A_415 : i32 to index
      %parallel_loop3A_430 = tpu.vector_load %arg24[%parallel_loop3A_429] {strides = array<i32>} : memref<16384xf32, #tpu.memory_space<vmem>>, vector<16xf32>,
      tpu.vector_store %arg24[%parallel_loop3A_429], %parallel_loop3A_428 {strides = array<i32>} : memref<16384xf32, #tpu.memory_space<vmem>>, vector<16xf32>,
    } {sc.loop_unroll_factor = 8 : i64, sc.parallel_access}
    %parallel_loop3A_264 = arith.constant 0 : i32
    %parallel_loop3A_265 = arith.constant 512 : i32
    %parallel_loop3A_266 = arith.constant 1 : i32
    scf.for %parallel_loop3A_408 = %parallel_loop3A_264 to %parallel_loop3A_265 step %parallel_loop3A_266  : i32 {
      %parallel_loop3A_409 = arith.constant 16 : i32
      %parallel_loop3A_410 = arith.muli %parallel_loop3A_408, %parallel_loop3A_409 : i32
      %parallel_loop3A_411 = tpu.assume_multiple %parallel_loop3A_410, 16 : i32
      %parallel_loop3A_412 = arith.index_cast %parallel_loop3A_411 : i32 to index
      %parallel_loop3A_413 = tpu.vector_load %arg23[%parallel_loop3A_412] {strides = array<i32>} : memref<8192xi32, #tpu.memory_space<vmem>>, vector<16xi32>,
      %parallel_loop3A_414 = arith.constant 8192 : i32
      %parallel_loop3A_415 = arith.addi %parallel_loop3A_414, %parallel_loop3A_411 : i32
      %parallel_loop3A_416 = arith.constant 50048 : i32
      %parallel_loop3A_417 = vector.broadcast %parallel_loop3A_416 : i32 to vector<16xi32>
      %parallel_loop3A_418 = arith.cmpi sge, %parallel_loop3A_413, %parallel_loop3A_417 : vector<16xi32>
      %parallel_loop3A_419 = arith.constant 50048 : i32
      %parallel_loop3A_420 = vector.broadcast %parallel_loop3A_419 : i32 to vector<16xi32>
      %parallel_loop3A_421 = arith.subi %parallel_loop3A_413, %parallel_loop3A_420 : vector<16xi32>
      %parallel_loop3A_422 = arith.constant 0 : i32
      %parallel_loop3A_423 = vector.broadcast %parallel_loop3A_422 : i32 to vector<16xi32>
      %parallel_loop3A_424 = arith.maxsi %parallel_loop3A_421, %parallel_loop3A_423 : vector<16xi32>
      %parallel_loop3A_425 = tpu.vector_load_idx %arg20[%parallel_loop3A_424] masked %parallel_loop3A_418 : memref<50048xf32, #tpu.memory_space<vmem>>[vector<16xi32>], vector<16xf32>, vector<16xi1>
      %parallel_loop3A_426 = arith.index_cast %parallel_loop3A_415 : i32 to index
      %parallel_loop3A_427 = tpu.vector_load %arg24[%parallel_loop3A_426] {strides = array<i32>} : memref<16384xf32, #tpu.memory_space<vmem>>, vector<16xf32>,
      %parallel_loop3A_428 = arith.select %parallel_loop3A_418, %parallel_loop3A_425, %parallel_loop3A_427 : vector<16xi1>, vector<16xf32>
      %parallel_loop3A_429 = arith.index_cast %parallel_loop3A_415 : i32 to index
      %parallel_loop3A_430 = tpu.vector_load %arg24[%parallel_loop3A_429] {strides = array<i32>} : memref<16384xf32, #tpu.memory_space<vmem>>, vector<16xf32>,
      tpu.vector_store %arg24[%parallel_loop3A_429], %parallel_loop3A_428 {strides = array<i32>} : memref<16384xf32, #tpu.memory_space<vmem>>, vector<16xf32>,
    } {sc.loop_unroll_factor = 8 : i64, sc.parallel_access}
    %dma_start3A_267 = arith.constant 0 : i32
    %dma_start3A_268 = tpu.memref_slice %arg16[%add3A, %dma_start3A_267] : memref<32x16384xf32, #tpu.memory_space<hbm>> -> memref<1x16384xf32, #tpu.memory_space<hbm>>
    %dma_start3A_269 = tpu.memref_squeeze %dma_start3A_268 : memref<1x16384xf32, #tpu.memory_space<hbm>> -> memref<16384xf32, #tpu.memory_space<hbm>>
    %dma_start3A_270 = arith.constant 0 : i32
    %dma_start3A_271 = tpu.memref_slice %arg16[%add3A, %dma_start3A_270] : memref<32x16384xf32, #tpu.memory_space<hbm>> -> memref<1x16384xf32, #tpu.memory_space<hbm>>
    %dma_start3A_272 = tpu.memref_squeeze %dma_start3A_271 : memref<1x16384xf32, #tpu.memory_space<hbm>> -> memref<16384xf32, #tpu.memory_space<hbm>>
    tpu.enqueue_dma source(%arg24 : memref<16384xf32, #tpu.memory_space<vmem>>) target(%dma_start3A_272 : memref<16384xf32, #tpu.memory_space<hbm>>) target_semaphore(%arg31 : memref<!tpu.dma_semaphore, #tpu.memory_space<semaphore_mem>>)
    "tpu.region"() ({
      %run_scoped3A = tpu.sem_alloc : memref<!tpu.dma_semaphore, #tpu.memory_space<semaphore_mem>>
      %dma_start3A_408 = arith.constant 0 : i32
      %dma_start3A_409 = tpu.memref_slice %arg5[%dma_start3A_408] : memref<16384xi32, #tpu.memory_space<hbm>> -> memref<8192xi32, #tpu.memory_space<hbm>>
      %dma_start3A_410 = arith.constant 0 : i32
      %dma_start3A_411 = tpu.memref_slice %arg5[%dma_start3A_410] : memref<16384xi32, #tpu.memory_space<hbm>> -> memref<8192xi32, #tpu.memory_space<hbm>>
      tpu.enqueue_dma source(%dma_start3A_411 : memref<8192xi32, #tpu.memory_space<hbm>>) target(%arg22 : memref<8192xi32, #tpu.memory_space<vmem>>) target_semaphore(%run_scoped3A : memref<!tpu.dma_semaphore, #tpu.memory_space<semaphore_mem>>)
      %dma_wait3A_412 = arith.constant 0 : i32
      %dma_wait3A_413 = tpu.memref_slice %arg5[%dma_wait3A_412] : memref<16384xi32, #tpu.memory_space<hbm>> -> memref<8192xi32, #tpu.memory_space<hbm>>
      %dma_wait3A_414 = arith.constant 0 : i32
      %dma_wait3A_415 = tpu.memref_slice %arg5[%dma_wait3A_414] : memref<16384xi32, #tpu.memory_space<hbm>> -> memref<8192xi32, #tpu.memory_space<hbm>>
      tpu.wait_dma2 semaphore(%run_scoped3A : memref<!tpu.dma_semaphore, #tpu.memory_space<semaphore_mem>>) src(%dma_wait3A_415 : memref<8192xi32, #tpu.memory_space<hbm>>) dst(%arg22 : memref<8192xi32, #tpu.memory_space<vmem>>)
      tpu.yield
    }) : () -> ()
    "tpu.region"() ({
      %run_scoped3A = tpu.sem_alloc : memref<!tpu.dma_semaphore, #tpu.memory_space<semaphore_mem>>
      %dma_start3A_408 = arith.constant 8192 : i32
      %dma_start3A_409 = tpu.memref_slice %arg5[%dma_start3A_408] : memref<16384xi32, #tpu.memory_space<hbm>> -> memref<8192xi32, #tpu.memory_space<hbm>>
      %dma_start3A_410 = arith.constant 8192 : i32
      %dma_start3A_411 = tpu.memref_slice %arg5[%dma_start3A_410] : memref<16384xi32, #tpu.memory_space<hbm>> -> memref<8192xi32, #tpu.memory_space<hbm>>
      tpu.enqueue_dma source(%dma_start3A_411 : memref<8192xi32, #tpu.memory_space<hbm>>) target(%arg23 : memref<8192xi32, #tpu.memory_space<vmem>>) target_semaphore(%run_scoped3A : memref<!tpu.dma_semaphore, #tpu.memory_space<semaphore_mem>>)
      %dma_wait3A_412 = arith.constant 8192 : i32
      %dma_wait3A_413 = tpu.memref_slice %arg5[%dma_wait3A_412] : memref<16384xi32, #tpu.memory_space<hbm>> -> memref<8192xi32, #tpu.memory_space<hbm>>
      %dma_wait3A_414 = arith.constant 8192 : i32
      %dma_wait3A_415 = tpu.memref_slice %arg5[%dma_wait3A_414] : memref<16384xi32, #tpu.memory_space<hbm>> -> memref<8192xi32, #tpu.memory_space<hbm>>
      tpu.wait_dma2 semaphore(%run_scoped3A : memref<!tpu.dma_semaphore, #tpu.memory_space<semaphore_mem>>) src(%dma_wait3A_415 : memref<8192xi32, #tpu.memory_space<hbm>>) dst(%arg23 : memref<8192xi32, #tpu.memory_space<vmem>>)
      tpu.yield
    }) : () -> ()
    "tpu.region"() ({
      %run_scoped3A = tpu.sem_alloc : memref<!tpu.dma_semaphore, #tpu.memory_space<semaphore_mem>>
      tpu.enqueue_dma source(%arg13 : memref<1024xf32, #tpu.memory_space<hbm>>) target(%arg21 : memref<1024xf32, #tpu.memory_space<vmem>>) target_semaphore(%run_scoped3A : memref<!tpu.dma_semaphore, #tpu.memory_space<semaphore_mem>>)
      tpu.wait_dma2 semaphore(%run_scoped3A : memref<!tpu.dma_semaphore, #tpu.memory_space<semaphore_mem>>) src(%arg13 : memref<1024xf32, #tpu.memory_space<hbm>>) dst(%arg21 : memref<1024xf32, #tpu.memory_space<vmem>>)
      tpu.yield
    }) : () -> ()
    %dma_start3A_273 = arith.constant 0 : i32
    %dma_start3A_274 = tpu.memref_slice %arg20[%dma_start3A_273] : memref<50048xf32, #tpu.memory_space<vmem>> -> memref<50048xf32, #tpu.memory_space<vmem>>
    %dma_start3A_275 = arith.constant 0 : i32
    %dma_start3A_276 = tpu.memref_slice %arg9[%add3A, %dma_start3A_275] : memref<32x100000xf32, #tpu.memory_space<hbm>> -> memref<1x50048xf32, #tpu.memory_space<hbm>>
    %dma_start3A_277 = tpu.memref_squeeze %dma_start3A_276 : memref<1x50048xf32, #tpu.memory_space<hbm>> -> memref<50048xf32, #tpu.memory_space<hbm>>
    %dma_start3A_278 = arith.constant 0 : i32
    %dma_start3A_279 = tpu.memref_slice %arg20[%dma_start3A_278] : memref<50048xf32, #tpu.memory_space<vmem>> -> memref<50048xf32, #tpu.memory_space<vmem>>
    %dma_start3A_280 = arith.constant 0 : i32
    %dma_start3A_281 = tpu.memref_slice %arg9[%add3A, %dma_start3A_280] : memref<32x100000xf32, #tpu.memory_space<hbm>> -> memref<1x50048xf32, #tpu.memory_space<hbm>>
    %dma_start3A_282 = tpu.memref_squeeze %dma_start3A_281 : memref<1x50048xf32, #tpu.memory_space<hbm>> -> memref<50048xf32, #tpu.memory_space<hbm>>
    tpu.enqueue_dma source(%dma_start3A_282 : memref<50048xf32, #tpu.memory_space<hbm>>) target(%dma_start3A_279 : memref<50048xf32, #tpu.memory_space<vmem>>) target_semaphore(%arg30 : memref<!tpu.dma_semaphore, #tpu.memory_space<semaphore_mem>>)
    %dma_wait3A_283 = arith.constant 0 : i32
    %dma_wait3A_284 = tpu.memref_slice %arg20[%dma_wait3A_283] : memref<50048xf32, #tpu.memory_space<vmem>> -> memref<50048xf32, #tpu.memory_space<vmem>>
    %dma_wait3A_285 = arith.constant 0 : i32
    %dma_wait3A_286 = tpu.memref_slice %arg9[%add3A, %dma_wait3A_285] : memref<32x100000xf32, #tpu.memory_space<hbm>> -> memref<1x50048xf32, #tpu.memory_space<hbm>>
    %dma_wait3A_287 = tpu.memref_squeeze %dma_wait3A_286 : memref<1x50048xf32, #tpu.memory_space<hbm>> -> memref<50048xf32, #tpu.memory_space<hbm>>
    %dma_wait3A_288 = arith.constant 0 : i32
    %dma_wait3A_289 = tpu.memref_slice %arg20[%dma_wait3A_288] : memref<50048xf32, #tpu.memory_space<vmem>> -> memref<50048xf32, #tpu.memory_space<vmem>>
    %dma_wait3A_290 = arith.constant 0 : i32
    %dma_wait3A_291 = tpu.memref_slice %arg9[%add3A, %dma_wait3A_290] : memref<32x100000xf32, #tpu.memory_space<hbm>> -> memref<1x50048xf32, #tpu.memory_space<hbm>>
    %dma_wait3A_292 = tpu.memref_squeeze %dma_wait3A_291 : memref<1x50048xf32, #tpu.memory_space<hbm>> -> memref<50048xf32, #tpu.memory_space<hbm>>
    tpu.wait_dma2 semaphore(%arg30 : memref<!tpu.dma_semaphore, #tpu.memory_space<semaphore_mem>>) src(%dma_wait3A_292 : memref<50048xf32, #tpu.memory_space<hbm>>) dst(%dma_wait3A_289 : memref<50048xf32, #tpu.memory_space<vmem>>)
    %parallel_loop3A_293 = arith.constant 0 : i32
    %parallel_loop3A_294 = arith.constant 512 : i32
    %parallel_loop3A_295 = arith.constant 1 : i32
    scf.for %parallel_loop3A_408 = %parallel_loop3A_293 to %parallel_loop3A_294 step %parallel_loop3A_295  : i32 {
      %parallel_loop3A_409 = arith.constant 16 : i32
      %parallel_loop3A_410 = arith.muli %parallel_loop3A_408, %parallel_loop3A_409 : i32
      %parallel_loop3A_411 = tpu.assume_multiple %parallel_loop3A_410, 16 : i32
      %parallel_loop3A_412 = arith.index_cast %parallel_loop3A_411 : i32 to index
      %parallel_loop3A_413 = tpu.vector_load %arg22[%parallel_loop3A_412] {strides = array<i32>} : memref<8192xi32, #tpu.memory_space<vmem>>, vector<16xi32>,
      %parallel_loop3A_414 = arith.constant 0 : i32
      %parallel_loop3A_415 = arith.addi %parallel_loop3A_414, %parallel_loop3A_411 : i32
      %parallel_loop3A_416 = arith.constant 50048 : i32
      %parallel_loop3A_417 = vector.broadcast %parallel_loop3A_416 : i32 to vector<16xi32>
      %parallel_loop3A_418 = arith.cmpi slt, %parallel_loop3A_413, %parallel_loop3A_417 : vector<16xi32>
      %parallel_loop3A_419 = tpu.vector_load_idx %arg20[%parallel_loop3A_413] masked %parallel_loop3A_418 : memref<50048xf32, #tpu.memory_space<vmem>>[vector<16xi32>], vector<16xf32>, vector<16xi1>
      %parallel_loop3A_420 = arith.index_cast %parallel_loop3A_415 : i32 to index
      %parallel_loop3A_421 = tpu.vector_load %arg25[%parallel_loop3A_420] {strides = array<i32>} : memref<16384xf32, #tpu.memory_space<vmem>>, vector<16xf32>,
      tpu.vector_store %arg25[%parallel_loop3A_420], %parallel_loop3A_419 {strides = array<i32>} : memref<16384xf32, #tpu.memory_space<vmem>>, vector<16xf32>,
    } {sc.loop_unroll_factor = 8 : i64, sc.parallel_access}
    %parallel_loop3A_296 = arith.constant 0 : i32
    %parallel_loop3A_297 = arith.constant 512 : i32
    %parallel_loop3A_298 = arith.constant 1 : i32
    scf.for %parallel_loop3A_408 = %parallel_loop3A_296 to %parallel_loop3A_297 step %parallel_loop3A_298  : i32 {
      %parallel_loop3A_409 = arith.constant 16 : i32
      %parallel_loop3A_410 = arith.muli %parallel_loop3A_408, %parallel_loop3A_409 : i32
      %parallel_loop3A_411 = tpu.assume_multiple %parallel_loop3A_410, 16 : i32
      %parallel_loop3A_412 = arith.index_cast %parallel_loop3A_411 : i32 to index
      %parallel_loop3A_413 = tpu.vector_load %arg23[%parallel_loop3A_412] {strides = array<i32>} : memref<8192xi32, #tpu.memory_space<vmem>>, vector<16xi32>,
      %parallel_loop3A_414 = arith.constant 8192 : i32
      %parallel_loop3A_415 = arith.addi %parallel_loop3A_414, %parallel_loop3A_411 : i32
      %parallel_loop3A_416 = arith.constant 50048 : i32
      %parallel_loop3A_417 = vector.broadcast %parallel_loop3A_416 : i32 to vector<16xi32>
      %parallel_loop3A_418 = arith.cmpi slt, %parallel_loop3A_413, %parallel_loop3A_417 : vector<16xi32>
      %parallel_loop3A_419 = tpu.vector_load_idx %arg20[%parallel_loop3A_413] masked %parallel_loop3A_418 : memref<50048xf32, #tpu.memory_space<vmem>>[vector<16xi32>], vector<16xf32>, vector<16xi1>
      %parallel_loop3A_420 = arith.index_cast %parallel_loop3A_415 : i32 to index
      %parallel_loop3A_421 = tpu.vector_load %arg25[%parallel_loop3A_420] {strides = array<i32>} : memref<16384xf32, #tpu.memory_space<vmem>>, vector<16xf32>,
      tpu.vector_store %arg25[%parallel_loop3A_420], %parallel_loop3A_419 {strides = array<i32>} : memref<16384xf32, #tpu.memory_space<vmem>>, vector<16xf32>,
    } {sc.loop_unroll_factor = 8 : i64, sc.parallel_access}
    %dma_start3A_299 = arith.constant 0 : i32
    %dma_start3A_300 = tpu.memref_slice %arg20[%dma_start3A_299] : memref<50048xf32, #tpu.memory_space<vmem>> -> memref<49920xf32, #tpu.memory_space<vmem>>
    %dma_start3A_301 = arith.constant 50048 : i32
    %dma_start3A_302 = tpu.memref_slice %arg9[%add3A, %dma_start3A_301] : memref<32x100000xf32, #tpu.memory_space<hbm>> -> memref<1x49920xf32, #tpu.memory_space<hbm>>
    %dma_start3A_303 = tpu.memref_squeeze %dma_start3A_302 : memref<1x49920xf32, #tpu.memory_space<hbm>> -> memref<49920xf32, #tpu.memory_space<hbm>>
    %dma_start3A_304 = arith.constant 0 : i32
    %dma_start3A_305 = tpu.memref_slice %arg20[%dma_start3A_304] : memref<50048xf32, #tpu.memory_space<vmem>> -> memref<49920xf32, #tpu.memory_space<vmem>>
    %dma_start3A_306 = arith.constant 50048 : i32
    %dma_start3A_307 = tpu.memref_slice %arg9[%add3A, %dma_start3A_306] : memref<32x100000xf32, #tpu.memory_space<hbm>> -> memref<1x49920xf32, #tpu.memory_space<hbm>>
    %dma_start3A_308 = tpu.memref_squeeze %dma_start3A_307 : memref<1x49920xf32, #tpu.memory_space<hbm>> -> memref<49920xf32, #tpu.memory_space<hbm>>
    tpu.enqueue_dma source(%dma_start3A_308 : memref<49920xf32, #tpu.memory_space<hbm>>) target(%dma_start3A_305 : memref<49920xf32, #tpu.memory_space<vmem>>) target_semaphore(%arg30 : memref<!tpu.dma_semaphore, #tpu.memory_space<semaphore_mem>>)
    %dma_wait3A_309 = arith.constant 0 : i32
    %dma_wait3A_310 = tpu.memref_slice %arg20[%dma_wait3A_309] : memref<50048xf32, #tpu.memory_space<vmem>> -> memref<49920xf32, #tpu.memory_space<vmem>>
    %dma_wait3A_311 = arith.constant 50048 : i32
    %dma_wait3A_312 = tpu.memref_slice %arg9[%add3A, %dma_wait3A_311] : memref<32x100000xf32, #tpu.memory_space<hbm>> -> memref<1x49920xf32, #tpu.memory_space<hbm>>
    %dma_wait3A_313 = tpu.memref_squeeze %dma_wait3A_312 : memref<1x49920xf32, #tpu.memory_space<hbm>> -> memref<49920xf32, #tpu.memory_space<hbm>>
    %dma_wait3A_314 = arith.constant 0 : i32
    %dma_wait3A_315 = tpu.memref_slice %arg20[%dma_wait3A_314] : memref<50048xf32, #tpu.memory_space<vmem>> -> memref<49920xf32, #tpu.memory_space<vmem>>
    %dma_wait3A_316 = arith.constant 50048 : i32
    %dma_wait3A_317 = tpu.memref_slice %arg9[%add3A, %dma_wait3A_316] : memref<32x100000xf32, #tpu.memory_space<hbm>> -> memref<1x49920xf32, #tpu.memory_space<hbm>>
    %dma_wait3A_318 = tpu.memref_squeeze %dma_wait3A_317 : memref<1x49920xf32, #tpu.memory_space<hbm>> -> memref<49920xf32, #tpu.memory_space<hbm>>
    tpu.wait_dma2 semaphore(%arg30 : memref<!tpu.dma_semaphore, #tpu.memory_space<semaphore_mem>>) src(%dma_wait3A_318 : memref<49920xf32, #tpu.memory_space<hbm>>) dst(%dma_wait3A_315 : memref<49920xf32, #tpu.memory_space<vmem>>)
    %mul3A_319 = arith.constant 32 : i32
    %mul3A_320 = arith.muli %add3A, %mul3A_319 : i32
    %get3A_321 = arith.index_cast %mul3A_320 : i32 to index
    %get3A_322 = tpu.vector_load %arg21[%get3A_321] {strides = array<i32>} : memref<1024xf32, #tpu.memory_space<vmem>>, vector<16xf32>,
    %swap3A_323 = arith.constant 49920 : index
    %swap3A_324 = tpu.vector_load %arg20[%swap3A_323] {strides = array<i32>} : memref<50048xf32, #tpu.memory_space<vmem>>, vector<16xf32>,
    tpu.vector_store %arg20[%swap3A_323], %get3A_322 {strides = array<i32>} : memref<50048xf32, #tpu.memory_space<vmem>>, vector<16xf32>,
    %mul3A_325 = arith.constant 32 : i32
    %mul3A_326 = arith.muli %add3A, %mul3A_325 : i32
    %add3A_327 = arith.constant 16 : i32
    %add3A_328 = arith.addi %mul3A_326, %add3A_327 : i32
    %get3A_329 = arith.index_cast %add3A_328 : i32 to index
    %get3A_330 = tpu.vector_load %arg21[%get3A_329] {strides = array<i32>} : memref<1024xf32, #tpu.memory_space<vmem>>, vector<16xf32>,
    %swap3A_331 = arith.constant 49936 : index
    %swap3A_332 = tpu.vector_load %arg20[%swap3A_331] {strides = array<i32>} : memref<50048xf32, #tpu.memory_space<vmem>>, vector<16xf32>,
    tpu.vector_store %arg20[%swap3A_331], %get3A_330 {strides = array<i32>} : memref<50048xf32, #tpu.memory_space<vmem>>, vector<16xf32>,
    %parallel_loop3A_333 = arith.constant 0 : i32
    %parallel_loop3A_334 = arith.constant 512 : i32
    %parallel_loop3A_335 = arith.constant 1 : i32
    scf.for %parallel_loop3A_408 = %parallel_loop3A_333 to %parallel_loop3A_334 step %parallel_loop3A_335  : i32 {
      %parallel_loop3A_409 = arith.constant 16 : i32
      %parallel_loop3A_410 = arith.muli %parallel_loop3A_408, %parallel_loop3A_409 : i32
      %parallel_loop3A_411 = tpu.assume_multiple %parallel_loop3A_410, 16 : i32
      %parallel_loop3A_412 = arith.index_cast %parallel_loop3A_411 : i32 to index
      %parallel_loop3A_413 = tpu.vector_load %arg22[%parallel_loop3A_412] {strides = array<i32>} : memref<8192xi32, #tpu.memory_space<vmem>>, vector<16xi32>,
      %parallel_loop3A_414 = arith.constant 0 : i32
      %parallel_loop3A_415 = arith.addi %parallel_loop3A_414, %parallel_loop3A_411 : i32
      %parallel_loop3A_416 = arith.constant 50048 : i32
      %parallel_loop3A_417 = vector.broadcast %parallel_loop3A_416 : i32 to vector<16xi32>
      %parallel_loop3A_418 = arith.cmpi sge, %parallel_loop3A_413, %parallel_loop3A_417 : vector<16xi32>
      %parallel_loop3A_419 = arith.constant 50048 : i32
      %parallel_loop3A_420 = vector.broadcast %parallel_loop3A_419 : i32 to vector<16xi32>
      %parallel_loop3A_421 = arith.subi %parallel_loop3A_413, %parallel_loop3A_420 : vector<16xi32>
      %parallel_loop3A_422 = arith.constant 0 : i32
      %parallel_loop3A_423 = vector.broadcast %parallel_loop3A_422 : i32 to vector<16xi32>
      %parallel_loop3A_424 = arith.maxsi %parallel_loop3A_421, %parallel_loop3A_423 : vector<16xi32>
      %parallel_loop3A_425 = tpu.vector_load_idx %arg20[%parallel_loop3A_424] masked %parallel_loop3A_418 : memref<50048xf32, #tpu.memory_space<vmem>>[vector<16xi32>], vector<16xf32>, vector<16xi1>
      %parallel_loop3A_426 = arith.index_cast %parallel_loop3A_415 : i32 to index
      %parallel_loop3A_427 = tpu.vector_load %arg25[%parallel_loop3A_426] {strides = array<i32>} : memref<16384xf32, #tpu.memory_space<vmem>>, vector<16xf32>,
      %parallel_loop3A_428 = arith.select %parallel_loop3A_418, %parallel_loop3A_425, %parallel_loop3A_427 : vector<16xi1>, vector<16xf32>
      %parallel_loop3A_429 = arith.index_cast %parallel_loop3A_415 : i32 to index
      %parallel_loop3A_430 = tpu.vector_load %arg25[%parallel_loop3A_429] {strides = array<i32>} : memref<16384xf32, #tpu.memory_space<vmem>>, vector<16xf32>,
      tpu.vector_store %arg25[%parallel_loop3A_429], %parallel_loop3A_428 {strides = array<i32>} : memref<16384xf32, #tpu.memory_space<vmem>>, vector<16xf32>,
    } {sc.loop_unroll_factor = 8 : i64, sc.parallel_access}
    %parallel_loop3A_336 = arith.constant 0 : i32
    %parallel_loop3A_337 = arith.constant 512 : i32
    %parallel_loop3A_338 = arith.constant 1 : i32
    scf.for %parallel_loop3A_408 = %parallel_loop3A_336 to %parallel_loop3A_337 step %parallel_loop3A_338  : i32 {
      %parallel_loop3A_409 = arith.constant 16 : i32
      %parallel_loop3A_410 = arith.muli %parallel_loop3A_408, %parallel_loop3A_409 : i32
      %parallel_loop3A_411 = tpu.assume_multiple %parallel_loop3A_410, 16 : i32
      %parallel_loop3A_412 = arith.index_cast %parallel_loop3A_411 : i32 to index
      %parallel_loop3A_413 = tpu.vector_load %arg23[%parallel_loop3A_412] {strides = array<i32>} : memref<8192xi32, #tpu.memory_space<vmem>>, vector<16xi32>,
      %parallel_loop3A_414 = arith.constant 8192 : i32
      %parallel_loop3A_415 = arith.addi %parallel_loop3A_414, %parallel_loop3A_411 : i32
      %parallel_loop3A_416 = arith.constant 50048 : i32
      %parallel_loop3A_417 = vector.broadcast %parallel_loop3A_416 : i32 to vector<16xi32>
      %parallel_loop3A_418 = arith.cmpi sge, %parallel_loop3A_413, %parallel_loop3A_417 : vector<16xi32>
      %parallel_loop3A_419 = arith.constant 50048 : i32
      %parallel_loop3A_420 = vector.broadcast %parallel_loop3A_419 : i32 to vector<16xi32>
      %parallel_loop3A_421 = arith.subi %parallel_loop3A_413, %parallel_loop3A_420 : vector<16xi32>
      %parallel_loop3A_422 = arith.constant 0 : i32
      %parallel_loop3A_423 = vector.broadcast %parallel_loop3A_422 : i32 to vector<16xi32>
      %parallel_loop3A_424 = arith.maxsi %parallel_loop3A_421, %parallel_loop3A_423 : vector<16xi32>
      %parallel_loop3A_425 = tpu.vector_load_idx %arg20[%parallel_loop3A_424] masked %parallel_loop3A_418 : memref<50048xf32, #tpu.memory_space<vmem>>[vector<16xi32>], vector<16xf32>, vector<16xi1>
      %parallel_loop3A_426 = arith.index_cast %parallel_loop3A_415 : i32 to index
      %parallel_loop3A_427 = tpu.vector_load %arg25[%parallel_loop3A_426] {strides = array<i32>} : memref<16384xf32, #tpu.memory_space<vmem>>, vector<16xf32>,
      %parallel_loop3A_428 = arith.select %parallel_loop3A_418, %parallel_loop3A_425, %parallel_loop3A_427 : vector<16xi1>, vector<16xf32>
      %parallel_loop3A_429 = arith.index_cast %parallel_loop3A_415 : i32 to index
      %parallel_loop3A_430 = tpu.vector_load %arg25[%parallel_loop3A_429] {strides = array<i32>} : memref<16384xf32, #tpu.memory_space<vmem>>, vector<16xf32>,
      tpu.vector_store %arg25[%parallel_loop3A_429], %parallel_loop3A_428 {strides = array<i32>} : memref<16384xf32, #tpu.memory_space<vmem>>, vector<16xf32>,
    } {sc.loop_unroll_factor = 8 : i64, sc.parallel_access}
    %dma_start3A_339 = arith.constant 0 : i32
    %dma_start3A_340 = tpu.memref_slice %arg17[%add3A, %dma_start3A_339] : memref<32x16384xf32, #tpu.memory_space<hbm>> -> memref<1x16384xf32, #tpu.memory_space<hbm>>
    %dma_start3A_341 = tpu.memref_squeeze %dma_start3A_340 : memref<1x16384xf32, #tpu.memory_space<hbm>> -> memref<16384xf32, #tpu.memory_space<hbm>>
    %dma_start3A_342 = arith.constant 0 : i32
    %dma_start3A_343 = tpu.memref_slice %arg17[%add3A, %dma_start3A_342] : memref<32x16384xf32, #tpu.memory_space<hbm>> -> memref<1x16384xf32, #tpu.memory_space<hbm>>
    %dma_start3A_344 = tpu.memref_squeeze %dma_start3A_343 : memref<1x16384xf32, #tpu.memory_space<hbm>> -> memref<16384xf32, #tpu.memory_space<hbm>>
    tpu.enqueue_dma source(%arg25 : memref<16384xf32, #tpu.memory_space<vmem>>) target(%dma_start3A_344 : memref<16384xf32, #tpu.memory_space<hbm>>) target_semaphore(%arg31 : memref<!tpu.dma_semaphore, #tpu.memory_space<semaphore_mem>>)
    %parallel_loop3A_345 = arith.constant 0 : i32
    %parallel_loop3A_346 = arith.constant 1024 : i32
    %parallel_loop3A_347 = arith.constant 1 : i32
    scf.for %parallel_loop3A_408 = %parallel_loop3A_345 to %parallel_loop3A_346 step %parallel_loop3A_347  : i32 {
      %parallel_loop3A_409 = arith.constant 16 : i32
      %parallel_loop3A_410 = arith.muli %parallel_loop3A_408, %parallel_loop3A_409 : i32
      %parallel_loop3A_411 = tpu.assume_multiple %parallel_loop3A_410, 16 : i32
      %parallel_loop3A_412 = arith.index_cast %parallel_loop3A_411 : i32 to index
      %parallel_loop3A_413 = tpu.vector_load %arg24[%parallel_loop3A_412] {strides = array<i32>} : memref<16384xf32, #tpu.memory_space<vmem>>, vector<16xf32>,
      %parallel_loop3A_414 = arith.index_cast %parallel_loop3A_411 : i32 to index
      %parallel_loop3A_415 = tpu.vector_load %arg25[%parallel_loop3A_414] {strides = array<i32>} : memref<16384xf32, #tpu.memory_space<vmem>>, vector<16xf32>,
      %parallel_loop3A_416 = arith.mulf %parallel_loop3A_413, %parallel_loop3A_415 : vector<16xf32>
      %parallel_loop3A_417 = arith.index_cast %parallel_loop3A_411 : i32 to index
      %parallel_loop3A_418 = tpu.vector_load %arg26[%parallel_loop3A_417] {strides = array<i32>} : memref<16384xf32, #tpu.memory_space<vmem>>, vector<16xf32>,
      tpu.vector_store %arg26[%parallel_loop3A_417], %parallel_loop3A_416 {strides = array<i32>} : memref<16384xf32, #tpu.memory_space<vmem>>, vector<16xf32>,
    } {sc.loop_unroll_factor = 8 : i64, sc.parallel_access}
    %dma_wait3A_348 = arith.constant 0 : i32
    %dma_wait3A_349 = tpu.memref_slice %arg16[%add3A, %dma_wait3A_348] : memref<32x16384xf32, #tpu.memory_space<hbm>> -> memref<1x16384xf32, #tpu.memory_space<hbm>>
    %dma_wait3A_350 = tpu.memref_squeeze %dma_wait3A_349 : memref<1x16384xf32, #tpu.memory_space<hbm>> -> memref<16384xf32, #tpu.memory_space<hbm>>
    %dma_wait3A_351 = arith.constant 0 : i32
    %dma_wait3A_352 = tpu.memref_slice %arg16[%add3A, %dma_wait3A_351] : memref<32x16384xf32, #tpu.memory_space<hbm>> -> memref<1x16384xf32, #tpu.memory_space<hbm>>
    %dma_wait3A_353 = tpu.memref_squeeze %dma_wait3A_352 : memref<1x16384xf32, #tpu.memory_space<hbm>> -> memref<16384xf32, #tpu.memory_space<hbm>>
    tpu.wait_dma2 semaphore(%arg31 : memref<!tpu.dma_semaphore, #tpu.memory_space<semaphore_mem>>) src(%arg24 : memref<16384xf32, #tpu.memory_space<vmem>>) dst(%dma_wait3A_353 : memref<16384xf32, #tpu.memory_space<hbm>>)
    %dma_wait3A_354 = arith.constant 0 : i32
    %dma_wait3A_355 = tpu.memref_slice %arg17[%add3A, %dma_wait3A_354] : memref<32x16384xf32, #tpu.memory_space<hbm>> -> memref<1x16384xf32, #tpu.memory_space<hbm>>
    %dma_wait3A_356 = tpu.memref_squeeze %dma_wait3A_355 : memref<1x16384xf32, #tpu.memory_space<hbm>> -> memref<16384xf32, #tpu.memory_space<hbm>>
    %dma_wait3A_357 = arith.constant 0 : i32
    %dma_wait3A_358 = tpu.memref_slice %arg17[%add3A, %dma_wait3A_357] : memref<32x16384xf32, #tpu.memory_space<hbm>> -> memref<1x16384xf32, #tpu.memory_space<hbm>>
    %dma_wait3A_359 = tpu.memref_squeeze %dma_wait3A_358 : memref<1x16384xf32, #tpu.memory_space<hbm>> -> memref<16384xf32, #tpu.memory_space<hbm>>
    tpu.wait_dma2 semaphore(%arg31 : memref<!tpu.dma_semaphore, #tpu.memory_space<semaphore_mem>>) src(%arg25 : memref<16384xf32, #tpu.memory_space<vmem>>) dst(%dma_wait3A_359 : memref<16384xf32, #tpu.memory_space<hbm>>)
    "tpu.region"() ({
      %run_scoped3A = tpu.sem_alloc : memref<!tpu.dma_semaphore, #tpu.memory_space<semaphore_mem>>
      %dma_start3A_408 = arith.constant 0 : i32
      %dma_start3A_409 = tpu.memref_slice %arg26[%dma_start3A_408] : memref<16384xf32, #tpu.memory_space<vmem>> -> memref<4096xf32, #tpu.memory_space<vmem>>
      %dma_start3A_410 = arith.constant 0 : i32
      %dma_start3A_411 = tpu.memref_slice %arg29[%arg1, %dma_start3A_410] : memref<16x4096xf32, #tpu.memory_space<vmem_shared>> -> memref<1x4096xf32, #tpu.memory_space<vmem_shared>>
      %dma_start3A_412 = tpu.memref_squeeze %dma_start3A_411 : memref<1x4096xf32, #tpu.memory_space<vmem_shared>> -> memref<4096xf32, #tpu.memory_space<vmem_shared>>
      %dma_start3A_413 = arith.constant 0 : i32
      %dma_start3A_414 = tpu.memref_slice %arg29[%arg1, %dma_start3A_413] : memref<16x4096xf32, #tpu.memory_space<vmem_shared>> -> memref<1x4096xf32, #tpu.memory_space<vmem_shared>>
      %dma_start3A_415 = tpu.memref_squeeze %dma_start3A_414 : memref<1x4096xf32, #tpu.memory_space<vmem_shared>> -> memref<4096xf32, #tpu.memory_space<vmem_shared>>
      %dma_start3A_416 = arith.constant 0 : i32
      %dma_start3A_417 = tpu.memref_slice %arg26[%dma_start3A_416] : memref<16384xf32, #tpu.memory_space<vmem>> -> memref<4096xf32, #tpu.memory_space<vmem>>
      tpu.enqueue_dma source(%dma_start3A_417 : memref<4096xf32, #tpu.memory_space<vmem>>) target(%dma_start3A_415 : memref<4096xf32, #tpu.memory_space<vmem_shared>>) target_semaphore(%run_scoped3A : memref<!tpu.dma_semaphore, #tpu.memory_space<semaphore_mem>>)
      %dma_wait3A_418 = arith.constant 0 : i32
      %dma_wait3A_419 = tpu.memref_slice %arg26[%dma_wait3A_418] : memref<16384xf32, #tpu.memory_space<vmem>> -> memref<4096xf32, #tpu.memory_space<vmem>>
      %dma_wait3A_420 = arith.constant 0 : i32
      %dma_wait3A_421 = tpu.memref_slice %arg29[%arg1, %dma_wait3A_420] : memref<16x4096xf32, #tpu.memory_space<vmem_shared>> -> memref<1x4096xf32, #tpu.memory_space<vmem_shared>>
      %dma_wait3A_422 = tpu.memref_squeeze %dma_wait3A_421 : memref<1x4096xf32, #tpu.memory_space<vmem_shared>> -> memref<4096xf32, #tpu.memory_space<vmem_shared>>
      %dma_wait3A_423 = arith.constant 0 : i32
      %dma_wait3A_424 = tpu.memref_slice %arg29[%arg1, %dma_wait3A_423] : memref<16x4096xf32, #tpu.memory_space<vmem_shared>> -> memref<1x4096xf32, #tpu.memory_space<vmem_shared>>
      %dma_wait3A_425 = tpu.memref_squeeze %dma_wait3A_424 : memref<1x4096xf32, #tpu.memory_space<vmem_shared>> -> memref<4096xf32, #tpu.memory_space<vmem_shared>>
      %dma_wait3A_426 = arith.constant 0 : i32
      %dma_wait3A_427 = tpu.memref_slice %arg26[%dma_wait3A_426] : memref<16384xf32, #tpu.memory_space<vmem>> -> memref<4096xf32, #tpu.memory_space<vmem>>
      tpu.wait_dma2 semaphore(%run_scoped3A : memref<!tpu.dma_semaphore, #tpu.memory_space<semaphore_mem>>) src(%dma_wait3A_427 : memref<4096xf32, #tpu.memory_space<vmem>>) dst(%dma_wait3A_425 : memref<4096xf32, #tpu.memory_space<vmem_shared>>)
      tpu.yield
    }) : () -> ()
    %barrier3A_360 = arith.constant 0 : index
    tpu.barrier barrier_id(%barrier3A_360)
    %mul3A_361 = arith.constant 256 : i32
    %mul3A_362 = arith.muli %arg1, %mul3A_361 : i32
    "tpu.region"() ({
      %run_scoped3A = tpu.sem_alloc : memref<!tpu.dma_semaphore, #tpu.memory_space<semaphore_mem>>
      %dma_start3A_408 = arith.constant 0 : i32
      %dma_start3A_409 = tpu.memref_slice %arg29[%dma_start3A_408, %mul3A_362] : memref<16x4096xf32, #tpu.memory_space<vmem_shared>> -> memref<16x256xf32, #tpu.memory_space<vmem_shared>>
      %dma_start3A_410 = arith.constant 0 : i32
      %dma_start3A_411 = tpu.memref_slice %arg29[%dma_start3A_410, %mul3A_362] : memref<16x4096xf32, #tpu.memory_space<vmem_shared>> -> memref<16x256xf32, #tpu.memory_space<vmem_shared>>
      tpu.enqueue_dma source(%dma_start3A_411 : memref<16x256xf32, #tpu.memory_space<vmem_shared>>) target(%arg27 : memref<16x256xf32, #tpu.memory_space<vmem>>) target_semaphore(%run_scoped3A : memref<!tpu.dma_semaphore, #tpu.memory_space<semaphore_mem>>)
      %dma_wait3A_412 = arith.constant 0 : i32
      %dma_wait3A_413 = tpu.memref_slice %arg29[%dma_wait3A_412, %mul3A_362] : memref<16x4096xf32, #tpu.memory_space<vmem_shared>> -> memref<16x256xf32, #tpu.memory_space<vmem_shared>>
      %dma_wait3A_414 = arith.constant 0 : i32
      %dma_wait3A_415 = tpu.memref_slice %arg29[%dma_wait3A_414, %mul3A_362] : memref<16x4096xf32, #tpu.memory_space<vmem_shared>> -> memref<16x256xf32, #tpu.memory_space<vmem_shared>>
      tpu.wait_dma2 semaphore(%run_scoped3A : memref<!tpu.dma_semaphore, #tpu.memory_space<semaphore_mem>>) src(%dma_wait3A_415 : memref<16x256xf32, #tpu.memory_space<vmem_shared>>) dst(%arg27 : memref<16x256xf32, #tpu.memory_space<vmem>>)
      tpu.yield
    }) : () -> ()
    %scan3A_363 = arith.constant 0 : i32
    %scan3A_364 = arith.constant 0 : i32
    %scan3A_365 = arith.constant 16 : i32
    %scan3A_366 = arith.addi %scan3A_364, %scan3A_365 : i32
    %scan3A_367 = arith.constant 1 : i32
    scf.for %scan3A_408 = %scan3A_364 to %scan3A_366 step %scan3A_367  : i32 {
      %mul3A_409 = arith.constant 16 : i32
      %mul3A_410 = arith.muli %scan3A_408, %mul3A_409 : i32
      %multiple_of3A = tpu.assume_multiple %mul3A_410, 16 : i32
      %broadcast_in_dim3A = arith.constant 0.000000e+00 : f32
      %broadcast_in_dim3A_411 = vector.broadcast %broadcast_in_dim3A : f32 to vector<16xf32>
      %get3A_412 = arith.constant 0 : i32
      %get3A_413 = arith.index_cast %get3A_412 : i32 to index
      %get3A_414 = arith.index_cast %multiple_of3A : i32 to index
      %get3A_415 = tpu.vector_load %arg27[%get3A_413, %get3A_414] {strides = array<i32>} : memref<16x256xf32, #tpu.memory_space<vmem>>, vector<16xf32>,
      %add3A_416 = arith.addf %broadcast_in_dim3A_411, %get3A_415 : vector<16xf32>
      %get3A_417 = arith.constant 1 : i32
      %get3A_418 = arith.index_cast %get3A_417 : i32 to index
      %get3A_419 = arith.index_cast %multiple_of3A : i32 to index
      %get3A_420 = tpu.vector_load %arg27[%get3A_418, %get3A_419] {strides = array<i32>} : memref<16x256xf32, #tpu.memory_space<vmem>>, vector<16xf32>,
      %add3A_421 = arith.addf %add3A_416, %get3A_420 : vector<16xf32>
      %get3A_422 = arith.constant 2 : i32
      %get3A_423 = arith.index_cast %get3A_422 : i32 to index
      %get3A_424 = arith.index_cast %multiple_of3A : i32 to index
      %get3A_425 = tpu.vector_load %arg27[%get3A_423, %get3A_424] {strides = array<i32>} : memref<16x256xf32, #tpu.memory_space<vmem>>, vector<16xf32>,
      %add3A_426 = arith.addf %add3A_421, %get3A_425 : vector<16xf32>
      %get3A_427 = arith.constant 3 : i32
      %get3A_428 = arith.index_cast %get3A_427 : i32 to index
      %get3A_429 = arith.index_cast %multiple_of3A : i32 to index
      %get3A_430 = tpu.vector_load %arg27[%get3A_428, %get3A_429] {strides = array<i32>} : memref<16x256xf32, #tpu.memory_space<vmem>>, vector<16xf32>,
      %add3A_431 = arith.addf %add3A_426, %get3A_430 : vector<16xf32>
      %get3A_432 = arith.constant 4 : i32
      %get3A_433 = arith.index_cast %get3A_432 : i32 to index
      %get3A_434 = arith.index_cast %multiple_of3A : i32 to index
      %get3A_435 = tpu.vector_load %arg27[%get3A_433, %get3A_434] {strides = array<i32>} : memref<16x256xf32, #tpu.memory_space<vmem>>, vector<16xf32>,
      %add3A_436 = arith.addf %add3A_431, %get3A_435 : vector<16xf32>
      %get3A_437 = arith.constant 5 : i32
      %get3A_438 = arith.index_cast %get3A_437 : i32 to index
      %get3A_439 = arith.index_cast %multiple_of3A : i32 to index
      %get3A_440 = tpu.vector_load %arg27[%get3A_438, %get3A_439] {strides = array<i32>} : memref<16x256xf32, #tpu.memory_space<vmem>>, vector<16xf32>,
      %add3A_441 = arith.addf %add3A_436, %get3A_440 : vector<16xf32>
      %get3A_442 = arith.constant 6 : i32
      %get3A_443 = arith.index_cast %get3A_442 : i32 to index
      %get3A_444 = arith.index_cast %multiple_of3A : i32 to index
      %get3A_445 = tpu.vector_load %arg27[%get3A_443, %get3A_444] {strides = array<i32>} : memref<16x256xf32, #tpu.memory_space<vmem>>, vector<16xf32>,
      %add3A_446 = arith.addf %add3A_441, %get3A_445 : vector<16xf32>
      %get3A_447 = arith.constant 7 : i32
      %get3A_448 = arith.index_cast %get3A_447 : i32 to index
      %get3A_449 = arith.index_cast %multiple_of3A : i32 to index
      %get3A_450 = tpu.vector_load %arg27[%get3A_448, %get3A_449] {strides = array<i32>} : memref<16x256xf32, #tpu.memory_space<vmem>>, vector<16xf32>,
      %add3A_451 = arith.addf %add3A_446, %get3A_450 : vector<16xf32>
      %get3A_452 = arith.constant 8 : i32
      %get3A_453 = arith.index_cast %get3A_452 : i32 to index
      %get3A_454 = arith.index_cast %multiple_of3A : i32 to index
      %get3A_455 = tpu.vector_load %arg27[%get3A_453, %get3A_454] {strides = array<i32>} : memref<16x256xf32, #tpu.memory_space<vmem>>, vector<16xf32>,
      %add3A_456 = arith.addf %add3A_451, %get3A_455 : vector<16xf32>
      %get3A_457 = arith.constant 9 : i32
      %get3A_458 = arith.index_cast %get3A_457 : i32 to index
      %get3A_459 = arith.index_cast %multiple_of3A : i32 to index
      %get3A_460 = tpu.vector_load %arg27[%get3A_458, %get3A_459] {strides = array<i32>} : memref<16x256xf32, #tpu.memory_space<vmem>>, vector<16xf32>,
      %add3A_461 = arith.addf %add3A_456, %get3A_460 : vector<16xf32>
      %get3A_462 = arith.constant 10 : i32
      %get3A_463 = arith.index_cast %get3A_462 : i32 to index
      %get3A_464 = arith.index_cast %multiple_of3A : i32 to index
      %get3A_465 = tpu.vector_load %arg27[%get3A_463, %get3A_464] {strides = array<i32>} : memref<16x256xf32, #tpu.memory_space<vmem>>, vector<16xf32>,
      %add3A_466 = arith.addf %add3A_461, %get3A_465 : vector<16xf32>
      %get3A_467 = arith.constant 11 : i32
      %get3A_468 = arith.index_cast %get3A_467 : i32 to index
      %get3A_469 = arith.index_cast %multiple_of3A : i32 to index
      %get3A_470 = tpu.vector_load %arg27[%get3A_468, %get3A_469] {strides = array<i32>} : memref<16x256xf32, #tpu.memory_space<vmem>>, vector<16xf32>,
      %add3A_471 = arith.addf %add3A_466, %get3A_470 : vector<16xf32>
      %get3A_472 = arith.constant 12 : i32
      %get3A_473 = arith.index_cast %get3A_472 : i32 to index
      %get3A_474 = arith.index_cast %multiple_of3A : i32 to index
      %get3A_475 = tpu.vector_load %arg27[%get3A_473, %get3A_474] {strides = array<i32>} : memref<16x256xf32, #tpu.memory_space<vmem>>, vector<16xf32>,
      %add3A_476 = arith.addf %add3A_471, %get3A_475 : vector<16xf32>
      %get3A_477 = arith.constant 13 : i32
      %get3A_478 = arith.index_cast %get3A_477 : i32 to index
      %get3A_479 = arith.index_cast %multiple_of3A : i32 to index
      %get3A_480 = tpu.vector_load %arg27[%get3A_478, %get3A_479] {strides = array<i32>} : memref<16x256xf32, #tpu.memory_space<vmem>>, vector<16xf32>,
      %add3A_481 = arith.addf %add3A_476, %get3A_480 : vector<16xf32>
      %get3A_482 = arith.constant 14 : i32
      %get3A_483 = arith.index_cast %get3A_482 : i32 to index
      %get3A_484 = arith.index_cast %multiple_of3A : i32 to index
      %get3A_485 = tpu.vector_load %arg27[%get3A_483, %get3A_484] {strides = array<i32>} : memref<16x256xf32, #tpu.memory_space<vmem>>, vector<16xf32>,
      %add3A_486 = arith.addf %add3A_481, %get3A_485 : vector<16xf32>
      %get3A_487 = arith.constant 15 : i32
      %get3A_488 = arith.index_cast %get3A_487 : i32 to index
      %get3A_489 = arith.index_cast %multiple_of3A : i32 to index
      %get3A_490 = tpu.vector_load %arg27[%get3A_488, %get3A_489] {strides = array<i32>} : memref<16x256xf32, #tpu.memory_space<vmem>>, vector<16xf32>,
      %add3A_491 = arith.addf %add3A_486, %get3A_490 : vector<16xf32>
      %swap3A_492 = arith.index_cast %multiple_of3A : i32 to index
      %swap3A_493 = tpu.vector_load %arg28[%swap3A_492] {strides = array<i32>} : memref<256xf32, #tpu.memory_space<vmem>>, vector<16xf32>,
      tpu.vector_store %arg28[%swap3A_492], %add3A_491 {strides = array<i32>} : memref<256xf32, #tpu.memory_space<vmem>>, vector<16xf32>,
    }
    %scan3A_368 = arith.constant 16 : i32
    %add3A_369 = arith.constant 0 : i32
    %add3A_370 = arith.addi %add3A_369, %mul3A_362 : i32
    "tpu.region"() ({
      %run_scoped3A = tpu.sem_alloc : memref<!tpu.dma_semaphore, #tpu.memory_space<semaphore_mem>>
      %dma_start3A_408 = tpu.memref_slice %arg19[%arg0, %add3A_370] : memref<2x16384xf32, #tpu.memory_space<hbm>> -> memref<1x256xf32, #tpu.memory_space<hbm>>
      %dma_start3A_409 = tpu.memref_squeeze %dma_start3A_408 : memref<1x256xf32, #tpu.memory_space<hbm>> -> memref<256xf32, #tpu.memory_space<hbm>>
      %dma_start3A_410 = tpu.memref_slice %arg19[%arg0, %add3A_370] : memref<2x16384xf32, #tpu.memory_space<hbm>> -> memref<1x256xf32, #tpu.memory_space<hbm>>
      %dma_start3A_411 = tpu.memref_squeeze %dma_start3A_410 : memref<1x256xf32, #tpu.memory_space<hbm>> -> memref<256xf32, #tpu.memory_space<hbm>>
      tpu.enqueue_dma source(%arg28 : memref<256xf32, #tpu.memory_space<vmem>>) target(%dma_start3A_411 : memref<256xf32, #tpu.memory_space<hbm>>) target_semaphore(%run_scoped3A : memref<!tpu.dma_semaphore, #tpu.memory_space<semaphore_mem>>)
      %dma_wait3A_412 = tpu.memref_slice %arg19[%arg0, %add3A_370] : memref<2x16384xf32, #tpu.memory_space<hbm>> -> memref<1x256xf32, #tpu.memory_space<hbm>>
      %dma_wait3A_413 = tpu.memref_squeeze %dma_wait3A_412 : memref<1x256xf32, #tpu.memory_space<hbm>> -> memref<256xf32, #tpu.memory_space<hbm>>
      %dma_wait3A_414 = tpu.memref_slice %arg19[%arg0, %add3A_370] : memref<2x16384xf32, #tpu.memory_space<hbm>> -> memref<1x256xf32, #tpu.memory_space<hbm>>
      %dma_wait3A_415 = tpu.memref_squeeze %dma_wait3A_414 : memref<1x256xf32, #tpu.memory_space<hbm>> -> memref<256xf32, #tpu.memory_space<hbm>>
      tpu.wait_dma2 semaphore(%run_scoped3A : memref<!tpu.dma_semaphore, #tpu.memory_space<semaphore_mem>>) src(%arg28 : memref<256xf32, #tpu.memory_space<vmem>>) dst(%dma_wait3A_415 : memref<256xf32, #tpu.memory_space<hbm>>)
      tpu.yield
    }) : () -> ()
    %barrier3A_371 = arith.constant 0 : index
    tpu.barrier barrier_id(%barrier3A_371)
    "tpu.region"() ({
      %run_scoped3A = tpu.sem_alloc : memref<!tpu.dma_semaphore, #tpu.memory_space<semaphore_mem>>
      %dma_start3A_408 = arith.constant 4096 : i32
      %dma_start3A_409 = tpu.memref_slice %arg26[%dma_start3A_408] : memref<16384xf32, #tpu.memory_space<vmem>> -> memref<4096xf32, #tpu.memory_space<vmem>>
      %dma_start3A_410 = arith.constant 0 : i32
      %dma_start3A_411 = tpu.memref_slice %arg29[%arg1, %dma_start3A_410] : memref<16x4096xf32, #tpu.memory_space<vmem_shared>> -> memref<1x4096xf32, #tpu.memory_space<vmem_shared>>
      %dma_start3A_412 = tpu.memref_squeeze %dma_start3A_411 : memref<1x4096xf32, #tpu.memory_space<vmem_shared>> -> memref<4096xf32, #tpu.memory_space<vmem_shared>>
      %dma_start3A_413 = arith.constant 0 : i32
      %dma_start3A_414 = tpu.memref_slice %arg29[%arg1, %dma_start3A_413] : memref<16x4096xf32, #tpu.memory_space<vmem_shared>> -> memref<1x4096xf32, #tpu.memory_space<vmem_shared>>
      %dma_start3A_415 = tpu.memref_squeeze %dma_start3A_414 : memref<1x4096xf32, #tpu.memory_space<vmem_shared>> -> memref<4096xf32, #tpu.memory_space<vmem_shared>>
      %dma_start3A_416 = arith.constant 4096 : i32
      %dma_start3A_417 = tpu.memref_slice %arg26[%dma_start3A_416] : memref<16384xf32, #tpu.memory_space<vmem>> -> memref<4096xf32, #tpu.memory_space<vmem>>
      tpu.enqueue_dma source(%dma_start3A_417 : memref<4096xf32, #tpu.memory_space<vmem>>) target(%dma_start3A_415 : memref<4096xf32, #tpu.memory_space<vmem_shared>>) target_semaphore(%run_scoped3A : memref<!tpu.dma_semaphore, #tpu.memory_space<semaphore_mem>>)
      %dma_wait3A_418 = arith.constant 4096 : i32
      %dma_wait3A_419 = tpu.memref_slice %arg26[%dma_wait3A_418] : memref<16384xf32, #tpu.memory_space<vmem>> -> memref<4096xf32, #tpu.memory_space<vmem>>
      %dma_wait3A_420 = arith.constant 0 : i32
      %dma_wait3A_421 = tpu.memref_slice %arg29[%arg1, %dma_wait3A_420] : memref<16x4096xf32, #tpu.memory_space<vmem_shared>> -> memref<1x4096xf32, #tpu.memory_space<vmem_shared>>
      %dma_wait3A_422 = tpu.memref_squeeze %dma_wait3A_421 : memref<1x4096xf32, #tpu.memory_space<vmem_shared>> -> memref<4096xf32, #tpu.memory_space<vmem_shared>>
      %dma_wait3A_423 = arith.constant 0 : i32
      %dma_wait3A_424 = tpu.memref_slice %arg29[%arg1, %dma_wait3A_423] : memref<16x4096xf32, #tpu.memory_space<vmem_shared>> -> memref<1x4096xf32, #tpu.memory_space<vmem_shared>>
      %dma_wait3A_425 = tpu.memref_squeeze %dma_wait3A_424 : memref<1x4096xf32, #tpu.memory_space<vmem_shared>> -> memref<4096xf32, #tpu.memory_space<vmem_shared>>
      %dma_wait3A_426 = arith.constant 4096 : i32
      %dma_wait3A_427 = tpu.memref_slice %arg26[%dma_wait3A_426] : memref<16384xf32, #tpu.memory_space<vmem>> -> memref<4096xf32, #tpu.memory_space<vmem>>
      tpu.wait_dma2 semaphore(%run_scoped3A : memref<!tpu.dma_semaphore, #tpu.memory_space<semaphore_mem>>) src(%dma_wait3A_427 : memref<4096xf32, #tpu.memory_space<vmem>>) dst(%dma_wait3A_425 : memref<4096xf32, #tpu.memory_space<vmem_shared>>)
      tpu.yield
    }) : () -> ()
    %barrier3A_372 = arith.constant 0 : index
    tpu.barrier barrier_id(%barrier3A_372)
    %mul3A_373 = arith.constant 256 : i32
    %mul3A_374 = arith.muli %arg1, %mul3A_373 : i32
    "tpu.region"() ({
      %run_scoped3A = tpu.sem_alloc : memref<!tpu.dma_semaphore, #tpu.memory_space<semaphore_mem>>
      %dma_start3A_408 = arith.constant 0 : i32
      %dma_start3A_409 = tpu.memref_slice %arg29[%dma_start3A_408, %mul3A_374] : memref<16x4096xf32, #tpu.memory_space<vmem_shared>> -> memref<16x256xf32, #tpu.memory_space<vmem_shared>>
      %dma_start3A_410 = arith.constant 0 : i32
      %dma_start3A_411 = tpu.memref_slice %arg29[%dma_start3A_410, %mul3A_374] : memref<16x4096xf32, #tpu.memory_space<vmem_shared>> -> memref<16x256xf32, #tpu.memory_space<vmem_shared>>
      tpu.enqueue_dma source(%dma_start3A_411 : memref<16x256xf32, #tpu.memory_space<vmem_shared>>) target(%arg27 : memref<16x256xf32, #tpu.memory_space<vmem>>) target_semaphore(%run_scoped3A : memref<!tpu.dma_semaphore, #tpu.memory_space<semaphore_mem>>)
      %dma_wait3A_412 = arith.constant 0 : i32
      %dma_wait3A_413 = tpu.memref_slice %arg29[%dma_wait3A_412, %mul3A_374] : memref<16x4096xf32, #tpu.memory_space<vmem_shared>> -> memref<16x256xf32, #tpu.memory_space<vmem_shared>>
      %dma_wait3A_414 = arith.constant 0 : i32
      %dma_wait3A_415 = tpu.memref_slice %arg29[%dma_wait3A_414, %mul3A_374] : memref<16x4096xf32, #tpu.memory_space<vmem_shared>> -> memref<16x256xf32, #tpu.memory_space<vmem_shared>>
      tpu.wait_dma2 semaphore(%run_scoped3A : memref<!tpu.dma_semaphore, #tpu.memory_space<semaphore_mem>>) src(%dma_wait3A_415 : memref<16x256xf32, #tpu.memory_space<vmem_shared>>) dst(%arg27 : memref<16x256xf32, #tpu.memory_space<vmem>>)
      tpu.yield
    }) : () -> ()
    %scan3A_375 = arith.constant 0 : i32
    %scan3A_376 = arith.constant 0 : i32
    %scan3A_377 = arith.constant 16 : i32
    %scan3A_378 = arith.addi %scan3A_376, %scan3A_377 : i32
    %scan3A_379 = arith.constant 1 : i32
    scf.for %scan3A_408 = %scan3A_376 to %scan3A_378 step %scan3A_379  : i32 {
      %mul3A_409 = arith.constant 16 : i32
      %mul3A_410 = arith.muli %scan3A_408, %mul3A_409 : i32
      %multiple_of3A = tpu.assume_multiple %mul3A_410, 16 : i32
      %broadcast_in_dim3A = arith.constant 0.000000e+00 : f32
      %broadcast_in_dim3A_411 = vector.broadcast %broadcast_in_dim3A : f32 to vector<16xf32>
      %get3A_412 = arith.constant 0 : i32
      %get3A_413 = arith.index_cast %get3A_412 : i32 to index
      %get3A_414 = arith.index_cast %multiple_of3A : i32 to index
      %get3A_415 = tpu.vector_load %arg27[%get3A_413, %get3A_414] {strides = array<i32>} : memref<16x256xf32, #tpu.memory_space<vmem>>, vector<16xf32>,
      %add3A_416 = arith.addf %broadcast_in_dim3A_411, %get3A_415 : vector<16xf32>
      %get3A_417 = arith.constant 1 : i32
      %get3A_418 = arith.index_cast %get3A_417 : i32 to index
      %get3A_419 = arith.index_cast %multiple_of3A : i32 to index
      %get3A_420 = tpu.vector_load %arg27[%get3A_418, %get3A_419] {strides = array<i32>} : memref<16x256xf32, #tpu.memory_space<vmem>>, vector<16xf32>,
      %add3A_421 = arith.addf %add3A_416, %get3A_420 : vector<16xf32>
      %get3A_422 = arith.constant 2 : i32
      %get3A_423 = arith.index_cast %get3A_422 : i32 to index
      %get3A_424 = arith.index_cast %multiple_of3A : i32 to index
      %get3A_425 = tpu.vector_load %arg27[%get3A_423, %get3A_424] {strides = array<i32>} : memref<16x256xf32, #tpu.memory_space<vmem>>, vector<16xf32>,
      %add3A_426 = arith.addf %add3A_421, %get3A_425 : vector<16xf32>
      %get3A_427 = arith.constant 3 : i32
      %get3A_428 = arith.index_cast %get3A_427 : i32 to index
      %get3A_429 = arith.index_cast %multiple_of3A : i32 to index
      %get3A_430 = tpu.vector_load %arg27[%get3A_428, %get3A_429] {strides = array<i32>} : memref<16x256xf32, #tpu.memory_space<vmem>>, vector<16xf32>,
      %add3A_431 = arith.addf %add3A_426, %get3A_430 : vector<16xf32>
      %get3A_432 = arith.constant 4 : i32
      %get3A_433 = arith.index_cast %get3A_432 : i32 to index
      %get3A_434 = arith.index_cast %multiple_of3A : i32 to index
      %get3A_435 = tpu.vector_load %arg27[%get3A_433, %get3A_434] {strides = array<i32>} : memref<16x256xf32, #tpu.memory_space<vmem>>, vector<16xf32>,
      %add3A_436 = arith.addf %add3A_431, %get3A_435 : vector<16xf32>
      %get3A_437 = arith.constant 5 : i32
      %get3A_438 = arith.index_cast %get3A_437 : i32 to index
      %get3A_439 = arith.index_cast %multiple_of3A : i32 to index
      %get3A_440 = tpu.vector_load %arg27[%get3A_438, %get3A_439] {strides = array<i32>} : memref<16x256xf32, #tpu.memory_space<vmem>>, vector<16xf32>,
      %add3A_441 = arith.addf %add3A_436, %get3A_440 : vector<16xf32>
      %get3A_442 = arith.constant 6 : i32
      %get3A_443 = arith.index_cast %get3A_442 : i32 to index
      %get3A_444 = arith.index_cast %multiple_of3A : i32 to index
      %get3A_445 = tpu.vector_load %arg27[%get3A_443, %get3A_444] {strides = array<i32>} : memref<16x256xf32, #tpu.memory_space<vmem>>, vector<16xf32>,
      %add3A_446 = arith.addf %add3A_441, %get3A_445 : vector<16xf32>
      %get3A_447 = arith.constant 7 : i32
      %get3A_448 = arith.index_cast %get3A_447 : i32 to index
      %get3A_449 = arith.index_cast %multiple_of3A : i32 to index
      %get3A_450 = tpu.vector_load %arg27[%get3A_448, %get3A_449] {strides = array<i32>} : memref<16x256xf32, #tpu.memory_space<vmem>>, vector<16xf32>,
      %add3A_451 = arith.addf %add3A_446, %get3A_450 : vector<16xf32>
      %get3A_452 = arith.constant 8 : i32
      %get3A_453 = arith.index_cast %get3A_452 : i32 to index
      %get3A_454 = arith.index_cast %multiple_of3A : i32 to index
      %get3A_455 = tpu.vector_load %arg27[%get3A_453, %get3A_454] {strides = array<i32>} : memref<16x256xf32, #tpu.memory_space<vmem>>, vector<16xf32>,
      %add3A_456 = arith.addf %add3A_451, %get3A_455 : vector<16xf32>
      %get3A_457 = arith.constant 9 : i32
      %get3A_458 = arith.index_cast %get3A_457 : i32 to index
      %get3A_459 = arith.index_cast %multiple_of3A : i32 to index
      %get3A_460 = tpu.vector_load %arg27[%get3A_458, %get3A_459] {strides = array<i32>} : memref<16x256xf32, #tpu.memory_space<vmem>>, vector<16xf32>,
      %add3A_461 = arith.addf %add3A_456, %get3A_460 : vector<16xf32>
      %get3A_462 = arith.constant 10 : i32
      %get3A_463 = arith.index_cast %get3A_462 : i32 to index
      %get3A_464 = arith.index_cast %multiple_of3A : i32 to index
      %get3A_465 = tpu.vector_load %arg27[%get3A_463, %get3A_464] {strides = array<i32>} : memref<16x256xf32, #tpu.memory_space<vmem>>, vector<16xf32>,
      %add3A_466 = arith.addf %add3A_461, %get3A_465 : vector<16xf32>
      %get3A_467 = arith.constant 11 : i32
      %get3A_468 = arith.index_cast %get3A_467 : i32 to index
      %get3A_469 = arith.index_cast %multiple_of3A : i32 to index
      %get3A_470 = tpu.vector_load %arg27[%get3A_468, %get3A_469] {strides = array<i32>} : memref<16x256xf32, #tpu.memory_space<vmem>>, vector<16xf32>,
      %add3A_471 = arith.addf %add3A_466, %get3A_470 : vector<16xf32>
      %get3A_472 = arith.constant 12 : i32
      %get3A_473 = arith.index_cast %get3A_472 : i32 to index
      %get3A_474 = arith.index_cast %multiple_of3A : i32 to index
      %get3A_475 = tpu.vector_load %arg27[%get3A_473, %get3A_474] {strides = array<i32>} : memref<16x256xf32, #tpu.memory_space<vmem>>, vector<16xf32>,
      %add3A_476 = arith.addf %add3A_471, %get3A_475 : vector<16xf32>
      %get3A_477 = arith.constant 13 : i32
      %get3A_478 = arith.index_cast %get3A_477 : i32 to index
      %get3A_479 = arith.index_cast %multiple_of3A : i32 to index
      %get3A_480 = tpu.vector_load %arg27[%get3A_478, %get3A_479] {strides = array<i32>} : memref<16x256xf32, #tpu.memory_space<vmem>>, vector<16xf32>,
      %add3A_481 = arith.addf %add3A_476, %get3A_480 : vector<16xf32>
      %get3A_482 = arith.constant 14 : i32
      %get3A_483 = arith.index_cast %get3A_482 : i32 to index
      %get3A_484 = arith.index_cast %multiple_of3A : i32 to index
      %get3A_485 = tpu.vector_load %arg27[%get3A_483, %get3A_484] {strides = array<i32>} : memref<16x256xf32, #tpu.memory_space<vmem>>, vector<16xf32>,
      %add3A_486 = arith.addf %add3A_481, %get3A_485 : vector<16xf32>
      %get3A_487 = arith.constant 15 : i32
      %get3A_488 = arith.index_cast %get3A_487 : i32 to index
      %get3A_489 = arith.index_cast %multiple_of3A : i32 to index
      %get3A_490 = tpu.vector_load %arg27[%get3A_488, %get3A_489] {strides = array<i32>} : memref<16x256xf32, #tpu.memory_space<vmem>>, vector<16xf32>,
      %add3A_491 = arith.addf %add3A_486, %get3A_490 : vector<16xf32>
      %swap3A_492 = arith.index_cast %multiple_of3A : i32 to index
      %swap3A_493 = tpu.vector_load %arg28[%swap3A_492] {strides = array<i32>} : memref<256xf32, #tpu.memory_space<vmem>>, vector<16xf32>,
      tpu.vector_store %arg28[%swap3A_492], %add3A_491 {strides = array<i32>} : memref<256xf32, #tpu.memory_space<vmem>>, vector<16xf32>,
    }
    %scan3A_380 = arith.constant 16 : i32
    %add3A_381 = arith.constant 4096 : i32
    %add3A_382 = arith.addi %add3A_381, %mul3A_374 : i32
    "tpu.region"() ({
      %run_scoped3A = tpu.sem_alloc : memref<!tpu.dma_semaphore, #tpu.memory_space<semaphore_mem>>
      %dma_start3A_408 = tpu.memref_slice %arg19[%arg0, %add3A_382] : memref<2x16384xf32, #tpu.memory_space<hbm>> -> memref<1x256xf32, #tpu.memory_space<hbm>>
      %dma_start3A_409 = tpu.memref_squeeze %dma_start3A_408 : memref<1x256xf32, #tpu.memory_space<hbm>> -> memref<256xf32, #tpu.memory_space<hbm>>
      %dma_start3A_410 = tpu.memref_slice %arg19[%arg0, %add3A_382] : memref<2x16384xf32, #tpu.memory_space<hbm>> -> memref<1x256xf32, #tpu.memory_space<hbm>>
      %dma_start3A_411 = tpu.memref_squeeze %dma_start3A_410 : memref<1x256xf32, #tpu.memory_space<hbm>> -> memref<256xf32, #tpu.memory_space<hbm>>
      tpu.enqueue_dma source(%arg28 : memref<256xf32, #tpu.memory_space<vmem>>) target(%dma_start3A_411 : memref<256xf32, #tpu.memory_space<hbm>>) target_semaphore(%run_scoped3A : memref<!tpu.dma_semaphore, #tpu.memory_space<semaphore_mem>>)
      %dma_wait3A_412 = tpu.memref_slice %arg19[%arg0, %add3A_382] : memref<2x16384xf32, #tpu.memory_space<hbm>> -> memref<1x256xf32, #tpu.memory_space<hbm>>
      %dma_wait3A_413 = tpu.memref_squeeze %dma_wait3A_412 : memref<1x256xf32, #tpu.memory_space<hbm>> -> memref<256xf32, #tpu.memory_space<hbm>>
      %dma_wait3A_414 = tpu.memref_slice %arg19[%arg0, %add3A_382] : memref<2x16384xf32, #tpu.memory_space<hbm>> -> memref<1x256xf32, #tpu.memory_space<hbm>>
      %dma_wait3A_415 = tpu.memref_squeeze %dma_wait3A_414 : memref<1x256xf32, #tpu.memory_space<hbm>> -> memref<256xf32, #tpu.memory_space<hbm>>
      tpu.wait_dma2 semaphore(%run_scoped3A : memref<!tpu.dma_semaphore, #tpu.memory_space<semaphore_mem>>) src(%arg28 : memref<256xf32, #tpu.memory_space<vmem>>) dst(%dma_wait3A_415 : memref<256xf32, #tpu.memory_space<hbm>>)
      tpu.yield
    }) : () -> ()
    %barrier3A_383 = arith.constant 0 : index
    tpu.barrier barrier_id(%barrier3A_383)
    "tpu.region"() ({
      %run_scoped3A = tpu.sem_alloc : memref<!tpu.dma_semaphore, #tpu.memory_space<semaphore_mem>>
      %dma_start3A_408 = arith.constant 8192 : i32
      %dma_start3A_409 = tpu.memref_slice %arg26[%dma_start3A_408] : memref<16384xf32, #tpu.memory_space<vmem>> -> memref<4096xf32, #tpu.memory_space<vmem>>
      %dma_start3A_410 = arith.constant 0 : i32
      %dma_start3A_411 = tpu.memref_slice %arg29[%arg1, %dma_start3A_410] : memref<16x4096xf32, #tpu.memory_space<vmem_shared>> -> memref<1x4096xf32, #tpu.memory_space<vmem_shared>>
      %dma_start3A_412 = tpu.memref_squeeze %dma_start3A_411 : memref<1x4096xf32, #tpu.memory_space<vmem_shared>> -> memref<4096xf32, #tpu.memory_space<vmem_shared>>
      %dma_start3A_413 = arith.constant 0 : i32
      %dma_start3A_414 = tpu.memref_slice %arg29[%arg1, %dma_start3A_413] : memref<16x4096xf32, #tpu.memory_space<vmem_shared>> -> memref<1x4096xf32, #tpu.memory_space<vmem_shared>>
      %dma_start3A_415 = tpu.memref_squeeze %dma_start3A_414 : memref<1x4096xf32, #tpu.memory_space<vmem_shared>> -> memref<4096xf32, #tpu.memory_space<vmem_shared>>
      %dma_start3A_416 = arith.constant 8192 : i32
      %dma_start3A_417 = tpu.memref_slice %arg26[%dma_start3A_416] : memref<16384xf32, #tpu.memory_space<vmem>> -> memref<4096xf32, #tpu.memory_space<vmem>>
      tpu.enqueue_dma source(%dma_start3A_417 : memref<4096xf32, #tpu.memory_space<vmem>>) target(%dma_start3A_415 : memref<4096xf32, #tpu.memory_space<vmem_shared>>) target_semaphore(%run_scoped3A : memref<!tpu.dma_semaphore, #tpu.memory_space<semaphore_mem>>)
      %dma_wait3A_418 = arith.constant 8192 : i32
      %dma_wait3A_419 = tpu.memref_slice %arg26[%dma_wait3A_418] : memref<16384xf32, #tpu.memory_space<vmem>> -> memref<4096xf32, #tpu.memory_space<vmem>>
      %dma_wait3A_420 = arith.constant 0 : i32
      %dma_wait3A_421 = tpu.memref_slice %arg29[%arg1, %dma_wait3A_420] : memref<16x4096xf32, #tpu.memory_space<vmem_shared>> -> memref<1x4096xf32, #tpu.memory_space<vmem_shared>>
      %dma_wait3A_422 = tpu.memref_squeeze %dma_wait3A_421 : memref<1x4096xf32, #tpu.memory_space<vmem_shared>> -> memref<4096xf32, #tpu.memory_space<vmem_shared>>
      %dma_wait3A_423 = arith.constant 0 : i32
      %dma_wait3A_424 = tpu.memref_slice %arg29[%arg1, %dma_wait3A_423] : memref<16x4096xf32, #tpu.memory_space<vmem_shared>> -> memref<1x4096xf32, #tpu.memory_space<vmem_shared>>
      %dma_wait3A_425 = tpu.memref_squeeze %dma_wait3A_424 : memref<1x4096xf32, #tpu.memory_space<vmem_shared>> -> memref<4096xf32, #tpu.memory_space<vmem_shared>>
      %dma_wait3A_426 = arith.constant 8192 : i32
      %dma_wait3A_427 = tpu.memref_slice %arg26[%dma_wait3A_426] : memref<16384xf32, #tpu.memory_space<vmem>> -> memref<4096xf32, #tpu.memory_space<vmem>>
      tpu.wait_dma2 semaphore(%run_scoped3A : memref<!tpu.dma_semaphore, #tpu.memory_space<semaphore_mem>>) src(%dma_wait3A_427 : memref<4096xf32, #tpu.memory_space<vmem>>) dst(%dma_wait3A_425 : memref<4096xf32, #tpu.memory_space<vmem_shared>>)
      tpu.yield
    }) : () -> ()
    %barrier3A_384 = arith.constant 0 : index
    tpu.barrier barrier_id(%barrier3A_384)
    %mul3A_385 = arith.constant 256 : i32
    %mul3A_386 = arith.muli %arg1, %mul3A_385 : i32
    "tpu.region"() ({
      %run_scoped3A = tpu.sem_alloc : memref<!tpu.dma_semaphore, #tpu.memory_space<semaphore_mem>>
      %dma_start3A_408 = arith.constant 0 : i32
      %dma_start3A_409 = tpu.memref_slice %arg29[%dma_start3A_408, %mul3A_386] : memref<16x4096xf32, #tpu.memory_space<vmem_shared>> -> memref<16x256xf32, #tpu.memory_space<vmem_shared>>
      %dma_start3A_410 = arith.constant 0 : i32
      %dma_start3A_411 = tpu.memref_slice %arg29[%dma_start3A_410, %mul3A_386] : memref<16x4096xf32, #tpu.memory_space<vmem_shared>> -> memref<16x256xf32, #tpu.memory_space<vmem_shared>>
      tpu.enqueue_dma source(%dma_start3A_411 : memref<16x256xf32, #tpu.memory_space<vmem_shared>>) target(%arg27 : memref<16x256xf32, #tpu.memory_space<vmem>>) target_semaphore(%run_scoped3A : memref<!tpu.dma_semaphore, #tpu.memory_space<semaphore_mem>>)
      %dma_wait3A_412 = arith.constant 0 : i32
      %dma_wait3A_413 = tpu.memref_slice %arg29[%dma_wait3A_412, %mul3A_386] : memref<16x4096xf32, #tpu.memory_space<vmem_shared>> -> memref<16x256xf32, #tpu.memory_space<vmem_shared>>
      %dma_wait3A_414 = arith.constant 0 : i32
      %dma_wait3A_415 = tpu.memref_slice %arg29[%dma_wait3A_414, %mul3A_386] : memref<16x4096xf32, #tpu.memory_space<vmem_shared>> -> memref<16x256xf32, #tpu.memory_space<vmem_shared>>
      tpu.wait_dma2 semaphore(%run_scoped3A : memref<!tpu.dma_semaphore, #tpu.memory_space<semaphore_mem>>) src(%dma_wait3A_415 : memref<16x256xf32, #tpu.memory_space<vmem_shared>>) dst(%arg27 : memref<16x256xf32, #tpu.memory_space<vmem>>)
      tpu.yield
    }) : () -> ()
    %scan3A_387 = arith.constant 0 : i32
    %scan3A_388 = arith.constant 0 : i32
    %scan3A_389 = arith.constant 16 : i32
    %scan3A_390 = arith.addi %scan3A_388, %scan3A_389 : i32
    %scan3A_391 = arith.constant 1 : i32
    scf.for %scan3A_408 = %scan3A_388 to %scan3A_390 step %scan3A_391  : i32 {
      %mul3A_409 = arith.constant 16 : i32
      %mul3A_410 = arith.muli %scan3A_408, %mul3A_409 : i32
      %multiple_of3A = tpu.assume_multiple %mul3A_410, 16 : i32
      %broadcast_in_dim3A = arith.constant 0.000000e+00 : f32
      %broadcast_in_dim3A_411 = vector.broadcast %broadcast_in_dim3A : f32 to vector<16xf32>
      %get3A_412 = arith.constant 0 : i32
      %get3A_413 = arith.index_cast %get3A_412 : i32 to index
      %get3A_414 = arith.index_cast %multiple_of3A : i32 to index
      %get3A_415 = tpu.vector_load %arg27[%get3A_413, %get3A_414] {strides = array<i32>} : memref<16x256xf32, #tpu.memory_space<vmem>>, vector<16xf32>,
      %add3A_416 = arith.addf %broadcast_in_dim3A_411, %get3A_415 : vector<16xf32>
      %get3A_417 = arith.constant 1 : i32
      %get3A_418 = arith.index_cast %get3A_417 : i32 to index
      %get3A_419 = arith.index_cast %multiple_of3A : i32 to index
      %get3A_420 = tpu.vector_load %arg27[%get3A_418, %get3A_419] {strides = array<i32>} : memref<16x256xf32, #tpu.memory_space<vmem>>, vector<16xf32>,
      %add3A_421 = arith.addf %add3A_416, %get3A_420 : vector<16xf32>
      %get3A_422 = arith.constant 2 : i32
      %get3A_423 = arith.index_cast %get3A_422 : i32 to index
      %get3A_424 = arith.index_cast %multiple_of3A : i32 to index
      %get3A_425 = tpu.vector_load %arg27[%get3A_423, %get3A_424] {strides = array<i32>} : memref<16x256xf32, #tpu.memory_space<vmem>>, vector<16xf32>,
      %add3A_426 = arith.addf %add3A_421, %get3A_425 : vector<16xf32>
      %get3A_427 = arith.constant 3 : i32
      %get3A_428 = arith.index_cast %get3A_427 : i32 to index
      %get3A_429 = arith.index_cast %multiple_of3A : i32 to index
      %get3A_430 = tpu.vector_load %arg27[%get3A_428, %get3A_429] {strides = array<i32>} : memref<16x256xf32, #tpu.memory_space<vmem>>, vector<16xf32>,
      %add3A_431 = arith.addf %add3A_426, %get3A_430 : vector<16xf32>
      %get3A_432 = arith.constant 4 : i32
      %get3A_433 = arith.index_cast %get3A_432 : i32 to index
      %get3A_434 = arith.index_cast %multiple_of3A : i32 to index
      %get3A_435 = tpu.vector_load %arg27[%get3A_433, %get3A_434] {strides = array<i32>} : memref<16x256xf32, #tpu.memory_space<vmem>>, vector<16xf32>,
      %add3A_436 = arith.addf %add3A_431, %get3A_435 : vector<16xf32>
      %get3A_437 = arith.constant 5 : i32
      %get3A_438 = arith.index_cast %get3A_437 : i32 to index
      %get3A_439 = arith.index_cast %multiple_of3A : i32 to index
      %get3A_440 = tpu.vector_load %arg27[%get3A_438, %get3A_439] {strides = array<i32>} : memref<16x256xf32, #tpu.memory_space<vmem>>, vector<16xf32>,
      %add3A_441 = arith.addf %add3A_436, %get3A_440 : vector<16xf32>
      %get3A_442 = arith.constant 6 : i32
      %get3A_443 = arith.index_cast %get3A_442 : i32 to index
      %get3A_444 = arith.index_cast %multiple_of3A : i32 to index
      %get3A_445 = tpu.vector_load %arg27[%get3A_443, %get3A_444] {strides = array<i32>} : memref<16x256xf32, #tpu.memory_space<vmem>>, vector<16xf32>,
      %add3A_446 = arith.addf %add3A_441, %get3A_445 : vector<16xf32>
      %get3A_447 = arith.constant 7 : i32
      %get3A_448 = arith.index_cast %get3A_447 : i32 to index
      %get3A_449 = arith.index_cast %multiple_of3A : i32 to index
      %get3A_450 = tpu.vector_load %arg27[%get3A_448, %get3A_449] {strides = array<i32>} : memref<16x256xf32, #tpu.memory_space<vmem>>, vector<16xf32>,
      %add3A_451 = arith.addf %add3A_446, %get3A_450 : vector<16xf32>
      %get3A_452 = arith.constant 8 : i32
      %get3A_453 = arith.index_cast %get3A_452 : i32 to index
      %get3A_454 = arith.index_cast %multiple_of3A : i32 to index
      %get3A_455 = tpu.vector_load %arg27[%get3A_453, %get3A_454] {strides = array<i32>} : memref<16x256xf32, #tpu.memory_space<vmem>>, vector<16xf32>,
      %add3A_456 = arith.addf %add3A_451, %get3A_455 : vector<16xf32>
      %get3A_457 = arith.constant 9 : i32
      %get3A_458 = arith.index_cast %get3A_457 : i32 to index
      %get3A_459 = arith.index_cast %multiple_of3A : i32 to index
      %get3A_460 = tpu.vector_load %arg27[%get3A_458, %get3A_459] {strides = array<i32>} : memref<16x256xf32, #tpu.memory_space<vmem>>, vector<16xf32>,
      %add3A_461 = arith.addf %add3A_456, %get3A_460 : vector<16xf32>
      %get3A_462 = arith.constant 10 : i32
      %get3A_463 = arith.index_cast %get3A_462 : i32 to index
      %get3A_464 = arith.index_cast %multiple_of3A : i32 to index
      %get3A_465 = tpu.vector_load %arg27[%get3A_463, %get3A_464] {strides = array<i32>} : memref<16x256xf32, #tpu.memory_space<vmem>>, vector<16xf32>,
      %add3A_466 = arith.addf %add3A_461, %get3A_465 : vector<16xf32>
      %get3A_467 = arith.constant 11 : i32
      %get3A_468 = arith.index_cast %get3A_467 : i32 to index
      %get3A_469 = arith.index_cast %multiple_of3A : i32 to index
      %get3A_470 = tpu.vector_load %arg27[%get3A_468, %get3A_469] {strides = array<i32>} : memref<16x256xf32, #tpu.memory_space<vmem>>, vector<16xf32>,
      %add3A_471 = arith.addf %add3A_466, %get3A_470 : vector<16xf32>
      %get3A_472 = arith.constant 12 : i32
      %get3A_473 = arith.index_cast %get3A_472 : i32 to index
      %get3A_474 = arith.index_cast %multiple_of3A : i32 to index
      %get3A_475 = tpu.vector_load %arg27[%get3A_473, %get3A_474] {strides = array<i32>} : memref<16x256xf32, #tpu.memory_space<vmem>>, vector<16xf32>,
      %add3A_476 = arith.addf %add3A_471, %get3A_475 : vector<16xf32>
      %get3A_477 = arith.constant 13 : i32
      %get3A_478 = arith.index_cast %get3A_477 : i32 to index
      %get3A_479 = arith.index_cast %multiple_of3A : i32 to index
      %get3A_480 = tpu.vector_load %arg27[%get3A_478, %get3A_479] {strides = array<i32>} : memref<16x256xf32, #tpu.memory_space<vmem>>, vector<16xf32>,
      %add3A_481 = arith.addf %add3A_476, %get3A_480 : vector<16xf32>
      %get3A_482 = arith.constant 14 : i32
      %get3A_483 = arith.index_cast %get3A_482 : i32 to index
      %get3A_484 = arith.index_cast %multiple_of3A : i32 to index
      %get3A_485 = tpu.vector_load %arg27[%get3A_483, %get3A_484] {strides = array<i32>} : memref<16x256xf32, #tpu.memory_space<vmem>>, vector<16xf32>,
      %add3A_486 = arith.addf %add3A_481, %get3A_485 : vector<16xf32>
      %get3A_487 = arith.constant 15 : i32
      %get3A_488 = arith.index_cast %get3A_487 : i32 to index
      %get3A_489 = arith.index_cast %multiple_of3A : i32 to index
      %get3A_490 = tpu.vector_load %arg27[%get3A_488, %get3A_489] {strides = array<i32>} : memref<16x256xf32, #tpu.memory_space<vmem>>, vector<16xf32>,
      %add3A_491 = arith.addf %add3A_486, %get3A_490 : vector<16xf32>
      %swap3A_492 = arith.index_cast %multiple_of3A : i32 to index
      %swap3A_493 = tpu.vector_load %arg28[%swap3A_492] {strides = array<i32>} : memref<256xf32, #tpu.memory_space<vmem>>, vector<16xf32>,
      tpu.vector_store %arg28[%swap3A_492], %add3A_491 {strides = array<i32>} : memref<256xf32, #tpu.memory_space<vmem>>, vector<16xf32>,
    }
    %scan3A_392 = arith.constant 16 : i32
    %add3A_393 = arith.constant 8192 : i32
    %add3A_394 = arith.addi %add3A_393, %mul3A_386 : i32
    "tpu.region"() ({
      %run_scoped3A = tpu.sem_alloc : memref<!tpu.dma_semaphore, #tpu.memory_space<semaphore_mem>>
      %dma_start3A_408 = tpu.memref_slice %arg19[%arg0, %add3A_394] : memref<2x16384xf32, #tpu.memory_space<hbm>> -> memref<1x256xf32, #tpu.memory_space<hbm>>
      %dma_start3A_409 = tpu.memref_squeeze %dma_start3A_408 : memref<1x256xf32, #tpu.memory_space<hbm>> -> memref<256xf32, #tpu.memory_space<hbm>>
      %dma_start3A_410 = tpu.memref_slice %arg19[%arg0, %add3A_394] : memref<2x16384xf32, #tpu.memory_space<hbm>> -> memref<1x256xf32, #tpu.memory_space<hbm>>
      %dma_start3A_411 = tpu.memref_squeeze %dma_start3A_410 : memref<1x256xf32, #tpu.memory_space<hbm>> -> memref<256xf32, #tpu.memory_space<hbm>>
      tpu.enqueue_dma source(%arg28 : memref<256xf32, #tpu.memory_space<vmem>>) target(%dma_start3A_411 : memref<256xf32, #tpu.memory_space<hbm>>) target_semaphore(%run_scoped3A : memref<!tpu.dma_semaphore, #tpu.memory_space<semaphore_mem>>)
      %dma_wait3A_412 = tpu.memref_slice %arg19[%arg0, %add3A_394] : memref<2x16384xf32, #tpu.memory_space<hbm>> -> memref<1x256xf32, #tpu.memory_space<hbm>>
      %dma_wait3A_413 = tpu.memref_squeeze %dma_wait3A_412 : memref<1x256xf32, #tpu.memory_space<hbm>> -> memref<256xf32, #tpu.memory_space<hbm>>
      %dma_wait3A_414 = tpu.memref_slice %arg19[%arg0, %add3A_394] : memref<2x16384xf32, #tpu.memory_space<hbm>> -> memref<1x256xf32, #tpu.memory_space<hbm>>
      %dma_wait3A_415 = tpu.memref_squeeze %dma_wait3A_414 : memref<1x256xf32, #tpu.memory_space<hbm>> -> memref<256xf32, #tpu.memory_space<hbm>>
      tpu.wait_dma2 semaphore(%run_scoped3A : memref<!tpu.dma_semaphore, #tpu.memory_space<semaphore_mem>>) src(%arg28 : memref<256xf32, #tpu.memory_space<vmem>>) dst(%dma_wait3A_415 : memref<256xf32, #tpu.memory_space<hbm>>)
      tpu.yield
    }) : () -> ()
    %barrier3A_395 = arith.constant 0 : index
    tpu.barrier barrier_id(%barrier3A_395)
    "tpu.region"() ({
      %run_scoped3A = tpu.sem_alloc : memref<!tpu.dma_semaphore, #tpu.memory_space<semaphore_mem>>
      %dma_start3A_408 = arith.constant 12288 : i32
      %dma_start3A_409 = tpu.memref_slice %arg26[%dma_start3A_408] : memref<16384xf32, #tpu.memory_space<vmem>> -> memref<4096xf32, #tpu.memory_space<vmem>>
      %dma_start3A_410 = arith.constant 0 : i32
      %dma_start3A_411 = tpu.memref_slice %arg29[%arg1, %dma_start3A_410] : memref<16x4096xf32, #tpu.memory_space<vmem_shared>> -> memref<1x4096xf32, #tpu.memory_space<vmem_shared>>
      %dma_start3A_412 = tpu.memref_squeeze %dma_start3A_411 : memref<1x4096xf32, #tpu.memory_space<vmem_shared>> -> memref<4096xf32, #tpu.memory_space<vmem_shared>>
      %dma_start3A_413 = arith.constant 0 : i32
      %dma_start3A_414 = tpu.memref_slice %arg29[%arg1, %dma_start3A_413] : memref<16x4096xf32, #tpu.memory_space<vmem_shared>> -> memref<1x4096xf32, #tpu.memory_space<vmem_shared>>
      %dma_start3A_415 = tpu.memref_squeeze %dma_start3A_414 : memref<1x4096xf32, #tpu.memory_space<vmem_shared>> -> memref<4096xf32, #tpu.memory_space<vmem_shared>>
      %dma_start3A_416 = arith.constant 12288 : i32
      %dma_start3A_417 = tpu.memref_slice %arg26[%dma_start3A_416] : memref<16384xf32, #tpu.memory_space<vmem>> -> memref<4096xf32, #tpu.memory_space<vmem>>
      tpu.enqueue_dma source(%dma_start3A_417 : memref<4096xf32, #tpu.memory_space<vmem>>) target(%dma_start3A_415 : memref<4096xf32, #tpu.memory_space<vmem_shared>>) target_semaphore(%run_scoped3A : memref<!tpu.dma_semaphore, #tpu.memory_space<semaphore_mem>>)
      %dma_wait3A_418 = arith.constant 12288 : i32
      %dma_wait3A_419 = tpu.memref_slice %arg26[%dma_wait3A_418] : memref<16384xf32, #tpu.memory_space<vmem>> -> memref<4096xf32, #tpu.memory_space<vmem>>
      %dma_wait3A_420 = arith.constant 0 : i32
      %dma_wait3A_421 = tpu.memref_slice %arg29[%arg1, %dma_wait3A_420] : memref<16x4096xf32, #tpu.memory_space<vmem_shared>> -> memref<1x4096xf32, #tpu.memory_space<vmem_shared>>
      %dma_wait3A_422 = tpu.memref_squeeze %dma_wait3A_421 : memref<1x4096xf32, #tpu.memory_space<vmem_shared>> -> memref<4096xf32, #tpu.memory_space<vmem_shared>>
      %dma_wait3A_423 = arith.constant 0 : i32
      %dma_wait3A_424 = tpu.memref_slice %arg29[%arg1, %dma_wait3A_423] : memref<16x4096xf32, #tpu.memory_space<vmem_shared>> -> memref<1x4096xf32, #tpu.memory_space<vmem_shared>>
      %dma_wait3A_425 = tpu.memref_squeeze %dma_wait3A_424 : memref<1x4096xf32, #tpu.memory_space<vmem_shared>> -> memref<4096xf32, #tpu.memory_space<vmem_shared>>
      %dma_wait3A_426 = arith.constant 12288 : i32
      %dma_wait3A_427 = tpu.memref_slice %arg26[%dma_wait3A_426] : memref<16384xf32, #tpu.memory_space<vmem>> -> memref<4096xf32, #tpu.memory_space<vmem>>
      tpu.wait_dma2 semaphore(%run_scoped3A : memref<!tpu.dma_semaphore, #tpu.memory_space<semaphore_mem>>) src(%dma_wait3A_427 : memref<4096xf32, #tpu.memory_space<vmem>>) dst(%dma_wait3A_425 : memref<4096xf32, #tpu.memory_space<vmem_shared>>)
      tpu.yield
    }) : () -> ()
    %barrier3A_396 = arith.constant 0 : index
    tpu.barrier barrier_id(%barrier3A_396)
    %mul3A_397 = arith.constant 256 : i32
    %mul3A_398 = arith.muli %arg1, %mul3A_397 : i32
    "tpu.region"() ({
      %run_scoped3A = tpu.sem_alloc : memref<!tpu.dma_semaphore, #tpu.memory_space<semaphore_mem>>
      %dma_start3A_408 = arith.constant 0 : i32
      %dma_start3A_409 = tpu.memref_slice %arg29[%dma_start3A_408, %mul3A_398] : memref<16x4096xf32, #tpu.memory_space<vmem_shared>> -> memref<16x256xf32, #tpu.memory_space<vmem_shared>>
      %dma_start3A_410 = arith.constant 0 : i32
      %dma_start3A_411 = tpu.memref_slice %arg29[%dma_start3A_410, %mul3A_398] : memref<16x4096xf32, #tpu.memory_space<vmem_shared>> -> memref<16x256xf32, #tpu.memory_space<vmem_shared>>
      tpu.enqueue_dma source(%dma_start3A_411 : memref<16x256xf32, #tpu.memory_space<vmem_shared>>) target(%arg27 : memref<16x256xf32, #tpu.memory_space<vmem>>) target_semaphore(%run_scoped3A : memref<!tpu.dma_semaphore, #tpu.memory_space<semaphore_mem>>)
      %dma_wait3A_412 = arith.constant 0 : i32
      %dma_wait3A_413 = tpu.memref_slice %arg29[%dma_wait3A_412, %mul3A_398] : memref<16x4096xf32, #tpu.memory_space<vmem_shared>> -> memref<16x256xf32, #tpu.memory_space<vmem_shared>>
      %dma_wait3A_414 = arith.constant 0 : i32
      %dma_wait3A_415 = tpu.memref_slice %arg29[%dma_wait3A_414, %mul3A_398] : memref<16x4096xf32, #tpu.memory_space<vmem_shared>> -> memref<16x256xf32, #tpu.memory_space<vmem_shared>>
      tpu.wait_dma2 semaphore(%run_scoped3A : memref<!tpu.dma_semaphore, #tpu.memory_space<semaphore_mem>>) src(%dma_wait3A_415 : memref<16x256xf32, #tpu.memory_space<vmem_shared>>) dst(%arg27 : memref<16x256xf32, #tpu.memory_space<vmem>>)
      tpu.yield
    }) : () -> ()
    %scan3A_399 = arith.constant 0 : i32
    %scan3A_400 = arith.constant 0 : i32
    %scan3A_401 = arith.constant 16 : i32
    %scan3A_402 = arith.addi %scan3A_400, %scan3A_401 : i32
    %scan3A_403 = arith.constant 1 : i32
    scf.for %scan3A_408 = %scan3A_400 to %scan3A_402 step %scan3A_403  : i32 {
      %mul3A_409 = arith.constant 16 : i32
      %mul3A_410 = arith.muli %scan3A_408, %mul3A_409 : i32
      %multiple_of3A = tpu.assume_multiple %mul3A_410, 16 : i32
      %broadcast_in_dim3A = arith.constant 0.000000e+00 : f32
      %broadcast_in_dim3A_411 = vector.broadcast %broadcast_in_dim3A : f32 to vector<16xf32>
      %get3A_412 = arith.constant 0 : i32
      %get3A_413 = arith.index_cast %get3A_412 : i32 to index
      %get3A_414 = arith.index_cast %multiple_of3A : i32 to index
      %get3A_415 = tpu.vector_load %arg27[%get3A_413, %get3A_414] {strides = array<i32>} : memref<16x256xf32, #tpu.memory_space<vmem>>, vector<16xf32>,
      %add3A_416 = arith.addf %broadcast_in_dim3A_411, %get3A_415 : vector<16xf32>
      %get3A_417 = arith.constant 1 : i32
      %get3A_418 = arith.index_cast %get3A_417 : i32 to index
      %get3A_419 = arith.index_cast %multiple_of3A : i32 to index
      %get3A_420 = tpu.vector_load %arg27[%get3A_418, %get3A_419] {strides = array<i32>} : memref<16x256xf32, #tpu.memory_space<vmem>>, vector<16xf32>,
      %add3A_421 = arith.addf %add3A_416, %get3A_420 : vector<16xf32>
      %get3A_422 = arith.constant 2 : i32
      %get3A_423 = arith.index_cast %get3A_422 : i32 to index
      %get3A_424 = arith.index_cast %multiple_of3A : i32 to index
      %get3A_425 = tpu.vector_load %arg27[%get3A_423, %get3A_424] {strides = array<i32>} : memref<16x256xf32, #tpu.memory_space<vmem>>, vector<16xf32>,
      %add3A_426 = arith.addf %add3A_421, %get3A_425 : vector<16xf32>
      %get3A_427 = arith.constant 3 : i32
      %get3A_428 = arith.index_cast %get3A_427 : i32 to index
      %get3A_429 = arith.index_cast %multiple_of3A : i32 to index
      %get3A_430 = tpu.vector_load %arg27[%get3A_428, %get3A_429] {strides = array<i32>} : memref<16x256xf32, #tpu.memory_space<vmem>>, vector<16xf32>,
      %add3A_431 = arith.addf %add3A_426, %get3A_430 : vector<16xf32>
      %get3A_432 = arith.constant 4 : i32
      %get3A_433 = arith.index_cast %get3A_432 : i32 to index
      %get3A_434 = arith.index_cast %multiple_of3A : i32 to index
      %get3A_435 = tpu.vector_load %arg27[%get3A_433, %get3A_434] {strides = array<i32>} : memref<16x256xf32, #tpu.memory_space<vmem>>, vector<16xf32>,
      %add3A_436 = arith.addf %add3A_431, %get3A_435 : vector<16xf32>
      %get3A_437 = arith.constant 5 : i32
      %get3A_438 = arith.index_cast %get3A_437 : i32 to index
      %get3A_439 = arith.index_cast %multiple_of3A : i32 to index
      %get3A_440 = tpu.vector_load %arg27[%get3A_438, %get3A_439] {strides = array<i32>} : memref<16x256xf32, #tpu.memory_space<vmem>>, vector<16xf32>,
      %add3A_441 = arith.addf %add3A_436, %get3A_440 : vector<16xf32>
      %get3A_442 = arith.constant 6 : i32
      %get3A_443 = arith.index_cast %get3A_442 : i32 to index
      %get3A_444 = arith.index_cast %multiple_of3A : i32 to index
      %get3A_445 = tpu.vector_load %arg27[%get3A_443, %get3A_444] {strides = array<i32>} : memref<16x256xf32, #tpu.memory_space<vmem>>, vector<16xf32>,
      %add3A_446 = arith.addf %add3A_441, %get3A_445 : vector<16xf32>
      %get3A_447 = arith.constant 7 : i32
      %get3A_448 = arith.index_cast %get3A_447 : i32 to index
      %get3A_449 = arith.index_cast %multiple_of3A : i32 to index
      %get3A_450 = tpu.vector_load %arg27[%get3A_448, %get3A_449] {strides = array<i32>} : memref<16x256xf32, #tpu.memory_space<vmem>>, vector<16xf32>,
      %add3A_451 = arith.addf %add3A_446, %get3A_450 : vector<16xf32>
      %get3A_452 = arith.constant 8 : i32
      %get3A_453 = arith.index_cast %get3A_452 : i32 to index
      %get3A_454 = arith.index_cast %multiple_of3A : i32 to index
      %get3A_455 = tpu.vector_load %arg27[%get3A_453, %get3A_454] {strides = array<i32>} : memref<16x256xf32, #tpu.memory_space<vmem>>, vector<16xf32>,
      %add3A_456 = arith.addf %add3A_451, %get3A_455 : vector<16xf32>
      %get3A_457 = arith.constant 9 : i32
      %get3A_458 = arith.index_cast %get3A_457 : i32 to index
      %get3A_459 = arith.index_cast %multiple_of3A : i32 to index
      %get3A_460 = tpu.vector_load %arg27[%get3A_458, %get3A_459] {strides = array<i32>} : memref<16x256xf32, #tpu.memory_space<vmem>>, vector<16xf32>,
      %add3A_461 = arith.addf %add3A_456, %get3A_460 : vector<16xf32>
      %get3A_462 = arith.constant 10 : i32
      %get3A_463 = arith.index_cast %get3A_462 : i32 to index
      %get3A_464 = arith.index_cast %multiple_of3A : i32 to index
      %get3A_465 = tpu.vector_load %arg27[%get3A_463, %get3A_464] {strides = array<i32>} : memref<16x256xf32, #tpu.memory_space<vmem>>, vector<16xf32>,
      %add3A_466 = arith.addf %add3A_461, %get3A_465 : vector<16xf32>
      %get3A_467 = arith.constant 11 : i32
      %get3A_468 = arith.index_cast %get3A_467 : i32 to index
      %get3A_469 = arith.index_cast %multiple_of3A : i32 to index
      %get3A_470 = tpu.vector_load %arg27[%get3A_468, %get3A_469] {strides = array<i32>} : memref<16x256xf32, #tpu.memory_space<vmem>>, vector<16xf32>,
      %add3A_471 = arith.addf %add3A_466, %get3A_470 : vector<16xf32>
      %get3A_472 = arith.constant 12 : i32
      %get3A_473 = arith.index_cast %get3A_472 : i32 to index
      %get3A_474 = arith.index_cast %multiple_of3A : i32 to index
      %get3A_475 = tpu.vector_load %arg27[%get3A_473, %get3A_474] {strides = array<i32>} : memref<16x256xf32, #tpu.memory_space<vmem>>, vector<16xf32>,
      %add3A_476 = arith.addf %add3A_471, %get3A_475 : vector<16xf32>
      %get3A_477 = arith.constant 13 : i32
      %get3A_478 = arith.index_cast %get3A_477 : i32 to index
      %get3A_479 = arith.index_cast %multiple_of3A : i32 to index
      %get3A_480 = tpu.vector_load %arg27[%get3A_478, %get3A_479] {strides = array<i32>} : memref<16x256xf32, #tpu.memory_space<vmem>>, vector<16xf32>,
      %add3A_481 = arith.addf %add3A_476, %get3A_480 : vector<16xf32>
      %get3A_482 = arith.constant 14 : i32
      %get3A_483 = arith.index_cast %get3A_482 : i32 to index
      %get3A_484 = arith.index_cast %multiple_of3A : i32 to index
      %get3A_485 = tpu.vector_load %arg27[%get3A_483, %get3A_484] {strides = array<i32>} : memref<16x256xf32, #tpu.memory_space<vmem>>, vector<16xf32>,
      %add3A_486 = arith.addf %add3A_481, %get3A_485 : vector<16xf32>
      %get3A_487 = arith.constant 15 : i32
      %get3A_488 = arith.index_cast %get3A_487 : i32 to index
      %get3A_489 = arith.index_cast %multiple_of3A : i32 to index
      %get3A_490 = tpu.vector_load %arg27[%get3A_488, %get3A_489] {strides = array<i32>} : memref<16x256xf32, #tpu.memory_space<vmem>>, vector<16xf32>,
      %add3A_491 = arith.addf %add3A_486, %get3A_490 : vector<16xf32>
      %swap3A_492 = arith.index_cast %multiple_of3A : i32 to index
      %swap3A_493 = tpu.vector_load %arg28[%swap3A_492] {strides = array<i32>} : memref<256xf32, #tpu.memory_space<vmem>>, vector<16xf32>,
      tpu.vector_store %arg28[%swap3A_492], %add3A_491 {strides = array<i32>} : memref<256xf32, #tpu.memory_space<vmem>>, vector<16xf32>,
    }
    %scan3A_404 = arith.constant 16 : i32
    %add3A_405 = arith.constant 12288 : i32
    %add3A_406 = arith.addi %add3A_405, %mul3A_398 : i32
    "tpu.region"() ({
      %run_scoped3A = tpu.sem_alloc : memref<!tpu.dma_semaphore, #tpu.memory_space<semaphore_mem>>
      %dma_start3A_408 = tpu.memref_slice %arg19[%arg0, %add3A_406] : memref<2x16384xf32, #tpu.memory_space<hbm>> -> memref<1x256xf32, #tpu.memory_space<hbm>>
      %dma_start3A_409 = tpu.memref_squeeze %dma_start3A_408 : memref<1x256xf32, #tpu.memory_space<hbm>> -> memref<256xf32, #tpu.memory_space<hbm>>
      %dma_start3A_410 = tpu.memref_slice %arg19[%arg0, %add3A_406] : memref<2x16384xf32, #tpu.memory_space<hbm>> -> memref<1x256xf32, #tpu.memory_space<hbm>>
      %dma_start3A_411 = tpu.memref_squeeze %dma_start3A_410 : memref<1x256xf32, #tpu.memory_space<hbm>> -> memref<256xf32, #tpu.memory_space<hbm>>
      tpu.enqueue_dma source(%arg28 : memref<256xf32, #tpu.memory_space<vmem>>) target(%dma_start3A_411 : memref<256xf32, #tpu.memory_space<hbm>>) target_semaphore(%run_scoped3A : memref<!tpu.dma_semaphore, #tpu.memory_space<semaphore_mem>>)
      %dma_wait3A_412 = tpu.memref_slice %arg19[%arg0, %add3A_406] : memref<2x16384xf32, #tpu.memory_space<hbm>> -> memref<1x256xf32, #tpu.memory_space<hbm>>
      %dma_wait3A_413 = tpu.memref_squeeze %dma_wait3A_412 : memref<1x256xf32, #tpu.memory_space<hbm>> -> memref<256xf32, #tpu.memory_space<hbm>>
      %dma_wait3A_414 = tpu.memref_slice %arg19[%arg0, %add3A_406] : memref<2x16384xf32, #tpu.memory_space<hbm>> -> memref<1x256xf32, #tpu.memory_space<hbm>>
      %dma_wait3A_415 = tpu.memref_squeeze %dma_wait3A_414 : memref<1x256xf32, #tpu.memory_space<hbm>> -> memref<256xf32, #tpu.memory_space<hbm>>
      tpu.wait_dma2 semaphore(%run_scoped3A : memref<!tpu.dma_semaphore, #tpu.memory_space<semaphore_mem>>) src(%arg28 : memref<256xf32, #tpu.memory_space<vmem>>) dst(%dma_wait3A_415 : memref<256xf32, #tpu.memory_space<hbm>>)
      tpu.yield
    }) : () -> ()
    %barrier3A_407 = arith.constant 0 : index
    tpu.barrier barrier_id(%barrier3A_407)
    return
  }
}

module attributes {stable_mosaic.version = 14 : i64} {
  func.func @_sum_body(%arg0: memref<2x16384xf32, #tpu.memory_space<vmem>>, %arg1: memref<2x16384xf32, #tpu.memory_space<vmem>>, %arg2: memref<16384xf32, #tpu.memory_space<vmem>>, %arg3: memref<16384xf32, #tpu.memory_space<vmem>>) attributes {dimension_semantics = [], scalar_prefetch = 0 : i64, scratch_operands = 0 : i64, tpu.core_type = #tpu.core_type<tc>} {
    %get3A = arith.constant 0 : index
    %get3A_0 = arith.constant 0 : index
    %get3A_1 = vector.load %arg0[%get3A, %get3A_0] : memref<2x16384xf32, #tpu.memory_space<vmem>>, vector<1x16384xf32>
    %get3A_2 = vector.shape_cast %get3A_1 : vector<1x16384xf32> to vector<16384xf32>
    %get3A_3 = arith.constant 1 : index
    %get3A_4 = arith.constant 0 : index
    %get3A_5 = vector.load %arg0[%get3A_3, %get3A_4] : memref<2x16384xf32, #tpu.memory_space<vmem>>, vector<1x16384xf32>
    %get3A_6 = vector.shape_cast %get3A_5 : vector<1x16384xf32> to vector<16384xf32>
    %add3A = arith.addf %get3A_2, %get3A_6 : vector<16384xf32>
    %swap3A = arith.constant 0 : index
    %swap3A_7 = vector.load %arg2[%swap3A] : memref<16384xf32, #tpu.memory_space<vmem>>, vector<16384xf32>
    tpu.vector_store %arg2[%swap3A], %add3A {strides = array<i32>} : memref<16384xf32, #tpu.memory_space<vmem>>, vector<16384xf32>,
    %get3A_8 = arith.constant 0 : index
    %get3A_9 = arith.constant 0 : index
    %get3A_10 = vector.load %arg1[%get3A_8, %get3A_9] : memref<2x16384xf32, #tpu.memory_space<vmem>>, vector<1x16384xf32>
    %get3A_11 = vector.shape_cast %get3A_10 : vector<1x16384xf32> to vector<16384xf32>
    %get3A_12 = arith.constant 1 : index
    %get3A_13 = arith.constant 0 : index
    %get3A_14 = vector.load %arg1[%get3A_12, %get3A_13] : memref<2x16384xf32, #tpu.memory_space<vmem>>, vector<1x16384xf32>
    %get3A_15 = vector.shape_cast %get3A_14 : vector<1x16384xf32> to vector<16384xf32>
    %add3A_16 = arith.addf %get3A_11, %get3A_15 : vector<16384xf32>
    %swap3A_17 = arith.constant 0 : index
    %swap3A_18 = vector.load %arg3[%swap3A_17] : memref<16384xf32, #tpu.memory_space<vmem>>, vector<16384xf32>
    tpu.vector_store %arg3[%swap3A_17], %add3A_16 {strides = array<i32>} : memref<16384xf32, #tpu.memory_space<vmem>>, vector<16384xf32>,
    return
  }
}

</mosaic_0001>

<sc_bundles>
// kernel: kernel.4.cloned.1.call-start
scs
__scs_entry_jumppad:
0x0: {  	(pc) =	sbr.rel $0x88, $3  }
0x1: {  	(tag) =	ssettag $0x0;
	lr =	simm.s32 $0x1  }
0x2: {  	[smem:$0x3F97] =	sst lr;
	_ =	strace $0xD0000000  }
0x3: {  	_ = 	snop  }
0x4: {  	_ = 	snop  }
0x5: {  	_ = 	snop  }
0x6: {  	_ = 	snop  }
0x7: {  	_ = 	snop  }
__scs_overlays_trampoline_lowered:
0x8: {  	[smem:$0x3FA6] =	sst s0  }
0x9: {  	[smem:$0x3FA7] =	sst s1  }
0xa: {  	[smem:$0x3FA8] =	sst s2  }
0xb: {  	[smem:$0x3FA9] =	sst s3  }
0xc: {  	[smem:$0x3FAA] =	sst s4  }
0xd: {  	[smem:$0x3FAB] =	sst s5  }
0xe: {  	[smem:$0x3FAC] =	sst s6  }
0xf: {  	[smem:$0x3FAD] =	sst s7  }
0x10: {  	[smem:$0x3FAE] =	sst s8  }
0x11: {  	[smem:$0x3FAF] =	sst s9;
	s0 =	simm.s32 @!p0 $0x0  }
0x12: {  	s1 =	sld [smem:$0x3F95];
	s0 =	simm.s32 @p0 $0x1  }
0x13: {  	[smem:$0x3FB0] =	sst s0;
	s0 =	simm.s32 @!p1 $0x0  }
0x14: {  	s2 =	sld [smem:$0x3F94];
	s0 =	simm.s32 @p1 $0x1  }
0x15: {  	[smem:$0x3FB1] =	sst s0;
	s0 =	simm.s32 @!p2 $0x0  }
0x16: {  	s3 =	sld [smem:$0x3FDB];
	s0 =	simm.s32 @p2 $0x1  }
0x17: {  	s4 =	simm.s32 $0x1BF5;
	[smem:$0x3FB3] =	sst s0  }
0x18: {  	s0 =	sld [smem:$0x3F96];
	_ =	swait.ge [sflag:s4], $0x0  }
0x19: {  	s7 =	sld [smem:$0x3F97]  }
0x1a: {  	s8 =	sadd.s32 $0xFFFFE003, lr  }
0x1b: {  	s9 =	sadd.s32 $0xFFFFFEF7, lr;
	s5 =	simm.s32 $0xFFFFFFFF;
	p2 =	slt.u32 s8, $0xFFFFF086  }
0x1c: {  	p1 =	slt.u32 s9, $0xF7A;
	s5 =	simm.s32 @!p2 $0x0  }
0x1d: {  	s5 =	simm.s32 @p1 $0x1;
	p0 =	seq.s32 s7, s2  }
0x1e: {  	s7 =	smul.u32 @!p0 $0xF7A, s2;
	p2 =	seq.s32 @!p0 s5, $0x0  }
0x1f: {  	s9 =	smul.u32 $0xF7A, s1;
	s8 =	simm.s32 @!p0 $0x1BF5;
	p2 =	por !p2, p0  }
0x20: {  	[sflag:s8] =	ssyncset.s32 @!p0 $0xFFFFF086;
	s6 =	sadd.s32 @!p0 s3, s7;
	s7 =	simm.s32 @!p0 $0x108  }
0x21: {  	s3 =	sadd.s32 s3, s9;
	s6 =	sadd.s32 @!p0 $0x88, s6;
	s7 =	simm.s32 @p2 $0x1082  }
0x22: {  	[simem:s7], [sflag:s8] =	dma.local @!p0 [hbm:s6], $0xF7A  }
0x23: {  	s9 =	sor.u32 $0xD0000000, s2;
	s6 =	simm.s32 $0x108;
	_ =	swait.ge @!p0 [sflag:s8], $0x0  }
0x24: {  	s3 =	sadd.s32 $0x88, s3;
	s6 =	simm.s32 @!p1 $0x1082;
	[sflag:s4] =	ssyncset.s32 $0xFFFFF086  }
0x25: {  	[simem:s6], [sflag:s4] =	dma.local [hbm:s3], $0xF7A  }
0x26: {  	[smem:$0x3F97] =	sst s1;
	(tag) =	ssettag s2;
	_ =	strace s9  }
0x27: {  	s1 =	sld [smem:$0x3FA7]  }
0x28: {  	s2 =	sld [smem:$0x3FA8]  }
0x29: {  	s4 =	sld [smem:$0x3FAA]  }
0x2a: {  	p0 =	seq.s32 s5, $0x0;
	s5 =	sld [smem:$0x3FAB]  }
0x2b: {  	s6 =	sld [smem:$0x3FAC]  }
0x2c: {  	s7 =	sld [smem:$0x3FAD]  }
0x2d: {  	s3 =	simm.s32 $0x108;
	s8 =	sld [smem:$0x3FAE]  }
0x2e: {  	s3 =	simm.s32 @!p0 $0x1082;
	s9 =	sld [smem:$0x3FAF]  }
0x2f: {  	lr =	sadd.s32 s0, s3;
	s0 =	sld [smem:$0x3FA6]  }
0x30: {  	s3 =	sld [smem:$0x3FA9]  }
0x31: {  	[smem:$0x3FB2] =	sst s10  }
0x32: {  	s10 =	sld [smem:$0x3FB0];
	_ =	sdelay $0x3  }
0x33: {  	p0 =	seq.s32 s10, $0x1;
	s10 =	sld [smem:$0x3FB2];
	_ =	sdelay $0x3  }
0x34: {  	[smem:$0x3FB2] =	sst s10  }
0x35: {  	s10 =	sld [smem:$0x3FB1];
	_ =	sdelay $0x3  }
0x36: {  	p1 =	seq.s32 s10, $0x1;
	s10 =	sld [smem:$0x3FB2];
	_ =	sdelay $0x3  }
0x37: {  	[smem:$0x3FB2] =	sst s10  }
0x38: {  	s10 =	sld [smem:$0x3FB3]  }
0x39: {  	_ = 	snop;
	(pc) =	sbr.ind lr, $3  }
0x3a: {  	_ = 	snop  }
0x3b: {  	_ = 	snop  }
0x3c: {  	p2 =	seq.s32 s10, $0x1;
	s10 =	sld [smem:$0x3FB2]  }
0x3d: {  	_ =	shalt  }
0x3e: {  	_ =	shalt  }
0x3f: {  	_ =	shalt  }
0x40: {  	_ =	shalt  }
0x41: {  	_ =	shalt  }
0x42: {  	_ =	shalt  }
0x43: {  	_ =	shalt  }
0x44: {  	_ =	shalt  }
0x45: {  	_ =	shalt  }
0x46: {  	_ =	shalt  }
0x47: {  	_ =	shalt  }
0x48: {  	_ =	shalt  }
0x49: {  	_ =	shalt  }
0x4a: {  	_ =	shalt  }
0x4b: {  	_ =	shalt  }
0x4c: {  	_ =	shalt  }
0x4d: {  	_ =	shalt  }
0x4e: {  	_ =	shalt  }
0x4f: {  	_ =	shalt  }
0x50: {  	_ =	shalt  }
0x51: {  	_ =	shalt  }
0x52: {  	_ =	shalt  }
0x53: {  	_ =	shalt  }
0x54: {  	_ =	shalt  }
0x55: {  	_ =	shalt  }
0x56: {  	_ =	shalt  }
0x57: {  	_ =	shalt  }
0x58: {  	_ =	shalt  }
0x59: {  	_ =	shalt  }
0x5a: {  	_ =	shalt  }
0x5b: {  	_ =	shalt  }
0x5c: {  	_ =	shalt  }
0x5d: {  	_ =	shalt  }
0x5e: {  	_ =	shalt  }
0x5f: {  	_ =	shalt  }
0x60: {  	_ =	shalt  }
0x61: {  	_ =	shalt  }
0x62: {  	_ =	shalt  }
0x63: {  	_ =	shalt  }
0x64: {  	_ =	shalt  }
0x65: {  	_ =	shalt  }
0x66: {  	_ =	shalt  }
0x67: {  	_ =	shalt  }
0x68: {  	_ =	shalt  }
0x69: {  	_ =	shalt  }
0x6a: {  	_ =	shalt  }
0x6b: {  	_ =	shalt  }
0x6c: {  	_ =	shalt  }
0x6d: {  	_ =	shalt  }
0x6e: {  	_ =	shalt  }
0x6f: {  	_ =	shalt  }
0x70: {  	_ =	shalt  }
0x71: {  	_ =	shalt  }
0x72: {  	_ =	shalt  }
0x73: {  	_ =	shalt  }
0x74: {  	_ =	shalt  }
0x75: {  	_ =	shalt  }
0x76: {  	_ =	shalt  }
0x77: {  	_ =	shalt  }
0x78: {  	_ =	shalt  }
0x79: {  	_ =	shalt  }
0x7a: {  	_ =	shalt  }
0x7b: {  	_ =	shalt  }
0x7c: {  	_ =	shalt  }
0x7d: {  	_ =	shalt  }
0x7e: {  	_ =	shalt  }
0x7f: {  	_ =	shalt  }
0x80: {  	_ =	shalt  }
0x81: {  	_ =	shalt  }
0x82: {  	_ =	shalt  }
0x83: {  	_ =	shalt  }
0x84: {  	_ =	shalt  }
0x85: {  	_ =	shalt  }
0x86: {  	_ =	shalt  }
0x87: {  	_ =	shalt  }
.Lfunc_end0:
.L_simem_size_0:
called_computation_lowered:
.L_overlay_start_0:
0x88: {  	s2 =	sld [smem:$0x3FD9]  }
0x89: {  	s3 =	sld [smem:$0x3FFE];
	_ =	sdelay $0x1  }
0x8a: {  	s1 =	srdreg.scid  }
0x8b: {  	s0 =	sand.u32 $0x1, s1  }
0x8c: {  	s23 =	sshll.u32 s0, $0xA;
	s2 =	sadd.s32 s3, s2  }
0x8d: {  	s2 =	sadd.s32 s2, s23  }
0x8e: {  	[smem:$0x3FBE] =	sst s2  }
0x8f: {  	_ = 	snop  }
0x90: {  	s2 =	sld [smem:$0x3FC9]  }
0x91: {  	s3 =	sld [smem:$0x3FC8]  }
0x92: {  	s4 =	sld [smem:$0x3FC6]  }
0x93: {  	s5 =	sld [smem:$0x3FC5]  }
0x94: {  	s6 =	sld [smem:$0x3FC3]  }
0x95: {  	s10 =	sld [smem:$0x3FD0]  }
0x96: {  	s7 =	sld [smem:$0x3FC2]  }
0x97: {  	s8 =	sld [smem:$0x3FC1]  }
0x98: {  	s15 =	simm.s32 $0xA;
	s11 =	simm.s32 $0x10;
	s9 =	sld [smem:$0x3FC0]  }
0x99: {  	[smem:s11], [sflag:s15] =	dma.local [hbm:s10], $0x1  }
0x9a: {  	_ =	swait.eq [sflag:s15], $0x1  }
0x9b: {  	s10 =	sld [smem:$0x10]  }
0x9c: {  	s13 =	sld [smem:$0x11]  }
0x9d: {  	s11 =	sld [smem:$0x12]  }
0x9e: {  	s12 =	sld [smem:$0x13]  }
0x9f: {  	s14 =	sld [smem:$0x14]  }
0xa0: {  	s17 =	sld [smem:$0x15];
	[sflag:s15] =	ssyncset.done $0x0  }
0xa1: {  	s18 =	sld [smem:$0x16];
	[sflag:s15] =	ssyncadd.s32 $0xFFFFFFFF  }
0xa2: {  	s15 =	sld [smem:$0x17];
	(tm) =	ssettm $0x1  }
0xa3: {  	s16 =	sld [smem:$0x3FFB];
	_ =	sdelay $0x3  }
0xa4: {  	_ =	strace s16  }
0xa5: {  	s16 =	sld [smem:$0x3FFC];
	_ =	sdelay $0x3  }
0xa6: {  	_ =	strace s16  }
0xa7: {  	s16 =	sld [smem:$0x3FFD];
	_ =	sdelay $0x3  }
0xa8: {  	_ =	strace s16  }
0xa9: {  	_ =	strace $0x8FFFFFFF  }
0xaa: {  	s24 =	sld [smem:$0x3FDB];
	_ =	sdelay $0x1  }
0xab: {  	s19 =	simm.s32 $_scs_section_size  }
0xac: {  	s20 =	simm.s32 $_size__tile_task_arg_handler_lowered;
	s21 =	simm.s32 $_tile_task_arg_handler_lowered  }
0xad: {  	s28 =	simm.s32 $0x1BFF;
	s26 =	sshll.u32 s21, $0x1;
	s19 =	sadd.s32 s19, s24  }
0xae: {  	s22 =	simm.s32 $0x60;
	s25 =	sshll.u32 s20, $0x1;
	s20 =	sadd.s32 s26, s19  }
0xaf: {  	[timem:s22], [sflag:s28] =	dma.local [hbm:s20], s25  }
0xb0: {  	_ =	swait.ge [sflag:s28], s25  }
0xb1: {  	s29 =	simm.s32 $_tile_overlayer_lowered;
	s16 =	ssub.s32 $0x0, s25;
	[sflag:s28] =	ssyncset.done $0x0  }
0xb2: {  	s30 =	simm.s32 $_size__tile_overlayer_lowered;
	s20 =	sshll.u32 s29, $0x1;
	[sflag:s28] =	ssyncadd.s32 s16  }
0xb3: {  	s31 =	sshll.u32 s30, $0x1;
	s20 =	sadd.s32 s20, s19;
	s16 =	simm.s32 $0x0  }
0xb4: {  	[timem:s16], [sflag:s28] =	dma.local [hbm:s20], s31  }
0xb5: {  	_ =	swait.ge [sflag:s28], s31  }
0xb6: {  	s22 =	ssub.s32 $0x0, s31;
	[sflag:s28] =	ssyncset.done $0x0  }
0xb7: {  	[sflag:s28] =	ssyncadd.s32 s22;
	_ =	sdelay $0x1  }
0xb8: {  	s23 =	simm.s32 $0x1B8B  }
0xb9: {  	_ =	swait.ge [sflag:s23], $0x1  }
0xba: {  	[sflag:s23] =	ssyncset.done $0x0  }
0xbb: {  	s25 =	simm.s32 $0x1B8E;
	s24 =	sld [smem:$0x3FFE];
	[sflag:s23] =	ssyncadd.s32 $0xFFFFFFFF  }
0xbc: {  	s26 =	simm.s32 $execute0_lowered;
	[smem:$0x3FD2] =	sst s25  }
0xbd: {  	s21 =	sshll.u32 s26, $0x1;
	_ =	strace $0x80000046;
	[dreg:$0x1] =	wrdreg $0xFFFFFFFF  }
0xbe: {  	s19 =	sadd.s32 s19, s21;
	s28 =	simm.s32 $_size_execute0_lowered;
	[dreg:$0x0] =	wrdreg $0x0  }
0xbf: {  	s21 =	sshll.u32 s28, $0x1;
	[dreg:$0x2] =	wrdreg s19  }
0xc0: {  	[dreg:$0x3] =	wrdreg s21  }
0xc1: {  	[dreg:$0x4] =	wrdreg $0xC0  }
0xc2: {  	_ =	task [dreg:s16], $0x5FFFF  }
0xc3: {  	[dreg:$0x1] =	wrdreg $0xFFFFFFFF  }
0xc4: {  	[dreg:$0x0] =	wrdreg $0x30  }
0xc5: {  	[dreg:$0x2] =	wrdreg $0x0  }
0xc6: {  	[dreg:$0x3] =	wrdreg s17  }
0xc7: {  	[dreg:$0x4] =	wrdreg s18  }
0xc8: {  	[dreg:$0x5] =	wrdreg s24  }
0xc9: {  	[dreg:$0x6] =	wrdreg $0x1D8800  }
0xca: {  	[dreg:$0x7] =	wrdreg $0x9  }
0xcb: {  	_ =	task [dreg:s16], $0x8FFFF  }
0xcc: {  	[dreg:$0x1] =	wrdreg $0xFFFFFFFF  }
0xcd: {  	[dreg:$0x0] =	wrdreg $0x60  }
0xce: {  	[dreg:$0x2] =	wrdreg s2  }
0xcf: {  	[dreg:$0x3] =	wrdreg s3  }
0xd0: {  	[dreg:$0x4] =	wrdreg s4  }
0xd1: {  	[dreg:$0x5] =	wrdreg s5  }
0xd2: {  	[dreg:$0x6] =	wrdreg s6  }
0xd3: {  	[dreg:$0x7] =	wrdreg s7  }
0xd4: {  	[dreg:$0x8] =	wrdreg s8  }
0xd5: {  	[dreg:$0x9] =	wrdreg s9  }
0xd6: {  	[dreg:$0xa] =	wrdreg s15  }
0xd7: {  	[dreg:$0xb] =	wrdreg s14  }
0xd8: {  	[dreg:$0xc] =	wrdreg s13  }
0xd9: {  	[dreg:$0xd] =	wrdreg s10  }
0xda: {  	[dreg:$0xe] =	wrdreg s11  }
0xdb: {  	[dreg:$0xf] =	wrdreg s12  }
0xdc: {  	_ =	task.clear_ibuf [dreg:s16], $0x10FFFF;
	_ =	strace $0x90000046  }
0xdd: {  	s29 =	simm.s32 $0x9;
	_ =	strace $0x80000048  }
0xde: {  	_ =	swait.ge [sflag:s29], $0x1  }
0xdf: {  	[sflag:s29] =	ssyncadd.s32 $0xFFFFFFFF  }
0xe0: {  	_ =	strace $0x90000048  }
0xe1: {  	_ =	sfence  }
0xe2: {  	s30 =	sld [smem:$0x0];
	_ =	sdelay $0x2  }
0xe3: {  	s31 =	sshll.u32 s1, $0xD;
	s1 =	sshrl.u32 s1, $0x2  }
0xe4: {  	s3 =	sand.u32 $0x4000, s31;
	s1 =	sadd.s32 s1, s30  }
0xe5: {  	s0 =	sor.u32 s3, s0;
	s1 =	sshll.u32 s1, $0x11  }
0xe6: {  	s0 =	sor.u32 s1, s0  }
0xe7: {  	s0 =	sadd.s32 $0x8F2B, s0  }
0xe8: {  	[sflag:s0] =	ssyncadd.remote.s32 $0x1  }
0xe9: {  	_ =	sfence.sel $0xFFFF  }
0xea: {  	[dreg:$0x0] =	wrdreg $0xFFFFFFFF;
	(pc) =	sbr.abs _section_cstart, $3  }
0xeb: {  	[dreg:$0x1] =	wrdreg $0xFFFFFFFF  }
0xec: {  	_ =	task.clear_ibuf [dreg:s16], $0x2FFFF;
	_ =	strace $0x9FFFFFFF  }
0xed: {  	(tm) =	ssettm $0x7FFFFFFF  }
tec
_tile_task_arg_handler_lowered:
.L_overlay_start_1:
0x0: {  	(tag) =	ssettag $0x1  }
0x1: {  	s0 =	rddreg [dreg:$0x0]  }
0x2: {  	s1 =	rddreg [dreg:$0x1]  }
0x3: {  	s2 =	rddreg [dreg:$0x2]  }
0x4: {  	s3 =	rddreg [dreg:$0x3]  }
0x5: {  	s4 =	rddreg [dreg:$0x4]  }
0x6: {  	s5 =	rddreg [dreg:$0x5]  }
0x7: {  	s6 =	rddreg [dreg:$0x6]  }
0x8: {  	s7 =	rddreg [dreg:$0x7]  }
0x9: {  	s8 =	rddreg [dreg:$0x8]  }
0xa: {  	s9 =	rddreg [dreg:$0x9]  }
0xb: {  	s10 =	rddreg [dreg:$0xa]  }
0xc: {  	s11 =	rddreg [dreg:$0xb]  }
0xd: {  	s12 =	rddreg [dreg:$0xc]  }
0xe: {  	s13 =	rddreg [dreg:$0xd]  }
0xf: {  	[smem:s0] =	sst s1  }
0x10: {  	[smem:s0+$0x1] =	sst s2  }
0x11: {  	[smem:s0+$0x2] =	sst s3  }
0x12: {  	[smem:s0+$0x3] =	sst s4  }
0x13: {  	[smem:s0+$0x4] =	sst s5  }
0x14: {  	[smem:s0+$0x5] =	sst s6  }
0x15: {  	[smem:s0+$0x6] =	sst s7  }
0x16: {  	[smem:s0+$0x7] =	sst s8  }
0x17: {  	[smem:s0+$0x8] =	sst s9  }
0x18: {  	[smem:s0+$0x9] =	sst s10  }
0x19: {  	[smem:s0+$0xA] =	sst s11  }
0x1a: {  	[smem:s0+$0xB] =	sst s12  }
0x1b: {  	[smem:s0+$0xC] =	sst s13;
	_ =	shalt  }
.Lfunc_end2:
execute0_lowered:
.L_overlay_start_2:
0x1c: {  	(tag) =	ssettag $0x2  }
0x1d: {  	s19 =	rddreg [dreg:$0x0]  }
0x1e: {  	s20 =	rddreg [dreg:$0x1]  }
0x1f: {  	s22 =	rddreg [dreg:$0x2]  }
0x20: {  	s23 =	rddreg [dreg:$0x3]  }
0x21: {  	s0 =	rddreg [dreg:$0x4]  }
0x22: {  	s1 =	rddreg [dreg:$0x5]  }
0x23: {  	s2 =	rddreg [dreg:$0x6]  }
0x24: {  	s3 =	rddreg [dreg:$0x7]  }
0x25: {  	s4 =	rddreg [dreg:$0xc];
	s6 =	simm.s32 $0x0;
	s5 =	srdreg.scid  }
0x26: {  	s18 =	stileid.u32;
	[smem:$0x7FF] =	sst s6;
	s5 =	sand.u32 $0x1, s5  }
0x27: {  	s8 =	sshrl.u32 s18, $0x2;
	s9 =	sshll.u32 s18, $0x8;
	s21 =	sshll.u32 s18, $0xC  }
0x28: {  	s28 =	sadd.s32 $0x400, s19;
	s31 =	sadd.s32 $0x400, s20;
	s7 =	sld [smem:$0x0]  }
0x29: {  	s19 =	simm.s32 $0x0;
	s10 =	sshll.u32 s5, $0x7;
	s11 =	sld [smem:$0x1]  }
0x2a: {  	s12 =	smul.u32 $0xC3800, s8;
	s14 =	sld [smem:$0x2];
	s25 =	ssub.s32 $0x2, s5  }
0x2b: {  	s15 =	sld [smem:$0x3];
	s24 =	sand.u32 $0x8000, s21;
	s13 =	sor.u32 s10, s9  }
0x2c: {  	s8 =	sshll.u32 s8, $0x11;
	s16 =	sshrl.u32 s25, $0x1;
	s10 =	sand.u32 $0x380, s13  }
0x2d: {  	s16 =	ssub.s32 s25, s16;
	s25 =	sshll.u32 s18, $0x7;
	s12 =	sor.u32 s12, s10  }
0x2e: {  	s9 =	sand.u32 $0x380, s25;
	s17 =	sshrl.u32 s12, $0x3;
	s26 =	sadd.s32 $0x61C00, s12  }
0x2f: {  	s8 =	sor.u32 s8, s10;
	s29 =	sadd.s32 s0, s17;
	s12 =	sshrl.u32 s26, $0x3  }
0x30: {  	s26 =	sshll.u32 s18, $0xB;
	s18 =	sshll.u32 s18, $0x6;
	[dreg:$0xe] =	wrdreg s29  }
0x31: {  	s0 =	sadd.s32 s0, s12;
	s10 =	sadd.s32 s26, s15;
	s26 =	rddreg [dreg:$0xd]  }
0x32: {  	s29 =	sshll.u32 s5, $0x4;
	s21 =	sadd.s32 s2, s12;
	[dreg:$0xf] =	wrdreg s0  }
0x33: {  	s25 =	sadd.s32 s3, s12;
	s0 =	sadd.s32 s24, s15;
	[dreg:$0x13] =	wrdreg s21  }
0x34: {  	s15 =	sadd.s32 s1, s17;
	s1 =	sadd.s32 s1, s12;
	[dreg:$0x15] =	wrdreg s25  }
0x35: {  	s24 =	sadd.s32 s3, s17;
	s12 =	sadd.s32 $0x1200, s14;
	[dreg:$0x10] =	wrdreg s15  }
0x36: {  	s3 =	simm.s32 $0x3;
	s9 =	sadd.s32 s9, s0;
	[dreg:$0x11] =	wrdreg s1  }
0x37: {  	s0 =	sor.u32 s29, s18;
	s18 =	sadd.s32 s2, s17;
	[dreg:$0x14] =	wrdreg s24  }
0x38: {  	s29 =	sshrl.u32 s8, $0x3;
	s15 =	sadd.s32 $0x2200, s14;
	s2 =	simm.s32 $0xC780  }
0x39: {  	[dreg:$0x12] =	wrdreg s18;
	s5 =	sadd.s32 s4, s29;
	s1 =	sadd.s32 s26, s29  }
0x3a: {  	s8 =	sadd.s32 s7, s29;
	s11 =	sadd.s32 s11, s29;
	s29 =	sld [smem:$0x4]  }
0x3b: {  	s14 =	simm.s32 $0x2;
	s17 =	sadd.s32 s12, s0;
	[dreg:$0x16] =	wrdreg s5  }
0x3c: {  	s18 =	sor.u32 $0x400, s0;
	s24 =	sor.u32 $0x800, s0;
	[dreg:$0x17] =	wrdreg s1  }
0x3d: {  	s25 =	sor.u32 $0xC00, s0;
	s0 =	sadd.s32 s15, s0;
	[dreg:$0x18] =	wrdreg s8  }
0x3e: {  	s4 =	sshrl.u32 s13, $0x2;
	s7 =	simm.s32 $0xE780;
	[dreg:$0x19] =	wrdreg s11  }
0x3f: {  	s13 =	simm.s32 $0x1;
	[dreg:$0x1a] =	wrdreg s17;
	s21 =	sadd.s32 s12, s18  }
0x40: {  	s26 =	sadd.s32 s12, s24;
	s1 =	sadd.s32 s12, s25;
	[dreg:$0x1f] =	wrdreg s0  }
0x41: {  	s30 =	sadd.s32 s15, s18;
	s5 =	sadd.s32 s15, s25;
	s0 =	sadd.s32 $0x400, s22  }
0x42: {  	s8 =	simm.s32 $0xC380;
	s11 =	simm.s32 $0x80;
	[dreg:$0x1b] =	wrdreg s21  }
0x43: {  	s12 =	simm.s32 $0x400;
	s17 =	simm.s32 $0x1C780;
	[dreg:$0x1c] =	wrdreg s26  }
0x44: {  	s18 =	simm.s32 $0x100;
	[dreg:$0x1d] =	wrdreg s1;
	s26 =	sadd.s32 s15, s24  }
0x45: {  	s21 =	smax.u32 s16, $0x1;
	s1 =	sadd.s32 $0x400, s23;
	[dreg:$0x1e] =	wrdreg s29  }
0x46: {  	s15 =	simm.s32 $0x800;
	s16 =	simm.s32 $0x8000;
	_ =	strace $0x80000047  }
.LBB3_1:
0x47: {  	s20 =	rddreg [dreg:$0x0]  }
0x48: {  	[tilespmem:s2], [sflag:$0x3] =	stream.linear.gather [hbm4b:s20+s6], $0x2000, $0x38;
	[tilespmem:$0x1E880] =	vst v63  }
0x49: {  	_ =	swait.ge [sflag:s3], $0x2000  }
0x4a: {  	[sflag:s3] =	ssyncset.done $0x0  }
0x4b: {  	[sflag:s3] =	ssyncadd.s32 $0xFFFFE000  }
0x4c: {  	[tilespmem:s7], [sflag:$0x3] =	stream.linear.gather [hbm4b:s28+s6], $0x2000, $0x38;
	[tilespmem:$0x1E880] =	vst v63  }
0x4d: {  	_ =	swait.ge [sflag:s3], $0x2000  }
0x4e: {  	[sflag:s3] =	ssyncset.done $0x0  }
0x4f: {  	[sflag:s3] =	ssyncadd.s32 $0xFFFFE000  }
0x50: {  	s24 =	rddreg [dreg:$0x8]  }
0x51: {  	[tilespmem:s8], [sflag:$0x3] =	stream.linear.gather [hbm4b:s24+s6], $0x400, $0x38;
	[tilespmem:$0x1E880] =	vst v63  }
0x52: {  	_ =	swait.ge [sflag:s3], $0x400  }
0x53: {  	[sflag:s3] =	ssyncset.done $0x0  }
0x54: {  	s25 =	rddreg [dreg:$0xe];
	[sflag:s3] =	ssyncadd.s32 $0xFFFFFC00  }
0x55: {  	[tilespmem:s6], [sflag:$0x1] =	stream.strided.gather [hbm4b:s25+s11], $0xC380, s12, s11, $0x38;
	[tilespmem:$0x1E880] =	vst v63  }
0x56: {  	_ =	swait.ge [sflag:s13], $0xC380  }
0x57: {  	[sflag:s13] =	ssyncset.done $0x0  }
0x58: {  	s29 =	simm.s32 $0xC7C0;
	[sflag:s13] =	ssyncadd.s32 $0xFFFF3C80  }
0x59: {  	v0 =	vld [tilespmem:s29+$0x30]  }
0x5a: {  	v1 =	vld [tilespmem:s29+$0xFFFFFFD0]  }
0x5b: {  	v2 =	vld [tilespmem:s29+$0xFFFFFFE0]  }
0x5c: {  	v3 =	vld [tilespmem:s29+$0xFFFFFFF0]  }
0x5d: {  	v4 =	vld [tilespmem:s29+$0x0]  }
0x5e: {  	v5 =	vld [tilespmem:s29+$0x10]  }
0x5f: {  	v6 =	vld [tilespmem:s29+$0x20]  }
0x60: {  	s22 =	simm.s32 $0xC840;
	v7 =	vld [tilespmem:s29+$0xFFFFFFC0];
	vm0 =	vlt.s32 v0, $0xC380  }
0x61: {  	v12 =	vld [tilespmem:s22+$0x30];
	vm1 =	vlt.s32 v1, $0xC380  }
0x62: {  	v13 =	vld [tilespmem:s22+$0xFFFFFFD0];
	vm2 =	vlt.s32 v2, $0xC380  }
0x63: {  	v14 =	vld [tilespmem:s22+$0xFFFFFFE0];
	vm3 =	vlt.s32 v3, $0xC380  }
0x64: {  	v15 =	vld [tilespmem:s22+$0xFFFFFFF0];
	vm4 =	vlt.s32 v4, $0xC380  }
0x65: {  	v16 =	vld [tilespmem:s22+$0x0]  }
0x66: {  	v8 =	vld.idx.msk [tilespmem:v0+s6+$0x0], vm0  }
0x67: {  	v9 =	vld.idx.msk [tilespmem:v1+s6+$0x0], vm1  }
0x68: {  	v10 =	vld.idx.msk [tilespmem:v2+s6+$0x0], vm2;
	vm0 =	vlt.s32 v7, $0xC380  }
0x69: {  	v11 =	vld.idx.msk [tilespmem:v3+s6+$0x0], vm3;
	vm1 =	vlt.s32 v5, $0xC380  }
0x6a: {  	vm5 =	vlt.s32 v16, $0xC380;
	v4 =	vld.idx.msk [tilespmem:v4+s6+$0x0], vm4  }
0x6b: {  	vm2 =	vlt.s32 v6, $0xC380;
	v0 =	vld [tilespmem:s22+$0x10]  }
0x6c: {  	vm3 =	vlt.s32 v12, $0xC380;
	v1 =	vld [tilespmem:s22+$0x20]  }
0x6d: {  	vm15 =	vlt.s32 v13, $0xC380;
	v2 =	vld [tilespmem:s22+$0xFFFFFFC0]  }
0x6e: {  	s20 =	simm.s32 $0x107C0;
	v17 =	vld.idx.msk [tilespmem:v7+s6+$0x0], vm0;
	vm0 =	vlt.s32 v14, $0xC380  }
0x6f: {  	[tilespmem:s20+$0x30] =	vst v8;
	v18 =	vld.idx.msk [tilespmem:v5+s6+$0x0], vm1;
	vm1 =	vlt.s32 v15, $0xC380  }
0x70: {  	[tilespmem:s20+$0xFFFFFFD0] =	vst v9;
	v8 =	vld.idx.msk [tilespmem:v16+s6+$0x0], vm5  }
0x71: {  	[tilespmem:s20+$0xFFFFFFE0] =	vst v10;
	v3 =	vld.idx.msk [tilespmem:v6+s6+$0x0], vm2  }
0x72: {  	[tilespmem:s20+$0xFFFFFFF0] =	vst v11;
	v5 =	vld.idx.msk [tilespmem:v12+s6+$0x0], vm3  }
0x73: {  	[tilespmem:s20+$0x0] =	vst v4;
	v6 =	vld.idx.msk [tilespmem:v13+s6+$0x0], vm15  }
0x74: {  	[tilespmem:s20+$0xFFFFFFC0] =	vst v17;
	v7 =	vld.idx.msk [tilespmem:v14+s6+$0x0], vm0  }
0x75: {  	s23 =	simm.s32 $0xC8C0;
	s22 =	simm.s32 $0x8;
	vm2 =	vlt.s32 v2, $0xC380;
	[tilespmem:s20+$0x10] =	vst v18;
	v4 =	vld.idx.msk [tilespmem:v15+s6+$0x0], vm1;
	vm0 =	vlt.s32 v0, $0xC380;
	vm1 =	vlt.s32 v1, $0xC380  }
.LBB3_2:
0x76: {  	v9 =	vld [tilespmem:s23+$0x30];
	s22 =	sadd.s32 $0x8, s22;
	[tilespmem:s20+$0x20] =	vst v3;
	s20 =	sadd.s32 $0x80, s20  }
0x77: {  	v10 =	vld [tilespmem:s23+$0xFFFFFFD0];
	p0 =	slt.u32 s22, $0x1F8;
	[tilespmem:s20+$0x30] =	vst v5  }
0x78: {  	v11 =	vld [tilespmem:s23+$0xFFFFFFE0];
	[tilespmem:s20+$0xFFFFFFD0] =	vst v6  }
0x79: {  	v12 =	vld [tilespmem:s23+$0xFFFFFFF0];
	[tilespmem:s20+$0xFFFFFFE0] =	vst v7  }
0x7a: {  	v13 =	vld [tilespmem:s23+$0x0];
	[tilespmem:s20+$0xFFFFFFF0] =	vst v4  }
0x7b: {  	v4 =	vld [tilespmem:s23+$0x10];
	vm3 =	vlt.s32 v9, $0xC380;
	[tilespmem:s20+$0x0] =	vst v8  }
0x7c: {  	vm4 =	vlt.s32 v10, $0xC380;
	v6 =	vld [tilespmem:s23+$0x20]  }
0x7d: {  	v7 =	vld [tilespmem:s23+$0xFFFFFFC0];
	vm5 =	vlt.s32 v11, $0xC380  }
0x7e: {  	vm6 =	vlt.s32 v12, $0xC380;
	v8 =	vld.idx.msk [tilespmem:v2+s6+$0x0], vm2  }
0x7f: {  	vm7 =	vlt.s32 v13, $0xC380;
	v14 =	vld.idx.msk [tilespmem:v0+s6+$0x0], vm0  }
0x80: {  	vm0 =	vlt.s32 v4, $0xC380;
	v3 =	vld.idx.msk [tilespmem:v1+s6+$0x0], vm1;
	v0 =	vmov v4  }
.Ltmp0:
0x81: {  	vm1 =	vlt.s32 v6, $0xC380;
	v5 =	vld.idx.msk [tilespmem:v9+s6+$0x0], vm3;
	v1 =	vmov v6;
	(pc) =	sbr.rel @p0 .LBB3_2-.Ltmp0, $4  }
0x82: {  	vm2 =	vlt.s32 v7, $0xC380;
	v6 =	vld.idx.msk [tilespmem:v10+s6+$0x0], vm4;
	v2 =	vmov v7  }
0x83: {  	v7 =	vld.idx.msk [tilespmem:v11+s6+$0x0], vm5  }
0x84: {  	v4 =	vld.idx.msk [tilespmem:v12+s6+$0x0], vm6;
	[tilespmem:s20+$0xFFFFFFC0] =	vst v8  }
0x85: {  	s23 =	sadd.s32 $0x80, s23;
	v8 =	vld.idx.msk [tilespmem:v13+s6+$0x0], vm7;
	[tilespmem:s20+$0x10] =	vst v14  }
0x86: {  	_ =	sdelay $0x3  }
0x87: {  	[tilespmem:s20+$0x20] =	vst v3;
	s25 =	sadd.s32 $0x80, s20  }
0x88: {  	v2 =	vld.idx.msk [tilespmem:v2+s6+$0x0], vm2;
	[tilespmem:s25+$0x30] =	vst v5  }
0x89: {  	v0 =	vld.idx.msk [tilespmem:v0+s6+$0x0], vm0;
	[tilespmem:s25+$0xFFFFFFD0] =	vst v6  }
0x8a: {  	v1 =	vld.idx.msk [tilespmem:v1+s6+$0x0], vm1;
	[tilespmem:s25+$0xFFFFFFE0] =	vst v7  }
0x8b: {  	[tilespmem:s25+$0xFFFFFFF0] =	vst v4  }
0x8c: {  	[tilespmem:s25+$0x0] =	vst v8  }
0x8d: {  	[tilespmem:s25+$0xFFFFFFC0] =	vst v2  }
0x8e: {  	[tilespmem:s25+$0x10] =	vst v0  }
0x8f: {  	s22 =	simm.s32 $0xE7C0;
	[tilespmem:s25+$0x20] =	vst v1  }
0x90: {  	v0 =	vld [tilespmem:s22+$0x30]  }
0x91: {  	v1 =	vld [tilespmem:s22+$0xFFFFFFD0]  }
0x92: {  	v2 =	vld [tilespmem:s22+$0xFFFFFFE0]  }
0x93: {  	v3 =	vld [tilespmem:s22+$0xFFFFFFF0]  }
0x94: {  	v4 =	vld [tilespmem:s22+$0x0]  }
0x95: {  	v5 =	vld [tilespmem:s22+$0x10]  }
0x96: {  	v6 =	vld [tilespmem:s22+$0x20]  }
0x97: {  	s29 =	simm.s32 $0xE840;
	v7 =	vld [tilespmem:s22+$0xFFFFFFC0];
	vm0 =	vlt.s32 v0, $0xC380  }
0x98: {  	v12 =	vld [tilespmem:s29+$0x30];
	vm1 =	vlt.s32 v1, $0xC380  }
0x99: {  	v13 =	vld [tilespmem:s29+$0xFFFFFFD0];
	vm2 =	vlt.s32 v2, $0xC380  }
0x9a: {  	v14 =	vld [tilespmem:s29+$0xFFFFFFE0];
	vm3 =	vlt.s32 v3, $0xC380  }
0x9b: {  	v15 =	vld [tilespmem:s29+$0xFFFFFFF0];
	vm4 =	vlt.s32 v4, $0xC380  }
0x9c: {  	v16 =	vld [tilespmem:s29+$0x0]  }
0x9d: {  	v8 =	vld.idx.msk [tilespmem:v0+s6+$0x0], vm0  }
0x9e: {  	v9 =	vld.idx.msk [tilespmem:v1+s6+$0x0], vm1  }
0x9f: {  	v10 =	vld.idx.msk [tilespmem:v2+s6+$0x0], vm2;
	vm0 =	vlt.s32 v7, $0xC380  }
0xa0: {  	v11 =	vld.idx.msk [tilespmem:v3+s6+$0x0], vm3;
	vm1 =	vlt.s32 v5, $0xC380  }
0xa1: {  	vm5 =	vlt.s32 v16, $0xC380;
	v4 =	vld.idx.msk [tilespmem:v4+s6+$0x0], vm4  }
0xa2: {  	vm2 =	vlt.s32 v6, $0xC380;
	v0 =	vld [tilespmem:s29+$0x10]  }
0xa3: {  	vm3 =	vlt.s32 v12, $0xC380;
	v1 =	vld [tilespmem:s29+$0x20]  }
0xa4: {  	vm15 =	vlt.s32 v13, $0xC380;
	v2 =	vld [tilespmem:s29+$0xFFFFFFC0]  }
0xa5: {  	s20 =	simm.s32 $0x127F0;
	v17 =	vld.idx.msk [tilespmem:v7+s6+$0x0], vm0;
	vm0 =	vlt.s32 v14, $0xC380  }
0xa6: {  	[tilespmem:s20+$0x0] =	vst v8;
	v18 =	vld.idx.msk [tilespmem:v5+s6+$0x0], vm1;
	vm1 =	vlt.s32 v15, $0xC380  }
0xa7: {  	[tilespmem:s20+$0xFFFFFFA0] =	vst v9;
	v8 =	vld.idx.msk [tilespmem:v16+s6+$0x0], vm5  }
0xa8: {  	[tilespmem:s20+$0xFFFFFFB0] =	vst v10;
	v3 =	vld.idx.msk [tilespmem:v6+s6+$0x0], vm2  }
0xa9: {  	[tilespmem:s20+$0xFFFFFFC0] =	vst v11;
	v5 =	vld.idx.msk [tilespmem:v12+s6+$0x0], vm3  }
0xaa: {  	[tilespmem:s20+$0xFFFFFFD0] =	vst v4;
	v6 =	vld.idx.msk [tilespmem:v13+s6+$0x0], vm15  }
0xab: {  	[tilespmem:s20+$0xFFFFFF90] =	vst v17;
	v7 =	vld.idx.msk [tilespmem:v14+s6+$0x0], vm0  }
0xac: {  	s23 =	simm.s32 $0xE8C0;
	s22 =	simm.s32 $0x8;
	vm2 =	vlt.s32 v2, $0xC380;
	[tilespmem:s20+$0xFFFFFFE0] =	vst v18;
	v4 =	vld.idx.msk [tilespmem:v15+s6+$0x0], vm1;
	vm0 =	vlt.s32 v0, $0xC380;
	vm1 =	vlt.s32 v1, $0xC380  }
.LBB3_4:
0xad: {  	v9 =	vld [tilespmem:s23+$0x30];
	s22 =	sadd.s32 $0x8, s22;
	[tilespmem:s20+$0xFFFFFFF0] =	vst v3;
	s20 =	sadd.s32 $0x80, s20  }
0xae: {  	v10 =	vld [tilespmem:s23+$0xFFFFFFD0];
	p0 =	slt.u32 s22, $0x1F8;
	[tilespmem:s20+$0x0] =	vst v5  }
0xaf: {  	v11 =	vld [tilespmem:s23+$0xFFFFFFE0];
	[tilespmem:s20+$0xFFFFFFA0] =	vst v6  }
0xb0: {  	v12 =	vld [tilespmem:s23+$0xFFFFFFF0];
	[tilespmem:s20+$0xFFFFFFB0] =	vst v7  }
0xb1: {  	v13 =	vld [tilespmem:s23+$0x0];
	[tilespmem:s20+$0xFFFFFFC0] =	vst v4  }
0xb2: {  	v4 =	vld [tilespmem:s23+$0x10];
	vm3 =	vlt.s32 v9, $0xC380;
	[tilespmem:s20+$0xFFFFFFD0] =	vst v8  }
0xb3: {  	vm4 =	vlt.s32 v10, $0xC380;
	v6 =	vld [tilespmem:s23+$0x20]  }
0xb4: {  	v7 =	vld [tilespmem:s23+$0xFFFFFFC0];
	vm5 =	vlt.s32 v11, $0xC380  }
0xb5: {  	vm6 =	vlt.s32 v12, $0xC380;
	v8 =	vld.idx.msk [tilespmem:v2+s6+$0x0], vm2  }
0xb6: {  	vm7 =	vlt.s32 v13, $0xC380;
	v14 =	vld.idx.msk [tilespmem:v0+s6+$0x0], vm0  }
0xb7: {  	vm0 =	vlt.s32 v4, $0xC380;
	v3 =	vld.idx.msk [tilespmem:v1+s6+$0x0], vm1;
	v0 =	vmov v4  }
.Ltmp1:
0xb8: {  	vm1 =	vlt.s32 v6, $0xC380;
	v5 =	vld.idx.msk [tilespmem:v9+s6+$0x0], vm3;
	v1 =	vmov v6;
	(pc) =	sbr.rel @p0 .LBB3_4-.Ltmp1, $4  }
0xb9: {  	vm2 =	vlt.s32 v7, $0xC380;
	v6 =	vld.idx.msk [tilespmem:v10+s6+$0x0], vm4;
	v2 =	vmov v7  }
0xba: {  	v7 =	vld.idx.msk [tilespmem:v11+s6+$0x0], vm5  }
0xbb: {  	v4 =	vld.idx.msk [tilespmem:v12+s6+$0x0], vm6;
	[tilespmem:s20+$0xFFFFFF90] =	vst v8  }
0xbc: {  	s23 =	sadd.s32 $0x80, s23;
	v8 =	vld.idx.msk [tilespmem:v13+s6+$0x0], vm7;
	[tilespmem:s20+$0xFFFFFFE0] =	vst v14  }
0xbd: {  	_ =	sdelay $0x3  }
0xbe: {  	[tilespmem:s20+$0xFFFFFFF0] =	vst v3;
	s25 =	sadd.s32 $0x80, s20  }
0xbf: {  	v2 =	vld.idx.msk [tilespmem:v2+s6+$0x0], vm2;
	[tilespmem:s25+$0x0] =	vst v5  }
0xc0: {  	v0 =	vld.idx.msk [tilespmem:v0+s6+$0x0], vm0;
	[tilespmem:s25+$0xFFFFFFA0] =	vst v6  }
0xc1: {  	v1 =	vld.idx.msk [tilespmem:v1+s6+$0x0], vm1;
	[tilespmem:s25+$0xFFFFFFB0] =	vst v7  }
0xc2: {  	[tilespmem:s25+$0xFFFFFFC0] =	vst v4  }
0xc3: {  	[tilespmem:s25+$0xFFFFFFD0] =	vst v8  }
0xc4: {  	[tilespmem:s25+$0xFFFFFF90] =	vst v2  }
0xc5: {  	[tilespmem:s25+$0xFFFFFFE0] =	vst v0  }
0xc6: {  	[tilespmem:s25+$0xFFFFFFF0] =	vst v1  }
0xc7: {  	s20 =	rddreg [dreg:$0xf]  }
0xc8: {  	[tilespmem:s6], [sflag:$0x1] =	stream.strided.gather [hbm4b:s20+s11], $0xC300, s12, s11, $0x38;
	[tilespmem:$0x1E880] =	vst v63  }
0xc9: {  	_ =	swait.ge [sflag:s13], $0xC300  }
0xca: {  	[sflag:s13] =	ssyncset.done $0x0  }
0xcb: {  	[sflag:s13] =	ssyncadd.s32 $0xFFFF3D00  }
0xcc: {  	v0 =	vld [tilespmem:s4+$0xC380];
	_ =	sdelay $0x4  }
0xcd: {  	[tilespmem:$0xC300] =	vst v0  }
0xce: {  	v0 =	vld [tilespmem:s4+$0xC390];
	_ =	sdelay $0x4  }
0xcf: {  	s29 =	simm.s32 $0xC7C0;
	[tilespmem:$0xC310] =	vst v0  }
0xd0: {  	v0 =	vld [tilespmem:s29+$0x30]  }
0xd1: {  	v1 =	vld [tilespmem:s29+$0xFFFFFFD0]  }
0xd2: {  	v3 =	vld [tilespmem:s29+$0xFFFFFFE0]  }
0xd3: {  	v4 =	vld [tilespmem:s29+$0xFFFFFFF0];
	_ =	sdelay $0x1  }
0xd4: {  	v2 =	vadd.s32 $0xFFFF3C80, v0;
	vm0 =	vgt.s32 v0, $0xC37F;
	v0 =	vld [tilespmem:s29+$0xFFFFFFC0]  }
0xd5: {  	v5 =	vld [tilespmem:s29+$0x0]  }
0xd6: {  	v8 =	vld [tilespmem:s29+$0x10];
	v6 =	vadd.s32 $0xFFFF3C80, v1;
	v7 =	vadd.s32 $0xFFFF3C80, v3;
	vm1 =	vgt.s32 v2, $0x0  }
0xd7: {  	s22 =	simm.s32 $0x107C0;
	v9 =	vld [tilespmem:s29+$0x20];
	vm6 =	vgt.s32 v1, $0xC37F;
	v1 =	vadd.s32 $0xFFFF3C80, v4;
	v2 =	vnsel vm1, $0x0, v2  }
0xd8: {  	v13 =	vld [tilespmem:s22+$0x30];
	vm4 =	vgt.s32 v3, $0xC37F;
	vm5 =	vgt.s32 v4, $0xC37F;
	vm3 =	vgt.s32 v7, $0x0  }
0xd9: {  	v3 =	vld [tilespmem:s22+$0xFFFFFFD0];
	vm1 =	vgt.s32 v6, $0x0;
	v7 =	vnsel vm3, $0x0, v7;
	v10 =	vadd.s32 $0xFFFF3C80, v0  }
0xda: {  	v4 =	vld [tilespmem:s22+$0xFFFFFFE0];
	v11 =	vnsel vm1, $0x0, v6;
	vm2 =	vgt.s32 v0, $0xC37F;
	vm1 =	vgt.s32 v10, $0x0  }
0xdb: {  	v6 =	vld [tilespmem:s22+$0xFFFFFFF0];
	v0 =	vnsel vm1, $0x0, v10  }
0xdc: {  	v12 =	vld.idx.msk [tilespmem:v2+s6+$0x0], vm0;
	vm1 =	vgt.s32 v1, $0x0;
	v10 =	vadd.s32 $0xFFFF3C80, v5  }
0xdd: {  	vm3 =	vgt.s32 v5, $0xC37F;
	v2 =	vld [tilespmem:s22+$0xFFFFFFC0];
	v1 =	vnsel vm1, $0x0, v1;
	vm1 =	vgt.s32 v10, $0x0  }
0xde: {  	v5 =	vld [tilespmem:s22+$0x0];
	v14 =	vnsel vm1, $0x0, v10  }
0xdf: {  	v15 =	vadd.s32 $0xFFFF3C80, v8;
	v7 =	vld.idx.msk [tilespmem:v7+s6+$0x0], vm4  }
0xe0: {  	vm1 =	vgt.s32 v15, $0x0;
	v10 =	vld.idx.msk [tilespmem:v0+s6+$0x0], vm2  }
0xe1: {  	v63 =	vadd.s32 $0xFFFF3C80, v9;
	v11 =	vld.idx.msk [tilespmem:v11+s6+$0x0], vm6;
	v0 =	vnsel vm1, $0x0, v15  }
0xe2: {  	v12 =	vsel vm0, v12, v13;
	vm0 =	vgt.s32 v63, $0x0;
	vm1 =	vgt.s32 v8, $0xC37F;
	v8 =	vld.idx.msk [tilespmem:v1+s6+$0x0], vm5  }
0xe3: {  	s24 =	simm.s32 $0x0;
	s23 =	simm.s32 $0x107C0;
	s25 =	simm.s32 $0xC840;
	v1 =	vnsel vm0, $0x0, v63;
	vm0 =	vgt.s32 v9, $0xC37F;
	vm1 =	vmmov vm1;
	[tilespmem:s22+$0x30] =	vst v12;
	v9 =	vld.idx.msk [tilespmem:v14+s6+$0x0], vm3  }
.LBB3_6:
0xe4: {  	v12 =	vld [tilespmem:s25+$0x30];
	s24 =	sadd.s32 $0x8, s24  }
0xe5: {  	v2 =	vsel vm2, v10, v2;
	v13 =	vld [tilespmem:s25+$0xFFFFFFD0];
	p0 =	slt.u32 s24, $0x1F8  }
0xe6: {  	v10 =	vld [tilespmem:s25+$0xFFFFFFE0];
	[tilespmem:s22+$0xFFFFFFC0] =	vst v2;
	v2 =	vsel vm6, v11, v3  }
0xe7: {  	v11 =	vld [tilespmem:s25+$0xFFFFFFF0];
	[tilespmem:s22+$0xFFFFFFD0] =	vst v2;
	v2 =	vsel vm4, v7, v4  }
0xe8: {  	v4 =	vld [tilespmem:s25+$0x0];
	[tilespmem:s22+$0xFFFFFFE0] =	vst v2;
	v2 =	vsel vm5, v8, v6  }
0xe9: {  	v6 =	vld [tilespmem:s25+$0x10];
	v3 =	vadd.s32 $0xFFFF3C80, v12;
	[tilespmem:s22+$0xFFFFFFF0] =	vst v2;
	v2 =	vsel vm3, v9, v5  }
0xea: {  	vm7 =	vgt.s32 v12, $0xC37F;
	v5 =	vadd.s32 $0xFFFF3C80, v13;
	v7 =	vld [tilespmem:s25+$0x20];
	vm2 =	vgt.s32 v3, $0x0;
	[tilespmem:s22+$0x0] =	vst v2  }
0xeb: {  	v2 =	vld [tilespmem:s25+$0xFFFFFFC0];
	vm3 =	vgt.s32 v5, $0x0;
	v8 =	vadd.s32 $0xFFFF3C80, v10;
	v3 =	vnsel vm2, $0x0, v3  }
0xec: {  	v9 =	vnsel vm3, $0x0, v5;
	vm2 =	vgt.s32 v8, $0x0;
	v5 =	vadd.s32 $0xFFFF3C80, v11;
	v12 =	vld.idx.msk [tilespmem:v0+s6+$0x0], vm1  }
0xed: {  	v8 =	vnsel vm2, $0x0, v8;
	vm2 =	vgt.s32 v5, $0x0;
	v0 =	vadd.s32 $0xFFFF3C80, v4;
	v14 =	vld.idx.msk [tilespmem:v1+s6+$0x0], vm0  }
0xee: {  	v15 =	vnsel vm2, $0x0, v5;
	vm2 =	vgt.s32 v0, $0x0;
	v1 =	vadd.s32 $0xFFFF3C80, v6;
	v5 =	vld [tilespmem:s22+$0x10]  }
0xef: {  	v16 =	vnsel vm2, $0x0, v0;
	vm2 =	vgt.s32 v1, $0x0;
	v17 =	vadd.s32 $0xFFFF3C80, v7;
	v18 =	vld [tilespmem:s22+$0x20]  }
0xf0: {  	s22 =	sadd.s32 $0x80, s22;
	v19 =	vadd.s32 $0xFFFF3C80, v2;
	v0 =	vnsel vm2, $0x0, v1;
	vm3 =	vgt.s32 v17, $0x0;
	v20 =	vld.idx.msk [tilespmem:v3+s6+$0x0], vm7  }
0xf1: {  	vm2 =	vgt.s32 v2, $0xC37F;
	vm4 =	vgt.s32 v19, $0x0;
	v1 =	vnsel vm3, $0x0, v17;
	v17 =	vld [tilespmem:s22+$0x30]  }
0xf2: {  	vm6 =	vgt.s32 v13, $0xC37F;
	v19 =	vnsel vm4, $0x0, v19;
	v2 =	vld [tilespmem:s22+$0xFFFFFFC0];
	vm4 =	vgt.s32 v10, $0xC37F  }
0xf3: {  	vm5 =	vgt.s32 v11, $0xC37F;
	vm8 =	vgt.s32 v6, $0xC37F;
	vm3 =	vgt.s32 v4, $0xC37F;
	v3 =	vld [tilespmem:s22+$0xFFFFFFD0]  }
0xf4: {  	v5 =	vsel vm1, v12, v5;
	v4 =	vld [tilespmem:s22+$0xFFFFFFE0];
	v10 =	vsel vm0, v14, v18;
	vm0 =	vgt.s32 v7, $0xC37F  }
0xf5: {  	vm1 =	vmmov vm8;
	v6 =	vld [tilespmem:s22+$0xFFFFFFF0];
	[tilespmem:s23+$0x10] =	vst v5  }
0xf6: {  	v5 =	vld [tilespmem:s22+$0x0];
	v7 =	vsel vm7, v20, v17;
	[tilespmem:s23+$0x20] =	vst v10;
	s23 =	smov.u32 s22  }
.Ltmp2:
0xf7: {  	s29 =	simm.s32 $0xE7C0;
	s20 =	simm.s32 $0x127F0;
	v10 =	vld.idx.msk [tilespmem:v19+s6+$0x0], vm2;
	[tilespmem:s22+$0x30] =	vst v7;
	(pc) =	sbr.rel @p0 .LBB3_6-.Ltmp2, $4  }
0xf8: {  	v11 =	vld.idx.msk [tilespmem:v9+s6+$0x0], vm6  }
0xf9: {  	v7 =	vld.idx.msk [tilespmem:v8+s6+$0x0], vm4  }
0xfa: {  	v8 =	vld.idx.msk [tilespmem:v15+s6+$0x0], vm5  }
0xfb: {  	s25 =	sadd.s32 $0x80, s25;
	v9 =	vld.idx.msk [tilespmem:v16+s6+$0x0], vm3  }
0xfc: {  	_ =	sdelay $0x4  }
0xfd: {  	v0 =	vld.idx.msk [tilespmem:v0+s6+$0x0], vm1  }
0xfe: {  	v1 =	vld.idx.msk [tilespmem:v1+s6+$0x0], vm0  }
0xff: {  	v2 =	vsel vm2, v10, v2;
	v10 =	vld [tilespmem:s22+$0x10]  }
0x100: {  	[tilespmem:s22+$0xFFFFFFC0] =	vst v2;
	v2 =	vsel vm6, v11, v3;
	v3 =	vld [tilespmem:s22+$0x20]  }
0x101: {  	[tilespmem:s22+$0xFFFFFFD0] =	vst v2;
	v2 =	vsel vm4, v7, v4  }
0x102: {  	[tilespmem:s22+$0xFFFFFFE0] =	vst v2;
	v2 =	vsel vm5, v8, v6  }
0x103: {  	[tilespmem:s22+$0xFFFFFFF0] =	vst v2;
	v2 =	vsel vm3, v9, v5  }
0x104: {  	[tilespmem:s22+$0x0] =	vst v2;
	v0 =	vsel vm1, v0, v10  }
0x105: {  	v1 =	vsel vm0, v1, v3;
	[tilespmem:s23+$0x10] =	vst v0  }
0x106: {  	[tilespmem:s23+$0x20] =	vst v1  }
0x107: {  	v0 =	vld [tilespmem:s29+$0x30]  }
0x108: {  	v1 =	vld [tilespmem:s29+$0xFFFFFFD0]  }
0x109: {  	v3 =	vld [tilespmem:s29+$0xFFFFFFE0]  }
0x10a: {  	v4 =	vld [tilespmem:s29+$0xFFFFFFF0];
	_ =	sdelay $0x1  }
0x10b: {  	v2 =	vadd.s32 $0xFFFF3C80, v0;
	vm0 =	vgt.s32 v0, $0xC37F;
	v0 =	vld [tilespmem:s29+$0xFFFFFFC0]  }
0x10c: {  	v5 =	vld [tilespmem:s29+$0x0]  }
0x10d: {  	v8 =	vld [tilespmem:s29+$0x10];
	v6 =	vadd.s32 $0xFFFF3C80, v1;
	v7 =	vadd.s32 $0xFFFF3C80, v3;
	vm1 =	vgt.s32 v2, $0x0  }
0x10e: {  	v9 =	vld [tilespmem:s29+$0x20];
	vm6 =	vgt.s32 v1, $0xC37F;
	v1 =	vadd.s32 $0xFFFF3C80, v4;
	v2 =	vnsel vm1, $0x0, v2  }
0x10f: {  	v14 =	vld [tilespmem:s20+$0x0];
	vm4 =	vgt.s32 v3, $0xC37F;
	vm5 =	vgt.s32 v4, $0xC37F;
	vm3 =	vgt.s32 v7, $0x0  }
0x110: {  	v3 =	vld [tilespmem:s20+$0xFFFFFFA0];
	vm1 =	vgt.s32 v6, $0x0;
	v7 =	vnsel vm3, $0x0, v7;
	v10 =	vadd.s32 $0xFFFF3C80, v0  }
0x111: {  	v4 =	vld [tilespmem:s20+$0xFFFFFFB0];
	v13 =	vnsel vm1, $0x0, v6;
	vm2 =	vgt.s32 v0, $0xC37F;
	vm1 =	vgt.s32 v10, $0x0  }
0x112: {  	v6 =	vld [tilespmem:s20+$0xFFFFFFC0];
	v0 =	vnsel vm1, $0x0, v10  }
0x113: {  	v12 =	vld.idx.msk [tilespmem:v2+s6+$0x0], vm0;
	vm1 =	vgt.s32 v1, $0x0;
	v10 =	vadd.s32 $0xFFFF3C80, v5  }
0x114: {  	vm3 =	vgt.s32 v5, $0xC37F;
	v2 =	vld [tilespmem:s20+$0xFFFFFF90];
	v1 =	vnsel vm1, $0x0, v1;
	vm1 =	vgt.s32 v10, $0x0  }
0x115: {  	v5 =	vld [tilespmem:s20+$0xFFFFFFD0];
	v15 =	vnsel vm1, $0x0, v10  }
0x116: {  	v16 =	vadd.s32 $0xFFFF3C80, v8;
	v7 =	vld.idx.msk [tilespmem:v7+s6+$0x0], vm4  }
0x117: {  	vm1 =	vgt.s32 v16, $0x0;
	v11 =	vld.idx.msk [tilespmem:v0+s6+$0x0], vm2  }
0x118: {  	v63 =	vadd.s32 $0xFFFF3C80, v9;
	v10 =	vld.idx.msk [tilespmem:v13+s6+$0x0], vm6;
	v0 =	vnsel vm1, $0x0, v16  }
0x119: {  	v12 =	vsel vm0, v12, v14;
	vm0 =	vgt.s32 v63, $0x0;
	vm1 =	vgt.s32 v8, $0xC37F;
	v8 =	vld.idx.msk [tilespmem:v1+s6+$0x0], vm5  }
0x11a: {  	s24 =	simm.s32 $0xE840;
	s22 =	simm.s32 $0x127F0;
	s23 =	simm.s32 $0x0;
	v1 =	vnsel vm0, $0x0, v63;
	vm0 =	vgt.s32 v9, $0xC37F;
	vm1 =	vmmov vm1;
	[tilespmem:s20+$0x0] =	vst v12;
	v9 =	vld.idx.msk [tilespmem:v15+s6+$0x0], vm3  }
.LBB3_8:
0x11b: {  	v12 =	vld [tilespmem:s24+$0x30];
	s23 =	sadd.s32 $0x8, s23  }
0x11c: {  	v2 =	vsel vm2, v11, v2;
	v13 =	vld [tilespmem:s24+$0xFFFFFFD0];
	p0 =	slt.u32 s23, $0x1F8  }
0x11d: {  	v11 =	vld [tilespmem:s24+$0xFFFFFFE0];
	[tilespmem:s20+$0xFFFFFF90] =	vst v2;
	v2 =	vsel vm6, v10, v3  }
0x11e: {  	v10 =	vld [tilespmem:s24+$0xFFFFFFF0];
	[tilespmem:s20+$0xFFFFFFA0] =	vst v2;
	v2 =	vsel vm4, v7, v4  }
0x11f: {  	v4 =	vld [tilespmem:s24+$0x0];
	[tilespmem:s20+$0xFFFFFFB0] =	vst v2;
	v2 =	vsel vm5, v8, v6  }
0x120: {  	v6 =	vld [tilespmem:s24+$0x10];
	v3 =	vadd.s32 $0xFFFF3C80, v12;
	[tilespmem:s20+$0xFFFFFFC0] =	vst v2;
	v2 =	vsel vm3, v9, v5  }
0x121: {  	vm7 =	vgt.s32 v12, $0xC37F;
	v5 =	vadd.s32 $0xFFFF3C80, v13;
	v7 =	vld [tilespmem:s24+$0x20];
	vm2 =	vgt.s32 v3, $0x0;
	[tilespmem:s20+$0xFFFFFFD0] =	vst v2  }
0x122: {  	v2 =	vld [tilespmem:s24+$0xFFFFFFC0];
	vm3 =	vgt.s32 v5, $0x0;
	v8 =	vadd.s32 $0xFFFF3C80, v11;
	v3 =	vnsel vm2, $0x0, v3  }
0x123: {  	v9 =	vnsel vm3, $0x0, v5;
	vm2 =	vgt.s32 v8, $0x0;
	v5 =	vadd.s32 $0xFFFF3C80, v10;
	v12 =	vld.idx.msk [tilespmem:v0+s6+$0x0], vm1  }
0x124: {  	v8 =	vnsel vm2, $0x0, v8;
	vm2 =	vgt.s32 v5, $0x0;
	v0 =	vadd.s32 $0xFFFF3C80, v4;
	v14 =	vld.idx.msk [tilespmem:v1+s6+$0x0], vm0  }
0x125: {  	v15 =	vnsel vm2, $0x0, v5;
	vm2 =	vgt.s32 v0, $0x0;
	v1 =	vadd.s32 $0xFFFF3C80, v6;
	v5 =	vld [tilespmem:s20+$0xFFFFFFE0]  }
0x126: {  	v16 =	vnsel vm2, $0x0, v0;
	vm2 =	vgt.s32 v1, $0x0;
	v17 =	vadd.s32 $0xFFFF3C80, v7;
	v18 =	vld [tilespmem:s20+$0xFFFFFFF0]  }
0x127: {  	s20 =	sadd.s32 $0x80, s20;
	v19 =	vadd.s32 $0xFFFF3C80, v2;
	v0 =	vnsel vm2, $0x0, v1;
	vm3 =	vgt.s32 v17, $0x0;
	v20 =	vld.idx.msk [tilespmem:v3+s6+$0x0], vm7  }
0x128: {  	vm2 =	vgt.s32 v2, $0xC37F;
	vm4 =	vgt.s32 v19, $0x0;
	v1 =	vnsel vm3, $0x0, v17;
	v17 =	vld [tilespmem:s20+$0x0]  }
0x129: {  	vm6 =	vgt.s32 v13, $0xC37F;
	v19 =	vnsel vm4, $0x0, v19;
	v2 =	vld [tilespmem:s20+$0xFFFFFF90];
	vm4 =	vgt.s32 v11, $0xC37F  }
0x12a: {  	vm5 =	vgt.s32 v10, $0xC37F;
	vm8 =	vgt.s32 v6, $0xC37F;
	vm3 =	vgt.s32 v4, $0xC37F;
	v3 =	vld [tilespmem:s20+$0xFFFFFFA0]  }
0x12b: {  	v5 =	vsel vm1, v12, v5;
	v4 =	vld [tilespmem:s20+$0xFFFFFFB0];
	v10 =	vsel vm0, v14, v18;
	vm0 =	vgt.s32 v7, $0xC37F  }
0x12c: {  	vm1 =	vmmov vm8;
	v6 =	vld [tilespmem:s20+$0xFFFFFFC0];
	[tilespmem:s22+$0xFFFFFFE0] =	vst v5  }
0x12d: {  	v5 =	vld [tilespmem:s20+$0xFFFFFFD0];
	v7 =	vsel vm7, v20, v17;
	[tilespmem:s22+$0xFFFFFFF0] =	vst v10;
	s22 =	smov.u32 s20  }
.Ltmp3:
0x12e: {  	v11 =	vld.idx.msk [tilespmem:v19+s6+$0x0], vm2;
	[tilespmem:s20+$0x0] =	vst v7;
	(pc) =	sbr.rel @p0 .LBB3_8-.Ltmp3, $4  }
0x12f: {  	v10 =	vld.idx.msk [tilespmem:v9+s6+$0x0], vm6  }
0x130: {  	v7 =	vld.idx.msk [tilespmem:v8+s6+$0x0], vm4  }
0x131: {  	v8 =	vld.idx.msk [tilespmem:v15+s6+$0x0], vm5  }
0x132: {  	s24 =	sadd.s32 $0x80, s24;
	v9 =	vld.idx.msk [tilespmem:v16+s6+$0x0], vm3  }
0x133: {  	_ =	sdelay $0x4  }
0x134: {  	v0 =	vld.idx.msk [tilespmem:v0+s6+$0x0], vm1  }
0x135: {  	v1 =	vld.idx.msk [tilespmem:v1+s6+$0x0], vm0  }
0x136: {  	v2 =	vsel vm2, v11, v2;
	v11 =	vld [tilespmem:s20+$0xFFFFFFE0]  }
0x137: {  	[tilespmem:s20+$0xFFFFFF90] =	vst v2;
	v2 =	vsel vm6, v10, v3;
	v3 =	vld [tilespmem:s20+$0xFFFFFFF0]  }
0x138: {  	[tilespmem:s20+$0xFFFFFFA0] =	vst v2;
	v2 =	vsel vm4, v7, v4  }
0x139: {  	[tilespmem:s20+$0xFFFFFFB0] =	vst v2;
	v2 =	vsel vm5, v8, v6  }
0x13a: {  	[tilespmem:s20+$0xFFFFFFC0] =	vst v2;
	v2 =	vsel vm3, v9, v5  }
0x13b: {  	[tilespmem:s20+$0xFFFFFFD0] =	vst v2;
	v0 =	vsel vm1, v0, v11  }
0x13c: {  	v1 =	vsel vm0, v1, v3;
	[tilespmem:s22+$0xFFFFFFE0] =	vst v0  }
0x13d: {  	[tilespmem:s22+$0xFFFFFFF0] =	vst v1  }
0x13e: {  	s29 =	simm.s32 $0x10780;
	s20 =	rddreg [dreg:$0x16]  }
0x13f: {  	[hbm4b:s20+s11] =	stream.strided.scatter [tilespmem:s29], [sflag:$0x2], $0x4000, s12, s11, $0x38;
	[tilespmem:$0x1E880] =	vst v63  }
0x140: {  	s22 =	rddreg [dreg:$0x1]  }
0x141: {  	[tilespmem:s2], [sflag:$0x3] =	stream.linear.gather [hbm4b:s22+s6], $0x2000, $0x38;
	[tilespmem:$0x1E880] =	vst v63  }
0x142: {  	_ =	swait.ge [sflag:s3], $0x2000  }
0x143: {  	[sflag:s3] =	ssyncset.done $0x0  }
0x144: {  	[sflag:s3] =	ssyncadd.s32 $0xFFFFE000  }
0x145: {  	[tilespmem:s7], [sflag:$0x3] =	stream.linear.gather [hbm4b:s31+s6], $0x2000, $0x38;
	[tilespmem:$0x1E880] =	vst v63  }
0x146: {  	_ =	swait.ge [sflag:s3], $0x2000  }
0x147: {  	[sflag:s3] =	ssyncset.done $0x0  }
0x148: {  	[sflag:s3] =	ssyncadd.s32 $0xFFFFE000  }
0x149: {  	s23 =	rddreg [dreg:$0x9]  }
0x14a: {  	[tilespmem:s8], [sflag:$0x3] =	stream.linear.gather [hbm4b:s23+s6], $0x400, $0x38;
	[tilespmem:$0x1E880] =	vst v63  }
0x14b: {  	_ =	swait.ge [sflag:s3], $0x400  }
0x14c: {  	[sflag:s3] =	ssyncset.done $0x0  }
0x14d: {  	s24 =	rddreg [dreg:$0x10];
	[sflag:s3] =	ssyncadd.s32 $0xFFFFFC00  }
0x14e: {  	[tilespmem:s6], [sflag:$0x1] =	stream.strided.gather [hbm4b:s24+s11], $0xC380, s12, s11, $0x38;
	[tilespmem:$0x1E880] =	vst v63  }
0x14f: {  	_ =	swait.ge [sflag:s13], $0xC380  }
0x150: {  	[sflag:s13] =	ssyncset.done $0x0  }
0x151: {  	s25 =	simm.s32 $0xC7C0;
	[sflag:s13] =	ssyncadd.s32 $0xFFFF3C80  }
0x152: {  	v0 =	vld [tilespmem:s25+$0x30]  }
0x153: {  	v1 =	vld [tilespmem:s25+$0xFFFFFFD0]  }
0x154: {  	v2 =	vld [tilespmem:s25+$0xFFFFFFE0]  }
0x155: {  	v3 =	vld [tilespmem:s25+$0xFFFFFFF0]  }
0x156: {  	v4 =	vld [tilespmem:s25+$0x0]  }
0x157: {  	v5 =	vld [tilespmem:s25+$0x10]  }
0x158: {  	v6 =	vld [tilespmem:s25+$0x20]  }
0x159: {  	s29 =	simm.s32 $0xC840;
	v7 =	vld [tilespmem:s25+$0xFFFFFFC0];
	vm0 =	vlt.s32 v0, $0xC380  }
0x15a: {  	v12 =	vld [tilespmem:s29+$0x30];
	vm1 =	vlt.s32 v1, $0xC380  }
0x15b: {  	v13 =	vld [tilespmem:s29+$0xFFFFFFD0];
	vm2 =	vlt.s32 v2, $0xC380  }
0x15c: {  	v14 =	vld [tilespmem:s29+$0xFFFFFFE0];
	vm3 =	vlt.s32 v3, $0xC380  }
0x15d: {  	v15 =	vld [tilespmem:s29+$0xFFFFFFF0];
	vm13 =	vlt.s32 v4, $0xC380  }
0x15e: {  	v16 =	vld [tilespmem:s29+$0x0]  }
0x15f: {  	v8 =	vld.idx.msk [tilespmem:v0+s6+$0x0], vm0  }
0x160: {  	v9 =	vld.idx.msk [tilespmem:v1+s6+$0x0], vm1  }
0x161: {  	v10 =	vld.idx.msk [tilespmem:v2+s6+$0x0], vm2;
	vm0 =	vlt.s32 v7, $0xC380  }
0x162: {  	v11 =	vld.idx.msk [tilespmem:v3+s6+$0x0], vm3;
	vm1 =	vlt.s32 v5, $0xC380  }
0x163: {  	vm15 =	vlt.s32 v16, $0xC380;
	v4 =	vld.idx.msk [tilespmem:v4+s6+$0x0], vm13  }
0x164: {  	vm2 =	vlt.s32 v6, $0xC380;
	v0 =	vld [tilespmem:s29+$0x10]  }
0x165: {  	vm3 =	vlt.s32 v12, $0xC380;
	v1 =	vld [tilespmem:s29+$0x20]  }
0x166: {  	vm14 =	vlt.s32 v13, $0xC380;
	v2 =	vld [tilespmem:s29+$0xFFFFFFC0]  }
0x167: {  	s20 =	simm.s32 $0x147C0;
	v17 =	vld.idx.msk [tilespmem:v7+s6+$0x0], vm0;
	vm0 =	vlt.s32 v14, $0xC380  }
0x168: {  	[tilespmem:s20+$0x30] =	vst v8;
	v18 =	vld.idx.msk [tilespmem:v5+s6+$0x0], vm1;
	vm1 =	vlt.s32 v15, $0xC380  }
0x169: {  	[tilespmem:s20+$0xFFFFFFD0] =	vst v9;
	v8 =	vld.idx.msk [tilespmem:v16+s6+$0x0], vm15  }
0x16a: {  	[tilespmem:s20+$0xFFFFFFE0] =	vst v10;
	v3 =	vld.idx.msk [tilespmem:v6+s6+$0x0], vm2  }
0x16b: {  	[tilespmem:s20+$0xFFFFFFF0] =	vst v11;
	v5 =	vld.idx.msk [tilespmem:v12+s6+$0x0], vm3  }
0x16c: {  	[tilespmem:s20+$0x0] =	vst v4;
	v6 =	vld.idx.msk [tilespmem:v13+s6+$0x0], vm14  }
0x16d: {  	[tilespmem:s20+$0xFFFFFFC0] =	vst v17;
	v7 =	vld.idx.msk [tilespmem:v14+s6+$0x0], vm0  }
0x16e: {  	s22 =	simm.s32 $0x8;
	s23 =	simm.s32 $0xC8C0;
	vm2 =	vlt.s32 v2, $0xC380;
	[tilespmem:s20+$0x10] =	vst v18;
	v4 =	vld.idx.msk [tilespmem:v15+s6+$0x0], vm1;
	vm0 =	vlt.s32 v0, $0xC380;
	vm1 =	vlt.s32 v1, $0xC380  }
.LBB3_10:
0x16f: {  	v9 =	vld [tilespmem:s23+$0x30];
	s22 =	sadd.s32 $0x8, s22;
	[tilespmem:s20+$0x20] =	vst v3;
	s20 =	sadd.s32 $0x80, s20  }
0x170: {  	v10 =	vld [tilespmem:s23+$0xFFFFFFD0];
	p0 =	slt.u32 s22, $0x1F8;
	[tilespmem:s20+$0x30] =	vst v5  }
0x171: {  	v11 =	vld [tilespmem:s23+$0xFFFFFFE0];
	[tilespmem:s20+$0xFFFFFFD0] =	vst v6  }
0x172: {  	v12 =	vld [tilespmem:s23+$0xFFFFFFF0];
	[tilespmem:s20+$0xFFFFFFE0] =	vst v7  }
0x173: {  	v13 =	vld [tilespmem:s23+$0x0];
	[tilespmem:s20+$0xFFFFFFF0] =	vst v4  }
0x174: {  	v4 =	vld [tilespmem:s23+$0x10];
	vm3 =	vlt.s32 v9, $0xC380;
	[tilespmem:s20+$0x0] =	vst v8  }
0x175: {  	vm4 =	vlt.s32 v10, $0xC380;
	v6 =	vld [tilespmem:s23+$0x20]  }
0x176: {  	v7 =	vld [tilespmem:s23+$0xFFFFFFC0];
	vm5 =	vlt.s32 v11, $0xC380  }
0x177: {  	vm6 =	vlt.s32 v12, $0xC380;
	v8 =	vld.idx.msk [tilespmem:v2+s6+$0x0], vm2  }
0x178: {  	vm7 =	vlt.s32 v13, $0xC380;
	v14 =	vld.idx.msk [tilespmem:v0+s6+$0x0], vm0  }
0x179: {  	vm0 =	vlt.s32 v4, $0xC380;
	v3 =	vld.idx.msk [tilespmem:v1+s6+$0x0], vm1;
	v0 =	vmov v4  }
.Ltmp4:
0x17a: {  	vm1 =	vlt.s32 v6, $0xC380;
	v5 =	vld.idx.msk [tilespmem:v9+s6+$0x0], vm3;
	v1 =	vmov v6;
	(pc) =	sbr.rel @p0 .LBB3_10-.Ltmp4, $4  }
0x17b: {  	vm2 =	vlt.s32 v7, $0xC380;
	v6 =	vld.idx.msk [tilespmem:v10+s6+$0x0], vm4;
	v2 =	vmov v7  }
0x17c: {  	v7 =	vld.idx.msk [tilespmem:v11+s6+$0x0], vm5  }
0x17d: {  	v4 =	vld.idx.msk [tilespmem:v12+s6+$0x0], vm6;
	[tilespmem:s20+$0xFFFFFFC0] =	vst v8  }
0x17e: {  	s23 =	sadd.s32 $0x80, s23;
	v8 =	vld.idx.msk [tilespmem:v13+s6+$0x0], vm7;
	[tilespmem:s20+$0x10] =	vst v14  }
0x17f: {  	_ =	sdelay $0x3  }
0x180: {  	[tilespmem:s20+$0x20] =	vst v3;
	s25 =	sadd.s32 $0x80, s20  }
0x181: {  	v2 =	vld.idx.msk [tilespmem:v2+s6+$0x0], vm2;
	[tilespmem:s25+$0x30] =	vst v5  }
0x182: {  	v0 =	vld.idx.msk [tilespmem:v0+s6+$0x0], vm0;
	[tilespmem:s25+$0xFFFFFFD0] =	vst v6  }
0x183: {  	v1 =	vld.idx.msk [tilespmem:v1+s6+$0x0], vm1;
	[tilespmem:s25+$0xFFFFFFE0] =	vst v7  }
0x184: {  	[tilespmem:s25+$0xFFFFFFF0] =	vst v4  }
0x185: {  	[tilespmem:s25+$0x0] =	vst v8  }
0x186: {  	[tilespmem:s25+$0xFFFFFFC0] =	vst v2  }
0x187: {  	[tilespmem:s25+$0x10] =	vst v0  }
0x188: {  	s22 =	simm.s32 $0xE7C0;
	[tilespmem:s25+$0x20] =	vst v1  }
0x189: {  	v0 =	vld [tilespmem:s22+$0x30]  }
0x18a: {  	v1 =	vld [tilespmem:s22+$0xFFFFFFD0]  }
0x18b: {  	v2 =	vld [tilespmem:s22+$0xFFFFFFE0]  }
0x18c: {  	v3 =	vld [tilespmem:s22+$0xFFFFFFF0]  }
0x18d: {  	v4 =	vld [tilespmem:s22+$0x0]  }
0x18e: {  	v5 =	vld [tilespmem:s22+$0x10]  }
0x18f: {  	v6 =	vld [tilespmem:s22+$0x20]  }
0x190: {  	s29 =	simm.s32 $0xE840;
	v7 =	vld [tilespmem:s22+$0xFFFFFFC0];
	vm0 =	vlt.s32 v0, $0xC380  }
0x191: {  	v12 =	vld [tilespmem:s29+$0x30];
	vm1 =	vlt.s32 v1, $0xC380  }
0x192: {  	v13 =	vld [tilespmem:s29+$0xFFFFFFD0];
	vm2 =	vlt.s32 v2, $0xC380  }
0x193: {  	v14 =	vld [tilespmem:s29+$0xFFFFFFE0];
	vm3 =	vlt.s32 v3, $0xC380  }
0x194: {  	v15 =	vld [tilespmem:s29+$0xFFFFFFF0];
	vm4 =	vlt.s32 v4, $0xC380  }
0x195: {  	v16 =	vld [tilespmem:s29+$0x0]  }
0x196: {  	v8 =	vld.idx.msk [tilespmem:v0+s6+$0x0], vm0  }
0x197: {  	v9 =	vld.idx.msk [tilespmem:v1+s6+$0x0], vm1  }
0x198: {  	v10 =	vld.idx.msk [tilespmem:v2+s6+$0x0], vm2;
	vm0 =	vlt.s32 v7, $0xC380  }
0x199: {  	v11 =	vld.idx.msk [tilespmem:v3+s6+$0x0], vm3;
	vm1 =	vlt.s32 v5, $0xC380  }
0x19a: {  	vm5 =	vlt.s32 v16, $0xC380;
	v4 =	vld.idx.msk [tilespmem:v4+s6+$0x0], vm4  }
0x19b: {  	vm2 =	vlt.s32 v6, $0xC380;
	v0 =	vld [tilespmem:s29+$0x10]  }
0x19c: {  	vm3 =	vlt.s32 v12, $0xC380;
	v1 =	vld [tilespmem:s29+$0x20]  }
0x19d: {  	vm15 =	vlt.s32 v13, $0xC380;
	v2 =	vld [tilespmem:s29+$0xFFFFFFC0]  }
0x19e: {  	s20 =	simm.s32 $0x167F0;
	v17 =	vld.idx.msk [tilespmem:v7+s6+$0x0], vm0;
	vm0 =	vlt.s32 v14, $0xC380  }
0x19f: {  	[tilespmem:s20+$0x0] =	vst v8;
	v18 =	vld.idx.msk [tilespmem:v5+s6+$0x0], vm1;
	vm1 =	vlt.s32 v15, $0xC380  }
0x1a0: {  	[tilespmem:s20+$0xFFFFFFA0] =	vst v9;
	v8 =	vld.idx.msk [tilespmem:v16+s6+$0x0], vm5  }
0x1a1: {  	[tilespmem:s20+$0xFFFFFFB0] =	vst v10;
	v3 =	vld.idx.msk [tilespmem:v6+s6+$0x0], vm2  }
0x1a2: {  	[tilespmem:s20+$0xFFFFFFC0] =	vst v11;
	v5 =	vld.idx.msk [tilespmem:v12+s6+$0x0], vm3  }
0x1a3: {  	[tilespmem:s20+$0xFFFFFFD0] =	vst v4;
	v6 =	vld.idx.msk [tilespmem:v13+s6+$0x0], vm15  }
0x1a4: {  	[tilespmem:s20+$0xFFFFFF90] =	vst v17;
	v7 =	vld.idx.msk [tilespmem:v14+s6+$0x0], vm0  }
0x1a5: {  	s23 =	simm.s32 $0xE8C0;
	s22 =	simm.s32 $0x8;
	vm2 =	vlt.s32 v2, $0xC380;
	[tilespmem:s20+$0xFFFFFFE0] =	vst v18;
	v4 =	vld.idx.msk [tilespmem:v15+s6+$0x0], vm1;
	vm0 =	vlt.s32 v0, $0xC380;
	vm1 =	vlt.s32 v1, $0xC380  }
.LBB3_12:
0x1a6: {  	v9 =	vld [tilespmem:s23+$0x30];
	s22 =	sadd.s32 $0x8, s22;
	[tilespmem:s20+$0xFFFFFFF0] =	vst v3;
	s20 =	sadd.s32 $0x80, s20  }
0x1a7: {  	v10 =	vld [tilespmem:s23+$0xFFFFFFD0];
	p0 =	slt.u32 s22, $0x1F8;
	[tilespmem:s20+$0x0] =	vst v5  }
0x1a8: {  	v11 =	vld [tilespmem:s23+$0xFFFFFFE0];
	[tilespmem:s20+$0xFFFFFFA0] =	vst v6  }
0x1a9: {  	v12 =	vld [tilespmem:s23+$0xFFFFFFF0];
	[tilespmem:s20+$0xFFFFFFB0] =	vst v7  }
0x1aa: {  	v13 =	vld [tilespmem:s23+$0x0];
	[tilespmem:s20+$0xFFFFFFC0] =	vst v4  }
0x1ab: {  	v4 =	vld [tilespmem:s23+$0x10];
	vm3 =	vlt.s32 v9, $0xC380;
	[tilespmem:s20+$0xFFFFFFD0] =	vst v8  }
0x1ac: {  	vm4 =	vlt.s32 v10, $0xC380;
	v6 =	vld [tilespmem:s23+$0x20]  }
0x1ad: {  	v7 =	vld [tilespmem:s23+$0xFFFFFFC0];
	vm5 =	vlt.s32 v11, $0xC380  }
0x1ae: {  	vm6 =	vlt.s32 v12, $0xC380;
	v8 =	vld.idx.msk [tilespmem:v2+s6+$0x0], vm2  }
0x1af: {  	vm7 =	vlt.s32 v13, $0xC380;
	v14 =	vld.idx.msk [tilespmem:v0+s6+$0x0], vm0  }
0x1b0: {  	vm0 =	vlt.s32 v4, $0xC380;
	v3 =	vld.idx.msk [tilespmem:v1+s6+$0x0], vm1;
	v0 =	vmov v4  }
.Ltmp5:
0x1b1: {  	vm1 =	vlt.s32 v6, $0xC380;
	v5 =	vld.idx.msk [tilespmem:v9+s6+$0x0], vm3;
	v1 =	vmov v6;
	(pc) =	sbr.rel @p0 .LBB3_12-.Ltmp5, $4  }
0x1b2: {  	vm2 =	vlt.s32 v7, $0xC380;
	v6 =	vld.idx.msk [tilespmem:v10+s6+$0x0], vm4;
	v2 =	vmov v7  }
0x1b3: {  	v7 =	vld.idx.msk [tilespmem:v11+s6+$0x0], vm5  }
0x1b4: {  	v4 =	vld.idx.msk [tilespmem:v12+s6+$0x0], vm6;
	[tilespmem:s20+$0xFFFFFF90] =	vst v8  }
0x1b5: {  	s23 =	sadd.s32 $0x80, s23;
	v8 =	vld.idx.msk [tilespmem:v13+s6+$0x0], vm7;
	[tilespmem:s20+$0xFFFFFFE0] =	vst v14  }
0x1b6: {  	_ =	sdelay $0x3  }
0x1b7: {  	[tilespmem:s20+$0xFFFFFFF0] =	vst v3;
	s25 =	sadd.s32 $0x80, s20  }
0x1b8: {  	v2 =	vld.idx.msk [tilespmem:v2+s6+$0x0], vm2;
	[tilespmem:s25+$0x0] =	vst v5  }
0x1b9: {  	v0 =	vld.idx.msk [tilespmem:v0+s6+$0x0], vm0;
	[tilespmem:s25+$0xFFFFFFA0] =	vst v6  }
0x1ba: {  	v1 =	vld.idx.msk [tilespmem:v1+s6+$0x0], vm1;
	[tilespmem:s25+$0xFFFFFFB0] =	vst v7  }
0x1bb: {  	[tilespmem:s25+$0xFFFFFFC0] =	vst v4  }
0x1bc: {  	[tilespmem:s25+$0xFFFFFFD0] =	vst v8  }
0x1bd: {  	[tilespmem:s25+$0xFFFFFF90] =	vst v2  }
0x1be: {  	[tilespmem:s25+$0xFFFFFFE0] =	vst v0  }
0x1bf: {  	[tilespmem:s25+$0xFFFFFFF0] =	vst v1  }
0x1c0: {  	s20 =	rddreg [dreg:$0x11]  }
0x1c1: {  	[tilespmem:s6], [sflag:$0x1] =	stream.strided.gather [hbm4b:s20+s11], $0xC300, s12, s11, $0x38;
	[tilespmem:$0x1E880] =	vst v63  }
0x1c2: {  	_ =	swait.ge [sflag:s13], $0xC300  }
0x1c3: {  	[sflag:s13] =	ssyncset.done $0x0  }
0x1c4: {  	[sflag:s13] =	ssyncadd.s32 $0xFFFF3D00  }
0x1c5: {  	v0 =	vld [tilespmem:s4+$0xC380];
	_ =	sdelay $0x4  }
0x1c6: {  	[tilespmem:$0xC300] =	vst v0  }
0x1c7: {  	v0 =	vld [tilespmem:s4+$0xC390];
	_ =	sdelay $0x4  }
0x1c8: {  	s29 =	simm.s32 $0xC7C0;
	[tilespmem:$0xC310] =	vst v0  }
0x1c9: {  	v0 =	vld [tilespmem:s29+$0x30]  }
0x1ca: {  	v1 =	vld [tilespmem:s29+$0xFFFFFFD0]  }
0x1cb: {  	v3 =	vld [tilespmem:s29+$0xFFFFFFE0]  }
0x1cc: {  	v4 =	vld [tilespmem:s29+$0xFFFFFFF0];
	_ =	sdelay $0x1  }
0x1cd: {  	v2 =	vadd.s32 $0xFFFF3C80, v0;
	vm0 =	vgt.s32 v0, $0xC37F;
	v0 =	vld [tilespmem:s29+$0xFFFFFFC0]  }
0x1ce: {  	v5 =	vld [tilespmem:s29+$0x0]  }
0x1cf: {  	v8 =	vld [tilespmem:s29+$0x10];
	v6 =	vadd.s32 $0xFFFF3C80, v1;
	v7 =	vadd.s32 $0xFFFF3C80, v3;
	vm1 =	vgt.s32 v2, $0x0  }
0x1d0: {  	s22 =	simm.s32 $0x147C0;
	v9 =	vld [tilespmem:s29+$0x20];
	vm6 =	vgt.s32 v1, $0xC37F;
	v1 =	vadd.s32 $0xFFFF3C80, v4;
	v2 =	vnsel vm1, $0x0, v2  }
0x1d1: {  	v13 =	vld [tilespmem:s22+$0x30];
	vm4 =	vgt.s32 v3, $0xC37F;
	vm5 =	vgt.s32 v4, $0xC37F;
	vm3 =	vgt.s32 v7, $0x0  }
0x1d2: {  	v3 =	vld [tilespmem:s22+$0xFFFFFFD0];
	vm1 =	vgt.s32 v6, $0x0;
	v7 =	vnsel vm3, $0x0, v7;
	v10 =	vadd.s32 $0xFFFF3C80, v0  }
0x1d3: {  	v4 =	vld [tilespmem:s22+$0xFFFFFFE0];
	v11 =	vnsel vm1, $0x0, v6;
	vm2 =	vgt.s32 v0, $0xC37F;
	vm1 =	vgt.s32 v10, $0x0  }
0x1d4: {  	v6 =	vld [tilespmem:s22+$0xFFFFFFF0];
	v0 =	vnsel vm1, $0x0, v10  }
0x1d5: {  	v12 =	vld.idx.msk [tilespmem:v2+s6+$0x0], vm0;
	vm1 =	vgt.s32 v1, $0x0;
	v10 =	vadd.s32 $0xFFFF3C80, v5  }
0x1d6: {  	vm3 =	vgt.s32 v5, $0xC37F;
	v2 =	vld [tilespmem:s22+$0xFFFFFFC0];
	v1 =	vnsel vm1, $0x0, v1;
	vm1 =	vgt.s32 v10, $0x0  }
0x1d7: {  	v5 =	vld [tilespmem:s22+$0x0];
	v14 =	vnsel vm1, $0x0, v10  }
0x1d8: {  	v15 =	vadd.s32 $0xFFFF3C80, v8;
	v7 =	vld.idx.msk [tilespmem:v7+s6+$0x0], vm4  }
0x1d9: {  	vm1 =	vgt.s32 v15, $0x0;
	v10 =	vld.idx.msk [tilespmem:v0+s6+$0x0], vm2  }
0x1da: {  	v63 =	vadd.s32 $0xFFFF3C80, v9;
	v11 =	vld.idx.msk [tilespmem:v11+s6+$0x0], vm6;
	v0 =	vnsel vm1, $0x0, v15  }
0x1db: {  	v12 =	vsel vm0, v12, v13;
	vm0 =	vgt.s32 v63, $0x0;
	vm1 =	vgt.s32 v8, $0xC37F;
	v8 =	vld.idx.msk [tilespmem:v1+s6+$0x0], vm5  }
0x1dc: {  	s24 =	simm.s32 $0x0;
	s23 =	simm.s32 $0x147C0;
	s25 =	simm.s32 $0xC840;
	v1 =	vnsel vm0, $0x0, v63;
	vm0 =	vgt.s32 v9, $0xC37F;
	vm1 =	vmmov vm1;
	[tilespmem:s22+$0x30] =	vst v12;
	v9 =	vld.idx.msk [tilespmem:v14+s6+$0x0], vm3  }
.LBB3_14:
0x1dd: {  	v12 =	vld [tilespmem:s25+$0x30];
	s24 =	sadd.s32 $0x8, s24  }
0x1de: {  	v2 =	vsel vm2, v10, v2;
	v13 =	vld [tilespmem:s25+$0xFFFFFFD0];
	p0 =	slt.u32 s24, $0x1F8  }
0x1df: {  	v10 =	vld [tilespmem:s25+$0xFFFFFFE0];
	[tilespmem:s22+$0xFFFFFFC0] =	vst v2;
	v2 =	vsel vm6, v11, v3  }
0x1e0: {  	v11 =	vld [tilespmem:s25+$0xFFFFFFF0];
	[tilespmem:s22+$0xFFFFFFD0] =	vst v2;
	v2 =	vsel vm4, v7, v4  }
0x1e1: {  	v4 =	vld [tilespmem:s25+$0x0];
	[tilespmem:s22+$0xFFFFFFE0] =	vst v2;
	v2 =	vsel vm5, v8, v6  }
0x1e2: {  	v6 =	vld [tilespmem:s25+$0x10];
	v3 =	vadd.s32 $0xFFFF3C80, v12;
	[tilespmem:s22+$0xFFFFFFF0] =	vst v2;
	v2 =	vsel vm3, v9, v5  }
0x1e3: {  	vm7 =	vgt.s32 v12, $0xC37F;
	v5 =	vadd.s32 $0xFFFF3C80, v13;
	v7 =	vld [tilespmem:s25+$0x20];
	vm2 =	vgt.s32 v3, $0x0;
	[tilespmem:s22+$0x0] =	vst v2  }
0x1e4: {  	v2 =	vld [tilespmem:s25+$0xFFFFFFC0];
	vm3 =	vgt.s32 v5, $0x0;
	v8 =	vadd.s32 $0xFFFF3C80, v10;
	v3 =	vnsel vm2, $0x0, v3  }
0x1e5: {  	v9 =	vnsel vm3, $0x0, v5;
	vm2 =	vgt.s32 v8, $0x0;
	v5 =	vadd.s32 $0xFFFF3C80, v11;
	v12 =	vld.idx.msk [tilespmem:v0+s6+$0x0], vm1  }
0x1e6: {  	v8 =	vnsel vm2, $0x0, v8;
	vm2 =	vgt.s32 v5, $0x0;
	v0 =	vadd.s32 $0xFFFF3C80, v4;
	v14 =	vld.idx.msk [tilespmem:v1+s6+$0x0], vm0  }
0x1e7: {  	v15 =	vnsel vm2, $0x0, v5;
	vm2 =	vgt.s32 v0, $0x0;
	v1 =	vadd.s32 $0xFFFF3C80, v6;
	v5 =	vld [tilespmem:s22+$0x10]  }
0x1e8: {  	v16 =	vnsel vm2, $0x0, v0;
	vm2 =	vgt.s32 v1, $0x0;
	v17 =	vadd.s32 $0xFFFF3C80, v7;
	v18 =	vld [tilespmem:s22+$0x20]  }
0x1e9: {  	s22 =	sadd.s32 $0x80, s22;
	v19 =	vadd.s32 $0xFFFF3C80, v2;
	v0 =	vnsel vm2, $0x0, v1;
	vm3 =	vgt.s32 v17, $0x0;
	v20 =	vld.idx.msk [tilespmem:v3+s6+$0x0], vm7  }
0x1ea: {  	vm2 =	vgt.s32 v2, $0xC37F;
	vm4 =	vgt.s32 v19, $0x0;
	v1 =	vnsel vm3, $0x0, v17;
	v17 =	vld [tilespmem:s22+$0x30]  }
0x1eb: {  	vm6 =	vgt.s32 v13, $0xC37F;
	v19 =	vnsel vm4, $0x0, v19;
	v2 =	vld [tilespmem:s22+$0xFFFFFFC0];
	vm4 =	vgt.s32 v10, $0xC37F  }
0x1ec: {  	vm5 =	vgt.s32 v11, $0xC37F;
	vm8 =	vgt.s32 v6, $0xC37F;
	vm3 =	vgt.s32 v4, $0xC37F;
	v3 =	vld [tilespmem:s22+$0xFFFFFFD0]  }
0x1ed: {  	v5 =	vsel vm1, v12, v5;
	v4 =	vld [tilespmem:s22+$0xFFFFFFE0];
	v10 =	vsel vm0, v14, v18;
	vm0 =	vgt.s32 v7, $0xC37F  }
0x1ee: {  	vm1 =	vmmov vm8;
	v6 =	vld [tilespmem:s22+$0xFFFFFFF0];
	[tilespmem:s23+$0x10] =	vst v5  }
0x1ef: {  	v5 =	vld [tilespmem:s22+$0x0];
	v7 =	vsel vm7, v20, v17;
	[tilespmem:s23+$0x20] =	vst v10;
	s23 =	smov.u32 s22  }
.Ltmp6:
0x1f0: {  	s29 =	simm.s32 $0xE7C0;
	s20 =	simm.s32 $0x167F0;
	v10 =	vld.idx.msk [tilespmem:v19+s6+$0x0], vm2;
	[tilespmem:s22+$0x30] =	vst v7;
	(pc) =	sbr.rel @p0 .LBB3_14-.Ltmp6, $4  }
0x1f1: {  	v11 =	vld.idx.msk [tilespmem:v9+s6+$0x0], vm6  }
0x1f2: {  	v7 =	vld.idx.msk [tilespmem:v8+s6+$0x0], vm4  }
0x1f3: {  	v8 =	vld.idx.msk [tilespmem:v15+s6+$0x0], vm5  }
0x1f4: {  	s25 =	sadd.s32 $0x80, s25;
	v9 =	vld.idx.msk [tilespmem:v16+s6+$0x0], vm3  }
0x1f5: {  	_ =	sdelay $0x4  }
0x1f6: {  	v0 =	vld.idx.msk [tilespmem:v0+s6+$0x0], vm1  }
0x1f7: {  	v1 =	vld.idx.msk [tilespmem:v1+s6+$0x0], vm0  }
0x1f8: {  	v2 =	vsel vm2, v10, v2;
	v10 =	vld [tilespmem:s22+$0x10]  }
0x1f9: {  	[tilespmem:s22+$0xFFFFFFC0] =	vst v2;
	v2 =	vsel vm6, v11, v3;
	v3 =	vld [tilespmem:s22+$0x20]  }
0x1fa: {  	[tilespmem:s22+$0xFFFFFFD0] =	vst v2;
	v2 =	vsel vm4, v7, v4  }
0x1fb: {  	[tilespmem:s22+$0xFFFFFFE0] =	vst v2;
	v2 =	vsel vm5, v8, v6  }
0x1fc: {  	[tilespmem:s22+$0xFFFFFFF0] =	vst v2;
	v2 =	vsel vm3, v9, v5  }
0x1fd: {  	[tilespmem:s22+$0x0] =	vst v2;
	v0 =	vsel vm1, v0, v10  }
0x1fe: {  	v1 =	vsel vm0, v1, v3;
	[tilespmem:s23+$0x10] =	vst v0  }
0x1ff: {  	[tilespmem:s23+$0x20] =	vst v1  }
0x200: {  	v0 =	vld [tilespmem:s29+$0x30]  }
0x201: {  	v1 =	vld [tilespmem:s29+$0xFFFFFFD0]  }
0x202: {  	v3 =	vld [tilespmem:s29+$0xFFFFFFE0]  }
0x203: {  	v4 =	vld [tilespmem:s29+$0xFFFFFFF0];
	_ =	sdelay $0x1  }
0x204: {  	v2 =	vadd.s32 $0xFFFF3C80, v0;
	vm0 =	vgt.s32 v0, $0xC37F;
	v0 =	vld [tilespmem:s29+$0xFFFFFFC0]  }
0x205: {  	v5 =	vld [tilespmem:s29+$0x0]  }
0x206: {  	v8 =	vld [tilespmem:s29+$0x10];
	v6 =	vadd.s32 $0xFFFF3C80, v1;
	v7 =	vadd.s32 $0xFFFF3C80, v3;
	vm1 =	vgt.s32 v2, $0x0  }
0x207: {  	v9 =	vld [tilespmem:s29+$0x20];
	vm6 =	vgt.s32 v1, $0xC37F;
	v1 =	vadd.s32 $0xFFFF3C80, v4;
	v2 =	vnsel vm1, $0x0, v2  }
0x208: {  	v14 =	vld [tilespmem:s20+$0x0];
	vm4 =	vgt.s32 v3, $0xC37F;
	vm5 =	vgt.s32 v4, $0xC37F;
	vm3 =	vgt.s32 v7, $0x0  }
0x209: {  	v3 =	vld [tilespmem:s20+$0xFFFFFFA0];
	vm1 =	vgt.s32 v6, $0x0;
	v7 =	vnsel vm3, $0x0, v7;
	v10 =	vadd.s32 $0xFFFF3C80, v0  }
0x20a: {  	v4 =	vld [tilespmem:s20+$0xFFFFFFB0];
	v13 =	vnsel vm1, $0x0, v6;
	vm2 =	vgt.s32 v0, $0xC37F;
	vm1 =	vgt.s32 v10, $0x0  }
0x20b: {  	v6 =	vld [tilespmem:s20+$0xFFFFFFC0];
	v0 =	vnsel vm1, $0x0, v10  }
0x20c: {  	v12 =	vld.idx.msk [tilespmem:v2+s6+$0x0], vm0;
	vm1 =	vgt.s32 v1, $0x0;
	v10 =	vadd.s32 $0xFFFF3C80, v5  }
0x20d: {  	vm3 =	vgt.s32 v5, $0xC37F;
	v2 =	vld [tilespmem:s20+$0xFFFFFF90];
	v1 =	vnsel vm1, $0x0, v1;
	vm1 =	vgt.s32 v10, $0x0  }
0x20e: {  	v5 =	vld [tilespmem:s20+$0xFFFFFFD0];
	v15 =	vnsel vm1, $0x0, v10  }
0x20f: {  	v16 =	vadd.s32 $0xFFFF3C80, v8;
	v7 =	vld.idx.msk [tilespmem:v7+s6+$0x0], vm4  }
0x210: {  	vm1 =	vgt.s32 v16, $0x0;
	v11 =	vld.idx.msk [tilespmem:v0+s6+$0x0], vm2  }
0x211: {  	v63 =	vadd.s32 $0xFFFF3C80, v9;
	v10 =	vld.idx.msk [tilespmem:v13+s6+$0x0], vm6;
	v0 =	vnsel vm1, $0x0, v16  }
0x212: {  	v12 =	vsel vm0, v12, v14;
	vm0 =	vgt.s32 v63, $0x0;
	vm1 =	vgt.s32 v8, $0xC37F;
	v8 =	vld.idx.msk [tilespmem:v1+s6+$0x0], vm5  }
0x213: {  	s24 =	simm.s32 $0xE840;
	s22 =	simm.s32 $0x167F0;
	s23 =	simm.s32 $0x0;
	v1 =	vnsel vm0, $0x0, v63;
	vm0 =	vgt.s32 v9, $0xC37F;
	vm1 =	vmmov vm1;
	[tilespmem:s20+$0x0] =	vst v12;
	v9 =	vld.idx.msk [tilespmem:v15+s6+$0x0], vm3  }
.LBB3_16:
0x214: {  	v12 =	vld [tilespmem:s24+$0x30];
	s23 =	sadd.s32 $0x8, s23  }
0x215: {  	v2 =	vsel vm2, v11, v2;
	v13 =	vld [tilespmem:s24+$0xFFFFFFD0];
	p0 =	slt.u32 s23, $0x1F8  }
0x216: {  	v11 =	vld [tilespmem:s24+$0xFFFFFFE0];
	[tilespmem:s20+$0xFFFFFF90] =	vst v2;
	v2 =	vsel vm6, v10, v3  }
0x217: {  	v10 =	vld [tilespmem:s24+$0xFFFFFFF0];
	[tilespmem:s20+$0xFFFFFFA0] =	vst v2;
	v2 =	vsel vm4, v7, v4  }
0x218: {  	v4 =	vld [tilespmem:s24+$0x0];
	[tilespmem:s20+$0xFFFFFFB0] =	vst v2;
	v2 =	vsel vm5, v8, v6  }
0x219: {  	v6 =	vld [tilespmem:s24+$0x10];
	v3 =	vadd.s32 $0xFFFF3C80, v12;
	[tilespmem:s20+$0xFFFFFFC0] =	vst v2;
	v2 =	vsel vm3, v9, v5  }
0x21a: {  	vm7 =	vgt.s32 v12, $0xC37F;
	v5 =	vadd.s32 $0xFFFF3C80, v13;
	v7 =	vld [tilespmem:s24+$0x20];
	vm2 =	vgt.s32 v3, $0x0;
	[tilespmem:s20+$0xFFFFFFD0] =	vst v2  }
0x21b: {  	v2 =	vld [tilespmem:s24+$0xFFFFFFC0];
	vm3 =	vgt.s32 v5, $0x0;
	v8 =	vadd.s32 $0xFFFF3C80, v11;
	v3 =	vnsel vm2, $0x0, v3  }
0x21c: {  	v9 =	vnsel vm3, $0x0, v5;
	vm2 =	vgt.s32 v8, $0x0;
	v5 =	vadd.s32 $0xFFFF3C80, v10;
	v12 =	vld.idx.msk [tilespmem:v0+s6+$0x0], vm1  }
0x21d: {  	v8 =	vnsel vm2, $0x0, v8;
	vm2 =	vgt.s32 v5, $0x0;
	v0 =	vadd.s32 $0xFFFF3C80, v4;
	v14 =	vld.idx.msk [tilespmem:v1+s6+$0x0], vm0  }
0x21e: {  	v15 =	vnsel vm2, $0x0, v5;
	vm2 =	vgt.s32 v0, $0x0;
	v1 =	vadd.s32 $0xFFFF3C80, v6;
	v5 =	vld [tilespmem:s20+$0xFFFFFFE0]  }
0x21f: {  	v16 =	vnsel vm2, $0x0, v0;
	vm2 =	vgt.s32 v1, $0x0;
	v17 =	vadd.s32 $0xFFFF3C80, v7;
	v18 =	vld [tilespmem:s20+$0xFFFFFFF0]  }
0x220: {  	s20 =	sadd.s32 $0x80, s20;
	v19 =	vadd.s32 $0xFFFF3C80, v2;
	v0 =	vnsel vm2, $0x0, v1;
	vm3 =	vgt.s32 v17, $0x0;
	v20 =	vld.idx.msk [tilespmem:v3+s6+$0x0], vm7  }
0x221: {  	vm2 =	vgt.s32 v2, $0xC37F;
	vm4 =	vgt.s32 v19, $0x0;
	v1 =	vnsel vm3, $0x0, v17;
	v17 =	vld [tilespmem:s20+$0x0]  }
0x222: {  	vm6 =	vgt.s32 v13, $0xC37F;
	v19 =	vnsel vm4, $0x0, v19;
	v2 =	vld [tilespmem:s20+$0xFFFFFF90];
	vm4 =	vgt.s32 v11, $0xC37F  }
0x223: {  	vm5 =	vgt.s32 v10, $0xC37F;
	vm8 =	vgt.s32 v6, $0xC37F;
	vm3 =	vgt.s32 v4, $0xC37F;
	v3 =	vld [tilespmem:s20+$0xFFFFFFA0]  }
0x224: {  	v5 =	vsel vm1, v12, v5;
	v4 =	vld [tilespmem:s20+$0xFFFFFFB0];
	v10 =	vsel vm0, v14, v18;
	vm0 =	vgt.s32 v7, $0xC37F  }
0x225: {  	vm1 =	vmmov vm8;
	v6 =	vld [tilespmem:s20+$0xFFFFFFC0];
	[tilespmem:s22+$0xFFFFFFE0] =	vst v5  }
0x226: {  	v5 =	vld [tilespmem:s20+$0xFFFFFFD0];
	v7 =	vsel vm7, v20, v17;
	[tilespmem:s22+$0xFFFFFFF0] =	vst v10;
	s22 =	smov.u32 s20  }
.Ltmp7:
0x227: {  	v11 =	vld.idx.msk [tilespmem:v19+s6+$0x0], vm2;
	[tilespmem:s20+$0x0] =	vst v7;
	(pc) =	sbr.rel @p0 .LBB3_16-.Ltmp7, $4  }
0x228: {  	v10 =	vld.idx.msk [tilespmem:v9+s6+$0x0], vm6  }
0x229: {  	v7 =	vld.idx.msk [tilespmem:v8+s6+$0x0], vm4  }
0x22a: {  	v8 =	vld.idx.msk [tilespmem:v15+s6+$0x0], vm5  }
0x22b: {  	s24 =	sadd.s32 $0x80, s24;
	v9 =	vld.idx.msk [tilespmem:v16+s6+$0x0], vm3  }
0x22c: {  	_ =	sdelay $0x4  }
0x22d: {  	v0 =	vld.idx.msk [tilespmem:v0+s6+$0x0], vm1  }
0x22e: {  	v1 =	vld.idx.msk [tilespmem:v1+s6+$0x0], vm0  }
0x22f: {  	v2 =	vsel vm2, v11, v2;
	v61 =	vld [tilespmem:s20+$0xFFFFFFE0]  }
0x230: {  	[tilespmem:s20+$0xFFFFFF90] =	vst v2;
	v2 =	vsel vm6, v10, v3;
	v3 =	vld [tilespmem:s20+$0xFFFFFFF0]  }
0x231: {  	[tilespmem:s20+$0xFFFFFFA0] =	vst v2;
	v2 =	vsel vm4, v7, v4  }
0x232: {  	[tilespmem:s20+$0xFFFFFFB0] =	vst v2;
	v2 =	vsel vm5, v8, v6  }
0x233: {  	[tilespmem:s20+$0xFFFFFFC0] =	vst v2;
	v2 =	vsel vm3, v9, v5  }
0x234: {  	[tilespmem:s20+$0xFFFFFFD0] =	vst v2;
	v0 =	vsel vm1, v0, v61  }
0x235: {  	v1 =	vsel vm0, v1, v3;
	[tilespmem:s22+$0xFFFFFFE0] =	vst v0  }
0x236: {  	[tilespmem:s22+$0xFFFFFFF0] =	vst v1  }
0x237: {  	s29 =	simm.s32 $0x14780;
	s24 =	simm.s32 $0x107C0;
	s20 =	rddreg [dreg:$0x17]  }
0x238: {  	[hbm4b:s20+s11] =	stream.strided.scatter [tilespmem:s29], [sflag:$0x2], $0x4000, s12, s11, $0x38;
	[tilespmem:$0x1E880] =	vst v63  }
0x239: {  	s20 =	simm.s32 $0x147C0;
	v1 =	vld [tilespmem:s24+$0x30]  }
0x23a: {  	v2 =	vld [tilespmem:s20+$0x30]  }
0x23b: {  	v0 =	vld [tilespmem:s20+$0xFFFFFFC0]  }
0x23c: {  	v3 =	vld [tilespmem:s24+$0xFFFFFFD0]  }
0x23d: {  	v4 =	vld [tilespmem:s20+$0xFFFFFFD0]  }
0x23e: {  	v5 =	vld [tilespmem:s24+$0xFFFFFFE0]  }
0x23f: {  	v6 =	vld [tilespmem:s20+$0xFFFFFFE0]  }
0x240: {  	v7 =	vld [tilespmem:s24+$0xFFFFFFF0]  }
0x241: {  	v8 =	vld [tilespmem:s20+$0xFFFFFFF0]  }
0x242: {  	v62 =	vld [tilespmem:s24+$0x0]  }
0x243: {  	v63 =	vld [tilespmem:s20+$0x0];
	v2 =	vmul.f32 v2, v1  }
0x244: {  	s22 =	simm.s32 $0x187C0;
	v4 =	vmul.f32 v4, v3;
	v1 =	vld [tilespmem:s24+$0x10]  }
0x245: {  	v5 =	vmul.f32 v6, v5;
	v3 =	vld [tilespmem:s20+$0x10];
	[tilespmem:s22+$0x30] =	vst v2  }
0x246: {  	v6 =	vmul.f32 v8, v7;
	[tilespmem:s22+$0xFFFFFFD0] =	vst v4;
	v2 =	vld [tilespmem:s24+$0x20]  }
0x247: {  	[tilespmem:s22+$0xFFFFFFE0] =	vst v5;
	v5 =	vld [tilespmem:s20+$0x20]  }
0x248: {  	s23 =	simm.s32 $0x0;
	v4 =	vld [tilespmem:s24+$0xFFFFFFC0];
	[tilespmem:s22+$0xFFFFFFF0] =	vst v6;
	v6 =	vmul.f32 v63, v62;
	s24 =	simm.s32 $0x10840  }
.LBB3_18:
0x249: {  	v7 =	vld [tilespmem:s24+$0x30];
	s20 =	sadd.s32 $0x80, s20  }
0x24a: {  	s23 =	sadd.s32 $0x8, s23;
	v8 =	vld [tilespmem:s20+$0x30];
	[tilespmem:s22+$0x0] =	vst v6;
	v1 =	vmul.f32 v3, v1  }
0x24b: {  	p0 =	slt.u32 s23, $0x3F8;
	v3 =	vld [tilespmem:s20+$0xFFFFFFC0]  }
0x24c: {  	v6 =	vld [tilespmem:s24+$0xFFFFFFD0];
	[tilespmem:s22+$0x10] =	vst v1;
	v1 =	vmul.f32 v5, v2  }
0x24d: {  	v2 =	vld [tilespmem:s20+$0xFFFFFFD0];
	v9 =	vmul.f32 v0, v4  }
0x24e: {  	v4 =	vld [tilespmem:s24+$0xFFFFFFE0];
	[tilespmem:s22+$0x20] =	vst v1  }
0x24f: {  	v1 =	vld [tilespmem:s20+$0xFFFFFFE0];
	v5 =	vmul.f32 v8, v7;
	[tilespmem:s22+$0xFFFFFFC0] =	vst v9  }
0x250: {  	s22 =	sadd.s32 $0x80, s22;
	v7 =	vld [tilespmem:s24+$0xFFFFFFF0];
	v0 =	vmov v3  }
0x251: {  	v8 =	vld [tilespmem:s20+$0xFFFFFFF0];
	[tilespmem:s22+$0x30] =	vst v5  }
0x252: {  	v2 =	vmul.f32 v2, v6;
	v6 =	vld [tilespmem:s24+$0x0]  }
0x253: {  	v9 =	vld [tilespmem:s20+$0x0]  }
.Ltmp8:
0x254: {  	[tilespmem:s22+$0xFFFFFFD0] =	vst v2;
	v2 =	vmul.f32 v1, v4;
	v1 =	vld [tilespmem:s24+$0x10];
	(pc) =	sbr.rel @p0 .LBB3_18-.Ltmp8, $4  }
0x255: {  	v3 =	vld [tilespmem:s20+$0x10]  }
0x256: {  	[tilespmem:s22+$0xFFFFFFE0] =	vst v2;
	v7 =	vmul.f32 v8, v7;
	v2 =	vld [tilespmem:s24+$0x20]  }
0x257: {  	v5 =	vld [tilespmem:s20+$0x20]  }
0x258: {  	v4 =	vld [tilespmem:s24+$0xFFFFFFC0];
	[tilespmem:s22+$0xFFFFFFF0] =	vst v7;
	v6 =	vmul.f32 v9, v6;
	s24 =	sadd.s32 $0x80, s24  }
0x259: {  	_ =	sdelay $0x1  }
0x25a: {  	v1 =	vmul.f32 v3, v1  }
0x25b: {  	[tilespmem:s22+$0x0] =	vst v6;
	v2 =	vmul.f32 v5, v2  }
0x25c: {  	[tilespmem:s22+$0x10] =	vst v1;
	v0 =	vmul.f32 v0, v4  }
0x25d: {  	[tilespmem:s22+$0x20] =	vst v2  }
0x25e: {  	[tilespmem:s22+$0xFFFFFFC0] =	vst v0  }
0x25f: {  	_ =	swait.ge [sflag:s14], $0x4000  }
0x260: {  	[sflag:s14] =	ssyncset.done $0x0  }
0x261: {  	[sflag:s14] =	ssyncadd.s32 $0xFFFFC000  }
0x262: {  	_ =	swait.ge [sflag:s14], $0x4000  }
0x263: {  	[sflag:s14] =	ssyncset.done $0x0  }
0x264: {  	s20 =	simm.s32 $0x18780;
	[sflag:s14] =	ssyncadd.s32 $0xFFFFC000  }
0x265: {  	[spmem:s9] =	stream.strided.scatter [tilespmem:s20], [sflag:$0x3], $0x1000, s12, s11, $0x38;
	[tilespmem:$0x1E880] =	vst v63  }
0x266: {  	_ =	swait.ge [sflag:s3], $0x1000  }
0x267: {  	[sflag:s3] =	ssyncset.done $0x0  }
0x268: {  	[sflag:s3] =	ssyncadd.s32 $0xFFFFF000  }
0x269: {  	[bflag:$0x0] =	sbarrier.arrive $0xFFFF  }
0x26a: {  	[tilespmem:s17], [sflag:$0x3] =	stream.strided.gather [spmem:s10], $0x1000, s16, s15, $0x38;
	[tilespmem:$0x1E880] =	vst v63  }
0x26b: {  	s25 =	simm.s32 $0x0;
	_ =	swait.ge [sflag:s3], $0x1000  }
0x26c: {  	s29 =	sand.u32 $0x70, s25;
	s20 =	sand.u32 $0x400, s25;
	[sflag:s3] =	ssyncset.done $0x0  }
0x26d: {  	s20 =	sor.u32 s29, s20;
	[sflag:s3] =	ssyncadd.s32 $0xFFFFF000  }
0x26e: {  	v0 =	vld [tilespmem:s20+$0x1C780]  }
0x26f: {  	s22 =	sadd.s32 $0x1C780, s20  }
0x270: {  	v1 =	vld [tilespmem:s22+$0x80];
	_ =	sdelay $0x1  }
0x271: {  	v2 =	vld [tilespmem:s22+$0x100]  }
0x272: {  	v0 =	vadd.f32 $0.0e+00, v0  }
0x273: {  	v3 =	vld [tilespmem:s22+$0x180]  }
0x274: {  	v0 =	vadd.f32 v1, v0  }
0x275: {  	v1 =	vld [tilespmem:s22+$0x200]  }
0x276: {  	v0 =	vadd.f32 v2, v0  }
0x277: {  	v2 =	vld [tilespmem:s22+$0x280]  }
0x278: {  	v0 =	vadd.f32 v3, v0  }
0x279: {  	v3 =	vld [tilespmem:s22+$0x300]  }
0x27a: {  	v0 =	vadd.f32 v1, v0  }
0x27b: {  	v1 =	vld [tilespmem:s22+$0x380]  }
0x27c: {  	v0 =	vadd.f32 v2, v0  }
0x27d: {  	v2 =	vld [tilespmem:s20+$0x1CF80]  }
0x27e: {  	v0 =	vadd.f32 v3, v0  }
0x27f: {  	v3 =	vld [tilespmem:s20+$0x1D000]  }
0x280: {  	v0 =	vadd.f32 v1, v0  }
0x281: {  	v1 =	vld [tilespmem:s20+$0x1D080]  }
0x282: {  	v0 =	vadd.f32 v2, v0  }
0x283: {  	v2 =	vld [tilespmem:s20+$0x1D100]  }
0x284: {  	v0 =	vadd.f32 v3, v0  }
0x285: {  	v3 =	vld [tilespmem:s20+$0x1D180]  }
0x286: {  	v0 =	vadd.f32 v1, v0  }
0x287: {  	v1 =	vld [tilespmem:s20+$0x1D200]  }
0x288: {  	v0 =	vadd.f32 v2, v0  }
0x289: {  	v2 =	vld [tilespmem:s20+$0x1D280]  }
0x28a: {  	v0 =	vadd.f32 v3, v0  }
0x28b: {  	v3 =	vld [tilespmem:s20+$0x1D300]  }
0x28c: {  	v0 =	vadd.f32 v1, v0;
	_ =	sdelay $0x1  }
0x28d: {  	v0 =	vadd.f32 v2, v0  }
0x28e: {  	s23 =	simm.s32 $0x10  }
0x28f: {  	s24 =	sand.u32 $0x70, s23;
	s22 =	simm.s32 $0x80;
	v0 =	vadd.f32 v3, v0  }
0x290: {  	s23 =	simm.s32 $0x20;
	s25 =	sand.u32 $0x400, s22;
	s20 =	simm.s32 $0x1D780  }
.LBB3_20:
0x291: {  	p0 =	sne.s32 s23, $0xF0;
	s24 =	sor.u32 s24, s25;
	[tilespmem:s20+$0x0] =	vst v0  }
0x292: {  	v0 =	vld [tilespmem:s24+$0x1C780]  }
0x293: {  	s25 =	sadd.s32 $0x1C780, s24  }
0x294: {  	v1 =	vld [tilespmem:s25+$0x80];
	_ =	sdelay $0x1  }
0x295: {  	v2 =	vld [tilespmem:s25+$0x100]  }
0x296: {  	v0 =	vadd.f32 $0.0e+00, v0  }
0x297: {  	v3 =	vld [tilespmem:s25+$0x180]  }
0x298: {  	v0 =	vadd.f32 v1, v0  }
0x299: {  	v1 =	vld [tilespmem:s25+$0x200]  }
0x29a: {  	v0 =	vadd.f32 v2, v0  }
0x29b: {  	v2 =	vld [tilespmem:s25+$0x280]  }
0x29c: {  	v0 =	vadd.f32 v3, v0  }
0x29d: {  	v3 =	vld [tilespmem:s25+$0x300]  }
0x29e: {  	v0 =	vadd.f32 v1, v0  }
0x29f: {  	v1 =	vld [tilespmem:s25+$0x380]  }
0x2a0: {  	v0 =	vadd.f32 v2, v0  }
0x2a1: {  	v2 =	vld [tilespmem:s24+$0x1CF80]  }
0x2a2: {  	v0 =	vadd.f32 v3, v0  }
0x2a3: {  	v3 =	vld [tilespmem:s24+$0x1D000]  }
0x2a4: {  	v0 =	vadd.f32 v1, v0  }
0x2a5: {  	v1 =	vld [tilespmem:s24+$0x1D080]  }
0x2a6: {  	v0 =	vadd.f32 v2, v0  }
0x2a7: {  	v2 =	vld [tilespmem:s24+$0x1D100]  }
0x2a8: {  	v0 =	vadd.f32 v3, v0  }
0x2a9: {  	v3 =	vld [tilespmem:s24+$0x1D180]  }
0x2aa: {  	v0 =	vadd.f32 v1, v0  }
0x2ab: {  	v1 =	vld [tilespmem:s24+$0x1D200]  }
0x2ac: {  	v0 =	vadd.f32 v2, v0  }
0x2ad: {  	v2 =	vld [tilespmem:s24+$0x1D280]  }
0x2ae: {  	v0 =	vadd.f32 v3, v0  }
0x2af: {  	v3 =	vld [tilespmem:s24+$0x1D300]  }
0x2b0: {  	v0 =	vadd.f32 v1, v0  }
.Ltmp9:
0x2b1: {  	(pc) =	sbr.rel @p0 .LBB3_20-.Ltmp9, $3  }
0x2b2: {  	v0 =	vadd.f32 v2, v0;
	_ =	sdelay $0x1  }
0x2b3: {  	s22 =	sadd.s32 $0x80, s22;
	s20 =	sadd.s32 $0x10, s20;
	v0 =	vadd.f32 v3, v0  }
0x2b4: {  	s25 =	sand.u32 $0x400, s22;
	s24 =	sand.u32 $0x70, s23;
	s23 =	sadd.s32 $0x10, s23  }
0x2b5: {  	s22 =	sor.u32 s24, s25;
	[tilespmem:s20+$0x0] =	vst v0  }
0x2b6: {  	v0 =	vld [tilespmem:s22+$0x1C780]  }
0x2b7: {  	s23 =	sadd.s32 $0x1C780, s22  }
0x2b8: {  	v1 =	vld [tilespmem:s23+$0x80];
	_ =	sdelay $0x1  }
0x2b9: {  	v2 =	vld [tilespmem:s23+$0x100]  }
0x2ba: {  	v0 =	vadd.f32 $0.0e+00, v0  }
0x2bb: {  	v3 =	vld [tilespmem:s23+$0x180]  }
0x2bc: {  	v0 =	vadd.f32 v1, v0  }
0x2bd: {  	v1 =	vld [tilespmem:s23+$0x200]  }
0x2be: {  	v0 =	vadd.f32 v2, v0  }
0x2bf: {  	v2 =	vld [tilespmem:s23+$0x280]  }
0x2c0: {  	v0 =	vadd.f32 v3, v0  }
0x2c1: {  	v3 =	vld [tilespmem:s23+$0x300]  }
0x2c2: {  	v0 =	vadd.f32 v1, v0  }
0x2c3: {  	v1 =	vld [tilespmem:s23+$0x380]  }
0x2c4: {  	v0 =	vadd.f32 v2, v0  }
0x2c5: {  	v2 =	vld [tilespmem:s22+$0x1CF80]  }
0x2c6: {  	v0 =	vadd.f32 v3, v0  }
0x2c7: {  	v3 =	vld [tilespmem:s22+$0x1D000]  }
0x2c8: {  	v0 =	vadd.f32 v1, v0  }
0x2c9: {  	v1 =	vld [tilespmem:s22+$0x1D080]  }
0x2ca: {  	v0 =	vadd.f32 v2, v0  }
0x2cb: {  	v2 =	vld [tilespmem:s22+$0x1D100]  }
0x2cc: {  	v0 =	vadd.f32 v3, v0  }
0x2cd: {  	v3 =	vld [tilespmem:s22+$0x1D180]  }
0x2ce: {  	v0 =	vadd.f32 v1, v0  }
0x2cf: {  	v1 =	vld [tilespmem:s22+$0x1D200]  }
0x2d0: {  	v0 =	vadd.f32 v2, v0  }
0x2d1: {  	v2 =	vld [tilespmem:s22+$0x1D280]  }
0x2d2: {  	v0 =	vadd.f32 v3, v0  }
0x2d3: {  	v3 =	vld [tilespmem:s22+$0x1D300]  }
0x2d4: {  	v0 =	vadd.f32 v1, v0;
	_ =	sdelay $0x1  }
0x2d5: {  	v0 =	vadd.f32 v2, v0;
	_ =	sdelay $0x1  }
0x2d6: {  	v0 =	vadd.f32 v3, v0  }
0x2d7: {  	s25 =	sadd.s32 $0x10, s20  }
0x2d8: {  	s20 =	simm.s32 $0x1D780;
	s29 =	rddreg [dreg:$0x1a];
	[tilespmem:s25+$0x0] =	vst v0  }
0x2d9: {  	[hbm4b:s29+s11] =	stream.strided.scatter [tilespmem:s20], [sflag:$0x3], $0x100, s18, s11, $0x38;
	[tilespmem:$0x1E880] =	vst v63  }
0x2da: {  	_ =	swait.ge [sflag:s3], $0x100  }
0x2db: {  	[sflag:s3] =	ssyncset.done $0x0  }
0x2dc: {  	[sflag:s3] =	ssyncadd.s32 $0xFFFFFF00  }
0x2dd: {  	s23 =	simm.s32 $0x19780;
	[bflag:$0x0] =	sbarrier.arrive $0xFFFF  }
0x2de: {  	[spmem:s9] =	stream.strided.scatter [tilespmem:s23], [sflag:$0x3], $0x1000, s12, s11, $0x38;
	[tilespmem:$0x1E880] =	vst v63  }
0x2df: {  	_ =	swait.ge [sflag:s3], $0x1000  }
0x2e0: {  	[sflag:s3] =	ssyncset.done $0x0  }
0x2e1: {  	[sflag:s3] =	ssyncadd.s32 $0xFFFFF000  }
0x2e2: {  	[bflag:$0x0] =	sbarrier.arrive $0xFFFF  }
0x2e3: {  	[tilespmem:s17], [sflag:$0x3] =	stream.strided.gather [spmem:s10], $0x1000, s16, s15, $0x38;
	[tilespmem:$0x1E880] =	vst v63  }
0x2e4: {  	s24 =	simm.s32 $0x0;
	_ =	swait.ge [sflag:s3], $0x1000  }
0x2e5: {  	s22 =	sand.u32 $0x400, s24;
	s25 =	sand.u32 $0x70, s24;
	[sflag:s3] =	ssyncset.done $0x0  }
0x2e6: {  	s22 =	sor.u32 s25, s22;
	[sflag:s3] =	ssyncadd.s32 $0xFFFFF000  }
0x2e7: {  	v0 =	vld [tilespmem:s22+$0x1C780]  }
0x2e8: {  	s23 =	sadd.s32 $0x1C780, s22  }
0x2e9: {  	v1 =	vld [tilespmem:s23+$0x80];
	_ =	sdelay $0x1  }
0x2ea: {  	v2 =	vld [tilespmem:s23+$0x100]  }
0x2eb: {  	v0 =	vadd.f32 $0.0e+00, v0  }
0x2ec: {  	v3 =	vld [tilespmem:s23+$0x180]  }
0x2ed: {  	v0 =	vadd.f32 v1, v0  }
0x2ee: {  	v1 =	vld [tilespmem:s23+$0x200]  }
0x2ef: {  	v0 =	vadd.f32 v2, v0  }
0x2f0: {  	v2 =	vld [tilespmem:s23+$0x280]  }
0x2f1: {  	v0 =	vadd.f32 v3, v0  }
0x2f2: {  	v3 =	vld [tilespmem:s23+$0x300]  }
0x2f3: {  	v0 =	vadd.f32 v1, v0  }
0x2f4: {  	v1 =	vld [tilespmem:s23+$0x380]  }
0x2f5: {  	v0 =	vadd.f32 v2, v0  }
0x2f6: {  	v2 =	vld [tilespmem:s22+$0x1CF80]  }
0x2f7: {  	v0 =	vadd.f32 v3, v0  }
0x2f8: {  	v3 =	vld [tilespmem:s22+$0x1D000]  }
0x2f9: {  	v0 =	vadd.f32 v1, v0  }
0x2fa: {  	v1 =	vld [tilespmem:s22+$0x1D080]  }
0x2fb: {  	v0 =	vadd.f32 v2, v0  }
0x2fc: {  	v2 =	vld [tilespmem:s22+$0x1D100]  }
0x2fd: {  	v0 =	vadd.f32 v3, v0  }
0x2fe: {  	v3 =	vld [tilespmem:s22+$0x1D180]  }
0x2ff: {  	v0 =	vadd.f32 v1, v0  }
0x300: {  	v1 =	vld [tilespmem:s22+$0x1D200]  }
0x301: {  	v0 =	vadd.f32 v2, v0  }
0x302: {  	v2 =	vld [tilespmem:s22+$0x1D280]  }
0x303: {  	v0 =	vadd.f32 v3, v0  }
0x304: {  	v3 =	vld [tilespmem:s22+$0x1D300]  }
0x305: {  	v0 =	vadd.f32 v1, v0;
	_ =	sdelay $0x1  }
0x306: {  	v0 =	vadd.f32 v2, v0;
	_ =	sdelay $0x1  }
0x307: {  	s29 =	simm.s32 $0x10;
	s22 =	simm.s32 $0x80;
	v0 =	vadd.f32 v3, v0  }
0x308: {  	s24 =	sand.u32 $0x70, s29;
	s23 =	simm.s32 $0x20;
	s25 =	sand.u32 $0x400, s22  }
.LBB3_22:
0x309: {  	p0 =	sne.s32 s23, $0xF0;
	s24 =	sor.u32 s24, s25;
	[tilespmem:s20+$0x0] =	vst v0  }
0x30a: {  	v0 =	vld [tilespmem:s24+$0x1C780]  }
0x30b: {  	s25 =	sadd.s32 $0x1C780, s24  }
0x30c: {  	v1 =	vld [tilespmem:s25+$0x80];
	_ =	sdelay $0x1  }
0x30d: {  	v2 =	vld [tilespmem:s25+$0x100]  }
0x30e: {  	v0 =	vadd.f32 $0.0e+00, v0  }
0x30f: {  	v3 =	vld [tilespmem:s25+$0x180]  }
0x310: {  	v0 =	vadd.f32 v1, v0  }
0x311: {  	v1 =	vld [tilespmem:s25+$0x200]  }
0x312: {  	v0 =	vadd.f32 v2, v0  }
0x313: {  	v2 =	vld [tilespmem:s25+$0x280]  }
0x314: {  	v0 =	vadd.f32 v3, v0  }
0x315: {  	v3 =	vld [tilespmem:s25+$0x300]  }
0x316: {  	v0 =	vadd.f32 v1, v0  }
0x317: {  	v1 =	vld [tilespmem:s25+$0x380]  }
0x318: {  	v0 =	vadd.f32 v2, v0  }
0x319: {  	v2 =	vld [tilespmem:s24+$0x1CF80]  }
0x31a: {  	v0 =	vadd.f32 v3, v0  }
0x31b: {  	v3 =	vld [tilespmem:s24+$0x1D000]  }
0x31c: {  	v0 =	vadd.f32 v1, v0  }
0x31d: {  	v1 =	vld [tilespmem:s24+$0x1D080]  }
0x31e: {  	v0 =	vadd.f32 v2, v0  }
0x31f: {  	v2 =	vld [tilespmem:s24+$0x1D100]  }
0x320: {  	v0 =	vadd.f32 v3, v0  }
0x321: {  	v3 =	vld [tilespmem:s24+$0x1D180]  }
0x322: {  	v0 =	vadd.f32 v1, v0  }
0x323: {  	v1 =	vld [tilespmem:s24+$0x1D200]  }
0x324: {  	v0 =	vadd.f32 v2, v0  }
0x325: {  	v2 =	vld [tilespmem:s24+$0x1D280]  }
0x326: {  	v0 =	vadd.f32 v3, v0  }
0x327: {  	v3 =	vld [tilespmem:s24+$0x1D300]  }
0x328: {  	v0 =	vadd.f32 v1, v0  }
.Ltmp10:
0x329: {  	(pc) =	sbr.rel @p0 .LBB3_22-.Ltmp10, $3  }
0x32a: {  	v0 =	vadd.f32 v2, v0;
	_ =	sdelay $0x1  }
0x32b: {  	s22 =	sadd.s32 $0x80, s22;
	s20 =	sadd.s32 $0x10, s20;
	v0 =	vadd.f32 v3, v0  }
0x32c: {  	s25 =	sand.u32 $0x400, s22;
	s24 =	sand.u32 $0x70, s23;
	s23 =	sadd.s32 $0x10, s23  }
0x32d: {  	s22 =	sor.u32 s24, s25;
	[tilespmem:s20+$0x0] =	vst v0  }
0x32e: {  	v0 =	vld [tilespmem:s22+$0x1C780]  }
0x32f: {  	s23 =	sadd.s32 $0x1C780, s22  }
0x330: {  	v1 =	vld [tilespmem:s23+$0x80];
	_ =	sdelay $0x1  }
0x331: {  	v2 =	vld [tilespmem:s23+$0x100]  }
0x332: {  	v0 =	vadd.f32 $0.0e+00, v0  }
0x333: {  	v3 =	vld [tilespmem:s23+$0x180]  }
0x334: {  	v0 =	vadd.f32 v1, v0  }
0x335: {  	v1 =	vld [tilespmem:s23+$0x200]  }
0x336: {  	v0 =	vadd.f32 v2, v0  }
0x337: {  	v2 =	vld [tilespmem:s23+$0x280]  }
0x338: {  	v0 =	vadd.f32 v3, v0  }
0x339: {  	v3 =	vld [tilespmem:s23+$0x300]  }
0x33a: {  	v0 =	vadd.f32 v1, v0  }
0x33b: {  	v1 =	vld [tilespmem:s23+$0x380]  }
0x33c: {  	v0 =	vadd.f32 v2, v0  }
0x33d: {  	v2 =	vld [tilespmem:s22+$0x1CF80]  }
0x33e: {  	v0 =	vadd.f32 v3, v0  }
0x33f: {  	v3 =	vld [tilespmem:s22+$0x1D000]  }
0x340: {  	v0 =	vadd.f32 v1, v0  }
0x341: {  	v1 =	vld [tilespmem:s22+$0x1D080]  }
0x342: {  	v0 =	vadd.f32 v2, v0  }
0x343: {  	v2 =	vld [tilespmem:s22+$0x1D100]  }
0x344: {  	v0 =	vadd.f32 v3, v0  }
0x345: {  	v3 =	vld [tilespmem:s22+$0x1D180]  }
0x346: {  	v0 =	vadd.f32 v1, v0  }
0x347: {  	v1 =	vld [tilespmem:s22+$0x1D200]  }
0x348: {  	v0 =	vadd.f32 v2, v0  }
0x349: {  	v2 =	vld [tilespmem:s22+$0x1D280]  }
0x34a: {  	v0 =	vadd.f32 v3, v0  }
0x34b: {  	v3 =	vld [tilespmem:s22+$0x1D300]  }
0x34c: {  	v0 =	vadd.f32 v1, v0;
	_ =	sdelay $0x1  }
0x34d: {  	v0 =	vadd.f32 v2, v0;
	_ =	sdelay $0x1  }
0x34e: {  	v0 =	vadd.f32 v3, v0  }
0x34f: {  	s25 =	sadd.s32 $0x10, s20  }
0x350: {  	s20 =	simm.s32 $0x1D780;
	s29 =	rddreg [dreg:$0x1b];
	[tilespmem:s25+$0x0] =	vst v0  }
0x351: {  	[hbm4b:s29+s11] =	stream.strided.scatter [tilespmem:s20], [sflag:$0x3], $0x100, s18, s11, $0x38;
	[tilespmem:$0x1E880] =	vst v63  }
0x352: {  	_ =	swait.ge [sflag:s3], $0x100  }
0x353: {  	[sflag:s3] =	ssyncset.done $0x0  }
0x354: {  	[sflag:s3] =	ssyncadd.s32 $0xFFFFFF00  }
0x355: {  	s23 =	simm.s32 $0x1A780;
	[bflag:$0x0] =	sbarrier.arrive $0xFFFF  }
0x356: {  	[spmem:s9] =	stream.strided.scatter [tilespmem:s23], [sflag:$0x3], $0x1000, s12, s11, $0x38;
	[tilespmem:$0x1E880] =	vst v63  }
0x357: {  	_ =	swait.ge [sflag:s3], $0x1000  }
0x358: {  	[sflag:s3] =	ssyncset.done $0x0  }
0x359: {  	[sflag:s3] =	ssyncadd.s32 $0xFFFFF000  }
0x35a: {  	[bflag:$0x0] =	sbarrier.arrive $0xFFFF  }
0x35b: {  	[tilespmem:s17], [sflag:$0x3] =	stream.strided.gather [spmem:s10], $0x1000, s16, s15, $0x38;
	[tilespmem:$0x1E880] =	vst v63  }
0x35c: {  	s24 =	simm.s32 $0x0;
	_ =	swait.ge [sflag:s3], $0x1000  }
0x35d: {  	s22 =	sand.u32 $0x400, s24;
	s25 =	sand.u32 $0x70, s24;
	[sflag:s3] =	ssyncset.done $0x0  }
0x35e: {  	s22 =	sor.u32 s25, s22;
	[sflag:s3] =	ssyncadd.s32 $0xFFFFF000  }
0x35f: {  	v0 =	vld [tilespmem:s22+$0x1C780]  }
0x360: {  	s23 =	sadd.s32 $0x1C780, s22  }
0x361: {  	v1 =	vld [tilespmem:s23+$0x80];
	_ =	sdelay $0x1  }
0x362: {  	v2 =	vld [tilespmem:s23+$0x100]  }
0x363: {  	v0 =	vadd.f32 $0.0e+00, v0  }
0x364: {  	v3 =	vld [tilespmem:s23+$0x180]  }
0x365: {  	v0 =	vadd.f32 v1, v0  }
0x366: {  	v1 =	vld [tilespmem:s23+$0x200]  }
0x367: {  	v0 =	vadd.f32 v2, v0  }
0x368: {  	v2 =	vld [tilespmem:s23+$0x280]  }
0x369: {  	v0 =	vadd.f32 v3, v0  }
0x36a: {  	v3 =	vld [tilespmem:s23+$0x300]  }
0x36b: {  	v0 =	vadd.f32 v1, v0  }
0x36c: {  	v1 =	vld [tilespmem:s23+$0x380]  }
0x36d: {  	v0 =	vadd.f32 v2, v0  }
0x36e: {  	v2 =	vld [tilespmem:s22+$0x1CF80]  }
0x36f: {  	v0 =	vadd.f32 v3, v0  }
0x370: {  	v3 =	vld [tilespmem:s22+$0x1D000]  }
0x371: {  	v0 =	vadd.f32 v1, v0  }
0x372: {  	v1 =	vld [tilespmem:s22+$0x1D080]  }
0x373: {  	v0 =	vadd.f32 v2, v0  }
0x374: {  	v2 =	vld [tilespmem:s22+$0x1D100]  }
0x375: {  	v0 =	vadd.f32 v3, v0  }
0x376: {  	v3 =	vld [tilespmem:s22+$0x1D180]  }
0x377: {  	v0 =	vadd.f32 v1, v0  }
0x378: {  	v1 =	vld [tilespmem:s22+$0x1D200]  }
0x379: {  	v0 =	vadd.f32 v2, v0  }
0x37a: {  	v2 =	vld [tilespmem:s22+$0x1D280]  }
0x37b: {  	v0 =	vadd.f32 v3, v0  }
0x37c: {  	v3 =	vld [tilespmem:s22+$0x1D300]  }
0x37d: {  	v0 =	vadd.f32 v1, v0;
	_ =	sdelay $0x1  }
0x37e: {  	v0 =	vadd.f32 v2, v0;
	_ =	sdelay $0x1  }
0x37f: {  	s29 =	simm.s32 $0x10;
	s22 =	simm.s32 $0x80;
	v0 =	vadd.f32 v3, v0  }
0x380: {  	s24 =	sand.u32 $0x70, s29;
	s23 =	simm.s32 $0x20;
	s25 =	sand.u32 $0x400, s22  }
.LBB3_24:
0x381: {  	p0 =	sne.s32 s23, $0xF0;
	s24 =	sor.u32 s24, s25;
	[tilespmem:s20+$0x0] =	vst v0  }
0x382: {  	v0 =	vld [tilespmem:s24+$0x1C780]  }
0x383: {  	s25 =	sadd.s32 $0x1C780, s24  }
0x384: {  	v1 =	vld [tilespmem:s25+$0x80];
	_ =	sdelay $0x1  }
0x385: {  	v2 =	vld [tilespmem:s25+$0x100]  }
0x386: {  	v0 =	vadd.f32 $0.0e+00, v0  }
0x387: {  	v3 =	vld [tilespmem:s25+$0x180]  }
0x388: {  	v0 =	vadd.f32 v1, v0  }
0x389: {  	v1 =	vld [tilespmem:s25+$0x200]  }
0x38a: {  	v0 =	vadd.f32 v2, v0  }
0x38b: {  	v2 =	vld [tilespmem:s25+$0x280]  }
0x38c: {  	v0 =	vadd.f32 v3, v0  }
0x38d: {  	v3 =	vld [tilespmem:s25+$0x300]  }
0x38e: {  	v0 =	vadd.f32 v1, v0  }
0x38f: {  	v1 =	vld [tilespmem:s25+$0x380]  }
0x390: {  	v0 =	vadd.f32 v2, v0  }
0x391: {  	v2 =	vld [tilespmem:s24+$0x1CF80]  }
0x392: {  	v0 =	vadd.f32 v3, v0  }
0x393: {  	v3 =	vld [tilespmem:s24+$0x1D000]  }
0x394: {  	v0 =	vadd.f32 v1, v0  }
0x395: {  	v1 =	vld [tilespmem:s24+$0x1D080]  }
0x396: {  	v0 =	vadd.f32 v2, v0  }
0x397: {  	v2 =	vld [tilespmem:s24+$0x1D100]  }
0x398: {  	v0 =	vadd.f32 v3, v0  }
0x399: {  	v3 =	vld [tilespmem:s24+$0x1D180]  }
0x39a: {  	v0 =	vadd.f32 v1, v0  }
0x39b: {  	v1 =	vld [tilespmem:s24+$0x1D200]  }
0x39c: {  	v0 =	vadd.f32 v2, v0  }
0x39d: {  	v2 =	vld [tilespmem:s24+$0x1D280]  }
0x39e: {  	v0 =	vadd.f32 v3, v0  }
0x39f: {  	v3 =	vld [tilespmem:s24+$0x1D300]  }
0x3a0: {  	v0 =	vadd.f32 v1, v0  }
.Ltmp11:
0x3a1: {  	(pc) =	sbr.rel @p0 .LBB3_24-.Ltmp11, $3  }
0x3a2: {  	v0 =	vadd.f32 v2, v0;
	_ =	sdelay $0x1  }
0x3a3: {  	s22 =	sadd.s32 $0x80, s22;
	s20 =	sadd.s32 $0x10, s20;
	v0 =	vadd.f32 v3, v0  }
0x3a4: {  	s25 =	sand.u32 $0x400, s22;
	s24 =	sand.u32 $0x70, s23;
	s23 =	sadd.s32 $0x10, s23  }
0x3a5: {  	s22 =	sor.u32 s24, s25;
	[tilespmem:s20+$0x0] =	vst v0  }
0x3a6: {  	v0 =	vld [tilespmem:s22+$0x1C780]  }
0x3a7: {  	s23 =	sadd.s32 $0x1C780, s22  }
0x3a8: {  	v1 =	vld [tilespmem:s23+$0x80];
	_ =	sdelay $0x1  }
0x3a9: {  	v2 =	vld [tilespmem:s23+$0x100]  }
0x3aa: {  	v0 =	vadd.f32 $0.0e+00, v0  }
0x3ab: {  	v3 =	vld [tilespmem:s23+$0x180]  }
0x3ac: {  	v0 =	vadd.f32 v1, v0  }
0x3ad: {  	v1 =	vld [tilespmem:s23+$0x200]  }
0x3ae: {  	v0 =	vadd.f32 v2, v0  }
0x3af: {  	v2 =	vld [tilespmem:s23+$0x280]  }
0x3b0: {  	v0 =	vadd.f32 v3, v0  }
0x3b1: {  	v3 =	vld [tilespmem:s23+$0x300]  }
0x3b2: {  	v0 =	vadd.f32 v1, v0  }
0x3b3: {  	v1 =	vld [tilespmem:s23+$0x380]  }
0x3b4: {  	v0 =	vadd.f32 v2, v0  }
0x3b5: {  	v2 =	vld [tilespmem:s22+$0x1CF80]  }
0x3b6: {  	v0 =	vadd.f32 v3, v0  }
0x3b7: {  	v3 =	vld [tilespmem:s22+$0x1D000]  }
0x3b8: {  	v0 =	vadd.f32 v1, v0  }
0x3b9: {  	v1 =	vld [tilespmem:s22+$0x1D080]  }
0x3ba: {  	v0 =	vadd.f32 v2, v0  }
0x3bb: {  	v2 =	vld [tilespmem:s22+$0x1D100]  }
0x3bc: {  	v0 =	vadd.f32 v3, v0  }
0x3bd: {  	v3 =	vld [tilespmem:s22+$0x1D180]  }
0x3be: {  	v0 =	vadd.f32 v1, v0  }
0x3bf: {  	v1 =	vld [tilespmem:s22+$0x1D200]  }
0x3c0: {  	v0 =	vadd.f32 v2, v0  }
0x3c1: {  	v2 =	vld [tilespmem:s22+$0x1D280]  }
0x3c2: {  	v0 =	vadd.f32 v3, v0  }
0x3c3: {  	v3 =	vld [tilespmem:s22+$0x1D300]  }
0x3c4: {  	v0 =	vadd.f32 v1, v0;
	_ =	sdelay $0x1  }
0x3c5: {  	v0 =	vadd.f32 v2, v0;
	_ =	sdelay $0x1  }
0x3c6: {  	v0 =	vadd.f32 v3, v0  }
0x3c7: {  	s25 =	sadd.s32 $0x10, s20  }
0x3c8: {  	s20 =	simm.s32 $0x1D780;
	s29 =	rddreg [dreg:$0x1c];
	[tilespmem:s25+$0x0] =	vst v0  }
0x3c9: {  	[hbm4b:s29+s11] =	stream.strided.scatter [tilespmem:s20], [sflag:$0x3], $0x100, s18, s11, $0x38;
	[tilespmem:$0x1E880] =	vst v63  }
0x3ca: {  	_ =	swait.ge [sflag:s3], $0x100  }
0x3cb: {  	[sflag:s3] =	ssyncset.done $0x0  }
0x3cc: {  	[sflag:s3] =	ssyncadd.s32 $0xFFFFFF00  }
0x3cd: {  	s23 =	simm.s32 $0x1B780;
	[bflag:$0x0] =	sbarrier.arrive $0xFFFF  }
0x3ce: {  	[spmem:s9] =	stream.strided.scatter [tilespmem:s23], [sflag:$0x3], $0x1000, s12, s11, $0x38;
	[tilespmem:$0x1E880] =	vst v63  }
0x3cf: {  	_ =	swait.ge [sflag:s3], $0x1000  }
0x3d0: {  	[sflag:s3] =	ssyncset.done $0x0  }
0x3d1: {  	[sflag:s3] =	ssyncadd.s32 $0xFFFFF000  }
0x3d2: {  	[bflag:$0x0] =	sbarrier.arrive $0xFFFF  }
0x3d3: {  	[tilespmem:s17], [sflag:$0x3] =	stream.strided.gather [spmem:s10], $0x1000, s16, s15, $0x38;
	[tilespmem:$0x1E880] =	vst v63  }
0x3d4: {  	s24 =	simm.s32 $0x0;
	_ =	swait.ge [sflag:s3], $0x1000  }
0x3d5: {  	s22 =	sand.u32 $0x400, s24;
	s25 =	sand.u32 $0x70, s24;
	[sflag:s3] =	ssyncset.done $0x0  }
0x3d6: {  	s22 =	sor.u32 s25, s22;
	[sflag:s3] =	ssyncadd.s32 $0xFFFFF000  }
0x3d7: {  	v0 =	vld [tilespmem:s22+$0x1C780]  }
0x3d8: {  	s23 =	sadd.s32 $0x1C780, s22  }
0x3d9: {  	v1 =	vld [tilespmem:s23+$0x80];
	_ =	sdelay $0x1  }
0x3da: {  	v2 =	vld [tilespmem:s23+$0x100]  }
0x3db: {  	v0 =	vadd.f32 $0.0e+00, v0  }
0x3dc: {  	v3 =	vld [tilespmem:s23+$0x180]  }
0x3dd: {  	v0 =	vadd.f32 v1, v0  }
0x3de: {  	v1 =	vld [tilespmem:s23+$0x200]  }
0x3df: {  	v0 =	vadd.f32 v2, v0  }
0x3e0: {  	v2 =	vld [tilespmem:s23+$0x280]  }
0x3e1: {  	v0 =	vadd.f32 v3, v0  }
0x3e2: {  	v3 =	vld [tilespmem:s23+$0x300]  }
0x3e3: {  	v0 =	vadd.f32 v1, v0  }
0x3e4: {  	v1 =	vld [tilespmem:s23+$0x380]  }
0x3e5: {  	v0 =	vadd.f32 v2, v0  }
0x3e6: {  	v2 =	vld [tilespmem:s22+$0x1CF80]  }
0x3e7: {  	v0 =	vadd.f32 v3, v0  }
0x3e8: {  	v3 =	vld [tilespmem:s22+$0x1D000]  }
0x3e9: {  	v0 =	vadd.f32 v1, v0  }
0x3ea: {  	v1 =	vld [tilespmem:s22+$0x1D080]  }
0x3eb: {  	v0 =	vadd.f32 v2, v0  }
0x3ec: {  	v2 =	vld [tilespmem:s22+$0x1D100]  }
0x3ed: {  	v0 =	vadd.f32 v3, v0  }
0x3ee: {  	v3 =	vld [tilespmem:s22+$0x1D180]  }
0x3ef: {  	v0 =	vadd.f32 v1, v0  }
0x3f0: {  	v1 =	vld [tilespmem:s22+$0x1D200]  }
0x3f1: {  	v0 =	vadd.f32 v2, v0  }
0x3f2: {  	v2 =	vld [tilespmem:s22+$0x1D280]  }
0x3f3: {  	v0 =	vadd.f32 v3, v0  }
0x3f4: {  	v3 =	vld [tilespmem:s22+$0x1D300]  }
0x3f5: {  	v0 =	vadd.f32 v1, v0;
	_ =	sdelay $0x1  }
0x3f6: {  	v0 =	vadd.f32 v2, v0;
	_ =	sdelay $0x1  }
0x3f7: {  	s29 =	simm.s32 $0x10;
	s22 =	simm.s32 $0x80;
	v0 =	vadd.f32 v3, v0  }
0x3f8: {  	s24 =	sand.u32 $0x70, s29;
	s23 =	simm.s32 $0x20;
	s25 =	sand.u32 $0x400, s22  }
.LBB3_26:
0x3f9: {  	p0 =	sne.s32 s23, $0xF0;
	s24 =	sor.u32 s24, s25;
	[tilespmem:s20+$0x0] =	vst v0  }
0x3fa: {  	v0 =	vld [tilespmem:s24+$0x1C780]  }
0x3fb: {  	s25 =	sadd.s32 $0x1C780, s24  }
0x3fc: {  	v1 =	vld [tilespmem:s25+$0x80];
	_ =	sdelay $0x1  }
0x3fd: {  	v2 =	vld [tilespmem:s25+$0x100]  }
0x3fe: {  	v0 =	vadd.f32 $0.0e+00, v0  }
0x3ff: {  	v3 =	vld [tilespmem:s25+$0x180]  }
0x400: {  	v0 =	vadd.f32 v1, v0  }
0x401: {  	v1 =	vld [tilespmem:s25+$0x200]  }
0x402: {  	v0 =	vadd.f32 v2, v0  }
0x403: {  	v2 =	vld [tilespmem:s25+$0x280]  }
0x404: {  	v0 =	vadd.f32 v3, v0  }
0x405: {  	v3 =	vld [tilespmem:s25+$0x300]  }
0x406: {  	v0 =	vadd.f32 v1, v0  }
0x407: {  	v1 =	vld [tilespmem:s25+$0x380]  }
0x408: {  	v0 =	vadd.f32 v2, v0  }
0x409: {  	v2 =	vld [tilespmem:s24+$0x1CF80]  }
0x40a: {  	v0 =	vadd.f32 v3, v0  }
0x40b: {  	v3 =	vld [tilespmem:s24+$0x1D000]  }
0x40c: {  	v0 =	vadd.f32 v1, v0  }
0x40d: {  	v1 =	vld [tilespmem:s24+$0x1D080]  }
0x40e: {  	v0 =	vadd.f32 v2, v0  }
0x40f: {  	v2 =	vld [tilespmem:s24+$0x1D100]  }
0x410: {  	v0 =	vadd.f32 v3, v0  }
0x411: {  	v3 =	vld [tilespmem:s24+$0x1D180]  }
0x412: {  	v0 =	vadd.f32 v1, v0  }
0x413: {  	v1 =	vld [tilespmem:s24+$0x1D200]  }
0x414: {  	v0 =	vadd.f32 v2, v0  }
0x415: {  	v2 =	vld [tilespmem:s24+$0x1D280]  }
0x416: {  	v0 =	vadd.f32 v3, v0  }
0x417: {  	v3 =	vld [tilespmem:s24+$0x1D300]  }
0x418: {  	v0 =	vadd.f32 v1, v0  }
.Ltmp12:
0x419: {  	(pc) =	sbr.rel @p0 .LBB3_26-.Ltmp12, $3  }
0x41a: {  	v0 =	vadd.f32 v2, v0;
	_ =	sdelay $0x1  }
0x41b: {  	s22 =	sadd.s32 $0x80, s22;
	s20 =	sadd.s32 $0x10, s20;
	v0 =	vadd.f32 v3, v0  }
0x41c: {  	s25 =	sand.u32 $0x400, s22;
	s24 =	sand.u32 $0x70, s23;
	s23 =	sadd.s32 $0x10, s23  }
0x41d: {  	s22 =	sor.u32 s24, s25;
	[tilespmem:s20+$0x0] =	vst v0  }
0x41e: {  	v0 =	vld [tilespmem:s22+$0x1C780]  }
0x41f: {  	s23 =	sadd.s32 $0x1C780, s22  }
0x420: {  	v1 =	vld [tilespmem:s23+$0x80];
	_ =	sdelay $0x1  }
0x421: {  	v2 =	vld [tilespmem:s23+$0x100]  }
0x422: {  	v0 =	vadd.f32 $0.0e+00, v0  }
0x423: {  	v3 =	vld [tilespmem:s23+$0x180]  }
0x424: {  	v0 =	vadd.f32 v1, v0  }
0x425: {  	v1 =	vld [tilespmem:s23+$0x200]  }
0x426: {  	v0 =	vadd.f32 v2, v0  }
0x427: {  	v2 =	vld [tilespmem:s23+$0x280]  }
0x428: {  	v0 =	vadd.f32 v3, v0  }
0x429: {  	v3 =	vld [tilespmem:s23+$0x300]  }
0x42a: {  	v0 =	vadd.f32 v1, v0  }
0x42b: {  	v1 =	vld [tilespmem:s23+$0x380]  }
0x42c: {  	v0 =	vadd.f32 v2, v0  }
0x42d: {  	v2 =	vld [tilespmem:s22+$0x1CF80]  }
0x42e: {  	v0 =	vadd.f32 v3, v0  }
0x42f: {  	v3 =	vld [tilespmem:s22+$0x1D000]  }
0x430: {  	v0 =	vadd.f32 v1, v0  }
0x431: {  	v1 =	vld [tilespmem:s22+$0x1D080]  }
0x432: {  	v0 =	vadd.f32 v2, v0  }
0x433: {  	v2 =	vld [tilespmem:s22+$0x1D100]  }
0x434: {  	v0 =	vadd.f32 v3, v0  }
0x435: {  	v3 =	vld [tilespmem:s22+$0x1D180]  }
0x436: {  	v0 =	vadd.f32 v1, v0  }
0x437: {  	v1 =	vld [tilespmem:s22+$0x1D200]  }
0x438: {  	v0 =	vadd.f32 v2, v0  }
0x439: {  	v2 =	vld [tilespmem:s22+$0x1D280]  }
0x43a: {  	v0 =	vadd.f32 v3, v0  }
0x43b: {  	v3 =	vld [tilespmem:s22+$0x1D300]  }
0x43c: {  	v0 =	vadd.f32 v1, v0;
	_ =	sdelay $0x1  }
0x43d: {  	v0 =	vadd.f32 v2, v0;
	_ =	sdelay $0x1  }
0x43e: {  	v0 =	vadd.f32 v3, v0  }
0x43f: {  	s24 =	sadd.s32 $0x10, s20  }
0x440: {  	s25 =	rddreg [dreg:$0x1d];
	s29 =	simm.s32 $0x1D780;
	[tilespmem:s24+$0x0] =	vst v0  }
0x441: {  	[hbm4b:s25+s11] =	stream.strided.scatter [tilespmem:s29], [sflag:$0x3], $0x100, s18, s11, $0x38;
	[tilespmem:$0x1E880] =	vst v63  }
0x442: {  	_ =	swait.ge [sflag:s3], $0x100  }
0x443: {  	[sflag:s3] =	ssyncset.done $0x0  }
0x444: {  	[sflag:s3] =	ssyncadd.s32 $0xFFFFFF00  }
0x445: {  	[bflag:$0x0] =	sbarrier.arrive $0xFFFF  }
0x446: {  	s22 =	rddreg [dreg:$0x2]  }
0x447: {  	[tilespmem:s2], [sflag:$0x3] =	stream.linear.gather [hbm4b:s22+s6], $0x2000, $0x38;
	[tilespmem:$0x1E880] =	vst v63  }
0x448: {  	_ =	swait.ge [sflag:s3], $0x2000  }
0x449: {  	[sflag:s3] =	ssyncset.done $0x0  }
0x44a: {  	[sflag:s3] =	ssyncadd.s32 $0xFFFFE000  }
0x44b: {  	[tilespmem:s7], [sflag:$0x3] =	stream.linear.gather [hbm4b:s0+s6], $0x2000, $0x38;
	[tilespmem:$0x1E880] =	vst v63  }
0x44c: {  	_ =	swait.ge [sflag:s3], $0x2000  }
0x44d: {  	[sflag:s3] =	ssyncset.done $0x0  }
0x44e: {  	[sflag:s3] =	ssyncadd.s32 $0xFFFFE000  }
0x44f: {  	s23 =	rddreg [dreg:$0xa]  }
0x450: {  	[tilespmem:s8], [sflag:$0x3] =	stream.linear.gather [hbm4b:s23+s6], $0x400, $0x38;
	[tilespmem:$0x1E880] =	vst v63  }
0x451: {  	_ =	swait.ge [sflag:s3], $0x400  }
0x452: {  	[sflag:s3] =	ssyncset.done $0x0  }
0x453: {  	s24 =	rddreg [dreg:$0x12];
	[sflag:s3] =	ssyncadd.s32 $0xFFFFFC00  }
0x454: {  	[tilespmem:s6], [sflag:$0x1] =	stream.strided.gather [hbm4b:s24+s11], $0xC380, s12, s11, $0x38;
	[tilespmem:$0x1E880] =	vst v63  }
0x455: {  	_ =	swait.ge [sflag:s13], $0xC380  }
0x456: {  	[sflag:s13] =	ssyncset.done $0x0  }
0x457: {  	s25 =	simm.s32 $0xC7C0;
	[sflag:s13] =	ssyncadd.s32 $0xFFFF3C80  }
0x458: {  	v0 =	vld [tilespmem:s25+$0x30]  }
0x459: {  	v1 =	vld [tilespmem:s25+$0xFFFFFFD0]  }
0x45a: {  	v2 =	vld [tilespmem:s25+$0xFFFFFFE0]  }
0x45b: {  	v3 =	vld [tilespmem:s25+$0xFFFFFFF0]  }
0x45c: {  	v4 =	vld [tilespmem:s25+$0x0]  }
0x45d: {  	v5 =	vld [tilespmem:s25+$0x10]  }
0x45e: {  	v6 =	vld [tilespmem:s25+$0x20]  }
0x45f: {  	s29 =	simm.s32 $0xC840;
	v7 =	vld [tilespmem:s25+$0xFFFFFFC0];
	vm0 =	vlt.s32 v0, $0xC380  }
0x460: {  	v12 =	vld [tilespmem:s29+$0x30];
	vm1 =	vlt.s32 v1, $0xC380  }
0x461: {  	v13 =	vld [tilespmem:s29+$0xFFFFFFD0];
	vm2 =	vlt.s32 v2, $0xC380  }
0x462: {  	v14 =	vld [tilespmem:s29+$0xFFFFFFE0];
	vm3 =	vlt.s32 v3, $0xC380  }
0x463: {  	v15 =	vld [tilespmem:s29+$0xFFFFFFF0];
	vm4 =	vlt.s32 v4, $0xC380  }
0x464: {  	v16 =	vld [tilespmem:s29+$0x0]  }
0x465: {  	v8 =	vld.idx.msk [tilespmem:v0+s6+$0x0], vm0  }
0x466: {  	v9 =	vld.idx.msk [tilespmem:v1+s6+$0x0], vm1  }
0x467: {  	v10 =	vld.idx.msk [tilespmem:v2+s6+$0x0], vm2;
	vm0 =	vlt.s32 v7, $0xC380  }
0x468: {  	v11 =	vld.idx.msk [tilespmem:v3+s6+$0x0], vm3;
	vm1 =	vlt.s32 v5, $0xC380  }
0x469: {  	vm5 =	vlt.s32 v16, $0xC380;
	v4 =	vld.idx.msk [tilespmem:v4+s6+$0x0], vm4  }
0x46a: {  	vm2 =	vlt.s32 v6, $0xC380;
	v0 =	vld [tilespmem:s29+$0x10]  }
0x46b: {  	vm3 =	vlt.s32 v12, $0xC380;
	v1 =	vld [tilespmem:s29+$0x20]  }
0x46c: {  	vm15 =	vlt.s32 v13, $0xC380;
	v2 =	vld [tilespmem:s29+$0xFFFFFFC0]  }
0x46d: {  	s20 =	simm.s32 $0x107C0;
	v17 =	vld.idx.msk [tilespmem:v7+s6+$0x0], vm0;
	vm0 =	vlt.s32 v14, $0xC380  }
0x46e: {  	[tilespmem:s20+$0x30] =	vst v8;
	v18 =	vld.idx.msk [tilespmem:v5+s6+$0x0], vm1;
	vm1 =	vlt.s32 v15, $0xC380  }
0x46f: {  	[tilespmem:s20+$0xFFFFFFD0] =	vst v9;
	v8 =	vld.idx.msk [tilespmem:v16+s6+$0x0], vm5  }
0x470: {  	[tilespmem:s20+$0xFFFFFFE0] =	vst v10;
	v3 =	vld.idx.msk [tilespmem:v6+s6+$0x0], vm2  }
0x471: {  	[tilespmem:s20+$0xFFFFFFF0] =	vst v11;
	v5 =	vld.idx.msk [tilespmem:v12+s6+$0x0], vm3  }
0x472: {  	[tilespmem:s20+$0x0] =	vst v4;
	v6 =	vld.idx.msk [tilespmem:v13+s6+$0x0], vm15  }
0x473: {  	[tilespmem:s20+$0xFFFFFFC0] =	vst v17;
	v7 =	vld.idx.msk [tilespmem:v14+s6+$0x0], vm0  }
0x474: {  	s22 =	simm.s32 $0x8;
	s23 =	simm.s32 $0xC8C0;
	vm2 =	vlt.s32 v2, $0xC380;
	[tilespmem:s20+$0x10] =	vst v18;
	v4 =	vld.idx.msk [tilespmem:v15+s6+$0x0], vm1;
	vm0 =	vlt.s32 v0, $0xC380;
	vm1 =	vlt.s32 v1, $0xC380  }
.LBB3_28:
0x475: {  	v9 =	vld [tilespmem:s23+$0x30];
	s22 =	sadd.s32 $0x8, s22;
	[tilespmem:s20+$0x20] =	vst v3;
	s20 =	sadd.s32 $0x80, s20  }
0x476: {  	v10 =	vld [tilespmem:s23+$0xFFFFFFD0];
	p0 =	slt.u32 s22, $0x1F8;
	[tilespmem:s20+$0x30] =	vst v5  }
0x477: {  	v11 =	vld [tilespmem:s23+$0xFFFFFFE0];
	[tilespmem:s20+$0xFFFFFFD0] =	vst v6  }
0x478: {  	v12 =	vld [tilespmem:s23+$0xFFFFFFF0];
	[tilespmem:s20+$0xFFFFFFE0] =	vst v7  }
0x479: {  	v13 =	vld [tilespmem:s23+$0x0];
	[tilespmem:s20+$0xFFFFFFF0] =	vst v4  }
0x47a: {  	v4 =	vld [tilespmem:s23+$0x10];
	vm3 =	vlt.s32 v9, $0xC380;
	[tilespmem:s20+$0x0] =	vst v8  }
0x47b: {  	vm4 =	vlt.s32 v10, $0xC380;
	v6 =	vld [tilespmem:s23+$0x20]  }
0x47c: {  	v7 =	vld [tilespmem:s23+$0xFFFFFFC0];
	vm5 =	vlt.s32 v11, $0xC380  }
0x47d: {  	vm6 =	vlt.s32 v12, $0xC380;
	v8 =	vld.idx.msk [tilespmem:v2+s6+$0x0], vm2  }
0x47e: {  	vm7 =	vlt.s32 v13, $0xC380;
	v14 =	vld.idx.msk [tilespmem:v0+s6+$0x0], vm0  }
0x47f: {  	vm0 =	vlt.s32 v4, $0xC380;
	v3 =	vld.idx.msk [tilespmem:v1+s6+$0x0], vm1;
	v0 =	vmov v4  }
.Ltmp13:
0x480: {  	vm1 =	vlt.s32 v6, $0xC380;
	v5 =	vld.idx.msk [tilespmem:v9+s6+$0x0], vm3;
	v1 =	vmov v6;
	(pc) =	sbr.rel @p0 .LBB3_28-.Ltmp13, $4  }
0x481: {  	vm2 =	vlt.s32 v7, $0xC380;
	v6 =	vld.idx.msk [tilespmem:v10+s6+$0x0], vm4;
	v2 =	vmov v7  }
0x482: {  	v7 =	vld.idx.msk [tilespmem:v11+s6+$0x0], vm5  }
0x483: {  	v4 =	vld.idx.msk [tilespmem:v12+s6+$0x0], vm6;
	[tilespmem:s20+$0xFFFFFFC0] =	vst v8  }
0x484: {  	s23 =	sadd.s32 $0x80, s23;
	v8 =	vld.idx.msk [tilespmem:v13+s6+$0x0], vm7;
	[tilespmem:s20+$0x10] =	vst v14  }
0x485: {  	_ =	sdelay $0x3  }
0x486: {  	[tilespmem:s20+$0x20] =	vst v3;
	s25 =	sadd.s32 $0x80, s20  }
0x487: {  	v2 =	vld.idx.msk [tilespmem:v2+s6+$0x0], vm2;
	[tilespmem:s25+$0x30] =	vst v5  }
0x488: {  	v0 =	vld.idx.msk [tilespmem:v0+s6+$0x0], vm0;
	[tilespmem:s25+$0xFFFFFFD0] =	vst v6  }
0x489: {  	v1 =	vld.idx.msk [tilespmem:v1+s6+$0x0], vm1;
	[tilespmem:s25+$0xFFFFFFE0] =	vst v7  }
0x48a: {  	[tilespmem:s25+$0xFFFFFFF0] =	vst v4  }
0x48b: {  	[tilespmem:s25+$0x0] =	vst v8  }
0x48c: {  	[tilespmem:s25+$0xFFFFFFC0] =	vst v2  }
0x48d: {  	[tilespmem:s25+$0x10] =	vst v0  }
0x48e: {  	s22 =	simm.s32 $0xE7C0;
	[tilespmem:s25+$0x20] =	vst v1  }
0x48f: {  	v0 =	vld [tilespmem:s22+$0x30]  }
0x490: {  	v1 =	vld [tilespmem:s22+$0xFFFFFFD0]  }
0x491: {  	v2 =	vld [tilespmem:s22+$0xFFFFFFE0]  }
0x492: {  	v3 =	vld [tilespmem:s22+$0xFFFFFFF0]  }
0x493: {  	v4 =	vld [tilespmem:s22+$0x0]  }
0x494: {  	v5 =	vld [tilespmem:s22+$0x10]  }
0x495: {  	v6 =	vld [tilespmem:s22+$0x20]  }
0x496: {  	s29 =	simm.s32 $0xE840;
	v7 =	vld [tilespmem:s22+$0xFFFFFFC0];
	vm0 =	vlt.s32 v0, $0xC380  }
0x497: {  	v12 =	vld [tilespmem:s29+$0x30];
	vm1 =	vlt.s32 v1, $0xC380  }
0x498: {  	v13 =	vld [tilespmem:s29+$0xFFFFFFD0];
	vm2 =	vlt.s32 v2, $0xC380  }
0x499: {  	v14 =	vld [tilespmem:s29+$0xFFFFFFE0];
	vm3 =	vlt.s32 v3, $0xC380  }
0x49a: {  	v15 =	vld [tilespmem:s29+$0xFFFFFFF0];
	vm4 =	vlt.s32 v4, $0xC380  }
0x49b: {  	v16 =	vld [tilespmem:s29+$0x0]  }
0x49c: {  	v8 =	vld.idx.msk [tilespmem:v0+s6+$0x0], vm0  }
0x49d: {  	v9 =	vld.idx.msk [tilespmem:v1+s6+$0x0], vm1  }
0x49e: {  	v10 =	vld.idx.msk [tilespmem:v2+s6+$0x0], vm2;
	vm0 =	vlt.s32 v7, $0xC380  }
0x49f: {  	v11 =	vld.idx.msk [tilespmem:v3+s6+$0x0], vm3;
	vm1 =	vlt.s32 v5, $0xC380  }
0x4a0: {  	vm5 =	vlt.s32 v16, $0xC380;
	v4 =	vld.idx.msk [tilespmem:v4+s6+$0x0], vm4  }
0x4a1: {  	vm2 =	vlt.s32 v6, $0xC380;
	v0 =	vld [tilespmem:s29+$0x10]  }
0x4a2: {  	vm3 =	vlt.s32 v12, $0xC380;
	v1 =	vld [tilespmem:s29+$0x20]  }
0x4a3: {  	vm15 =	vlt.s32 v13, $0xC380;
	v2 =	vld [tilespmem:s29+$0xFFFFFFC0]  }
0x4a4: {  	s20 =	simm.s32 $0x127F0;
	v17 =	vld.idx.msk [tilespmem:v7+s6+$0x0], vm0;
	vm0 =	vlt.s32 v14, $0xC380  }
0x4a5: {  	[tilespmem:s20+$0x0] =	vst v8;
	v18 =	vld.idx.msk [tilespmem:v5+s6+$0x0], vm1;
	vm1 =	vlt.s32 v15, $0xC380  }
0x4a6: {  	[tilespmem:s20+$0xFFFFFFA0] =	vst v9;
	v8 =	vld.idx.msk [tilespmem:v16+s6+$0x0], vm5  }
0x4a7: {  	[tilespmem:s20+$0xFFFFFFB0] =	vst v10;
	v3 =	vld.idx.msk [tilespmem:v6+s6+$0x0], vm2  }
0x4a8: {  	[tilespmem:s20+$0xFFFFFFC0] =	vst v11;
	v5 =	vld.idx.msk [tilespmem:v12+s6+$0x0], vm3  }
0x4a9: {  	[tilespmem:s20+$0xFFFFFFD0] =	vst v4;
	v6 =	vld.idx.msk [tilespmem:v13+s6+$0x0], vm15  }
0x4aa: {  	[tilespmem:s20+$0xFFFFFF90] =	vst v17;
	v7 =	vld.idx.msk [tilespmem:v14+s6+$0x0], vm0  }
0x4ab: {  	s23 =	simm.s32 $0xE8C0;
	s22 =	simm.s32 $0x8;
	vm2 =	vlt.s32 v2, $0xC380;
	[tilespmem:s20+$0xFFFFFFE0] =	vst v18;
	v4 =	vld.idx.msk [tilespmem:v15+s6+$0x0], vm1;
	vm0 =	vlt.s32 v0, $0xC380;
	vm1 =	vlt.s32 v1, $0xC380  }
.LBB3_30:
0x4ac: {  	v9 =	vld [tilespmem:s23+$0x30];
	s22 =	sadd.s32 $0x8, s22;
	[tilespmem:s20+$0xFFFFFFF0] =	vst v3;
	s20 =	sadd.s32 $0x80, s20  }
0x4ad: {  	v10 =	vld [tilespmem:s23+$0xFFFFFFD0];
	p0 =	slt.u32 s22, $0x1F8;
	[tilespmem:s20+$0x0] =	vst v5  }
0x4ae: {  	v11 =	vld [tilespmem:s23+$0xFFFFFFE0];
	[tilespmem:s20+$0xFFFFFFA0] =	vst v6  }
0x4af: {  	v12 =	vld [tilespmem:s23+$0xFFFFFFF0];
	[tilespmem:s20+$0xFFFFFFB0] =	vst v7  }
0x4b0: {  	v13 =	vld [tilespmem:s23+$0x0];
	[tilespmem:s20+$0xFFFFFFC0] =	vst v4  }
0x4b1: {  	v4 =	vld [tilespmem:s23+$0x10];
	vm3 =	vlt.s32 v9, $0xC380;
	[tilespmem:s20+$0xFFFFFFD0] =	vst v8  }
0x4b2: {  	vm4 =	vlt.s32 v10, $0xC380;
	v6 =	vld [tilespmem:s23+$0x20]  }
0x4b3: {  	v7 =	vld [tilespmem:s23+$0xFFFFFFC0];
	vm5 =	vlt.s32 v11, $0xC380  }
0x4b4: {  	vm6 =	vlt.s32 v12, $0xC380;
	v8 =	vld.idx.msk [tilespmem:v2+s6+$0x0], vm2  }
0x4b5: {  	vm7 =	vlt.s32 v13, $0xC380;
	v14 =	vld.idx.msk [tilespmem:v0+s6+$0x0], vm0  }
0x4b6: {  	vm0 =	vlt.s32 v4, $0xC380;
	v3 =	vld.idx.msk [tilespmem:v1+s6+$0x0], vm1;
	v0 =	vmov v4  }
.Ltmp14:
0x4b7: {  	vm1 =	vlt.s32 v6, $0xC380;
	v5 =	vld.idx.msk [tilespmem:v9+s6+$0x0], vm3;
	v1 =	vmov v6;
	(pc) =	sbr.rel @p0 .LBB3_30-.Ltmp14, $4  }
0x4b8: {  	vm2 =	vlt.s32 v7, $0xC380;
	v6 =	vld.idx.msk [tilespmem:v10+s6+$0x0], vm4;
	v2 =	vmov v7  }
0x4b9: {  	v7 =	vld.idx.msk [tilespmem:v11+s6+$0x0], vm5  }
0x4ba: {  	v4 =	vld.idx.msk [tilespmem:v12+s6+$0x0], vm6;
	[tilespmem:s20+$0xFFFFFF90] =	vst v8  }
0x4bb: {  	s23 =	sadd.s32 $0x80, s23;
	v8 =	vld.idx.msk [tilespmem:v13+s6+$0x0], vm7;
	[tilespmem:s20+$0xFFFFFFE0] =	vst v14  }
0x4bc: {  	_ =	sdelay $0x3  }
0x4bd: {  	[tilespmem:s20+$0xFFFFFFF0] =	vst v3;
	s25 =	sadd.s32 $0x80, s20  }
0x4be: {  	v2 =	vld.idx.msk [tilespmem:v2+s6+$0x0], vm2;
	[tilespmem:s25+$0x0] =	vst v5  }
0x4bf: {  	v0 =	vld.idx.msk [tilespmem:v0+s6+$0x0], vm0;
	[tilespmem:s25+$0xFFFFFFA0] =	vst v6  }
0x4c0: {  	v1 =	vld.idx.msk [tilespmem:v1+s6+$0x0], vm1;
	[tilespmem:s25+$0xFFFFFFB0] =	vst v7  }
0x4c1: {  	[tilespmem:s25+$0xFFFFFFC0] =	vst v4  }
0x4c2: {  	[tilespmem:s25+$0xFFFFFFD0] =	vst v8  }
0x4c3: {  	[tilespmem:s25+$0xFFFFFF90] =	vst v2  }
0x4c4: {  	[tilespmem:s25+$0xFFFFFFE0] =	vst v0  }
0x4c5: {  	[tilespmem:s25+$0xFFFFFFF0] =	vst v1  }
0x4c6: {  	s20 =	rddreg [dreg:$0x13]  }
0x4c7: {  	[tilespmem:s6], [sflag:$0x1] =	stream.strided.gather [hbm4b:s20+s11], $0xC300, s12, s11, $0x38;
	[tilespmem:$0x1E880] =	vst v63  }
0x4c8: {  	_ =	swait.ge [sflag:s13], $0xC300  }
0x4c9: {  	[sflag:s13] =	ssyncset.done $0x0  }
0x4ca: {  	[sflag:s13] =	ssyncadd.s32 $0xFFFF3D00  }
0x4cb: {  	v0 =	vld [tilespmem:s4+$0xC380];
	_ =	sdelay $0x4  }
0x4cc: {  	[tilespmem:$0xC300] =	vst v0  }
0x4cd: {  	v0 =	vld [tilespmem:s4+$0xC390];
	_ =	sdelay $0x4  }
0x4ce: {  	s29 =	simm.s32 $0xC7C0;
	[tilespmem:$0xC310] =	vst v0  }
0x4cf: {  	v0 =	vld [tilespmem:s29+$0x30]  }
0x4d0: {  	v1 =	vld [tilespmem:s29+$0xFFFFFFD0]  }
0x4d1: {  	v3 =	vld [tilespmem:s29+$0xFFFFFFE0]  }
0x4d2: {  	v4 =	vld [tilespmem:s29+$0xFFFFFFF0];
	_ =	sdelay $0x1  }
0x4d3: {  	v2 =	vadd.s32 $0xFFFF3C80, v0;
	vm0 =	vgt.s32 v0, $0xC37F;
	v0 =	vld [tilespmem:s29+$0xFFFFFFC0]  }
0x4d4: {  	v5 =	vld [tilespmem:s29+$0x0]  }
0x4d5: {  	v8 =	vld [tilespmem:s29+$0x10];
	v6 =	vadd.s32 $0xFFFF3C80, v1;
	v7 =	vadd.s32 $0xFFFF3C80, v3;
	vm1 =	vgt.s32 v2, $0x0  }
0x4d6: {  	s22 =	simm.s32 $0x107C0;
	v9 =	vld [tilespmem:s29+$0x20];
	vm6 =	vgt.s32 v1, $0xC37F;
	v1 =	vadd.s32 $0xFFFF3C80, v4;
	v2 =	vnsel vm1, $0x0, v2  }
0x4d7: {  	v13 =	vld [tilespmem:s22+$0x30];
	vm4 =	vgt.s32 v3, $0xC37F;
	vm5 =	vgt.s32 v4, $0xC37F;
	vm3 =	vgt.s32 v7, $0x0  }
0x4d8: {  	v3 =	vld [tilespmem:s22+$0xFFFFFFD0];
	vm1 =	vgt.s32 v6, $0x0;
	v7 =	vnsel vm3, $0x0, v7;
	v10 =	vadd.s32 $0xFFFF3C80, v0  }
0x4d9: {  	v4 =	vld [tilespmem:s22+$0xFFFFFFE0];
	v11 =	vnsel vm1, $0x0, v6;
	vm2 =	vgt.s32 v0, $0xC37F;
	vm1 =	vgt.s32 v10, $0x0  }
0x4da: {  	v6 =	vld [tilespmem:s22+$0xFFFFFFF0];
	v0 =	vnsel vm1, $0x0, v10  }
0x4db: {  	v12 =	vld.idx.msk [tilespmem:v2+s6+$0x0], vm0;
	vm1 =	vgt.s32 v1, $0x0;
	v10 =	vadd.s32 $0xFFFF3C80, v5  }
0x4dc: {  	vm3 =	vgt.s32 v5, $0xC37F;
	v2 =	vld [tilespmem:s22+$0xFFFFFFC0];
	v1 =	vnsel vm1, $0x0, v1;
	vm1 =	vgt.s32 v10, $0x0  }
0x4dd: {  	v5 =	vld [tilespmem:s22+$0x0];
	v14 =	vnsel vm1, $0x0, v10  }
0x4de: {  	v15 =	vadd.s32 $0xFFFF3C80, v8;
	v7 =	vld.idx.msk [tilespmem:v7+s6+$0x0], vm4  }
0x4df: {  	vm1 =	vgt.s32 v15, $0x0;
	v10 =	vld.idx.msk [tilespmem:v0+s6+$0x0], vm2  }
0x4e0: {  	v63 =	vadd.s32 $0xFFFF3C80, v9;
	v11 =	vld.idx.msk [tilespmem:v11+s6+$0x0], vm6;
	v0 =	vnsel vm1, $0x0, v15  }
0x4e1: {  	v12 =	vsel vm0, v12, v13;
	vm0 =	vgt.s32 v63, $0x0;
	vm1 =	vgt.s32 v8, $0xC37F;
	v8 =	vld.idx.msk [tilespmem:v1+s6+$0x0], vm5  }
0x4e2: {  	s24 =	simm.s32 $0x0;
	s23 =	simm.s32 $0x107C0;
	s25 =	simm.s32 $0xC840;
	v1 =	vnsel vm0, $0x0, v63;
	vm0 =	vgt.s32 v9, $0xC37F;
	vm1 =	vmmov vm1;
	[tilespmem:s22+$0x30] =	vst v12;
	v9 =	vld.idx.msk [tilespmem:v14+s6+$0x0], vm3  }
.LBB3_32:
0x4e3: {  	v12 =	vld [tilespmem:s25+$0x30];
	s24 =	sadd.s32 $0x8, s24  }
0x4e4: {  	v2 =	vsel vm2, v10, v2;
	v13 =	vld [tilespmem:s25+$0xFFFFFFD0];
	p0 =	slt.u32 s24, $0x1F8  }
0x4e5: {  	v10 =	vld [tilespmem:s25+$0xFFFFFFE0];
	[tilespmem:s22+$0xFFFFFFC0] =	vst v2;
	v2 =	vsel vm6, v11, v3  }
0x4e6: {  	v11 =	vld [tilespmem:s25+$0xFFFFFFF0];
	[tilespmem:s22+$0xFFFFFFD0] =	vst v2;
	v2 =	vsel vm4, v7, v4  }
0x4e7: {  	v4 =	vld [tilespmem:s25+$0x0];
	[tilespmem:s22+$0xFFFFFFE0] =	vst v2;
	v2 =	vsel vm5, v8, v6  }
0x4e8: {  	v6 =	vld [tilespmem:s25+$0x10];
	v3 =	vadd.s32 $0xFFFF3C80, v12;
	[tilespmem:s22+$0xFFFFFFF0] =	vst v2;
	v2 =	vsel vm3, v9, v5  }
0x4e9: {  	vm7 =	vgt.s32 v12, $0xC37F;
	v5 =	vadd.s32 $0xFFFF3C80, v13;
	v7 =	vld [tilespmem:s25+$0x20];
	vm2 =	vgt.s32 v3, $0x0;
	[tilespmem:s22+$0x0] =	vst v2  }
0x4ea: {  	v2 =	vld [tilespmem:s25+$0xFFFFFFC0];
	vm3 =	vgt.s32 v5, $0x0;
	v8 =	vadd.s32 $0xFFFF3C80, v10;
	v3 =	vnsel vm2, $0x0, v3  }
0x4eb: {  	v9 =	vnsel vm3, $0x0, v5;
	vm2 =	vgt.s32 v8, $0x0;
	v5 =	vadd.s32 $0xFFFF3C80, v11;
	v12 =	vld.idx.msk [tilespmem:v0+s6+$0x0], vm1  }
0x4ec: {  	v8 =	vnsel vm2, $0x0, v8;
	vm2 =	vgt.s32 v5, $0x0;
	v0 =	vadd.s32 $0xFFFF3C80, v4;
	v14 =	vld.idx.msk [tilespmem:v1+s6+$0x0], vm0  }
0x4ed: {  	v15 =	vnsel vm2, $0x0, v5;
	vm2 =	vgt.s32 v0, $0x0;
	v1 =	vadd.s32 $0xFFFF3C80, v6;
	v5 =	vld [tilespmem:s22+$0x10]  }
0x4ee: {  	v16 =	vnsel vm2, $0x0, v0;
	vm2 =	vgt.s32 v1, $0x0;
	v17 =	vadd.s32 $0xFFFF3C80, v7;
	v18 =	vld [tilespmem:s22+$0x20]  }
0x4ef: {  	s22 =	sadd.s32 $0x80, s22;
	v19 =	vadd.s32 $0xFFFF3C80, v2;
	v0 =	vnsel vm2, $0x0, v1;
	vm3 =	vgt.s32 v17, $0x0;
	v20 =	vld.idx.msk [tilespmem:v3+s6+$0x0], vm7  }
0x4f0: {  	vm2 =	vgt.s32 v2, $0xC37F;
	vm4 =	vgt.s32 v19, $0x0;
	v1 =	vnsel vm3, $0x0, v17;
	v17 =	vld [tilespmem:s22+$0x30]  }
0x4f1: {  	vm6 =	vgt.s32 v13, $0xC37F;
	v19 =	vnsel vm4, $0x0, v19;
	v2 =	vld [tilespmem:s22+$0xFFFFFFC0];
	vm4 =	vgt.s32 v10, $0xC37F  }
0x4f2: {  	vm5 =	vgt.s32 v11, $0xC37F;
	vm8 =	vgt.s32 v6, $0xC37F;
	vm3 =	vgt.s32 v4, $0xC37F;
	v3 =	vld [tilespmem:s22+$0xFFFFFFD0]  }
0x4f3: {  	v5 =	vsel vm1, v12, v5;
	v4 =	vld [tilespmem:s22+$0xFFFFFFE0];
	v10 =	vsel vm0, v14, v18;
	vm0 =	vgt.s32 v7, $0xC37F  }
0x4f4: {  	vm1 =	vmmov vm8;
	v6 =	vld [tilespmem:s22+$0xFFFFFFF0];
	[tilespmem:s23+$0x10] =	vst v5  }
0x4f5: {  	v5 =	vld [tilespmem:s22+$0x0];
	v7 =	vsel vm7, v20, v17;
	[tilespmem:s23+$0x20] =	vst v10;
	s23 =	smov.u32 s22  }
.Ltmp15:
0x4f6: {  	s29 =	simm.s32 $0xE7C0;
	s20 =	simm.s32 $0x127F0;
	v10 =	vld.idx.msk [tilespmem:v19+s6+$0x0], vm2;
	[tilespmem:s22+$0x30] =	vst v7;
	(pc) =	sbr.rel @p0 .LBB3_32-.Ltmp15, $4  }
0x4f7: {  	v11 =	vld.idx.msk [tilespmem:v9+s6+$0x0], vm6  }
0x4f8: {  	v7 =	vld.idx.msk [tilespmem:v8+s6+$0x0], vm4  }
0x4f9: {  	v8 =	vld.idx.msk [tilespmem:v15+s6+$0x0], vm5  }
0x4fa: {  	s25 =	sadd.s32 $0x80, s25;
	v9 =	vld.idx.msk [tilespmem:v16+s6+$0x0], vm3  }
0x4fb: {  	_ =	sdelay $0x4  }
0x4fc: {  	v0 =	vld.idx.msk [tilespmem:v0+s6+$0x0], vm1  }
0x4fd: {  	v1 =	vld.idx.msk [tilespmem:v1+s6+$0x0], vm0  }
0x4fe: {  	v2 =	vsel vm2, v10, v2;
	v10 =	vld [tilespmem:s22+$0x10]  }
0x4ff: {  	[tilespmem:s22+$0xFFFFFFC0] =	vst v2;
	v2 =	vsel vm6, v11, v3;
	v3 =	vld [tilespmem:s22+$0x20]  }
0x500: {  	[tilespmem:s22+$0xFFFFFFD0] =	vst v2;
	v2 =	vsel vm4, v7, v4  }
0x501: {  	[tilespmem:s22+$0xFFFFFFE0] =	vst v2;
	v2 =	vsel vm5, v8, v6  }
0x502: {  	[tilespmem:s22+$0xFFFFFFF0] =	vst v2;
	v2 =	vsel vm3, v9, v5  }
0x503: {  	[tilespmem:s22+$0x0] =	vst v2;
	v0 =	vsel vm1, v0, v10  }
0x504: {  	v1 =	vsel vm0, v1, v3;
	[tilespmem:s23+$0x10] =	vst v0  }
0x505: {  	[tilespmem:s23+$0x20] =	vst v1  }
0x506: {  	v0 =	vld [tilespmem:s29+$0x30]  }
0x507: {  	v1 =	vld [tilespmem:s29+$0xFFFFFFD0]  }
0x508: {  	v3 =	vld [tilespmem:s29+$0xFFFFFFE0]  }
0x509: {  	v4 =	vld [tilespmem:s29+$0xFFFFFFF0];
	_ =	sdelay $0x1  }
0x50a: {  	v2 =	vadd.s32 $0xFFFF3C80, v0;
	vm0 =	vgt.s32 v0, $0xC37F;
	v0 =	vld [tilespmem:s29+$0xFFFFFFC0]  }
0x50b: {  	v5 =	vld [tilespmem:s29+$0x0]  }
0x50c: {  	v8 =	vld [tilespmem:s29+$0x10];
	v6 =	vadd.s32 $0xFFFF3C80, v1;
	v7 =	vadd.s32 $0xFFFF3C80, v3;
	vm1 =	vgt.s32 v2, $0x0  }
0x50d: {  	v9 =	vld [tilespmem:s29+$0x20];
	vm6 =	vgt.s32 v1, $0xC37F;
	v1 =	vadd.s32 $0xFFFF3C80, v4;
	v2 =	vnsel vm1, $0x0, v2  }
0x50e: {  	v14 =	vld [tilespmem:s20+$0x0];
	vm4 =	vgt.s32 v3, $0xC37F;
	vm5 =	vgt.s32 v4, $0xC37F;
	vm3 =	vgt.s32 v7, $0x0  }
0x50f: {  	v3 =	vld [tilespmem:s20+$0xFFFFFFA0];
	vm1 =	vgt.s32 v6, $0x0;
	v7 =	vnsel vm3, $0x0, v7;
	v10 =	vadd.s32 $0xFFFF3C80, v0  }
0x510: {  	v4 =	vld [tilespmem:s20+$0xFFFFFFB0];
	v13 =	vnsel vm1, $0x0, v6;
	vm2 =	vgt.s32 v0, $0xC37F;
	vm1 =	vgt.s32 v10, $0x0  }
0x511: {  	v6 =	vld [tilespmem:s20+$0xFFFFFFC0];
	v0 =	vnsel vm1, $0x0, v10  }
0x512: {  	v12 =	vld.idx.msk [tilespmem:v2+s6+$0x0], vm0;
	vm1 =	vgt.s32 v1, $0x0;
	v10 =	vadd.s32 $0xFFFF3C80, v5  }
0x513: {  	vm3 =	vgt.s32 v5, $0xC37F;
	v2 =	vld [tilespmem:s20+$0xFFFFFF90];
	v1 =	vnsel vm1, $0x0, v1;
	vm1 =	vgt.s32 v10, $0x0  }
0x514: {  	v5 =	vld [tilespmem:s20+$0xFFFFFFD0];
	v15 =	vnsel vm1, $0x0, v10  }
0x515: {  	v16 =	vadd.s32 $0xFFFF3C80, v8;
	v7 =	vld.idx.msk [tilespmem:v7+s6+$0x0], vm4  }
0x516: {  	vm1 =	vgt.s32 v16, $0x0;
	v11 =	vld.idx.msk [tilespmem:v0+s6+$0x0], vm2  }
0x517: {  	v63 =	vadd.s32 $0xFFFF3C80, v9;
	v10 =	vld.idx.msk [tilespmem:v13+s6+$0x0], vm6;
	v0 =	vnsel vm1, $0x0, v16  }
0x518: {  	v12 =	vsel vm0, v12, v14;
	vm0 =	vgt.s32 v63, $0x0;
	vm1 =	vgt.s32 v8, $0xC37F;
	v8 =	vld.idx.msk [tilespmem:v1+s6+$0x0], vm5  }
0x519: {  	s24 =	simm.s32 $0xE840;
	s22 =	simm.s32 $0x127F0;
	s23 =	simm.s32 $0x0;
	v1 =	vnsel vm0, $0x0, v63;
	vm0 =	vgt.s32 v9, $0xC37F;
	vm1 =	vmmov vm1;
	[tilespmem:s20+$0x0] =	vst v12;
	v9 =	vld.idx.msk [tilespmem:v15+s6+$0x0], vm3  }
.LBB3_34:
0x51a: {  	v12 =	vld [tilespmem:s24+$0x30];
	s23 =	sadd.s32 $0x8, s23  }
0x51b: {  	v2 =	vsel vm2, v11, v2;
	v13 =	vld [tilespmem:s24+$0xFFFFFFD0];
	p0 =	slt.u32 s23, $0x1F8  }
0x51c: {  	v11 =	vld [tilespmem:s24+$0xFFFFFFE0];
	[tilespmem:s20+$0xFFFFFF90] =	vst v2;
	v2 =	vsel vm6, v10, v3  }
0x51d: {  	v10 =	vld [tilespmem:s24+$0xFFFFFFF0];
	[tilespmem:s20+$0xFFFFFFA0] =	vst v2;
	v2 =	vsel vm4, v7, v4  }
0x51e: {  	v4 =	vld [tilespmem:s24+$0x0];
	[tilespmem:s20+$0xFFFFFFB0] =	vst v2;
	v2 =	vsel vm5, v8, v6  }
0x51f: {  	v6 =	vld [tilespmem:s24+$0x10];
	v3 =	vadd.s32 $0xFFFF3C80, v12;
	[tilespmem:s20+$0xFFFFFFC0] =	vst v2;
	v2 =	vsel vm3, v9, v5  }
0x520: {  	vm7 =	vgt.s32 v12, $0xC37F;
	v5 =	vadd.s32 $0xFFFF3C80, v13;
	v7 =	vld [tilespmem:s24+$0x20];
	vm2 =	vgt.s32 v3, $0x0;
	[tilespmem:s20+$0xFFFFFFD0] =	vst v2  }
0x521: {  	v2 =	vld [tilespmem:s24+$0xFFFFFFC0];
	vm3 =	vgt.s32 v5, $0x0;
	v8 =	vadd.s32 $0xFFFF3C80, v11;
	v3 =	vnsel vm2, $0x0, v3  }
0x522: {  	v9 =	vnsel vm3, $0x0, v5;
	vm2 =	vgt.s32 v8, $0x0;
	v5 =	vadd.s32 $0xFFFF3C80, v10;
	v12 =	vld.idx.msk [tilespmem:v0+s6+$0x0], vm1  }
0x523: {  	v8 =	vnsel vm2, $0x0, v8;
	vm2 =	vgt.s32 v5, $0x0;
	v0 =	vadd.s32 $0xFFFF3C80, v4;
	v14 =	vld.idx.msk [tilespmem:v1+s6+$0x0], vm0  }
0x524: {  	v15 =	vnsel vm2, $0x0, v5;
	vm2 =	vgt.s32 v0, $0x0;
	v1 =	vadd.s32 $0xFFFF3C80, v6;
	v5 =	vld [tilespmem:s20+$0xFFFFFFE0]  }
0x525: {  	v16 =	vnsel vm2, $0x0, v0;
	vm2 =	vgt.s32 v1, $0x0;
	v17 =	vadd.s32 $0xFFFF3C80, v7;
	v18 =	vld [tilespmem:s20+$0xFFFFFFF0]  }
0x526: {  	s20 =	sadd.s32 $0x80, s20;
	v19 =	vadd.s32 $0xFFFF3C80, v2;
	v0 =	vnsel vm2, $0x0, v1;
	vm3 =	vgt.s32 v17, $0x0;
	v20 =	vld.idx.msk [tilespmem:v3+s6+$0x0], vm7  }
0x527: {  	vm2 =	vgt.s32 v2, $0xC37F;
	vm4 =	vgt.s32 v19, $0x0;
	v1 =	vnsel vm3, $0x0, v17;
	v17 =	vld [tilespmem:s20+$0x0]  }
0x528: {  	vm6 =	vgt.s32 v13, $0xC37F;
	v19 =	vnsel vm4, $0x0, v19;
	v2 =	vld [tilespmem:s20+$0xFFFFFF90];
	vm4 =	vgt.s32 v11, $0xC37F  }
0x529: {  	vm5 =	vgt.s32 v10, $0xC37F;
	vm8 =	vgt.s32 v6, $0xC37F;
	vm3 =	vgt.s32 v4, $0xC37F;
	v3 =	vld [tilespmem:s20+$0xFFFFFFA0]  }
0x52a: {  	v5 =	vsel vm1, v12, v5;
	v4 =	vld [tilespmem:s20+$0xFFFFFFB0];
	v10 =	vsel vm0, v14, v18;
	vm0 =	vgt.s32 v7, $0xC37F  }
0x52b: {  	vm1 =	vmmov vm8;
	v6 =	vld [tilespmem:s20+$0xFFFFFFC0];
	[tilespmem:s22+$0xFFFFFFE0] =	vst v5  }
0x52c: {  	v5 =	vld [tilespmem:s20+$0xFFFFFFD0];
	v7 =	vsel vm7, v20, v17;
	[tilespmem:s22+$0xFFFFFFF0] =	vst v10;
	s22 =	smov.u32 s20  }
.Ltmp16:
0x52d: {  	v11 =	vld.idx.msk [tilespmem:v19+s6+$0x0], vm2;
	[tilespmem:s20+$0x0] =	vst v7;
	(pc) =	sbr.rel @p0 .LBB3_34-.Ltmp16, $4  }
0x52e: {  	v10 =	vld.idx.msk [tilespmem:v9+s6+$0x0], vm6  }
0x52f: {  	v7 =	vld.idx.msk [tilespmem:v8+s6+$0x0], vm4  }
0x530: {  	v8 =	vld.idx.msk [tilespmem:v15+s6+$0x0], vm5  }
0x531: {  	s24 =	sadd.s32 $0x80, s24;
	v9 =	vld.idx.msk [tilespmem:v16+s6+$0x0], vm3  }
0x532: {  	_ =	sdelay $0x4  }
0x533: {  	v0 =	vld.idx.msk [tilespmem:v0+s6+$0x0], vm1  }
0x534: {  	v1 =	vld.idx.msk [tilespmem:v1+s6+$0x0], vm0  }
0x535: {  	v2 =	vsel vm2, v11, v2;
	v11 =	vld [tilespmem:s20+$0xFFFFFFE0]  }
0x536: {  	[tilespmem:s20+$0xFFFFFF90] =	vst v2;
	v2 =	vsel vm6, v10, v3;
	v3 =	vld [tilespmem:s20+$0xFFFFFFF0]  }
0x537: {  	[tilespmem:s20+$0xFFFFFFA0] =	vst v2;
	v2 =	vsel vm4, v7, v4  }
0x538: {  	[tilespmem:s20+$0xFFFFFFB0] =	vst v2;
	v2 =	vsel vm5, v8, v6  }
0x539: {  	[tilespmem:s20+$0xFFFFFFC0] =	vst v2;
	v2 =	vsel vm3, v9, v5  }
0x53a: {  	[tilespmem:s20+$0xFFFFFFD0] =	vst v2;
	v0 =	vsel vm1, v0, v11  }
0x53b: {  	v1 =	vsel vm0, v1, v3;
	[tilespmem:s22+$0xFFFFFFE0] =	vst v0  }
0x53c: {  	[tilespmem:s22+$0xFFFFFFF0] =	vst v1  }
0x53d: {  	s29 =	simm.s32 $0x10780;
	s20 =	rddreg [dreg:$0x18]  }
0x53e: {  	[hbm4b:s20+s11] =	stream.strided.scatter [tilespmem:s29], [sflag:$0x2], $0x4000, s12, s11, $0x38;
	[tilespmem:$0x1E880] =	vst v63  }
0x53f: {  	s22 =	rddreg [dreg:$0x3]  }
0x540: {  	[tilespmem:s2], [sflag:$0x3] =	stream.linear.gather [hbm4b:s22+s6], $0x2000, $0x38;
	[tilespmem:$0x1E880] =	vst v63  }
0x541: {  	_ =	swait.ge [sflag:s3], $0x2000  }
0x542: {  	[sflag:s3] =	ssyncset.done $0x0  }
0x543: {  	[sflag:s3] =	ssyncadd.s32 $0xFFFFE000  }
0x544: {  	[tilespmem:s7], [sflag:$0x3] =	stream.linear.gather [hbm4b:s1+s6], $0x2000, $0x38;
	[tilespmem:$0x1E880] =	vst v63  }
0x545: {  	_ =	swait.ge [sflag:s3], $0x2000  }
0x546: {  	[sflag:s3] =	ssyncset.done $0x0  }
0x547: {  	[sflag:s3] =	ssyncadd.s32 $0xFFFFE000  }
0x548: {  	s23 =	rddreg [dreg:$0xb]  }
0x549: {  	[tilespmem:s8], [sflag:$0x3] =	stream.linear.gather [hbm4b:s23+s6], $0x400, $0x38;
	[tilespmem:$0x1E880] =	vst v63  }
0x54a: {  	_ =	swait.ge [sflag:s3], $0x400  }
0x54b: {  	[sflag:s3] =	ssyncset.done $0x0  }
0x54c: {  	s24 =	rddreg [dreg:$0x14];
	[sflag:s3] =	ssyncadd.s32 $0xFFFFFC00  }
0x54d: {  	[tilespmem:s6], [sflag:$0x1] =	stream.strided.gather [hbm4b:s24+s11], $0xC380, s12, s11, $0x38;
	[tilespmem:$0x1E880] =	vst v63  }
0x54e: {  	_ =	swait.ge [sflag:s13], $0xC380  }
0x54f: {  	[sflag:s13] =	ssyncset.done $0x0  }
0x550: {  	s25 =	simm.s32 $0xC7C0;
	[sflag:s13] =	ssyncadd.s32 $0xFFFF3C80  }
0x551: {  	v0 =	vld [tilespmem:s25+$0x30]  }
0x552: {  	v1 =	vld [tilespmem:s25+$0xFFFFFFD0]  }
0x553: {  	v2 =	vld [tilespmem:s25+$0xFFFFFFE0]  }
0x554: {  	v3 =	vld [tilespmem:s25+$0xFFFFFFF0]  }
0x555: {  	v4 =	vld [tilespmem:s25+$0x0]  }
0x556: {  	v5 =	vld [tilespmem:s25+$0x10]  }
0x557: {  	v6 =	vld [tilespmem:s25+$0x20]  }
0x558: {  	s29 =	simm.s32 $0xC840;
	v7 =	vld [tilespmem:s25+$0xFFFFFFC0];
	vm0 =	vlt.s32 v0, $0xC380  }
0x559: {  	v12 =	vld [tilespmem:s29+$0x30];
	vm1 =	vlt.s32 v1, $0xC380  }
0x55a: {  	v13 =	vld [tilespmem:s29+$0xFFFFFFD0];
	vm2 =	vlt.s32 v2, $0xC380  }
0x55b: {  	v14 =	vld [tilespmem:s29+$0xFFFFFFE0];
	vm3 =	vlt.s32 v3, $0xC380  }
0x55c: {  	v15 =	vld [tilespmem:s29+$0xFFFFFFF0];
	vm13 =	vlt.s32 v4, $0xC380  }
0x55d: {  	v16 =	vld [tilespmem:s29+$0x0]  }
0x55e: {  	v8 =	vld.idx.msk [tilespmem:v0+s6+$0x0], vm0  }
0x55f: {  	v9 =	vld.idx.msk [tilespmem:v1+s6+$0x0], vm1  }
0x560: {  	v10 =	vld.idx.msk [tilespmem:v2+s6+$0x0], vm2;
	vm0 =	vlt.s32 v7, $0xC380  }
0x561: {  	v11 =	vld.idx.msk [tilespmem:v3+s6+$0x0], vm3;
	vm1 =	vlt.s32 v5, $0xC380  }
0x562: {  	vm15 =	vlt.s32 v16, $0xC380;
	v4 =	vld.idx.msk [tilespmem:v4+s6+$0x0], vm13  }
0x563: {  	vm2 =	vlt.s32 v6, $0xC380;
	v0 =	vld [tilespmem:s29+$0x10]  }
0x564: {  	vm3 =	vlt.s32 v12, $0xC380;
	v1 =	vld [tilespmem:s29+$0x20]  }
0x565: {  	vm14 =	vlt.s32 v13, $0xC380;
	v2 =	vld [tilespmem:s29+$0xFFFFFFC0]  }
0x566: {  	s20 =	simm.s32 $0x147C0;
	v17 =	vld.idx.msk [tilespmem:v7+s6+$0x0], vm0;
	vm0 =	vlt.s32 v14, $0xC380  }
0x567: {  	[tilespmem:s20+$0x30] =	vst v8;
	v18 =	vld.idx.msk [tilespmem:v5+s6+$0x0], vm1;
	vm1 =	vlt.s32 v15, $0xC380  }
0x568: {  	[tilespmem:s20+$0xFFFFFFD0] =	vst v9;
	v8 =	vld.idx.msk [tilespmem:v16+s6+$0x0], vm15  }
0x569: {  	[tilespmem:s20+$0xFFFFFFE0] =	vst v10;
	v3 =	vld.idx.msk [tilespmem:v6+s6+$0x0], vm2  }
0x56a: {  	[tilespmem:s20+$0xFFFFFFF0] =	vst v11;
	v5 =	vld.idx.msk [tilespmem:v12+s6+$0x0], vm3  }
0x56b: {  	[tilespmem:s20+$0x0] =	vst v4;
	v6 =	vld.idx.msk [tilespmem:v13+s6+$0x0], vm14  }
0x56c: {  	[tilespmem:s20+$0xFFFFFFC0] =	vst v17;
	v7 =	vld.idx.msk [tilespmem:v14+s6+$0x0], vm0  }
0x56d: {  	s22 =	simm.s32 $0x8;
	s23 =	simm.s32 $0xC8C0;
	vm2 =	vlt.s32 v2, $0xC380;
	[tilespmem:s20+$0x10] =	vst v18;
	v4 =	vld.idx.msk [tilespmem:v15+s6+$0x0], vm1;
	vm0 =	vlt.s32 v0, $0xC380;
	vm1 =	vlt.s32 v1, $0xC380  }
.LBB3_36:
0x56e: {  	v9 =	vld [tilespmem:s23+$0x30];
	s22 =	sadd.s32 $0x8, s22;
	[tilespmem:s20+$0x20] =	vst v3;
	s20 =	sadd.s32 $0x80, s20  }
0x56f: {  	v10 =	vld [tilespmem:s23+$0xFFFFFFD0];
	p0 =	slt.u32 s22, $0x1F8;
	[tilespmem:s20+$0x30] =	vst v5  }
0x570: {  	v11 =	vld [tilespmem:s23+$0xFFFFFFE0];
	[tilespmem:s20+$0xFFFFFFD0] =	vst v6  }
0x571: {  	v12 =	vld [tilespmem:s23+$0xFFFFFFF0];
	[tilespmem:s20+$0xFFFFFFE0] =	vst v7  }
0x572: {  	v13 =	vld [tilespmem:s23+$0x0];
	[tilespmem:s20+$0xFFFFFFF0] =	vst v4  }
0x573: {  	v4 =	vld [tilespmem:s23+$0x10];
	vm3 =	vlt.s32 v9, $0xC380;
	[tilespmem:s20+$0x0] =	vst v8  }
0x574: {  	vm4 =	vlt.s32 v10, $0xC380;
	v6 =	vld [tilespmem:s23+$0x20]  }
0x575: {  	v7 =	vld [tilespmem:s23+$0xFFFFFFC0];
	vm5 =	vlt.s32 v11, $0xC380  }
0x576: {  	vm6 =	vlt.s32 v12, $0xC380;
	v8 =	vld.idx.msk [tilespmem:v2+s6+$0x0], vm2  }
0x577: {  	vm7 =	vlt.s32 v13, $0xC380;
	v14 =	vld.idx.msk [tilespmem:v0+s6+$0x0], vm0  }
0x578: {  	vm0 =	vlt.s32 v4, $0xC380;
	v3 =	vld.idx.msk [tilespmem:v1+s6+$0x0], vm1;
	v0 =	vmov v4  }
.Ltmp17:
0x579: {  	vm1 =	vlt.s32 v6, $0xC380;
	v5 =	vld.idx.msk [tilespmem:v9+s6+$0x0], vm3;
	v1 =	vmov v6;
	(pc) =	sbr.rel @p0 .LBB3_36-.Ltmp17, $4  }
0x57a: {  	vm2 =	vlt.s32 v7, $0xC380;
	v6 =	vld.idx.msk [tilespmem:v10+s6+$0x0], vm4;
	v2 =	vmov v7  }
0x57b: {  	v7 =	vld.idx.msk [tilespmem:v11+s6+$0x0], vm5  }
0x57c: {  	v4 =	vld.idx.msk [tilespmem:v12+s6+$0x0], vm6;
	[tilespmem:s20+$0xFFFFFFC0] =	vst v8  }
0x57d: {  	s23 =	sadd.s32 $0x80, s23;
	v8 =	vld.idx.msk [tilespmem:v13+s6+$0x0], vm7;
	[tilespmem:s20+$0x10] =	vst v14  }
0x57e: {  	_ =	sdelay $0x3  }
0x57f: {  	[tilespmem:s20+$0x20] =	vst v3;
	s25 =	sadd.s32 $0x80, s20  }
0x580: {  	v2 =	vld.idx.msk [tilespmem:v2+s6+$0x0], vm2;
	[tilespmem:s25+$0x30] =	vst v5  }
0x581: {  	v0 =	vld.idx.msk [tilespmem:v0+s6+$0x0], vm0;
	[tilespmem:s25+$0xFFFFFFD0] =	vst v6  }
0x582: {  	v1 =	vld.idx.msk [tilespmem:v1+s6+$0x0], vm1;
	[tilespmem:s25+$0xFFFFFFE0] =	vst v7  }
0x583: {  	[tilespmem:s25+$0xFFFFFFF0] =	vst v4  }
0x584: {  	[tilespmem:s25+$0x0] =	vst v8  }
0x585: {  	[tilespmem:s25+$0xFFFFFFC0] =	vst v2  }
0x586: {  	[tilespmem:s25+$0x10] =	vst v0  }
0x587: {  	s22 =	simm.s32 $0xE7C0;
	[tilespmem:s25+$0x20] =	vst v1  }
0x588: {  	v0 =	vld [tilespmem:s22+$0x30]  }
0x589: {  	v1 =	vld [tilespmem:s22+$0xFFFFFFD0]  }
0x58a: {  	v2 =	vld [tilespmem:s22+$0xFFFFFFE0]  }
0x58b: {  	v3 =	vld [tilespmem:s22+$0xFFFFFFF0]  }
0x58c: {  	v4 =	vld [tilespmem:s22+$0x0]  }
0x58d: {  	v5 =	vld [tilespmem:s22+$0x10]  }
0x58e: {  	v6 =	vld [tilespmem:s22+$0x20]  }
0x58f: {  	s29 =	simm.s32 $0xE840;
	v7 =	vld [tilespmem:s22+$0xFFFFFFC0];
	vm0 =	vlt.s32 v0, $0xC380  }
0x590: {  	v12 =	vld [tilespmem:s29+$0x30];
	vm1 =	vlt.s32 v1, $0xC380  }
0x591: {  	v13 =	vld [tilespmem:s29+$0xFFFFFFD0];
	vm2 =	vlt.s32 v2, $0xC380  }
0x592: {  	v14 =	vld [tilespmem:s29+$0xFFFFFFE0];
	vm3 =	vlt.s32 v3, $0xC380  }
0x593: {  	v15 =	vld [tilespmem:s29+$0xFFFFFFF0];
	vm4 =	vlt.s32 v4, $0xC380  }
0x594: {  	v16 =	vld [tilespmem:s29+$0x0]  }
0x595: {  	v8 =	vld.idx.msk [tilespmem:v0+s6+$0x0], vm0  }
0x596: {  	v9 =	vld.idx.msk [tilespmem:v1+s6+$0x0], vm1  }
0x597: {  	v10 =	vld.idx.msk [tilespmem:v2+s6+$0x0], vm2;
	vm0 =	vlt.s32 v7, $0xC380  }
0x598: {  	v11 =	vld.idx.msk [tilespmem:v3+s6+$0x0], vm3;
	vm1 =	vlt.s32 v5, $0xC380  }
0x599: {  	vm5 =	vlt.s32 v16, $0xC380;
	v4 =	vld.idx.msk [tilespmem:v4+s6+$0x0], vm4  }
0x59a: {  	vm2 =	vlt.s32 v6, $0xC380;
	v0 =	vld [tilespmem:s29+$0x10]  }
0x59b: {  	vm3 =	vlt.s32 v12, $0xC380;
	v1 =	vld [tilespmem:s29+$0x20]  }
0x59c: {  	vm15 =	vlt.s32 v13, $0xC380;
	v2 =	vld [tilespmem:s29+$0xFFFFFFC0]  }
0x59d: {  	s20 =	simm.s32 $0x167F0;
	v17 =	vld.idx.msk [tilespmem:v7+s6+$0x0], vm0;
	vm0 =	vlt.s32 v14, $0xC380  }
0x59e: {  	[tilespmem:s20+$0x0] =	vst v8;
	v18 =	vld.idx.msk [tilespmem:v5+s6+$0x0], vm1;
	vm1 =	vlt.s32 v15, $0xC380  }
0x59f: {  	[tilespmem:s20+$0xFFFFFFA0] =	vst v9;
	v8 =	vld.idx.msk [tilespmem:v16+s6+$0x0], vm5  }
0x5a0: {  	[tilespmem:s20+$0xFFFFFFB0] =	vst v10;
	v3 =	vld.idx.msk [tilespmem:v6+s6+$0x0], vm2  }
0x5a1: {  	[tilespmem:s20+$0xFFFFFFC0] =	vst v11;
	v5 =	vld.idx.msk [tilespmem:v12+s6+$0x0], vm3  }
0x5a2: {  	[tilespmem:s20+$0xFFFFFFD0] =	vst v4;
	v6 =	vld.idx.msk [tilespmem:v13+s6+$0x0], vm15  }
0x5a3: {  	[tilespmem:s20+$0xFFFFFF90] =	vst v17;
	v7 =	vld.idx.msk [tilespmem:v14+s6+$0x0], vm0  }
0x5a4: {  	s23 =	simm.s32 $0xE8C0;
	s22 =	simm.s32 $0x8;
	vm2 =	vlt.s32 v2, $0xC380;
	[tilespmem:s20+$0xFFFFFFE0] =	vst v18;
	v4 =	vld.idx.msk [tilespmem:v15+s6+$0x0], vm1;
	vm0 =	vlt.s32 v0, $0xC380;
	vm1 =	vlt.s32 v1, $0xC380  }
.LBB3_38:
0x5a5: {  	v9 =	vld [tilespmem:s23+$0x30];
	s22 =	sadd.s32 $0x8, s22;
	[tilespmem:s20+$0xFFFFFFF0] =	vst v3;
	s20 =	sadd.s32 $0x80, s20  }
0x5a6: {  	v10 =	vld [tilespmem:s23+$0xFFFFFFD0];
	p0 =	slt.u32 s22, $0x1F8;
	[tilespmem:s20+$0x0] =	vst v5  }
0x5a7: {  	v11 =	vld [tilespmem:s23+$0xFFFFFFE0];
	[tilespmem:s20+$0xFFFFFFA0] =	vst v6  }
0x5a8: {  	v12 =	vld [tilespmem:s23+$0xFFFFFFF0];
	[tilespmem:s20+$0xFFFFFFB0] =	vst v7  }
0x5a9: {  	v13 =	vld [tilespmem:s23+$0x0];
	[tilespmem:s20+$0xFFFFFFC0] =	vst v4  }
0x5aa: {  	v4 =	vld [tilespmem:s23+$0x10];
	vm3 =	vlt.s32 v9, $0xC380;
	[tilespmem:s20+$0xFFFFFFD0] =	vst v8  }
0x5ab: {  	vm4 =	vlt.s32 v10, $0xC380;
	v6 =	vld [tilespmem:s23+$0x20]  }
0x5ac: {  	v7 =	vld [tilespmem:s23+$0xFFFFFFC0];
	vm5 =	vlt.s32 v11, $0xC380  }
0x5ad: {  	vm6 =	vlt.s32 v12, $0xC380;
	v8 =	vld.idx.msk [tilespmem:v2+s6+$0x0], vm2  }
0x5ae: {  	vm7 =	vlt.s32 v13, $0xC380;
	v14 =	vld.idx.msk [tilespmem:v0+s6+$0x0], vm0  }
0x5af: {  	vm0 =	vlt.s32 v4, $0xC380;
	v3 =	vld.idx.msk [tilespmem:v1+s6+$0x0], vm1;
	v0 =	vmov v4  }
.Ltmp18:
0x5b0: {  	vm1 =	vlt.s32 v6, $0xC380;
	v5 =	vld.idx.msk [tilespmem:v9+s6+$0x0], vm3;
	v1 =	vmov v6;
	(pc) =	sbr.rel @p0 .LBB3_38-.Ltmp18, $4  }
0x5b1: {  	vm2 =	vlt.s32 v7, $0xC380;
	v6 =	vld.idx.msk [tilespmem:v10+s6+$0x0], vm4;
	v2 =	vmov v7  }
0x5b2: {  	v7 =	vld.idx.msk [tilespmem:v11+s6+$0x0], vm5  }
0x5b3: {  	v4 =	vld.idx.msk [tilespmem:v12+s6+$0x0], vm6;
	[tilespmem:s20+$0xFFFFFF90] =	vst v8  }
0x5b4: {  	s23 =	sadd.s32 $0x80, s23;
	v8 =	vld.idx.msk [tilespmem:v13+s6+$0x0], vm7;
	[tilespmem:s20+$0xFFFFFFE0] =	vst v14  }
0x5b5: {  	_ =	sdelay $0x3  }
0x5b6: {  	[tilespmem:s20+$0xFFFFFFF0] =	vst v3;
	s25 =	sadd.s32 $0x80, s20  }
0x5b7: {  	v2 =	vld.idx.msk [tilespmem:v2+s6+$0x0], vm2;
	[tilespmem:s25+$0x0] =	vst v5  }
0x5b8: {  	v0 =	vld.idx.msk [tilespmem:v0+s6+$0x0], vm0;
	[tilespmem:s25+$0xFFFFFFA0] =	vst v6  }
0x5b9: {  	v1 =	vld.idx.msk [tilespmem:v1+s6+$0x0], vm1;
	[tilespmem:s25+$0xFFFFFFB0] =	vst v7  }
0x5ba: {  	[tilespmem:s25+$0xFFFFFFC0] =	vst v4  }
0x5bb: {  	[tilespmem:s25+$0xFFFFFFD0] =	vst v8  }
0x5bc: {  	[tilespmem:s25+$0xFFFFFF90] =	vst v2  }
0x5bd: {  	[tilespmem:s25+$0xFFFFFFE0] =	vst v0  }
0x5be: {  	[tilespmem:s25+$0xFFFFFFF0] =	vst v1  }
0x5bf: {  	s20 =	rddreg [dreg:$0x15]  }
0x5c0: {  	[tilespmem:s6], [sflag:$0x1] =	stream.strided.gather [hbm4b:s20+s11], $0xC300, s12, s11, $0x38;
	[tilespmem:$0x1E880] =	vst v63  }
0x5c1: {  	_ =	swait.ge [sflag:s13], $0xC300  }
0x5c2: {  	[sflag:s13] =	ssyncset.done $0x0  }
0x5c3: {  	[sflag:s13] =	ssyncadd.s32 $0xFFFF3D00  }
0x5c4: {  	v0 =	vld [tilespmem:s4+$0xC380];
	_ =	sdelay $0x4  }
0x5c5: {  	[tilespmem:$0xC300] =	vst v0  }
0x5c6: {  	v0 =	vld [tilespmem:s4+$0xC390];
	_ =	sdelay $0x4  }
0x5c7: {  	s29 =	simm.s32 $0xC7C0;
	[tilespmem:$0xC310] =	vst v0  }
0x5c8: {  	v0 =	vld [tilespmem:s29+$0x30]  }
0x5c9: {  	v1 =	vld [tilespmem:s29+$0xFFFFFFD0]  }
0x5ca: {  	v3 =	vld [tilespmem:s29+$0xFFFFFFE0]  }
0x5cb: {  	v4 =	vld [tilespmem:s29+$0xFFFFFFF0];
	_ =	sdelay $0x1  }
0x5cc: {  	v2 =	vadd.s32 $0xFFFF3C80, v0;
	vm0 =	vgt.s32 v0, $0xC37F;
	v0 =	vld [tilespmem:s29+$0xFFFFFFC0]  }
0x5cd: {  	v5 =	vld [tilespmem:s29+$0x0]  }
0x5ce: {  	v8 =	vld [tilespmem:s29+$0x10];
	v6 =	vadd.s32 $0xFFFF3C80, v1;
	v7 =	vadd.s32 $0xFFFF3C80, v3;
	vm1 =	vgt.s32 v2, $0x0  }
0x5cf: {  	s22 =	simm.s32 $0x147C0;
	v9 =	vld [tilespmem:s29+$0x20];
	vm6 =	vgt.s32 v1, $0xC37F;
	v1 =	vadd.s32 $0xFFFF3C80, v4;
	v2 =	vnsel vm1, $0x0, v2  }
0x5d0: {  	v13 =	vld [tilespmem:s22+$0x30];
	vm4 =	vgt.s32 v3, $0xC37F;
	vm5 =	vgt.s32 v4, $0xC37F;
	vm3 =	vgt.s32 v7, $0x0  }
0x5d1: {  	v3 =	vld [tilespmem:s22+$0xFFFFFFD0];
	vm1 =	vgt.s32 v6, $0x0;
	v7 =	vnsel vm3, $0x0, v7;
	v10 =	vadd.s32 $0xFFFF3C80, v0  }
0x5d2: {  	v4 =	vld [tilespmem:s22+$0xFFFFFFE0];
	v11 =	vnsel vm1, $0x0, v6;
	vm2 =	vgt.s32 v0, $0xC37F;
	vm1 =	vgt.s32 v10, $0x0  }
0x5d3: {  	v6 =	vld [tilespmem:s22+$0xFFFFFFF0];
	v0 =	vnsel vm1, $0x0, v10  }
0x5d4: {  	v12 =	vld.idx.msk [tilespmem:v2+s6+$0x0], vm0;
	vm1 =	vgt.s32 v1, $0x0;
	v10 =	vadd.s32 $0xFFFF3C80, v5  }
0x5d5: {  	vm3 =	vgt.s32 v5, $0xC37F;
	v2 =	vld [tilespmem:s22+$0xFFFFFFC0];
	v1 =	vnsel vm1, $0x0, v1;
	vm1 =	vgt.s32 v10, $0x0  }
0x5d6: {  	v5 =	vld [tilespmem:s22+$0x0];
	v14 =	vnsel vm1, $0x0, v10  }
0x5d7: {  	v15 =	vadd.s32 $0xFFFF3C80, v8;
	v7 =	vld.idx.msk [tilespmem:v7+s6+$0x0], vm4  }
0x5d8: {  	vm1 =	vgt.s32 v15, $0x0;
	v10 =	vld.idx.msk [tilespmem:v0+s6+$0x0], vm2  }
0x5d9: {  	v63 =	vadd.s32 $0xFFFF3C80, v9;
	v11 =	vld.idx.msk [tilespmem:v11+s6+$0x0], vm6;
	v0 =	vnsel vm1, $0x0, v15  }
0x5da: {  	v12 =	vsel vm0, v12, v13;
	vm0 =	vgt.s32 v63, $0x0;
	vm1 =	vgt.s32 v8, $0xC37F;
	v8 =	vld.idx.msk [tilespmem:v1+s6+$0x0], vm5  }
0x5db: {  	s24 =	simm.s32 $0x0;
	s23 =	simm.s32 $0x147C0;
	s25 =	simm.s32 $0xC840;
	v1 =	vnsel vm0, $0x0, v63;
	vm0 =	vgt.s32 v9, $0xC37F;
	vm1 =	vmmov vm1;
	[tilespmem:s22+$0x30] =	vst v12;
	v9 =	vld.idx.msk [tilespmem:v14+s6+$0x0], vm3  }
.LBB3_40:
0x5dc: {  	v12 =	vld [tilespmem:s25+$0x30];
	s24 =	sadd.s32 $0x8, s24  }
0x5dd: {  	v2 =	vsel vm2, v10, v2;
	v13 =	vld [tilespmem:s25+$0xFFFFFFD0];
	p0 =	slt.u32 s24, $0x1F8  }
0x5de: {  	v10 =	vld [tilespmem:s25+$0xFFFFFFE0];
	[tilespmem:s22+$0xFFFFFFC0] =	vst v2;
	v2 =	vsel vm6, v11, v3  }
0x5df: {  	v11 =	vld [tilespmem:s25+$0xFFFFFFF0];
	[tilespmem:s22+$0xFFFFFFD0] =	vst v2;
	v2 =	vsel vm4, v7, v4  }
0x5e0: {  	v4 =	vld [tilespmem:s25+$0x0];
	[tilespmem:s22+$0xFFFFFFE0] =	vst v2;
	v2 =	vsel vm5, v8, v6  }
0x5e1: {  	v6 =	vld [tilespmem:s25+$0x10];
	v3 =	vadd.s32 $0xFFFF3C80, v12;
	[tilespmem:s22+$0xFFFFFFF0] =	vst v2;
	v2 =	vsel vm3, v9, v5  }
0x5e2: {  	vm7 =	vgt.s32 v12, $0xC37F;
	v5 =	vadd.s32 $0xFFFF3C80, v13;
	v7 =	vld [tilespmem:s25+$0x20];
	vm2 =	vgt.s32 v3, $0x0;
	[tilespmem:s22+$0x0] =	vst v2  }
0x5e3: {  	v2 =	vld [tilespmem:s25+$0xFFFFFFC0];
	vm3 =	vgt.s32 v5, $0x0;
	v8 =	vadd.s32 $0xFFFF3C80, v10;
	v3 =	vnsel vm2, $0x0, v3  }
0x5e4: {  	v9 =	vnsel vm3, $0x0, v5;
	vm2 =	vgt.s32 v8, $0x0;
	v5 =	vadd.s32 $0xFFFF3C80, v11;
	v12 =	vld.idx.msk [tilespmem:v0+s6+$0x0], vm1  }
0x5e5: {  	v8 =	vnsel vm2, $0x0, v8;
	vm2 =	vgt.s32 v5, $0x0;
	v0 =	vadd.s32 $0xFFFF3C80, v4;
	v14 =	vld.idx.msk [tilespmem:v1+s6+$0x0], vm0  }
0x5e6: {  	v15 =	vnsel vm2, $0x0, v5;
	vm2 =	vgt.s32 v0, $0x0;
	v1 =	vadd.s32 $0xFFFF3C80, v6;
	v5 =	vld [tilespmem:s22+$0x10]  }
0x5e7: {  	v16 =	vnsel vm2, $0x0, v0;
	vm2 =	vgt.s32 v1, $0x0;
	v17 =	vadd.s32 $0xFFFF3C80, v7;
	v18 =	vld [tilespmem:s22+$0x20]  }
0x5e8: {  	s22 =	sadd.s32 $0x80, s22;
	v19 =	vadd.s32 $0xFFFF3C80, v2;
	v0 =	vnsel vm2, $0x0, v1;
	vm3 =	vgt.s32 v17, $0x0;
	v20 =	vld.idx.msk [tilespmem:v3+s6+$0x0], vm7  }
0x5e9: {  	vm2 =	vgt.s32 v2, $0xC37F;
	vm4 =	vgt.s32 v19, $0x0;
	v1 =	vnsel vm3, $0x0, v17;
	v17 =	vld [tilespmem:s22+$0x30]  }
0x5ea: {  	vm6 =	vgt.s32 v13, $0xC37F;
	v19 =	vnsel vm4, $0x0, v19;
	v2 =	vld [tilespmem:s22+$0xFFFFFFC0];
	vm4 =	vgt.s32 v10, $0xC37F  }
0x5eb: {  	vm5 =	vgt.s32 v11, $0xC37F;
	vm8 =	vgt.s32 v6, $0xC37F;
	vm3 =	vgt.s32 v4, $0xC37F;
	v3 =	vld [tilespmem:s22+$0xFFFFFFD0]  }
0x5ec: {  	v5 =	vsel vm1, v12, v5;
	v4 =	vld [tilespmem:s22+$0xFFFFFFE0];
	v10 =	vsel vm0, v14, v18;
	vm0 =	vgt.s32 v7, $0xC37F  }
0x5ed: {  	vm1 =	vmmov vm8;
	v6 =	vld [tilespmem:s22+$0xFFFFFFF0];
	[tilespmem:s23+$0x10] =	vst v5  }
0x5ee: {  	v5 =	vld [tilespmem:s22+$0x0];
	v7 =	vsel vm7, v20, v17;
	[tilespmem:s23+$0x20] =	vst v10;
	s23 =	smov.u32 s22  }
.Ltmp19:
0x5ef: {  	s29 =	simm.s32 $0xE7C0;
	s20 =	simm.s32 $0x167F0;
	v10 =	vld.idx.msk [tilespmem:v19+s6+$0x0], vm2;
	[tilespmem:s22+$0x30] =	vst v7;
	(pc) =	sbr.rel @p0 .LBB3_40-.Ltmp19, $4  }
0x5f0: {  	v11 =	vld.idx.msk [tilespmem:v9+s6+$0x0], vm6  }
0x5f1: {  	v7 =	vld.idx.msk [tilespmem:v8+s6+$0x0], vm4  }
0x5f2: {  	v8 =	vld.idx.msk [tilespmem:v15+s6+$0x0], vm5  }
0x5f3: {  	s25 =	sadd.s32 $0x80, s25;
	v9 =	vld.idx.msk [tilespmem:v16+s6+$0x0], vm3  }
0x5f4: {  	_ =	sdelay $0x4  }
0x5f5: {  	v0 =	vld.idx.msk [tilespmem:v0+s6+$0x0], vm1  }
0x5f6: {  	v1 =	vld.idx.msk [tilespmem:v1+s6+$0x0], vm0  }
0x5f7: {  	v2 =	vsel vm2, v10, v2;
	v10 =	vld [tilespmem:s22+$0x10]  }
0x5f8: {  	[tilespmem:s22+$0xFFFFFFC0] =	vst v2;
	v2 =	vsel vm6, v11, v3;
	v3 =	vld [tilespmem:s22+$0x20]  }
0x5f9: {  	[tilespmem:s22+$0xFFFFFFD0] =	vst v2;
	v2 =	vsel vm4, v7, v4  }
0x5fa: {  	[tilespmem:s22+$0xFFFFFFE0] =	vst v2;
	v2 =	vsel vm5, v8, v6  }
0x5fb: {  	[tilespmem:s22+$0xFFFFFFF0] =	vst v2;
	v2 =	vsel vm3, v9, v5  }
0x5fc: {  	[tilespmem:s22+$0x0] =	vst v2;
	v0 =	vsel vm1, v0, v10  }
0x5fd: {  	v1 =	vsel vm0, v1, v3;
	[tilespmem:s23+$0x10] =	vst v0  }
0x5fe: {  	[tilespmem:s23+$0x20] =	vst v1  }
0x5ff: {  	v0 =	vld [tilespmem:s29+$0x30]  }
0x600: {  	v1 =	vld [tilespmem:s29+$0xFFFFFFD0]  }
0x601: {  	v3 =	vld [tilespmem:s29+$0xFFFFFFE0]  }
0x602: {  	v4 =	vld [tilespmem:s29+$0xFFFFFFF0];
	_ =	sdelay $0x1  }
0x603: {  	v2 =	vadd.s32 $0xFFFF3C80, v0;
	vm0 =	vgt.s32 v0, $0xC37F;
	v0 =	vld [tilespmem:s29+$0xFFFFFFC0]  }
0x604: {  	v5 =	vld [tilespmem:s29+$0x0]  }
0x605: {  	v8 =	vld [tilespmem:s29+$0x10];
	v6 =	vadd.s32 $0xFFFF3C80, v1;
	v7 =	vadd.s32 $0xFFFF3C80, v3;
	vm1 =	vgt.s32 v2, $0x0  }
0x606: {  	v9 =	vld [tilespmem:s29+$0x20];
	vm6 =	vgt.s32 v1, $0xC37F;
	v1 =	vadd.s32 $0xFFFF3C80, v4;
	v2 =	vnsel vm1, $0x0, v2  }
0x607: {  	v14 =	vld [tilespmem:s20+$0x0];
	vm4 =	vgt.s32 v3, $0xC37F;
	vm5 =	vgt.s32 v4, $0xC37F;
	vm3 =	vgt.s32 v7, $0x0  }
0x608: {  	v3 =	vld [tilespmem:s20+$0xFFFFFFA0];
	vm1 =	vgt.s32 v6, $0x0;
	v7 =	vnsel vm3, $0x0, v7;
	v10 =	vadd.s32 $0xFFFF3C80, v0  }
0x609: {  	v4 =	vld [tilespmem:s20+$0xFFFFFFB0];
	v13 =	vnsel vm1, $0x0, v6;
	vm2 =	vgt.s32 v0, $0xC37F;
	vm1 =	vgt.s32 v10, $0x0  }
0x60a: {  	v6 =	vld [tilespmem:s20+$0xFFFFFFC0];
	v0 =	vnsel vm1, $0x0, v10  }
0x60b: {  	v12 =	vld.idx.msk [tilespmem:v2+s6+$0x0], vm0;
	vm1 =	vgt.s32 v1, $0x0;
	v10 =	vadd.s32 $0xFFFF3C80, v5  }
0x60c: {  	vm3 =	vgt.s32 v5, $0xC37F;
	v2 =	vld [tilespmem:s20+$0xFFFFFF90];
	v1 =	vnsel vm1, $0x0, v1;
	vm1 =	vgt.s32 v10, $0x0  }
0x60d: {  	v5 =	vld [tilespmem:s20+$0xFFFFFFD0];
	v15 =	vnsel vm1, $0x0, v10  }
0x60e: {  	v16 =	vadd.s32 $0xFFFF3C80, v8;
	v7 =	vld.idx.msk [tilespmem:v7+s6+$0x0], vm4  }
0x60f: {  	vm1 =	vgt.s32 v16, $0x0;
	v11 =	vld.idx.msk [tilespmem:v0+s6+$0x0], vm2  }
0x610: {  	v63 =	vadd.s32 $0xFFFF3C80, v9;
	v10 =	vld.idx.msk [tilespmem:v13+s6+$0x0], vm6;
	v0 =	vnsel vm1, $0x0, v16  }
0x611: {  	v12 =	vsel vm0, v12, v14;
	vm0 =	vgt.s32 v63, $0x0;
	vm1 =	vgt.s32 v8, $0xC37F;
	v8 =	vld.idx.msk [tilespmem:v1+s6+$0x0], vm5  }
0x612: {  	s24 =	simm.s32 $0xE840;
	s22 =	simm.s32 $0x167F0;
	s23 =	simm.s32 $0x0;
	v1 =	vnsel vm0, $0x0, v63;
	vm0 =	vgt.s32 v9, $0xC37F;
	vm1 =	vmmov vm1;
	[tilespmem:s20+$0x0] =	vst v12;
	v9 =	vld.idx.msk [tilespmem:v15+s6+$0x0], vm3  }
.LBB3_42:
0x613: {  	v12 =	vld [tilespmem:s24+$0x30];
	s23 =	sadd.s32 $0x8, s23  }
0x614: {  	v2 =	vsel vm2, v11, v2;
	v13 =	vld [tilespmem:s24+$0xFFFFFFD0];
	p0 =	slt.u32 s23, $0x1F8  }
0x615: {  	v11 =	vld [tilespmem:s24+$0xFFFFFFE0];
	[tilespmem:s20+$0xFFFFFF90] =	vst v2;
	v2 =	vsel vm6, v10, v3  }
0x616: {  	v10 =	vld [tilespmem:s24+$0xFFFFFFF0];
	[tilespmem:s20+$0xFFFFFFA0] =	vst v2;
	v2 =	vsel vm4, v7, v4  }
0x617: {  	v4 =	vld [tilespmem:s24+$0x0];
	[tilespmem:s20+$0xFFFFFFB0] =	vst v2;
	v2 =	vsel vm5, v8, v6  }
0x618: {  	v6 =	vld [tilespmem:s24+$0x10];
	v3 =	vadd.s32 $0xFFFF3C80, v12;
	[tilespmem:s20+$0xFFFFFFC0] =	vst v2;
	v2 =	vsel vm3, v9, v5  }
0x619: {  	vm7 =	vgt.s32 v12, $0xC37F;
	v5 =	vadd.s32 $0xFFFF3C80, v13;
	v7 =	vld [tilespmem:s24+$0x20];
	vm2 =	vgt.s32 v3, $0x0;
	[tilespmem:s20+$0xFFFFFFD0] =	vst v2  }
0x61a: {  	v2 =	vld [tilespmem:s24+$0xFFFFFFC0];
	vm3 =	vgt.s32 v5, $0x0;
	v8 =	vadd.s32 $0xFFFF3C80, v11;
	v3 =	vnsel vm2, $0x0, v3  }
0x61b: {  	v9 =	vnsel vm3, $0x0, v5;
	vm2 =	vgt.s32 v8, $0x0;
	v5 =	vadd.s32 $0xFFFF3C80, v10;
	v12 =	vld.idx.msk [tilespmem:v0+s6+$0x0], vm1  }
0x61c: {  	v8 =	vnsel vm2, $0x0, v8;
	vm2 =	vgt.s32 v5, $0x0;
	v0 =	vadd.s32 $0xFFFF3C80, v4;
	v14 =	vld.idx.msk [tilespmem:v1+s6+$0x0], vm0  }
0x61d: {  	v15 =	vnsel vm2, $0x0, v5;
	vm2 =	vgt.s32 v0, $0x0;
	v1 =	vadd.s32 $0xFFFF3C80, v6;
	v5 =	vld [tilespmem:s20+$0xFFFFFFE0]  }
0x61e: {  	v16 =	vnsel vm2, $0x0, v0;
	vm2 =	vgt.s32 v1, $0x0;
	v17 =	vadd.s32 $0xFFFF3C80, v7;
	v18 =	vld [tilespmem:s20+$0xFFFFFFF0]  }
0x61f: {  	s20 =	sadd.s32 $0x80, s20;
	v19 =	vadd.s32 $0xFFFF3C80, v2;
	v0 =	vnsel vm2, $0x0, v1;
	vm3 =	vgt.s32 v17, $0x0;
	v20 =	vld.idx.msk [tilespmem:v3+s6+$0x0], vm7  }
0x620: {  	vm2 =	vgt.s32 v2, $0xC37F;
	vm4 =	vgt.s32 v19, $0x0;
	v1 =	vnsel vm3, $0x0, v17;
	v17 =	vld [tilespmem:s20+$0x0]  }
0x621: {  	vm6 =	vgt.s32 v13, $0xC37F;
	v19 =	vnsel vm4, $0x0, v19;
	v2 =	vld [tilespmem:s20+$0xFFFFFF90];
	vm4 =	vgt.s32 v11, $0xC37F  }
0x622: {  	vm5 =	vgt.s32 v10, $0xC37F;
	vm8 =	vgt.s32 v6, $0xC37F;
	vm3 =	vgt.s32 v4, $0xC37F;
	v3 =	vld [tilespmem:s20+$0xFFFFFFA0]  }
0x623: {  	v5 =	vsel vm1, v12, v5;
	v4 =	vld [tilespmem:s20+$0xFFFFFFB0];
	v10 =	vsel vm0, v14, v18;
	vm0 =	vgt.s32 v7, $0xC37F  }
0x624: {  	vm1 =	vmmov vm8;
	v6 =	vld [tilespmem:s20+$0xFFFFFFC0];
	[tilespmem:s22+$0xFFFFFFE0] =	vst v5  }
0x625: {  	v5 =	vld [tilespmem:s20+$0xFFFFFFD0];
	v7 =	vsel vm7, v20, v17;
	[tilespmem:s22+$0xFFFFFFF0] =	vst v10;
	s22 =	smov.u32 s20  }
.Ltmp20:
0x626: {  	v11 =	vld.idx.msk [tilespmem:v19+s6+$0x0], vm2;
	[tilespmem:s20+$0x0] =	vst v7;
	(pc) =	sbr.rel @p0 .LBB3_42-.Ltmp20, $4  }
0x627: {  	v10 =	vld.idx.msk [tilespmem:v9+s6+$0x0], vm6  }
0x628: {  	v7 =	vld.idx.msk [tilespmem:v8+s6+$0x0], vm4  }
0x629: {  	v8 =	vld.idx.msk [tilespmem:v15+s6+$0x0], vm5  }
0x62a: {  	s24 =	sadd.s32 $0x80, s24;
	v9 =	vld.idx.msk [tilespmem:v16+s6+$0x0], vm3  }
0x62b: {  	_ =	sdelay $0x4  }
0x62c: {  	v0 =	vld.idx.msk [tilespmem:v0+s6+$0x0], vm1  }
0x62d: {  	v1 =	vld.idx.msk [tilespmem:v1+s6+$0x0], vm0  }
0x62e: {  	v2 =	vsel vm2, v11, v2;
	v61 =	vld [tilespmem:s20+$0xFFFFFFE0]  }
0x62f: {  	[tilespmem:s20+$0xFFFFFF90] =	vst v2;
	v2 =	vsel vm6, v10, v3;
	v3 =	vld [tilespmem:s20+$0xFFFFFFF0]  }
0x630: {  	[tilespmem:s20+$0xFFFFFFA0] =	vst v2;
	v2 =	vsel vm4, v7, v4  }
0x631: {  	[tilespmem:s20+$0xFFFFFFB0] =	vst v2;
	v2 =	vsel vm5, v8, v6  }
0x632: {  	[tilespmem:s20+$0xFFFFFFC0] =	vst v2;
	v2 =	vsel vm3, v9, v5  }
0x633: {  	[tilespmem:s20+$0xFFFFFFD0] =	vst v2;
	v0 =	vsel vm1, v0, v61  }
0x634: {  	v1 =	vsel vm0, v1, v3;
	[tilespmem:s22+$0xFFFFFFE0] =	vst v0  }
0x635: {  	[tilespmem:s22+$0xFFFFFFF0] =	vst v1  }
0x636: {  	s29 =	simm.s32 $0x14780;
	s24 =	simm.s32 $0x107C0;
	s20 =	rddreg [dreg:$0x19]  }
0x637: {  	[hbm4b:s20+s11] =	stream.strided.scatter [tilespmem:s29], [sflag:$0x2], $0x4000, s12, s11, $0x38;
	[tilespmem:$0x1E880] =	vst v63  }
0x638: {  	s20 =	simm.s32 $0x147C0;
	v1 =	vld [tilespmem:s24+$0x30]  }
0x639: {  	v2 =	vld [tilespmem:s20+$0x30]  }
0x63a: {  	v0 =	vld [tilespmem:s20+$0xFFFFFFC0]  }
0x63b: {  	v3 =	vld [tilespmem:s24+$0xFFFFFFD0]  }
0x63c: {  	v4 =	vld [tilespmem:s20+$0xFFFFFFD0]  }
0x63d: {  	v5 =	vld [tilespmem:s24+$0xFFFFFFE0]  }
0x63e: {  	v6 =	vld [tilespmem:s20+$0xFFFFFFE0]  }
0x63f: {  	v7 =	vld [tilespmem:s24+$0xFFFFFFF0]  }
0x640: {  	v8 =	vld [tilespmem:s20+$0xFFFFFFF0]  }
0x641: {  	v62 =	vld [tilespmem:s24+$0x0]  }
0x642: {  	v63 =	vld [tilespmem:s20+$0x0];
	v2 =	vmul.f32 v2, v1  }
0x643: {  	s22 =	simm.s32 $0x187C0;
	v4 =	vmul.f32 v4, v3;
	v1 =	vld [tilespmem:s24+$0x10]  }
0x644: {  	v5 =	vmul.f32 v6, v5;
	v3 =	vld [tilespmem:s20+$0x10];
	[tilespmem:s22+$0x30] =	vst v2  }
0x645: {  	v6 =	vmul.f32 v8, v7;
	[tilespmem:s22+$0xFFFFFFD0] =	vst v4;
	v2 =	vld [tilespmem:s24+$0x20]  }
0x646: {  	[tilespmem:s22+$0xFFFFFFE0] =	vst v5;
	v5 =	vld [tilespmem:s20+$0x20]  }
0x647: {  	s23 =	simm.s32 $0x0;
	v4 =	vld [tilespmem:s24+$0xFFFFFFC0];
	[tilespmem:s22+$0xFFFFFFF0] =	vst v6;
	v6 =	vmul.f32 v63, v62;
	s24 =	simm.s32 $0x10840  }
.LBB3_44:
0x648: {  	v7 =	vld [tilespmem:s24+$0x30];
	s20 =	sadd.s32 $0x80, s20  }
0x649: {  	s23 =	sadd.s32 $0x8, s23;
	v8 =	vld [tilespmem:s20+$0x30];
	[tilespmem:s22+$0x0] =	vst v6;
	v1 =	vmul.f32 v3, v1  }
0x64a: {  	p0 =	slt.u32 s23, $0x3F8;
	v3 =	vld [tilespmem:s20+$0xFFFFFFC0]  }
0x64b: {  	v6 =	vld [tilespmem:s24+$0xFFFFFFD0];
	[tilespmem:s22+$0x10] =	vst v1;
	v1 =	vmul.f32 v5, v2  }
0x64c: {  	v2 =	vld [tilespmem:s20+$0xFFFFFFD0];
	v9 =	vmul.f32 v0, v4  }
0x64d: {  	v4 =	vld [tilespmem:s24+$0xFFFFFFE0];
	[tilespmem:s22+$0x20] =	vst v1  }
0x64e: {  	v1 =	vld [tilespmem:s20+$0xFFFFFFE0];
	v5 =	vmul.f32 v8, v7;
	[tilespmem:s22+$0xFFFFFFC0] =	vst v9  }
0x64f: {  	s22 =	sadd.s32 $0x80, s22;
	v7 =	vld [tilespmem:s24+$0xFFFFFFF0];
	v0 =	vmov v3  }
0x650: {  	v8 =	vld [tilespmem:s20+$0xFFFFFFF0];
	[tilespmem:s22+$0x30] =	vst v5  }
0x651: {  	v2 =	vmul.f32 v2, v6;
	v6 =	vld [tilespmem:s24+$0x0]  }
0x652: {  	v9 =	vld [tilespmem:s20+$0x0]  }
.Ltmp21:
0x653: {  	[tilespmem:s22+$0xFFFFFFD0] =	vst v2;
	v2 =	vmul.f32 v1, v4;
	v1 =	vld [tilespmem:s24+$0x10];
	(pc) =	sbr.rel @p0 .LBB3_44-.Ltmp21, $4  }
0x654: {  	v3 =	vld [tilespmem:s20+$0x10]  }
0x655: {  	[tilespmem:s22+$0xFFFFFFE0] =	vst v2;
	v7 =	vmul.f32 v8, v7;
	v2 =	vld [tilespmem:s24+$0x20]  }
0x656: {  	v5 =	vld [tilespmem:s20+$0x20]  }
0x657: {  	v4 =	vld [tilespmem:s24+$0xFFFFFFC0];
	[tilespmem:s22+$0xFFFFFFF0] =	vst v7;
	v6 =	vmul.f32 v9, v6;
	s24 =	sadd.s32 $0x80, s24  }
0x658: {  	_ =	sdelay $0x1  }
0x659: {  	v1 =	vmul.f32 v3, v1  }
0x65a: {  	[tilespmem:s22+$0x0] =	vst v6;
	v2 =	vmul.f32 v5, v2  }
0x65b: {  	[tilespmem:s22+$0x10] =	vst v1;
	v0 =	vmul.f32 v0, v4  }
0x65c: {  	[tilespmem:s22+$0x20] =	vst v2  }
0x65d: {  	[tilespmem:s22+$0xFFFFFFC0] =	vst v0  }
0x65e: {  	_ =	swait.ge [sflag:s14], $0x4000  }
0x65f: {  	[sflag:s14] =	ssyncset.done $0x0  }
0x660: {  	[sflag:s14] =	ssyncadd.s32 $0xFFFFC000  }
0x661: {  	_ =	swait.ge [sflag:s14], $0x4000  }
0x662: {  	[sflag:s14] =	ssyncset.done $0x0  }
0x663: {  	s20 =	simm.s32 $0x18780;
	[sflag:s14] =	ssyncadd.s32 $0xFFFFC000  }
0x664: {  	[spmem:s9] =	stream.strided.scatter [tilespmem:s20], [sflag:$0x3], $0x1000, s12, s11, $0x38;
	[tilespmem:$0x1E880] =	vst v63  }
0x665: {  	_ =	swait.ge [sflag:s3], $0x1000  }
0x666: {  	[sflag:s3] =	ssyncset.done $0x0  }
0x667: {  	[sflag:s3] =	ssyncadd.s32 $0xFFFFF000  }
0x668: {  	[bflag:$0x0] =	sbarrier.arrive $0xFFFF  }
0x669: {  	[tilespmem:s17], [sflag:$0x3] =	stream.strided.gather [spmem:s10], $0x1000, s16, s15, $0x38;
	[tilespmem:$0x1E880] =	vst v63  }
0x66a: {  	s25 =	simm.s32 $0x0;
	_ =	swait.ge [sflag:s3], $0x1000  }
0x66b: {  	s29 =	sand.u32 $0x70, s25;
	s20 =	sand.u32 $0x400, s25;
	[sflag:s3] =	ssyncset.done $0x0  }
0x66c: {  	s20 =	sor.u32 s29, s20;
	[sflag:s3] =	ssyncadd.s32 $0xFFFFF000  }
0x66d: {  	v0 =	vld [tilespmem:s20+$0x1C780]  }
0x66e: {  	s22 =	sadd.s32 $0x1C780, s20  }
0x66f: {  	v1 =	vld [tilespmem:s22+$0x80];
	_ =	sdelay $0x1  }
0x670: {  	v2 =	vld [tilespmem:s22+$0x100]  }
0x671: {  	v0 =	vadd.f32 $0.0e+00, v0  }
0x672: {  	v3 =	vld [tilespmem:s22+$0x180]  }
0x673: {  	v0 =	vadd.f32 v1, v0  }
0x674: {  	v1 =	vld [tilespmem:s22+$0x200]  }
0x675: {  	v0 =	vadd.f32 v2, v0  }
0x676: {  	v2 =	vld [tilespmem:s22+$0x280]  }
0x677: {  	v0 =	vadd.f32 v3, v0  }
0x678: {  	v3 =	vld [tilespmem:s22+$0x300]  }
0x679: {  	v0 =	vadd.f32 v1, v0  }
0x67a: {  	v1 =	vld [tilespmem:s22+$0x380]  }
0x67b: {  	v0 =	vadd.f32 v2, v0  }
0x67c: {  	v2 =	vld [tilespmem:s20+$0x1CF80]  }
0x67d: {  	v0 =	vadd.f32 v3, v0  }
0x67e: {  	v3 =	vld [tilespmem:s20+$0x1D000]  }
0x67f: {  	v0 =	vadd.f32 v1, v0  }
0x680: {  	v1 =	vld [tilespmem:s20+$0x1D080]  }
0x681: {  	v0 =	vadd.f32 v2, v0  }
0x682: {  	v2 =	vld [tilespmem:s20+$0x1D100]  }
0x683: {  	v0 =	vadd.f32 v3, v0  }
0x684: {  	v3 =	vld [tilespmem:s20+$0x1D180]  }
0x685: {  	v0 =	vadd.f32 v1, v0  }
0x686: {  	v1 =	vld [tilespmem:s20+$0x1D200]  }
0x687: {  	v0 =	vadd.f32 v2, v0  }
0x688: {  	v2 =	vld [tilespmem:s20+$0x1D280]  }
0x689: {  	v0 =	vadd.f32 v3, v0  }
0x68a: {  	v3 =	vld [tilespmem:s20+$0x1D300]  }
0x68b: {  	v0 =	vadd.f32 v1, v0;
	_ =	sdelay $0x1  }
0x68c: {  	v0 =	vadd.f32 v2, v0  }
0x68d: {  	s23 =	simm.s32 $0x10  }
0x68e: {  	s24 =	sand.u32 $0x70, s23;
	s22 =	simm.s32 $0x80;
	v0 =	vadd.f32 v3, v0  }
0x68f: {  	s23 =	simm.s32 $0x20;
	s25 =	sand.u32 $0x400, s22;
	s20 =	simm.s32 $0x1D780  }
.LBB3_46:
0x690: {  	p0 =	sne.s32 s23, $0xF0;
	s24 =	sor.u32 s24, s25;
	[tilespmem:s20+$0x0] =	vst v0  }
0x691: {  	v0 =	vld [tilespmem:s24+$0x1C780]  }
0x692: {  	s25 =	sadd.s32 $0x1C780, s24  }
0x693: {  	v1 =	vld [tilespmem:s25+$0x80];
	_ =	sdelay $0x1  }
0x694: {  	v2 =	vld [tilespmem:s25+$0x100]  }
0x695: {  	v0 =	vadd.f32 $0.0e+00, v0  }
0x696: {  	v3 =	vld [tilespmem:s25+$0x180]  }
0x697: {  	v0 =	vadd.f32 v1, v0  }
0x698: {  	v1 =	vld [tilespmem:s25+$0x200]  }
0x699: {  	v0 =	vadd.f32 v2, v0  }
0x69a: {  	v2 =	vld [tilespmem:s25+$0x280]  }
0x69b: {  	v0 =	vadd.f32 v3, v0  }
0x69c: {  	v3 =	vld [tilespmem:s25+$0x300]  }
0x69d: {  	v0 =	vadd.f32 v1, v0  }
0x69e: {  	v1 =	vld [tilespmem:s25+$0x380]  }
0x69f: {  	v0 =	vadd.f32 v2, v0  }
0x6a0: {  	v2 =	vld [tilespmem:s24+$0x1CF80]  }
0x6a1: {  	v0 =	vadd.f32 v3, v0  }
0x6a2: {  	v3 =	vld [tilespmem:s24+$0x1D000]  }
0x6a3: {  	v0 =	vadd.f32 v1, v0  }
0x6a4: {  	v1 =	vld [tilespmem:s24+$0x1D080]  }
0x6a5: {  	v0 =	vadd.f32 v2, v0  }
0x6a6: {  	v2 =	vld [tilespmem:s24+$0x1D100]  }
0x6a7: {  	v0 =	vadd.f32 v3, v0  }
0x6a8: {  	v3 =	vld [tilespmem:s24+$0x1D180]  }
0x6a9: {  	v0 =	vadd.f32 v1, v0  }
0x6aa: {  	v1 =	vld [tilespmem:s24+$0x1D200]  }
0x6ab: {  	v0 =	vadd.f32 v2, v0  }
0x6ac: {  	v2 =	vld [tilespmem:s24+$0x1D280]  }
0x6ad: {  	v0 =	vadd.f32 v3, v0  }
0x6ae: {  	v3 =	vld [tilespmem:s24+$0x1D300]  }
0x6af: {  	v0 =	vadd.f32 v1, v0  }
.Ltmp22:
0x6b0: {  	(pc) =	sbr.rel @p0 .LBB3_46-.Ltmp22, $3  }
0x6b1: {  	v0 =	vadd.f32 v2, v0;
	_ =	sdelay $0x1  }
0x6b2: {  	s22 =	sadd.s32 $0x80, s22;
	s20 =	sadd.s32 $0x10, s20;
	v0 =	vadd.f32 v3, v0  }
0x6b3: {  	s25 =	sand.u32 $0x400, s22;
	s24 =	sand.u32 $0x70, s23;
	s23 =	sadd.s32 $0x10, s23  }
0x6b4: {  	s22 =	sor.u32 s24, s25;
	[tilespmem:s20+$0x0] =	vst v0  }
0x6b5: {  	v0 =	vld [tilespmem:s22+$0x1C780]  }
0x6b6: {  	s23 =	sadd.s32 $0x1C780, s22  }
0x6b7: {  	v1 =	vld [tilespmem:s23+$0x80];
	_ =	sdelay $0x1  }
0x6b8: {  	v2 =	vld [tilespmem:s23+$0x100]  }
0x6b9: {  	v0 =	vadd.f32 $0.0e+00, v0  }
0x6ba: {  	v3 =	vld [tilespmem:s23+$0x180]  }
0x6bb: {  	v0 =	vadd.f32 v1, v0  }
0x6bc: {  	v1 =	vld [tilespmem:s23+$0x200]  }
0x6bd: {  	v0 =	vadd.f32 v2, v0  }
0x6be: {  	v2 =	vld [tilespmem:s23+$0x280]  }
0x6bf: {  	v0 =	vadd.f32 v3, v0  }
0x6c0: {  	v3 =	vld [tilespmem:s23+$0x300]  }
0x6c1: {  	v0 =	vadd.f32 v1, v0  }
0x6c2: {  	v1 =	vld [tilespmem:s23+$0x380]  }
0x6c3: {  	v0 =	vadd.f32 v2, v0  }
0x6c4: {  	v2 =	vld [tilespmem:s22+$0x1CF80]  }
0x6c5: {  	v0 =	vadd.f32 v3, v0  }
0x6c6: {  	v3 =	vld [tilespmem:s22+$0x1D000]  }
0x6c7: {  	v0 =	vadd.f32 v1, v0  }
0x6c8: {  	v1 =	vld [tilespmem:s22+$0x1D080]  }
0x6c9: {  	v0 =	vadd.f32 v2, v0  }
0x6ca: {  	v2 =	vld [tilespmem:s22+$0x1D100]  }
0x6cb: {  	v0 =	vadd.f32 v3, v0  }
0x6cc: {  	v3 =	vld [tilespmem:s22+$0x1D180]  }
0x6cd: {  	v0 =	vadd.f32 v1, v0  }
0x6ce: {  	v1 =	vld [tilespmem:s22+$0x1D200]  }
0x6cf: {  	v0 =	vadd.f32 v2, v0  }
0x6d0: {  	v2 =	vld [tilespmem:s22+$0x1D280]  }
0x6d1: {  	v0 =	vadd.f32 v3, v0  }
0x6d2: {  	v3 =	vld [tilespmem:s22+$0x1D300]  }
0x6d3: {  	v0 =	vadd.f32 v1, v0;
	_ =	sdelay $0x1  }
0x6d4: {  	v0 =	vadd.f32 v2, v0;
	_ =	sdelay $0x1  }
0x6d5: {  	v0 =	vadd.f32 v3, v0  }
0x6d6: {  	s25 =	sadd.s32 $0x10, s20  }
0x6d7: {  	s20 =	simm.s32 $0x1D780;
	s29 =	rddreg [dreg:$0x1f];
	[tilespmem:s25+$0x0] =	vst v0  }
0x6d8: {  	[hbm4b:s29+s11] =	stream.strided.scatter [tilespmem:s20], [sflag:$0x3], $0x100, s18, s11, $0x38;
	[tilespmem:$0x1E880] =	vst v63  }
0x6d9: {  	_ =	swait.ge [sflag:s3], $0x100  }
0x6da: {  	[sflag:s3] =	ssyncset.done $0x0  }
0x6db: {  	[sflag:s3] =	ssyncadd.s32 $0xFFFFFF00  }
0x6dc: {  	s23 =	simm.s32 $0x19780;
	[bflag:$0x0] =	sbarrier.arrive $0xFFFF  }
0x6dd: {  	[spmem:s9] =	stream.strided.scatter [tilespmem:s23], [sflag:$0x3], $0x1000, s12, s11, $0x38;
	[tilespmem:$0x1E880] =	vst v63  }
0x6de: {  	_ =	swait.ge [sflag:s3], $0x1000  }
0x6df: {  	[sflag:s3] =	ssyncset.done $0x0  }
0x6e0: {  	[sflag:s3] =	ssyncadd.s32 $0xFFFFF000  }
0x6e1: {  	[bflag:$0x0] =	sbarrier.arrive $0xFFFF  }
0x6e2: {  	[tilespmem:s17], [sflag:$0x3] =	stream.strided.gather [spmem:s10], $0x1000, s16, s15, $0x38;
	[tilespmem:$0x1E880] =	vst v63  }
0x6e3: {  	s24 =	simm.s32 $0x0;
	_ =	swait.ge [sflag:s3], $0x1000  }
0x6e4: {  	s22 =	sand.u32 $0x400, s24;
	s25 =	sand.u32 $0x70, s24;
	[sflag:s3] =	ssyncset.done $0x0  }
0x6e5: {  	s22 =	sor.u32 s25, s22;
	[sflag:s3] =	ssyncadd.s32 $0xFFFFF000  }
0x6e6: {  	v0 =	vld [tilespmem:s22+$0x1C780]  }
0x6e7: {  	s23 =	sadd.s32 $0x1C780, s22  }
0x6e8: {  	v1 =	vld [tilespmem:s23+$0x80];
	_ =	sdelay $0x1  }
0x6e9: {  	v2 =	vld [tilespmem:s23+$0x100]  }
0x6ea: {  	v0 =	vadd.f32 $0.0e+00, v0  }
0x6eb: {  	v3 =	vld [tilespmem:s23+$0x180]  }
0x6ec: {  	v0 =	vadd.f32 v1, v0  }
0x6ed: {  	v1 =	vld [tilespmem:s23+$0x200]  }
0x6ee: {  	v0 =	vadd.f32 v2, v0  }
0x6ef: {  	v2 =	vld [tilespmem:s23+$0x280]  }
0x6f0: {  	v0 =	vadd.f32 v3, v0  }
0x6f1: {  	v3 =	vld [tilespmem:s23+$0x300]  }
0x6f2: {  	v0 =	vadd.f32 v1, v0  }
0x6f3: {  	v1 =	vld [tilespmem:s23+$0x380]  }
0x6f4: {  	v0 =	vadd.f32 v2, v0  }
0x6f5: {  	v2 =	vld [tilespmem:s22+$0x1CF80]  }
0x6f6: {  	v0 =	vadd.f32 v3, v0  }
0x6f7: {  	v3 =	vld [tilespmem:s22+$0x1D000]  }
0x6f8: {  	v0 =	vadd.f32 v1, v0  }
0x6f9: {  	v1 =	vld [tilespmem:s22+$0x1D080]  }
0x6fa: {  	v0 =	vadd.f32 v2, v0  }
0x6fb: {  	v2 =	vld [tilespmem:s22+$0x1D100]  }
0x6fc: {  	v0 =	vadd.f32 v3, v0  }
0x6fd: {  	v3 =	vld [tilespmem:s22+$0x1D180]  }
0x6fe: {  	v0 =	vadd.f32 v1, v0  }
0x6ff: {  	v1 =	vld [tilespmem:s22+$0x1D200]  }
0x700: {  	v0 =	vadd.f32 v2, v0  }
0x701: {  	v2 =	vld [tilespmem:s22+$0x1D280]  }
0x702: {  	v0 =	vadd.f32 v3, v0  }
0x703: {  	v3 =	vld [tilespmem:s22+$0x1D300]  }
0x704: {  	v0 =	vadd.f32 v1, v0;
	_ =	sdelay $0x1  }
0x705: {  	v0 =	vadd.f32 v2, v0;
	_ =	sdelay $0x1  }
0x706: {  	s29 =	simm.s32 $0x10;
	s22 =	simm.s32 $0x80;
	v0 =	vadd.f32 v3, v0  }
0x707: {  	s24 =	sand.u32 $0x70, s29;
	s23 =	simm.s32 $0x20;
	s25 =	sand.u32 $0x400, s22  }
.LBB3_48:
0x708: {  	p0 =	sne.s32 s23, $0xF0;
	s24 =	sor.u32 s24, s25;
	[tilespmem:s20+$0x0] =	vst v0  }
0x709: {  	v0 =	vld [tilespmem:s24+$0x1C780]  }
0x70a: {  	s25 =	sadd.s32 $0x1C780, s24  }
0x70b: {  	v1 =	vld [tilespmem:s25+$0x80];
	_ =	sdelay $0x1  }
0x70c: {  	v2 =	vld [tilespmem:s25+$0x100]  }
0x70d: {  	v0 =	vadd.f32 $0.0e+00, v0  }
0x70e: {  	v3 =	vld [tilespmem:s25+$0x180]  }
0x70f: {  	v0 =	vadd.f32 v1, v0  }
0x710: {  	v1 =	vld [tilespmem:s25+$0x200]  }
0x711: {  	v0 =	vadd.f32 v2, v0  }
0x712: {  	v2 =	vld [tilespmem:s25+$0x280]  }
0x713: {  	v0 =	vadd.f32 v3, v0  }
0x714: {  	v3 =	vld [tilespmem:s25+$0x300]  }
0x715: {  	v0 =	vadd.f32 v1, v0  }
0x716: {  	v1 =	vld [tilespmem:s25+$0x380]  }
0x717: {  	v0 =	vadd.f32 v2, v0  }
0x718: {  	v2 =	vld [tilespmem:s24+$0x1CF80]  }
0x719: {  	v0 =	vadd.f32 v3, v0  }
0x71a: {  	v3 =	vld [tilespmem:s24+$0x1D000]  }
0x71b: {  	v0 =	vadd.f32 v1, v0  }
0x71c: {  	v1 =	vld [tilespmem:s24+$0x1D080]  }
0x71d: {  	v0 =	vadd.f32 v2, v0  }
0x71e: {  	v2 =	vld [tilespmem:s24+$0x1D100]  }
0x71f: {  	v0 =	vadd.f32 v3, v0  }
0x720: {  	v3 =	vld [tilespmem:s24+$0x1D180]  }
0x721: {  	v0 =	vadd.f32 v1, v0  }
0x722: {  	v1 =	vld [tilespmem:s24+$0x1D200]  }
0x723: {  	v0 =	vadd.f32 v2, v0  }
0x724: {  	v2 =	vld [tilespmem:s24+$0x1D280]  }
0x725: {  	v0 =	vadd.f32 v3, v0  }
0x726: {  	v3 =	vld [tilespmem:s24+$0x1D300]  }
0x727: {  	v0 =	vadd.f32 v1, v0  }
.Ltmp23:
0x728: {  	(pc) =	sbr.rel @p0 .LBB3_48-.Ltmp23, $3  }
0x729: {  	v0 =	vadd.f32 v2, v0;
	_ =	sdelay $0x1  }
0x72a: {  	s22 =	sadd.s32 $0x80, s22;
	s20 =	sadd.s32 $0x10, s20;
	v0 =	vadd.f32 v3, v0  }
0x72b: {  	s25 =	sand.u32 $0x400, s22;
	s24 =	sand.u32 $0x70, s23;
	s23 =	sadd.s32 $0x10, s23  }
0x72c: {  	s22 =	sor.u32 s24, s25;
	[tilespmem:s20+$0x0] =	vst v0  }
0x72d: {  	v0 =	vld [tilespmem:s22+$0x1C780]  }
0x72e: {  	s23 =	sadd.s32 $0x1C780, s22  }
0x72f: {  	v1 =	vld [tilespmem:s23+$0x80];
	_ =	sdelay $0x1  }
0x730: {  	v2 =	vld [tilespmem:s23+$0x100]  }
0x731: {  	v0 =	vadd.f32 $0.0e+00, v0  }
0x732: {  	v3 =	vld [tilespmem:s23+$0x180]  }
0x733: {  	v0 =	vadd.f32 v1, v0  }
0x734: {  	v1 =	vld [tilespmem:s23+$0x200]  }
0x735: {  	v0 =	vadd.f32 v2, v0  }
0x736: {  	v2 =	vld [tilespmem:s23+$0x280]  }
0x737: {  	v0 =	vadd.f32 v3, v0  }
0x738: {  	v3 =	vld [tilespmem:s23+$0x300]  }
0x739: {  	v0 =	vadd.f32 v1, v0  }
0x73a: {  	v1 =	vld [tilespmem:s23+$0x380]  }
0x73b: {  	v0 =	vadd.f32 v2, v0  }
0x73c: {  	v2 =	vld [tilespmem:s22+$0x1CF80]  }
0x73d: {  	v0 =	vadd.f32 v3, v0  }
0x73e: {  	v3 =	vld [tilespmem:s22+$0x1D000]  }
0x73f: {  	v0 =	vadd.f32 v1, v0  }
0x740: {  	v1 =	vld [tilespmem:s22+$0x1D080]  }
0x741: {  	v0 =	vadd.f32 v2, v0  }
0x742: {  	v2 =	vld [tilespmem:s22+$0x1D100]  }
0x743: {  	v0 =	vadd.f32 v3, v0  }
0x744: {  	v3 =	vld [tilespmem:s22+$0x1D180]  }
0x745: {  	v0 =	vadd.f32 v1, v0  }
0x746: {  	v1 =	vld [tilespmem:s22+$0x1D200]  }
0x747: {  	v0 =	vadd.f32 v2, v0  }
0x748: {  	v2 =	vld [tilespmem:s22+$0x1D280]  }
0x749: {  	v0 =	vadd.f32 v3, v0  }
0x74a: {  	v3 =	vld [tilespmem:s22+$0x1D300]  }
0x74b: {  	v0 =	vadd.f32 v1, v0;
	_ =	sdelay $0x1  }
0x74c: {  	v0 =	vadd.f32 v2, v0;
	_ =	sdelay $0x1  }
0x74d: {  	v0 =	vadd.f32 v3, v0  }
0x74e: {  	s22 =	sadd.s32 $0x10, s20  }
0x74f: {  	s20 =	simm.s32 $0x1D780;
	[tilespmem:s22+$0x0] =	vst v0  }
0x750: {  	[hbm4b:s30+s11] =	stream.strided.scatter [tilespmem:s20], [sflag:$0x3], $0x100, s18, s11, $0x38;
	[tilespmem:$0x1E880] =	vst v63  }
0x751: {  	_ =	swait.ge [sflag:s3], $0x100  }
0x752: {  	[sflag:s3] =	ssyncset.done $0x0  }
0x753: {  	[sflag:s3] =	ssyncadd.s32 $0xFFFFFF00  }
0x754: {  	s23 =	simm.s32 $0x1A780;
	[bflag:$0x0] =	sbarrier.arrive $0xFFFF  }
0x755: {  	[spmem:s9] =	stream.strided.scatter [tilespmem:s23], [sflag:$0x3], $0x1000, s12, s11, $0x38;
	[tilespmem:$0x1E880] =	vst v63  }
0x756: {  	_ =	swait.ge [sflag:s3], $0x1000  }
0x757: {  	[sflag:s3] =	ssyncset.done $0x0  }
0x758: {  	[sflag:s3] =	ssyncadd.s32 $0xFFFFF000  }
0x759: {  	[bflag:$0x0] =	sbarrier.arrive $0xFFFF  }
0x75a: {  	[tilespmem:s17], [sflag:$0x3] =	stream.strided.gather [spmem:s10], $0x1000, s16, s15, $0x38;
	[tilespmem:$0x1E880] =	vst v63  }
0x75b: {  	s24 =	simm.s32 $0x0;
	_ =	swait.ge [sflag:s3], $0x1000  }
0x75c: {  	s25 =	sand.u32 $0x70, s24;
	s22 =	sand.u32 $0x400, s24;
	[sflag:s3] =	ssyncset.done $0x0  }
0x75d: {  	s22 =	sor.u32 s25, s22;
	[sflag:s3] =	ssyncadd.s32 $0xFFFFF000  }
0x75e: {  	v0 =	vld [tilespmem:s22+$0x1C780]  }
0x75f: {  	s23 =	sadd.s32 $0x1C780, s22  }
0x760: {  	v1 =	vld [tilespmem:s23+$0x80];
	_ =	sdelay $0x1  }
0x761: {  	v2 =	vld [tilespmem:s23+$0x100]  }
0x762: {  	v0 =	vadd.f32 $0.0e+00, v0  }
0x763: {  	v3 =	vld [tilespmem:s23+$0x180]  }
0x764: {  	v0 =	vadd.f32 v1, v0  }
0x765: {  	v1 =	vld [tilespmem:s23+$0x200]  }
0x766: {  	v0 =	vadd.f32 v2, v0  }
0x767: {  	v2 =	vld [tilespmem:s23+$0x280]  }
0x768: {  	v0 =	vadd.f32 v3, v0  }
0x769: {  	v3 =	vld [tilespmem:s23+$0x300]  }
0x76a: {  	v0 =	vadd.f32 v1, v0  }
0x76b: {  	v1 =	vld [tilespmem:s23+$0x380]  }
0x76c: {  	v0 =	vadd.f32 v2, v0  }
0x76d: {  	v2 =	vld [tilespmem:s22+$0x1CF80]  }
0x76e: {  	v0 =	vadd.f32 v3, v0  }
0x76f: {  	v3 =	vld [tilespmem:s22+$0x1D000]  }
0x770: {  	v0 =	vadd.f32 v1, v0  }
0x771: {  	v1 =	vld [tilespmem:s22+$0x1D080]  }
0x772: {  	v0 =	vadd.f32 v2, v0  }
0x773: {  	v2 =	vld [tilespmem:s22+$0x1D100]  }
0x774: {  	v0 =	vadd.f32 v3, v0  }
0x775: {  	v3 =	vld [tilespmem:s22+$0x1D180]  }
0x776: {  	v0 =	vadd.f32 v1, v0  }
0x777: {  	v1 =	vld [tilespmem:s22+$0x1D200]  }
0x778: {  	v0 =	vadd.f32 v2, v0  }
0x779: {  	v2 =	vld [tilespmem:s22+$0x1D280]  }
0x77a: {  	v0 =	vadd.f32 v3, v0  }
0x77b: {  	v3 =	vld [tilespmem:s22+$0x1D300]  }
0x77c: {  	v0 =	vadd.f32 v1, v0;
	_ =	sdelay $0x1  }
0x77d: {  	v0 =	vadd.f32 v2, v0;
	_ =	sdelay $0x1  }
0x77e: {  	s29 =	simm.s32 $0x10;
	s22 =	simm.s32 $0x80;
	v0 =	vadd.f32 v3, v0  }
0x77f: {  	s24 =	sand.u32 $0x70, s29;
	s23 =	simm.s32 $0x20;
	s25 =	sand.u32 $0x400, s22  }
.LBB3_50:
0x780: {  	p0 =	sne.s32 s23, $0xF0;
	s24 =	sor.u32 s24, s25;
	[tilespmem:s20+$0x0] =	vst v0  }
0x781: {  	v0 =	vld [tilespmem:s24+$0x1C780]  }
0x782: {  	s25 =	sadd.s32 $0x1C780, s24  }
0x783: {  	v1 =	vld [tilespmem:s25+$0x80];
	_ =	sdelay $0x1  }
0x784: {  	v2 =	vld [tilespmem:s25+$0x100]  }
0x785: {  	v0 =	vadd.f32 $0.0e+00, v0  }
0x786: {  	v3 =	vld [tilespmem:s25+$0x180]  }
0x787: {  	v0 =	vadd.f32 v1, v0  }
0x788: {  	v1 =	vld [tilespmem:s25+$0x200]  }
0x789: {  	v0 =	vadd.f32 v2, v0  }
0x78a: {  	v2 =	vld [tilespmem:s25+$0x280]  }
0x78b: {  	v0 =	vadd.f32 v3, v0  }
0x78c: {  	v3 =	vld [tilespmem:s25+$0x300]  }
0x78d: {  	v0 =	vadd.f32 v1, v0  }
0x78e: {  	v1 =	vld [tilespmem:s25+$0x380]  }
0x78f: {  	v0 =	vadd.f32 v2, v0  }
0x790: {  	v2 =	vld [tilespmem:s24+$0x1CF80]  }
0x791: {  	v0 =	vadd.f32 v3, v0  }
0x792: {  	v3 =	vld [tilespmem:s24+$0x1D000]  }
0x793: {  	v0 =	vadd.f32 v1, v0  }
0x794: {  	v1 =	vld [tilespmem:s24+$0x1D080]  }
0x795: {  	v0 =	vadd.f32 v2, v0  }
0x796: {  	v2 =	vld [tilespmem:s24+$0x1D100]  }
0x797: {  	v0 =	vadd.f32 v3, v0  }
0x798: {  	v3 =	vld [tilespmem:s24+$0x1D180]  }
0x799: {  	v0 =	vadd.f32 v1, v0  }
0x79a: {  	v1 =	vld [tilespmem:s24+$0x1D200]  }
0x79b: {  	v0 =	vadd.f32 v2, v0  }
0x79c: {  	v2 =	vld [tilespmem:s24+$0x1D280]  }
0x79d: {  	v0 =	vadd.f32 v3, v0  }
0x79e: {  	v3 =	vld [tilespmem:s24+$0x1D300]  }
0x79f: {  	v0 =	vadd.f32 v1, v0  }
.Ltmp24:
0x7a0: {  	(pc) =	sbr.rel @p0 .LBB3_50-.Ltmp24, $3  }
0x7a1: {  	v0 =	vadd.f32 v2, v0;
	_ =	sdelay $0x1  }
0x7a2: {  	s22 =	sadd.s32 $0x80, s22;
	s20 =	sadd.s32 $0x10, s20;
	v0 =	vadd.f32 v3, v0  }
0x7a3: {  	s25 =	sand.u32 $0x400, s22;
	s24 =	sand.u32 $0x70, s23;
	s23 =	sadd.s32 $0x10, s23  }
0x7a4: {  	s22 =	sor.u32 s24, s25;
	[tilespmem:s20+$0x0] =	vst v0  }
0x7a5: {  	v0 =	vld [tilespmem:s22+$0x1C780]  }
0x7a6: {  	s23 =	sadd.s32 $0x1C780, s22  }
0x7a7: {  	v1 =	vld [tilespmem:s23+$0x80];
	_ =	sdelay $0x1  }
0x7a8: {  	v2 =	vld [tilespmem:s23+$0x100]  }
0x7a9: {  	v0 =	vadd.f32 $0.0e+00, v0  }
0x7aa: {  	v3 =	vld [tilespmem:s23+$0x180]  }
0x7ab: {  	v0 =	vadd.f32 v1, v0  }
0x7ac: {  	v1 =	vld [tilespmem:s23+$0x200]  }
0x7ad: {  	v0 =	vadd.f32 v2, v0  }
0x7ae: {  	v2 =	vld [tilespmem:s23+$0x280]  }
0x7af: {  	v0 =	vadd.f32 v3, v0  }
0x7b0: {  	v3 =	vld [tilespmem:s23+$0x300]  }
0x7b1: {  	v0 =	vadd.f32 v1, v0  }
0x7b2: {  	v1 =	vld [tilespmem:s23+$0x380]  }
0x7b3: {  	v0 =	vadd.f32 v2, v0  }
0x7b4: {  	v2 =	vld [tilespmem:s22+$0x1CF80]  }
0x7b5: {  	v0 =	vadd.f32 v3, v0  }
0x7b6: {  	v3 =	vld [tilespmem:s22+$0x1D000]  }
0x7b7: {  	v0 =	vadd.f32 v1, v0  }
0x7b8: {  	v1 =	vld [tilespmem:s22+$0x1D080]  }
0x7b9: {  	v0 =	vadd.f32 v2, v0  }
0x7ba: {  	v2 =	vld [tilespmem:s22+$0x1D100]  }
0x7bb: {  	v0 =	vadd.f32 v3, v0  }
0x7bc: {  	v3 =	vld [tilespmem:s22+$0x1D180]  }
0x7bd: {  	v0 =	vadd.f32 v1, v0  }
0x7be: {  	v1 =	vld [tilespmem:s22+$0x1D200]  }
0x7bf: {  	v0 =	vadd.f32 v2, v0  }
0x7c0: {  	v2 =	vld [tilespmem:s22+$0x1D280]  }
0x7c1: {  	v0 =	vadd.f32 v3, v0  }
0x7c2: {  	v3 =	vld [tilespmem:s22+$0x1D300]  }
0x7c3: {  	v0 =	vadd.f32 v1, v0;
	_ =	sdelay $0x1  }
0x7c4: {  	v0 =	vadd.f32 v2, v0;
	_ =	sdelay $0x1  }
0x7c5: {  	v0 =	vadd.f32 v3, v0  }
0x7c6: {  	s22 =	sadd.s32 $0x10, s20  }
0x7c7: {  	s20 =	simm.s32 $0x1D780;
	[tilespmem:s22+$0x0] =	vst v0  }
0x7c8: {  	[hbm4b:s26+s11] =	stream.strided.scatter [tilespmem:s20], [sflag:$0x3], $0x100, s18, s11, $0x38;
	[tilespmem:$0x1E880] =	vst v63  }
0x7c9: {  	_ =	swait.ge [sflag:s3], $0x100  }
0x7ca: {  	[sflag:s3] =	ssyncset.done $0x0  }
0x7cb: {  	[sflag:s3] =	ssyncadd.s32 $0xFFFFFF00  }
0x7cc: {  	s23 =	simm.s32 $0x1B780;
	[bflag:$0x0] =	sbarrier.arrive $0xFFFF  }
0x7cd: {  	[spmem:s9] =	stream.strided.scatter [tilespmem:s23], [sflag:$0x3], $0x1000, s12, s11, $0x38;
	[tilespmem:$0x1E880] =	vst v63  }
0x7ce: {  	_ =	swait.ge [sflag:s3], $0x1000  }
0x7cf: {  	[sflag:s3] =	ssyncset.done $0x0  }
0x7d0: {  	[sflag:s3] =	ssyncadd.s32 $0xFFFFF000  }
0x7d1: {  	[bflag:$0x0] =	sbarrier.arrive $0xFFFF  }
0x7d2: {  	[tilespmem:s17], [sflag:$0x3] =	stream.strided.gather [spmem:s10], $0x1000, s16, s15, $0x38;
	[tilespmem:$0x1E880] =	vst v63  }
0x7d3: {  	s24 =	simm.s32 $0x0;
	_ =	swait.ge [sflag:s3], $0x1000  }
0x7d4: {  	s25 =	sand.u32 $0x70, s24;
	s22 =	sand.u32 $0x400, s24;
	[sflag:s3] =	ssyncset.done $0x0  }
0x7d5: {  	s22 =	sor.u32 s25, s22;
	[sflag:s3] =	ssyncadd.s32 $0xFFFFF000  }
0x7d6: {  	v0 =	vld [tilespmem:s22+$0x1C780]  }
0x7d7: {  	s23 =	sadd.s32 $0x1C780, s22  }
0x7d8: {  	v1 =	vld [tilespmem:s23+$0x80];
	_ =	sdelay $0x1  }
0x7d9: {  	v2 =	vld [tilespmem:s23+$0x100]  }
0x7da: {  	v0 =	vadd.f32 $0.0e+00, v0  }
0x7db: {  	v3 =	vld [tilespmem:s23+$0x180]  }
0x7dc: {  	v0 =	vadd.f32 v1, v0  }
0x7dd: {  	v1 =	vld [tilespmem:s23+$0x200]  }
0x7de: {  	v0 =	vadd.f32 v2, v0  }
0x7df: {  	v2 =	vld [tilespmem:s23+$0x280]  }
0x7e0: {  	v0 =	vadd.f32 v3, v0  }
0x7e1: {  	v3 =	vld [tilespmem:s23+$0x300]  }
0x7e2: {  	v0 =	vadd.f32 v1, v0  }
0x7e3: {  	v1 =	vld [tilespmem:s23+$0x380]  }
0x7e4: {  	v0 =	vadd.f32 v2, v0  }
0x7e5: {  	v2 =	vld [tilespmem:s22+$0x1CF80]  }
0x7e6: {  	v0 =	vadd.f32 v3, v0  }
0x7e7: {  	v3 =	vld [tilespmem:s22+$0x1D000]  }
0x7e8: {  	v0 =	vadd.f32 v1, v0  }
0x7e9: {  	v1 =	vld [tilespmem:s22+$0x1D080]  }
0x7ea: {  	v0 =	vadd.f32 v2, v0  }
0x7eb: {  	v2 =	vld [tilespmem:s22+$0x1D100]  }
0x7ec: {  	v0 =	vadd.f32 v3, v0  }
0x7ed: {  	v3 =	vld [tilespmem:s22+$0x1D180]  }
0x7ee: {  	v0 =	vadd.f32 v1, v0  }
0x7ef: {  	v1 =	vld [tilespmem:s22+$0x1D200]  }
0x7f0: {  	v0 =	vadd.f32 v2, v0  }
0x7f1: {  	v2 =	vld [tilespmem:s22+$0x1D280]  }
0x7f2: {  	v0 =	vadd.f32 v3, v0  }
0x7f3: {  	v3 =	vld [tilespmem:s22+$0x1D300]  }
0x7f4: {  	v0 =	vadd.f32 v1, v0;
	_ =	sdelay $0x1  }
0x7f5: {  	v0 =	vadd.f32 v2, v0;
	_ =	sdelay $0x1  }
0x7f6: {  	s29 =	simm.s32 $0x10;
	s22 =	simm.s32 $0x80;
	v0 =	vadd.f32 v3, v0  }
0x7f7: {  	s24 =	sand.u32 $0x70, s29;
	s23 =	simm.s32 $0x20;
	s25 =	sand.u32 $0x400, s22  }
.LBB3_52:
0x7f8: {  	p0 =	sne.s32 s23, $0xF0;
	s24 =	sor.u32 s24, s25;
	[tilespmem:s20+$0x0] =	vst v0  }
0x7f9: {  	v0 =	vld [tilespmem:s24+$0x1C780]  }
0x7fa: {  	s25 =	sadd.s32 $0x1C780, s24  }
0x7fb: {  	v1 =	vld [tilespmem:s25+$0x80];
	_ =	sdelay $0x1  }
0x7fc: {  	v2 =	vld [tilespmem:s25+$0x100]  }
0x7fd: {  	v0 =	vadd.f32 $0.0e+00, v0  }
0x7fe: {  	v3 =	vld [tilespmem:s25+$0x180]  }
0x7ff: {  	v0 =	vadd.f32 v1, v0  }
0x800: {  	v1 =	vld [tilespmem:s25+$0x200]  }
0x801: {  	v0 =	vadd.f32 v2, v0  }
0x802: {  	v2 =	vld [tilespmem:s25+$0x280]  }
0x803: {  	v0 =	vadd.f32 v3, v0  }
0x804: {  	v3 =	vld [tilespmem:s25+$0x300]  }
0x805: {  	v0 =	vadd.f32 v1, v0  }
0x806: {  	v1 =	vld [tilespmem:s25+$0x380]  }
0x807: {  	v0 =	vadd.f32 v2, v0  }
0x808: {  	v2 =	vld [tilespmem:s24+$0x1CF80]  }
0x809: {  	v0 =	vadd.f32 v3, v0  }
0x80a: {  	v3 =	vld [tilespmem:s24+$0x1D000]  }
0x80b: {  	v0 =	vadd.f32 v1, v0  }
0x80c: {  	v1 =	vld [tilespmem:s24+$0x1D080]  }
0x80d: {  	v0 =	vadd.f32 v2, v0  }
0x80e: {  	v2 =	vld [tilespmem:s24+$0x1D100]  }
0x80f: {  	v0 =	vadd.f32 v3, v0  }
0x810: {  	v3 =	vld [tilespmem:s24+$0x1D180]  }
0x811: {  	v0 =	vadd.f32 v1, v0  }
0x812: {  	v1 =	vld [tilespmem:s24+$0x1D200]  }
0x813: {  	v0 =	vadd.f32 v2, v0  }
0x814: {  	v2 =	vld [tilespmem:s24+$0x1D280]  }
0x815: {  	v0 =	vadd.f32 v3, v0  }
0x816: {  	v3 =	vld [tilespmem:s24+$0x1D300]  }
0x817: {  	v0 =	vadd.f32 v1, v0  }
.Ltmp25:
0x818: {  	(pc) =	sbr.rel @p0 .LBB3_52-.Ltmp25, $3  }
0x819: {  	v0 =	vadd.f32 v2, v0;
	_ =	sdelay $0x1  }
0x81a: {  	s22 =	sadd.s32 $0x80, s22;
	s20 =	sadd.s32 $0x10, s20;
	v0 =	vadd.f32 v3, v0  }
0x81b: {  	s25 =	sand.u32 $0x400, s22;
	s24 =	sand.u32 $0x70, s23;
	s23 =	sadd.s32 $0x10, s23  }
0x81c: {  	s22 =	sor.u32 s24, s25;
	[tilespmem:s20+$0x0] =	vst v0  }
0x81d: {  	v0 =	vld [tilespmem:s22+$0x1C780]  }
0x81e: {  	s23 =	sadd.s32 $0x1C780, s22  }
0x81f: {  	v1 =	vld [tilespmem:s23+$0x80];
	_ =	sdelay $0x1  }
0x820: {  	v2 =	vld [tilespmem:s23+$0x100]  }
0x821: {  	v0 =	vadd.f32 $0.0e+00, v0  }
0x822: {  	v3 =	vld [tilespmem:s23+$0x180]  }
0x823: {  	v0 =	vadd.f32 v1, v0  }
0x824: {  	v52 =	vld [tilespmem:s23+$0x200]  }
0x825: {  	v0 =	vadd.f32 v2, v0  }
0x826: {  	v53 =	vld [tilespmem:s23+$0x280]  }
0x827: {  	v0 =	vadd.f32 v3, v0  }
0x828: {  	v54 =	vld [tilespmem:s23+$0x300]  }
0x829: {  	v0 =	vadd.f32 v52, v0  }
0x82a: {  	v55 =	vld [tilespmem:s23+$0x380]  }
0x82b: {  	v0 =	vadd.f32 v53, v0  }
0x82c: {  	v56 =	vld [tilespmem:s22+$0x1CF80]  }
0x82d: {  	v0 =	vadd.f32 v54, v0  }
0x82e: {  	v57 =	vld [tilespmem:s22+$0x1D000]  }
0x82f: {  	v0 =	vadd.f32 v55, v0  }
0x830: {  	v58 =	vld [tilespmem:s22+$0x1D080]  }
0x831: {  	v0 =	vadd.f32 v56, v0  }
0x832: {  	v59 =	vld [tilespmem:s22+$0x1D100]  }
0x833: {  	v0 =	vadd.f32 v57, v0  }
0x834: {  	v60 =	vld [tilespmem:s22+$0x1D180]  }
0x835: {  	v0 =	vadd.f32 v58, v0  }
0x836: {  	v61 =	vld [tilespmem:s22+$0x1D200]  }
0x837: {  	v0 =	vadd.f32 v59, v0  }
0x838: {  	v62 =	vld [tilespmem:s22+$0x1D280]  }
0x839: {  	v0 =	vadd.f32 v60, v0  }
0x83a: {  	v63 =	vld [tilespmem:s22+$0x1D300]  }
0x83b: {  	v0 =	vadd.f32 v61, v0;
	_ =	sdelay $0x1  }
0x83c: {  	v0 =	vadd.f32 v62, v0;
	_ =	sdelay $0x1  }
0x83d: {  	v0 =	vadd.f32 v63, v0  }
0x83e: {  	s25 =	sadd.s32 $0x10, s20;
	s19 =	sadd.s32 $0x1, s19  }
0x83f: {  	s29 =	simm.s32 $0x1D780;
	p0 =	sne.s32 s19, s21;
	[tilespmem:s25+$0x0] =	vst v0  }
0x840: {  	[hbm4b:s5+s11] =	stream.strided.scatter [tilespmem:s29], [sflag:$0x3], $0x100, s18, s11, $0x38;
	[tilespmem:$0x1E880] =	vst v63  }
.Ltmp26:
0x841: {  	_ =	swait.ge [sflag:s3], $0x100;
	(pc) =	sbr.rel @p0 .LBB3_1-.Ltmp26, $3  }
0x842: {  	[sflag:s3] =	ssyncset.done $0x0  }
0x843: {  	[sflag:s3] =	ssyncadd.s32 $0xFFFFFF00  }
0x844: {  	[bflag:$0x0] =	sbarrier.arrive $0xFFFF;
	_ =	sdelay $0x1  }
0x845: {  	_ =	sfence.sel $0x180000  }
0x846: {  	[bflag:$0x0] =	sbarrier.arrive $0xFFFF  }
0x847: {  	_ =	strace $0x90000047  }
0x848: {  	s0 =	stileid.u32;
	[bflag:$0x2] =	sbarrier.arrive $0xFFFF  }
0x849: {  	p0 =	sne.s32 s0, $0x0;
	s0 =	rddreg [dreg:$0x1e]  }
0x84a: {  	s0 =	sadd.s32 @!p0 $0x100000, s0  }
0x84b: {  	[sflag:s0] =	ssyncadd.tile.s32 @!p0 $0x1;
	_ =	shalt  }
.Lfunc_end3:
_tile_overlayer_lowered:
.L_overlay_start_3:
0x84c: {  	(tag) =	ssettag $0x3  }
0x84d: {  	s0 =	rddreg [dreg:$0x0];
	s2 =	stileid.u32  }
0x84e: {  	s1 =	rddreg [dreg:$0x1];
	p0 =	sne.s32 s2, $0x0  }
0x84f: {  	s3 =	rddreg [dreg:$0x2];
	[bflag:$0x3] =	sbarrier.arrive $0xFFFF;
	s2 =	simm.s32 @!p0 $0x1C03  }
0x850: {  	[timem:s3], [sflag:s2] =	dma.local @!p0 [hbm:s0], s1  }
0x851: {  	s0 =	simm.s32 @!p0 $0x3  }
0x852: {  	_ =	swait.ge @!p0 [sflag:s0], s1  }
0x853: {  	s1 =	ssub.s32 @!p0 $0x0, s1;
	[sflag:s0] =	ssyncset.done @!p0 $0x0  }
0x854: {  	[sflag:s0] =	ssyncadd.s32 @!p0 s1  }
0x855: {  	[bflag:$0x3] =	sbarrier.arrive $0xFFFF  }
0x856: {  	_ =	shalt  }

</sc_bundles>
